<compile_context>
chip_gen: v7x
topology: tpu7x:2x2x1
jax: 0.10.2.dev20260603
libtpu: 0.0.44.dev20260713+nightly
codegen_flags: <defaults>
</compile_context>

<pallas_src>
import functools

import jax
import jax.numpy as jnp
from jax import lax
from jax.experimental import pallas as pl
from jax.experimental.pallas import tpu as pltpu
from jax.experimental.pallas import tpu_sc as plsc

D = 32
S = 50
L = 16
BLK = 512
CHUNK = 128


def _info():
    info = plsc.get_sparse_core_info()
    return info.num_cores, info.num_subcores


def _bcast(v):
    return lax.full((L,), v, jnp.int32)


@functools.lru_cache(maxsize=None)
def _make_repack(V):
    NC, NS = _info()
    NW = NC * NS
    nblk = V // BLK
    rem = V - nblk * BLK
    slots = (nblk + NW - 1) // NW

    mesh = plsc.VectorSubcoreMesh(core_axis_name="c", subcore_axis_name="s")

    @functools.partial(
        pl.kernel,
        mesh=mesh,
        out_type=jax.ShapeDtypeStruct((V * D // 128, 128), jnp.float32),
        scratch_types=[
            pltpu.VMEM((D, BLK), jnp.float32),
            pltpu.VMEM((D, BLK), jnp.float32),
            pltpu.VMEM((BLK // 4, 128), jnp.float32),
            pltpu.VMEM((BLK // 4, 128), jnp.float32),
            pltpu.SemaphoreType.DMA,
            pltpu.SemaphoreType.DMA,
            pltpu.SemaphoreType.DMA,
            pltpu.SemaphoreType.DMA,
        ],
        compiler_params=pltpu.CompilerParams(needs_layout_passes=False),
    )
    def k(tT_hbm, tail_hbm, r_hbm, in0, in1, out0, out1, is0, is1, os0, os1):
        wid = lax.axis_index("s") * NC + lax.axis_index("c")
        iota = lax.iota(jnp.int32, L)
        dvecs = [lax.rem(iota + k, L) for k in range(L)]

        ins = (in0, in1)
        outs = (out0, out1)
        isems = (is0, is1)
        osems = (os0, os1)

        def fire_in(t, p):
            bi = wid + NW * t
            c0 = pl.multiple_of(bi * BLK, BLK)
            pltpu.async_copy(tT_hbm.at[:, pl.ds(c0, BLK)], ins[p], isems[p])

        def transpose_block(p):
            def cgroup(cg, carry):
                for d in range(2):
                    cvec = iota + (2 * cg + d) * L
                    rows = lax.shift_right_logical(cvec, 2)
                    qc = lax.bitwise_and(cvec, 3) * D
                    for e in range(D // L):
                        for k8 in range(L // 8):
                            fvs = [dvecs[8 * k8 + u] + L * e for u in range(8)]
                            vals = [plsc.load_gather(ins[p], [fv, cvec])
                                    for fv in fvs]
                            for fv, v in zip(fvs, vals):
                                plsc.store_scatter(outs[p], [rows, qc + fv], v)
                return carry
            lax.fori_loop(0, BLK // L // 2, cgroup, 0)

        def drain_in(p):
            pltpu.make_async_copy(
                tT_hbm.at[:, pl.ds(0, BLK)], ins[p], isems[p]).wait()

        def fire_out(t, p):
            bi = wid + NW * t
            g0 = pl.multiple_of(bi * (BLK // 4), BLK // 4)
            pltpu.async_copy(outs[p], r_hbm.at[pl.ds(g0, BLK // 4)], osems[p])

        def drain_out(p):
            pltpu.make_async_copy(
                outs[p], r_hbm.at[pl.ds(0, BLK // 4)], osems[p]).wait()

        fire_in(0, 0)

        def run(u, carry):
            for p in (0, 1):
                t = 2 * u + p
                bi = wid + NW * t

                @pl.when(bi < nblk)
                def _(t=t, p=p):
                    @pl.when(wid + NW * (t + 1) < nblk)
                    def _():
                        fire_in(t + 1, 1 - p)
                    drain_in(p)
                    transpose_block(p)

                    @pl.when(t >= 2)
                    def _():
                        drain_out(p)
                    fire_out(t, p)
            return carry

        lax.fori_loop(0, (slots + 1) // 2, run, 0)

        drain_out(0)
        drain_out(1)

        if rem:
            @pl.when(wid == NW - 1)
            def _():
                nt = rem // 4
                pltpu.sync_copy(tail_hbm, out0.at[pl.ds(0, nt)])
                pltpu.sync_copy(out0.at[pl.ds(0, nt)],
                                r_hbm.at[pl.ds(V * D // 128 - nt, nt)])

    return k


@functools.lru_cache(maxsize=None)
def _make_gather(B, V):
    NC, NS = _info()
    NW = NC * NS
    bpw = B // NW
    npw = bpw * S
    nch = npw // CHUNK
    jmax = bpw // CHUNK

    mesh = plsc.VectorSubcoreMesh(core_axis_name="c", subcore_axis_name="s")

    @functools.partial(
        pl.kernel,
        mesh=mesh,
        out_type=jax.ShapeDtypeStruct((S, D, B), jnp.float32),
        scratch_types=[
            pltpu.VMEM((npw,), jnp.int32),
            pltpu.VMEM((CHUNK,), jnp.int32),
            pltpu.VMEM((CHUNK,), jnp.int32),
            pltpu.VMEM((CHUNK, CHUNK), jnp.float32),
            pltpu.VMEM((CHUNK, CHUNK), jnp.float32),
            pltpu.VMEM((D, CHUNK), jnp.float32),
            pltpu.VMEM((D, CHUNK), jnp.float32),
            pltpu.SemaphoreType.DMA,
            pltpu.SemaphoreType.DMA,
            pltpu.SemaphoreType.DMA,
            pltpu.SemaphoreType.DMA,
        ],
        compiler_params=pltpu.CompilerParams(needs_layout_passes=False),
    )
    def k(idx_hbm, r_hbm, out_hbm, xv, gv0, gv1, big0, big1, tb0, tb1,
          gs0, gs1, ts0, ts1):
        wid = lax.axis_index("s") * NC + lax.axis_index("c")
        iota = lax.iota(jnp.int32, L)
        rowvecs = [iota + L * kk for kk in range(CHUNK // L)]
        dvecs = [lax.rem(iota + k, L) for k in range(L)]
        gvs = (gv0, gv1)
        bigs = (big0, big1)
        tbs = (tb0, tb1)
        gsems = (gs0, gs1)
        tsems = (ts0, ts1)

        i0 = pl.multiple_of(wid * npw, npw)
        pltpu.sync_copy(idx_hbm.at[pl.ds(i0, npw)], xv)

        def fire_gather(c, p):
            s = c // jmax
            j = c % jmax
            for kk in range(CHUNK // L):
                flat = (rowvecs[kk] + CHUNK * j) * S + s
                v = plsc.load_gather(xv, [flat])
                plsc.store_scatter(gvs[p], [rowvecs[kk]],
                                   lax.shift_right_logical(v, 2))
            pltpu.async_copy(r_hbm.at[gvs[p]], bigs[p], gsems[p])

        def drain_gather(p):
            pltpu.make_async_copy(
                r_hbm.at[pl.ds(0, CHUNK)], bigs[p], gsems[p]).wait()

        def process(c, p):
            s = c // jmax
            j = c % jmax

            def kgroup(kk, carry):
                for d in range(2):
                    rowvec = iota + L * (2 * kk + d)
                    flat = (rowvec + CHUNK * j) * S + s
                    q = lax.bitwise_and(plsc.load_gather(xv, [flat]), 3)
                    colb = q * D
                    for e in range(D // L):
                        for k8 in range(L // 8):
                            fvs = [dvecs[8 * k8 + u] + L * e for u in range(8)]
                            vals = [plsc.load_gather(bigs[p],
                                                     [rowvec, colb + fv])
                                    for fv in fvs]
                            for fv, v in zip(fvs, vals):
                                plsc.store_scatter(tbs[p], [fv, rowvec], v)
                return carry

            lax.fori_loop(0, CHUNK // L // 2, kgroup, 0)
            bcol = pl.multiple_of(wid * bpw + j * CHUNK, CHUNK)
            pltpu.async_copy(tbs[p], out_hbm.at[s, :, pl.ds(bcol, CHUNK)],
                             tsems[p])

        def drain_store(p):
            pltpu.make_async_copy(
                tbs[p], out_hbm.at[0, :, pl.ds(0, CHUNK)], tsems[p]).wait()

        fire_gather(0, 0)

        def run(h, carry):
            for p in (0, 1):
                c = 2 * h + p

                @pl.when(c + 1 < nch)
                def _(c=c, p=p):
                    fire_gather(c + 1, 1 - p)
                drain_gather(p)

                @pl.when(c >= 2)
                def _(p=p):
                    drain_store(p)
                process(c, p)
            return carry

        lax.fori_loop(0, nch // 2, run, 0)
        drain_store(0)
        drain_store(1)

    return k


def kernel(x, table):
    B = x.shape[0]
    V = table.shape[0]
    tT = table.T
    rem = V - (V // BLK) * BLK
    tail = table[V - rem:].reshape(rem // 4, 128)
    R = _make_repack(V)(tT, tail)
    idx = x.reshape(B * S)
    out3 = _make_gather(B, V)(idx, R)
    return jnp.transpose(out3, (2, 0, 1))

# --- scband reference (transcript-rebuilt; emitter-appended) ---
"""Pipeline reference for scband-custom-embed-4595615007319 (READ-ONLY COPY).

The authoritative reference and input builder live on the scoring server;
editing this copy changes nothing except your own understanding.
"""

import jax, jax.numpy as jnp
import numpy as np


def setup_inputs(seed: int = 0) -> dict:
    key = jax.random.key(seed)
    k1, k2 = jax.random.split(key)
    x = jax.random.randint(k1, (16384, 50), 0, 1000000, dtype=jnp.int64) if jax.config.jax_enable_x64 else jax.random.randint(k1, (16384, 50), 0, 1000000, dtype=jnp.int32)
    table = jax.random.normal(k2, (1000000, 32), dtype=jnp.float32)
    return {"x": x, "table": table}


def reference(x, table):
    # nn.Embedding forward: row gather from the embedding table
    return jnp.take(table, x, axis=0)

if __name__ == "__main__":
    import jax
    _d = setup_inputs()
    print(jax.jit(kernel)(*tuple(_d.values())))

</pallas_src>

<mosaic_0001>
#map = affine_map<(d0, d1) -> (0)>
#map1 = affine_map<(d0, d1) -> (0, 0)>
#map2 = affine_map<(d0, d1) -> (0, 0, 0)>
module attributes {stable_mosaic.version = 14 : i64} {
  func.func @k(%arg0: i32, %arg1: i32, %arg2: memref<819200xi32, #tpu.memory_space<hbm>>, %arg3: memref<250000x128xf32, #tpu.memory_space<hbm>>, %arg4: memref<50x32x16384xf32, #tpu.memory_space<hbm>>, %arg5: memref<25600xi32, #tpu.memory_space<vmem>>, %arg6: memref<128xi32, #tpu.memory_space<vmem>>, %arg7: memref<128xi32, #tpu.memory_space<vmem>>, %arg8: memref<128x128xf32, #tpu.memory_space<vmem>>, %arg9: memref<128x128xf32, #tpu.memory_space<vmem>>, %arg10: memref<32x128xf32, #tpu.memory_space<vmem>>, %arg11: memref<32x128xf32, #tpu.memory_space<vmem>>, %arg12: memref<!tpu.dma_semaphore, #tpu.memory_space<semaphore_mem>>, %arg13: memref<!tpu.dma_semaphore, #tpu.memory_space<semaphore_mem>>, %arg14: memref<!tpu.dma_semaphore, #tpu.memory_space<semaphore_mem>>, %arg15: memref<!tpu.dma_semaphore, #tpu.memory_space<semaphore_mem>>) attributes {dimension_semantics = [#tpu.dimension_semantics<core_parallel>, #tpu.dimension_semantics<subcore_parallel>], iteration_bounds = array<i64: 2, 16>, scalar_prefetch = 0 : i64, scratch_operands = 11 : i64, tpu.core_type = #tpu.core_type<sc_vector_subcore>, window_params = [{transform_indices = #map}, {transform_indices = #map1}, {transform_indices = #map2}]} {
    %mul3A = arith.constant 2 : i32
    %mul3A_0 = arith.muli %arg1, %mul3A : i32
    %add3A = arith.addi %mul3A_0, %arg0 : i32
    %iota3A = tpu.iota {dimensions = array<i32: 0>} : vector<16xi32>
    %add3A_1 = arith.constant 0 : i32
    %add3A_2 = vector.broadcast %add3A_1 : i32 to vector<16xi32>
    %add3A_3 = arith.addi %iota3A, %add3A_2 : vector<16xi32>
    %add3A_4 = arith.constant 16 : i32
    %add3A_5 = vector.broadcast %add3A_4 : i32 to vector<16xi32>
    %add3A_6 = arith.addi %iota3A, %add3A_5 : vector<16xi32>
    %add3A_7 = arith.constant 32 : i32
    %add3A_8 = vector.broadcast %add3A_7 : i32 to vector<16xi32>
    %add3A_9 = arith.addi %iota3A, %add3A_8 : vector<16xi32>
    %add3A_10 = arith.constant 48 : i32
    %add3A_11 = vector.broadcast %add3A_10 : i32 to vector<16xi32>
    %add3A_12 = arith.addi %iota3A, %add3A_11 : vector<16xi32>
    %add3A_13 = arith.constant 64 : i32
    %add3A_14 = vector.broadcast %add3A_13 : i32 to vector<16xi32>
    %add3A_15 = arith.addi %iota3A, %add3A_14 : vector<16xi32>
    %add3A_16 = arith.constant 80 : i32
    %add3A_17 = vector.broadcast %add3A_16 : i32 to vector<16xi32>
    %add3A_18 = arith.addi %iota3A, %add3A_17 : vector<16xi32>
    %add3A_19 = arith.constant 96 : i32
    %add3A_20 = vector.broadcast %add3A_19 : i32 to vector<16xi32>
    %add3A_21 = arith.addi %iota3A, %add3A_20 : vector<16xi32>
    %add3A_22 = arith.constant 112 : i32
    %add3A_23 = vector.broadcast %add3A_22 : i32 to vector<16xi32>
    %add3A_24 = arith.addi %iota3A, %add3A_23 : vector<16xi32>
    %add3A_25 = arith.constant 0 : i32
    %add3A_26 = vector.broadcast %add3A_25 : i32 to vector<16xi32>
    %add3A_27 = arith.addi %iota3A, %add3A_26 : vector<16xi32>
    %rem3A = arith.constant 16 : i32
    %rem3A_28 = vector.broadcast %rem3A : i32 to vector<16xi32>
    %rem3A_29 = arith.remsi %add3A_27, %rem3A_28 : vector<16xi32>
    %add3A_30 = arith.constant 1 : i32
    %add3A_31 = vector.broadcast %add3A_30 : i32 to vector<16xi32>
    %add3A_32 = arith.addi %iota3A, %add3A_31 : vector<16xi32>
    %rem3A_33 = arith.constant 16 : i32
    %rem3A_34 = vector.broadcast %rem3A_33 : i32 to vector<16xi32>
    %rem3A_35 = arith.remsi %add3A_32, %rem3A_34 : vector<16xi32>
    %add3A_36 = arith.constant 2 : i32
    %add3A_37 = vector.broadcast %add3A_36 : i32 to vector<16xi32>
    %add3A_38 = arith.addi %iota3A, %add3A_37 : vector<16xi32>
    %rem3A_39 = arith.constant 16 : i32
    %rem3A_40 = vector.broadcast %rem3A_39 : i32 to vector<16xi32>
    %rem3A_41 = arith.remsi %add3A_38, %rem3A_40 : vector<16xi32>
    %add3A_42 = arith.constant 3 : i32
    %add3A_43 = vector.broadcast %add3A_42 : i32 to vector<16xi32>
    %add3A_44 = arith.addi %iota3A, %add3A_43 : vector<16xi32>
    %rem3A_45 = arith.constant 16 : i32
    %rem3A_46 = vector.broadcast %rem3A_45 : i32 to vector<16xi32>
    %rem3A_47 = arith.remsi %add3A_44, %rem3A_46 : vector<16xi32>
    %add3A_48 = arith.constant 4 : i32
    %add3A_49 = vector.broadcast %add3A_48 : i32 to vector<16xi32>
    %add3A_50 = arith.addi %iota3A, %add3A_49 : vector<16xi32>
    %rem3A_51 = arith.constant 16 : i32
    %rem3A_52 = vector.broadcast %rem3A_51 : i32 to vector<16xi32>
    %rem3A_53 = arith.remsi %add3A_50, %rem3A_52 : vector<16xi32>
    %add3A_54 = arith.constant 5 : i32
    %add3A_55 = vector.broadcast %add3A_54 : i32 to vector<16xi32>
    %add3A_56 = arith.addi %iota3A, %add3A_55 : vector<16xi32>
    %rem3A_57 = arith.constant 16 : i32
    %rem3A_58 = vector.broadcast %rem3A_57 : i32 to vector<16xi32>
    %rem3A_59 = arith.remsi %add3A_56, %rem3A_58 : vector<16xi32>
    %add3A_60 = arith.constant 6 : i32
    %add3A_61 = vector.broadcast %add3A_60 : i32 to vector<16xi32>
    %add3A_62 = arith.addi %iota3A, %add3A_61 : vector<16xi32>
    %rem3A_63 = arith.constant 16 : i32
    %rem3A_64 = vector.broadcast %rem3A_63 : i32 to vector<16xi32>
    %rem3A_65 = arith.remsi %add3A_62, %rem3A_64 : vector<16xi32>
    %add3A_66 = arith.constant 7 : i32
    %add3A_67 = vector.broadcast %add3A_66 : i32 to vector<16xi32>
    %add3A_68 = arith.addi %iota3A, %add3A_67 : vector<16xi32>
    %rem3A_69 = arith.constant 16 : i32
    %rem3A_70 = vector.broadcast %rem3A_69 : i32 to vector<16xi32>
    %rem3A_71 = arith.remsi %add3A_68, %rem3A_70 : vector<16xi32>
    %add3A_72 = arith.constant 8 : i32
    %add3A_73 = vector.broadcast %add3A_72 : i32 to vector<16xi32>
    %add3A_74 = arith.addi %iota3A, %add3A_73 : vector<16xi32>
    %rem3A_75 = arith.constant 16 : i32
    %rem3A_76 = vector.broadcast %rem3A_75 : i32 to vector<16xi32>
    %rem3A_77 = arith.remsi %add3A_74, %rem3A_76 : vector<16xi32>
    %add3A_78 = arith.constant 9 : i32
    %add3A_79 = vector.broadcast %add3A_78 : i32 to vector<16xi32>
    %add3A_80 = arith.addi %iota3A, %add3A_79 : vector<16xi32>
    %rem3A_81 = arith.constant 16 : i32
    %rem3A_82 = vector.broadcast %rem3A_81 : i32 to vector<16xi32>
    %rem3A_83 = arith.remsi %add3A_80, %rem3A_82 : vector<16xi32>
    %add3A_84 = arith.constant 10 : i32
    %add3A_85 = vector.broadcast %add3A_84 : i32 to vector<16xi32>
    %add3A_86 = arith.addi %iota3A, %add3A_85 : vector<16xi32>
    %rem3A_87 = arith.constant 16 : i32
    %rem3A_88 = vector.broadcast %rem3A_87 : i32 to vector<16xi32>
    %rem3A_89 = arith.remsi %add3A_86, %rem3A_88 : vector<16xi32>
    %add3A_90 = arith.constant 11 : i32
    %add3A_91 = vector.broadcast %add3A_90 : i32 to vector<16xi32>
    %add3A_92 = arith.addi %iota3A, %add3A_91 : vector<16xi32>
    %rem3A_93 = arith.constant 16 : i32
    %rem3A_94 = vector.broadcast %rem3A_93 : i32 to vector<16xi32>
    %rem3A_95 = arith.remsi %add3A_92, %rem3A_94 : vector<16xi32>
    %add3A_96 = arith.constant 12 : i32
    %add3A_97 = vector.broadcast %add3A_96 : i32 to vector<16xi32>
    %add3A_98 = arith.addi %iota3A, %add3A_97 : vector<16xi32>
    %rem3A_99 = arith.constant 16 : i32
    %rem3A_100 = vector.broadcast %rem3A_99 : i32 to vector<16xi32>
    %rem3A_101 = arith.remsi %add3A_98, %rem3A_100 : vector<16xi32>
    %add3A_102 = arith.constant 13 : i32
    %add3A_103 = vector.broadcast %add3A_102 : i32 to vector<16xi32>
    %add3A_104 = arith.addi %iota3A, %add3A_103 : vector<16xi32>
    %rem3A_105 = arith.constant 16 : i32
    %rem3A_106 = vector.broadcast %rem3A_105 : i32 to vector<16xi32>
    %rem3A_107 = arith.remsi %add3A_104, %rem3A_106 : vector<16xi32>
    %add3A_108 = arith.constant 14 : i32
    %add3A_109 = vector.broadcast %add3A_108 : i32 to vector<16xi32>
    %add3A_110 = arith.addi %iota3A, %add3A_109 : vector<16xi32>
    %rem3A_111 = arith.constant 16 : i32
    %rem3A_112 = vector.broadcast %rem3A_111 : i32 to vector<16xi32>
    %rem3A_113 = arith.remsi %add3A_110, %rem3A_112 : vector<16xi32>
    %add3A_114 = arith.constant 15 : i32
    %add3A_115 = vector.broadcast %add3A_114 : i32 to vector<16xi32>
    %add3A_116 = arith.addi %iota3A, %add3A_115 : vector<16xi32>
    %rem3A_117 = arith.constant 16 : i32
    %rem3A_118 = vector.broadcast %rem3A_117 : i32 to vector<16xi32>
    %rem3A_119 = arith.remsi %add3A_116, %rem3A_118 : vector<16xi32>
    %mul3A_120 = arith.constant 25600 : i32
    %mul3A_121 = arith.muli %add3A, %mul3A_120 : i32
    %multiple_of3A = tpu.assume_multiple %mul3A_121, 25600 : i32
    "tpu.region"() ({
      %run_scoped3A = tpu.sem_alloc : memref<!tpu.dma_semaphore, #tpu.memory_space<semaphore_mem>>
      %dma_start3A_248 = tpu.memref_slice %arg2[%multiple_of3A] : memref<819200xi32, #tpu.memory_space<hbm>> -> memref<25600xi32, #tpu.memory_space<hbm>>
      %dma_start3A_249 = tpu.memref_slice %arg2[%multiple_of3A] : memref<819200xi32, #tpu.memory_space<hbm>> -> memref<25600xi32, #tpu.memory_space<hbm>>
      tpu.enqueue_dma source(%dma_start3A_249 : memref<25600xi32, #tpu.memory_space<hbm>>) target(%arg5 : memref<25600xi32, #tpu.memory_space<vmem>>) target_semaphore(%run_scoped3A : memref<!tpu.dma_semaphore, #tpu.memory_space<semaphore_mem>>)
      %dma_wait3A_250 = tpu.memref_slice %arg2[%multiple_of3A] : memref<819200xi32, #tpu.memory_space<hbm>> -> memref<25600xi32, #tpu.memory_space<hbm>>
      %dma_wait3A_251 = tpu.memref_slice %arg2[%multiple_of3A] : memref<819200xi32, #tpu.memory_space<hbm>> -> memref<25600xi32, #tpu.memory_space<hbm>>
      tpu.wait_dma2 semaphore(%run_scoped3A : memref<!tpu.dma_semaphore, #tpu.memory_space<semaphore_mem>>) src(%dma_wait3A_251 : memref<25600xi32, #tpu.memory_space<hbm>>) dst(%arg5 : memref<25600xi32, #tpu.memory_space<vmem>>)
      tpu.yield
    }) : () -> ()
    %add3A_122 = arith.constant 0 : i32
    %add3A_123 = vector.broadcast %add3A_122 : i32 to vector<16xi32>
    %add3A_124 = arith.addi %add3A_3, %add3A_123 : vector<16xi32>
    %mul3A_125 = arith.constant 50 : i32
    %mul3A_126 = vector.broadcast %mul3A_125 : i32 to vector<16xi32>
    %mul3A_127 = arith.muli %add3A_124, %mul3A_126 : vector<16xi32>
    %add3A_128 = arith.constant 0 : i32
    %add3A_129 = vector.broadcast %add3A_128 : i32 to vector<16xi32>
    %add3A_130 = arith.addi %mul3A_127, %add3A_129 : vector<16xi32>
    %gather3A = tpu.vector_load_idx %arg5[%add3A_130] : memref<25600xi32, #tpu.memory_space<vmem>>[vector<16xi32>], vector<16xi32>,
    %shift_right_logical3A = arith.constant 2 : i32
    %shift_right_logical3A_131 = vector.broadcast %shift_right_logical3A : i32 to vector<16xi32>
    %shift_right_logical3A_132 = arith.shrui %gather3A, %shift_right_logical3A_131 : vector<16xi32>
    tpu.vector_store_idx %arg6[%add3A_3], %shift_right_logical3A_132 : memref<128xi32, #tpu.memory_space<vmem>>[vector<16xi32>], vector<16xi32>,
    %add3A_133 = arith.constant 0 : i32
    %add3A_134 = vector.broadcast %add3A_133 : i32 to vector<16xi32>
    %add3A_135 = arith.addi %add3A_6, %add3A_134 : vector<16xi32>
    %mul3A_136 = arith.constant 50 : i32
    %mul3A_137 = vector.broadcast %mul3A_136 : i32 to vector<16xi32>
    %mul3A_138 = arith.muli %add3A_135, %mul3A_137 : vector<16xi32>
    %add3A_139 = arith.constant 0 : i32
    %add3A_140 = vector.broadcast %add3A_139 : i32 to vector<16xi32>
    %add3A_141 = arith.addi %mul3A_138, %add3A_140 : vector<16xi32>
    %gather3A_142 = tpu.vector_load_idx %arg5[%add3A_141] : memref<25600xi32, #tpu.memory_space<vmem>>[vector<16xi32>], vector<16xi32>,
    %shift_right_logical3A_143 = arith.constant 2 : i32
    %shift_right_logical3A_144 = vector.broadcast %shift_right_logical3A_143 : i32 to vector<16xi32>
    %shift_right_logical3A_145 = arith.shrui %gather3A_142, %shift_right_logical3A_144 : vector<16xi32>
    tpu.vector_store_idx %arg6[%add3A_6], %shift_right_logical3A_145 : memref<128xi32, #tpu.memory_space<vmem>>[vector<16xi32>], vector<16xi32>,
    %add3A_146 = arith.constant 0 : i32
    %add3A_147 = vector.broadcast %add3A_146 : i32 to vector<16xi32>
    %add3A_148 = arith.addi %add3A_9, %add3A_147 : vector<16xi32>
    %mul3A_149 = arith.constant 50 : i32
    %mul3A_150 = vector.broadcast %mul3A_149 : i32 to vector<16xi32>
    %mul3A_151 = arith.muli %add3A_148, %mul3A_150 : vector<16xi32>
    %add3A_152 = arith.constant 0 : i32
    %add3A_153 = vector.broadcast %add3A_152 : i32 to vector<16xi32>
    %add3A_154 = arith.addi %mul3A_151, %add3A_153 : vector<16xi32>
    %gather3A_155 = tpu.vector_load_idx %arg5[%add3A_154] : memref<25600xi32, #tpu.memory_space<vmem>>[vector<16xi32>], vector<16xi32>,
    %shift_right_logical3A_156 = arith.constant 2 : i32
    %shift_right_logical3A_157 = vector.broadcast %shift_right_logical3A_156 : i32 to vector<16xi32>
    %shift_right_logical3A_158 = arith.shrui %gather3A_155, %shift_right_logical3A_157 : vector<16xi32>
    tpu.vector_store_idx %arg6[%add3A_9], %shift_right_logical3A_158 : memref<128xi32, #tpu.memory_space<vmem>>[vector<16xi32>], vector<16xi32>,
    %add3A_159 = arith.constant 0 : i32
    %add3A_160 = vector.broadcast %add3A_159 : i32 to vector<16xi32>
    %add3A_161 = arith.addi %add3A_12, %add3A_160 : vector<16xi32>
    %mul3A_162 = arith.constant 50 : i32
    %mul3A_163 = vector.broadcast %mul3A_162 : i32 to vector<16xi32>
    %mul3A_164 = arith.muli %add3A_161, %mul3A_163 : vector<16xi32>
    %add3A_165 = arith.constant 0 : i32
    %add3A_166 = vector.broadcast %add3A_165 : i32 to vector<16xi32>
    %add3A_167 = arith.addi %mul3A_164, %add3A_166 : vector<16xi32>
    %gather3A_168 = tpu.vector_load_idx %arg5[%add3A_167] : memref<25600xi32, #tpu.memory_space<vmem>>[vector<16xi32>], vector<16xi32>,
    %shift_right_logical3A_169 = arith.constant 2 : i32
    %shift_right_logical3A_170 = vector.broadcast %shift_right_logical3A_169 : i32 to vector<16xi32>
    %shift_right_logical3A_171 = arith.shrui %gather3A_168, %shift_right_logical3A_170 : vector<16xi32>
    tpu.vector_store_idx %arg6[%add3A_12], %shift_right_logical3A_171 : memref<128xi32, #tpu.memory_space<vmem>>[vector<16xi32>], vector<16xi32>,
    %add3A_172 = arith.constant 0 : i32
    %add3A_173 = vector.broadcast %add3A_172 : i32 to vector<16xi32>
    %add3A_174 = arith.addi %add3A_15, %add3A_173 : vector<16xi32>
    %mul3A_175 = arith.constant 50 : i32
    %mul3A_176 = vector.broadcast %mul3A_175 : i32 to vector<16xi32>
    %mul3A_177 = arith.muli %add3A_174, %mul3A_176 : vector<16xi32>
    %add3A_178 = arith.constant 0 : i32
    %add3A_179 = vector.broadcast %add3A_178 : i32 to vector<16xi32>
    %add3A_180 = arith.addi %mul3A_177, %add3A_179 : vector<16xi32>
    %gather3A_181 = tpu.vector_load_idx %arg5[%add3A_180] : memref<25600xi32, #tpu.memory_space<vmem>>[vector<16xi32>], vector<16xi32>,
    %shift_right_logical3A_182 = arith.constant 2 : i32
    %shift_right_logical3A_183 = vector.broadcast %shift_right_logical3A_182 : i32 to vector<16xi32>
    %shift_right_logical3A_184 = arith.shrui %gather3A_181, %shift_right_logical3A_183 : vector<16xi32>
    tpu.vector_store_idx %arg6[%add3A_15], %shift_right_logical3A_184 : memref<128xi32, #tpu.memory_space<vmem>>[vector<16xi32>], vector<16xi32>,
    %add3A_185 = arith.constant 0 : i32
    %add3A_186 = vector.broadcast %add3A_185 : i32 to vector<16xi32>
    %add3A_187 = arith.addi %add3A_18, %add3A_186 : vector<16xi32>
    %mul3A_188 = arith.constant 50 : i32
    %mul3A_189 = vector.broadcast %mul3A_188 : i32 to vector<16xi32>
    %mul3A_190 = arith.muli %add3A_187, %mul3A_189 : vector<16xi32>
    %add3A_191 = arith.constant 0 : i32
    %add3A_192 = vector.broadcast %add3A_191 : i32 to vector<16xi32>
    %add3A_193 = arith.addi %mul3A_190, %add3A_192 : vector<16xi32>
    %gather3A_194 = tpu.vector_load_idx %arg5[%add3A_193] : memref<25600xi32, #tpu.memory_space<vmem>>[vector<16xi32>], vector<16xi32>,
    %shift_right_logical3A_195 = arith.constant 2 : i32
    %shift_right_logical3A_196 = vector.broadcast %shift_right_logical3A_195 : i32 to vector<16xi32>
    %shift_right_logical3A_197 = arith.shrui %gather3A_194, %shift_right_logical3A_196 : vector<16xi32>
    tpu.vector_store_idx %arg6[%add3A_18], %shift_right_logical3A_197 : memref<128xi32, #tpu.memory_space<vmem>>[vector<16xi32>], vector<16xi32>,
    %add3A_198 = arith.constant 0 : i32
    %add3A_199 = vector.broadcast %add3A_198 : i32 to vector<16xi32>
    %add3A_200 = arith.addi %add3A_21, %add3A_199 : vector<16xi32>
    %mul3A_201 = arith.constant 50 : i32
    %mul3A_202 = vector.broadcast %mul3A_201 : i32 to vector<16xi32>
    %mul3A_203 = arith.muli %add3A_200, %mul3A_202 : vector<16xi32>
    %add3A_204 = arith.constant 0 : i32
    %add3A_205 = vector.broadcast %add3A_204 : i32 to vector<16xi32>
    %add3A_206 = arith.addi %mul3A_203, %add3A_205 : vector<16xi32>
    %gather3A_207 = tpu.vector_load_idx %arg5[%add3A_206] : memref<25600xi32, #tpu.memory_space<vmem>>[vector<16xi32>], vector<16xi32>,
    %shift_right_logical3A_208 = arith.constant 2 : i32
    %shift_right_logical3A_209 = vector.broadcast %shift_right_logical3A_208 : i32 to vector<16xi32>
    %shift_right_logical3A_210 = arith.shrui %gather3A_207, %shift_right_logical3A_209 : vector<16xi32>
    tpu.vector_store_idx %arg6[%add3A_21], %shift_right_logical3A_210 : memref<128xi32, #tpu.memory_space<vmem>>[vector<16xi32>], vector<16xi32>,
    %add3A_211 = arith.constant 0 : i32
    %add3A_212 = vector.broadcast %add3A_211 : i32 to vector<16xi32>
    %add3A_213 = arith.addi %add3A_24, %add3A_212 : vector<16xi32>
    %mul3A_214 = arith.constant 50 : i32
    %mul3A_215 = vector.broadcast %mul3A_214 : i32 to vector<16xi32>
    %mul3A_216 = arith.muli %add3A_213, %mul3A_215 : vector<16xi32>
    %add3A_217 = arith.constant 0 : i32
    %add3A_218 = vector.broadcast %add3A_217 : i32 to vector<16xi32>
    %add3A_219 = arith.addi %mul3A_216, %add3A_218 : vector<16xi32>
    %gather3A_220 = tpu.vector_load_idx %arg5[%add3A_219] : memref<25600xi32, #tpu.memory_space<vmem>>[vector<16xi32>], vector<16xi32>,
    %shift_right_logical3A_221 = arith.constant 2 : i32
    %shift_right_logical3A_222 = vector.broadcast %shift_right_logical3A_221 : i32 to vector<16xi32>
    %shift_right_logical3A_223 = arith.shrui %gather3A_220, %shift_right_logical3A_222 : vector<16xi32>
    tpu.vector_store_idx %arg6[%add3A_24], %shift_right_logical3A_223 : memref<128xi32, #tpu.memory_space<vmem>>[vector<16xi32>], vector<16xi32>,
    %dma_start3A = arith.constant 0 : i32
    %dma_start3A_224 = arith.constant 0 : i32
    %dma_start3A_225 = tpu.memref_slice %arg3[%dma_start3A, %dma_start3A_224] : memref<250000x128xf32, #tpu.memory_space<hbm>> -> memref<250000x128xf32, #tpu.memory_space<hbm>>
    tpu.enqueue_indirect_dma source(%dma_start3A_225 : memref<250000x128xf32, #tpu.memory_space<hbm>>) target(%arg8 : memref<128x128xf32, #tpu.memory_space<vmem>>) offsets(%arg6 : memref<128xi32, #tpu.memory_space<vmem>>) semaphore(%arg12 : memref<!tpu.dma_semaphore, #tpu.memory_space<semaphore_mem>>)
    %scan3A = arith.constant 0 : i32
    %scan3A_226 = arith.constant 0 : i32
    %scan3A_227 = arith.constant 100 : i32
    %scan3A_228 = arith.addi %scan3A_226, %scan3A_227 : i32
    %scan3A_229 = arith.constant 1 : i32
    scf.for %scan3A_248 = %scan3A_226 to %scan3A_228 step %scan3A_229  : i32 {
      %mul3A_249 = arith.constant 2 : i32
      %mul3A_250 = arith.muli %mul3A_249, %scan3A_248 : i32
      %add3A_251 = arith.constant 0 : i32
      %add3A_252 = arith.addi %mul3A_250, %add3A_251 : i32
      %add3A_253 = arith.constant 1 : i32
      %add3A_254 = arith.addi %add3A_252, %add3A_253 : i32
      %lt3A = arith.constant 200 : i32
      %lt3A_255 = arith.cmpi slt, %add3A_254, %lt3A : i32
      %convert_element_type3A = arith.extui %lt3A_255 : i1 to i32
      %cond3A = arith.constant 0 : i32
      %cond3A_256 = arith.cmpi ne, %convert_element_type3A, %cond3A : i32
      scf.if %cond3A_256 {
        %add3A_397 = arith.constant 1 : i32
        %add3A_398 = arith.addi %add3A_252, %add3A_397 : i32
        %jit3A_399 = arith.constant 4 : i32
        %div3A_400 = arith.divsi %add3A_398, %jit3A_399 : i32
        %sign3A_401 = arith.constant 0 : i32
        %sign3A_402 = arith.cmpi sgt, %add3A_398, %sign3A_401 : i32
        %sign3A_403 = arith.extui %sign3A_402 : i1 to i32
        %sign3A_404 = arith.constant 0 : i32
        %sign3A_405 = arith.cmpi slt, %add3A_398, %sign3A_404 : i32
        %sign3A_406 = arith.extui %sign3A_405 : i1 to i32
        %sign3A_407 = arith.subi %sign3A_403, %sign3A_406 : i32
        %sign3A_408 = arith.constant 0 : i32
        %sign3A_409 = arith.cmpi sgt, %jit3A_399, %sign3A_408 : i32
        %sign3A_410 = arith.extui %sign3A_409 : i1 to i32
        %sign3A_411 = arith.constant 0 : i32
        %sign3A_412 = arith.cmpi slt, %jit3A_399, %sign3A_411 : i32
        %sign3A_413 = arith.extui %sign3A_412 : i1 to i32
        %sign3A_414 = arith.subi %sign3A_410, %sign3A_413 : i32
        %ne3A_415 = arith.cmpi ne, %sign3A_407, %sign3A_414 : i32
        %rem3A_416 = arith.remsi %add3A_398, %jit3A_399 : i32
        %ne3A_417 = arith.constant 0 : i32
        %ne3A_418 = arith.cmpi ne, %rem3A_416, %ne3A_417 : i32
        %and3A_419 = arith.andi %ne3A_415, %ne3A_418 : i1
        %sub3A_420 = arith.constant 1 : i32
        %sub3A_421 = arith.subi %div3A_400, %sub3A_420 : i32
        %select_n3A_422 = arith.select %and3A_419, %sub3A_421, %div3A_400 : i32
        %jit3A_423 = arith.constant 4 : i32
        %eq3A_424 = arith.constant 0 : i32
        %eq3A_425 = arith.cmpi eq, %jit3A_423, %eq3A_424 : i32
        %jit3A_426 = arith.constant 1 : i32
        %select_n3A_427 = arith.select %eq3A_425, %jit3A_426, %jit3A_423 : i32
        %rem3A_428 = arith.remsi %add3A_398, %select_n3A_427 : i32
        %ne3A_429 = arith.constant 0 : i32
        %ne3A_430 = arith.cmpi ne, %rem3A_428, %ne3A_429 : i32
        %lt3A_431 = arith.constant 0 : i32
        %lt3A_432 = arith.cmpi slt, %rem3A_428, %lt3A_431 : i32
        %lt3A_433 = arith.constant 0 : i32
        %lt3A_434 = arith.cmpi slt, %select_n3A_427, %lt3A_433 : i32
        %ne3A_435 = arith.xori %lt3A_432, %lt3A_434 : i1
        %and3A_436 = arith.andi %ne3A_435, %ne3A_430 : i1
        %add3A_437 = arith.addi %rem3A_428, %select_n3A_427 : i32
        %select_n3A_438 = arith.select %and3A_436, %add3A_437, %rem3A_428 : i32
        %mul3A_439 = arith.constant 128 : i32
        %mul3A_440 = arith.muli %mul3A_439, %select_n3A_438 : i32
        %add3A_441 = vector.broadcast %mul3A_440 : i32 to vector<16xi32>
        %add3A_442 = arith.addi %add3A_3, %add3A_441 : vector<16xi32>
        %mul3A_443 = arith.constant 50 : i32
        %mul3A_444 = vector.broadcast %mul3A_443 : i32 to vector<16xi32>
        %mul3A_445 = arith.muli %add3A_442, %mul3A_444 : vector<16xi32>
        %add3A_446 = vector.broadcast %select_n3A_422 : i32 to vector<16xi32>
        %add3A_447 = arith.addi %mul3A_445, %add3A_446 : vector<16xi32>
        %gather3A_448 = tpu.vector_load_idx %arg5[%add3A_447] : memref<25600xi32, #tpu.memory_space<vmem>>[vector<16xi32>], vector<16xi32>,
        %shift_right_logical3A_449 = arith.constant 2 : i32
        %shift_right_logical3A_450 = vector.broadcast %shift_right_logical3A_449 : i32 to vector<16xi32>
        %shift_right_logical3A_451 = arith.shrui %gather3A_448, %shift_right_logical3A_450 : vector<16xi32>
        tpu.vector_store_idx %arg7[%add3A_3], %shift_right_logical3A_451 : memref<128xi32, #tpu.memory_space<vmem>>[vector<16xi32>], vector<16xi32>,
        %mul3A_452 = arith.constant 128 : i32
        %mul3A_453 = arith.muli %mul3A_452, %select_n3A_438 : i32
        %add3A_454 = vector.broadcast %mul3A_453 : i32 to vector<16xi32>
        %add3A_455 = arith.addi %add3A_6, %add3A_454 : vector<16xi32>
        %mul3A_456 = arith.constant 50 : i32
        %mul3A_457 = vector.broadcast %mul3A_456 : i32 to vector<16xi32>
        %mul3A_458 = arith.muli %add3A_455, %mul3A_457 : vector<16xi32>
        %add3A_459 = vector.broadcast %select_n3A_422 : i32 to vector<16xi32>
        %add3A_460 = arith.addi %mul3A_458, %add3A_459 : vector<16xi32>
        %gather3A_461 = tpu.vector_load_idx %arg5[%add3A_460] : memref<25600xi32, #tpu.memory_space<vmem>>[vector<16xi32>], vector<16xi32>,
        %shift_right_logical3A_462 = arith.constant 2 : i32
        %shift_right_logical3A_463 = vector.broadcast %shift_right_logical3A_462 : i32 to vector<16xi32>
        %shift_right_logical3A_464 = arith.shrui %gather3A_461, %shift_right_logical3A_463 : vector<16xi32>
        tpu.vector_store_idx %arg7[%add3A_6], %shift_right_logical3A_464 : memref<128xi32, #tpu.memory_space<vmem>>[vector<16xi32>], vector<16xi32>,
        %mul3A_465 = arith.constant 128 : i32
        %mul3A_466 = arith.muli %mul3A_465, %select_n3A_438 : i32
        %add3A_467 = vector.broadcast %mul3A_466 : i32 to vector<16xi32>
        %add3A_468 = arith.addi %add3A_9, %add3A_467 : vector<16xi32>
        %mul3A_469 = arith.constant 50 : i32
        %mul3A_470 = vector.broadcast %mul3A_469 : i32 to vector<16xi32>
        %mul3A_471 = arith.muli %add3A_468, %mul3A_470 : vector<16xi32>
        %add3A_472 = vector.broadcast %select_n3A_422 : i32 to vector<16xi32>
        %add3A_473 = arith.addi %mul3A_471, %add3A_472 : vector<16xi32>
        %gather3A_474 = tpu.vector_load_idx %arg5[%add3A_473] : memref<25600xi32, #tpu.memory_space<vmem>>[vector<16xi32>], vector<16xi32>,
        %shift_right_logical3A_475 = arith.constant 2 : i32
        %shift_right_logical3A_476 = vector.broadcast %shift_right_logical3A_475 : i32 to vector<16xi32>
        %shift_right_logical3A_477 = arith.shrui %gather3A_474, %shift_right_logical3A_476 : vector<16xi32>
        tpu.vector_store_idx %arg7[%add3A_9], %shift_right_logical3A_477 : memref<128xi32, #tpu.memory_space<vmem>>[vector<16xi32>], vector<16xi32>,
        %mul3A_478 = arith.constant 128 : i32
        %mul3A_479 = arith.muli %mul3A_478, %select_n3A_438 : i32
        %add3A_480 = vector.broadcast %mul3A_479 : i32 to vector<16xi32>
        %add3A_481 = arith.addi %add3A_12, %add3A_480 : vector<16xi32>
        %mul3A_482 = arith.constant 50 : i32
        %mul3A_483 = vector.broadcast %mul3A_482 : i32 to vector<16xi32>
        %mul3A_484 = arith.muli %add3A_481, %mul3A_483 : vector<16xi32>
        %add3A_485 = vector.broadcast %select_n3A_422 : i32 to vector<16xi32>
        %add3A_486 = arith.addi %mul3A_484, %add3A_485 : vector<16xi32>
        %gather3A_487 = tpu.vector_load_idx %arg5[%add3A_486] : memref<25600xi32, #tpu.memory_space<vmem>>[vector<16xi32>], vector<16xi32>,
        %shift_right_logical3A_488 = arith.constant 2 : i32
        %shift_right_logical3A_489 = vector.broadcast %shift_right_logical3A_488 : i32 to vector<16xi32>
        %shift_right_logical3A_490 = arith.shrui %gather3A_487, %shift_right_logical3A_489 : vector<16xi32>
        tpu.vector_store_idx %arg7[%add3A_12], %shift_right_logical3A_490 : memref<128xi32, #tpu.memory_space<vmem>>[vector<16xi32>], vector<16xi32>,
        %mul3A_491 = arith.constant 128 : i32
        %mul3A_492 = arith.muli %mul3A_491, %select_n3A_438 : i32
        %add3A_493 = vector.broadcast %mul3A_492 : i32 to vector<16xi32>
        %add3A_494 = arith.addi %add3A_15, %add3A_493 : vector<16xi32>
        %mul3A_495 = arith.constant 50 : i32
        %mul3A_496 = vector.broadcast %mul3A_495 : i32 to vector<16xi32>
        %mul3A_497 = arith.muli %add3A_494, %mul3A_496 : vector<16xi32>
        %add3A_498 = vector.broadcast %select_n3A_422 : i32 to vector<16xi32>
        %add3A_499 = arith.addi %mul3A_497, %add3A_498 : vector<16xi32>
        %gather3A_500 = tpu.vector_load_idx %arg5[%add3A_499] : memref<25600xi32, #tpu.memory_space<vmem>>[vector<16xi32>], vector<16xi32>,
        %shift_right_logical3A_501 = arith.constant 2 : i32
        %shift_right_logical3A_502 = vector.broadcast %shift_right_logical3A_501 : i32 to vector<16xi32>
        %shift_right_logical3A_503 = arith.shrui %gather3A_500, %shift_right_logical3A_502 : vector<16xi32>
        tpu.vector_store_idx %arg7[%add3A_15], %shift_right_logical3A_503 : memref<128xi32, #tpu.memory_space<vmem>>[vector<16xi32>], vector<16xi32>,
        %mul3A_504 = arith.constant 128 : i32
        %mul3A_505 = arith.muli %mul3A_504, %select_n3A_438 : i32
        %add3A_506 = vector.broadcast %mul3A_505 : i32 to vector<16xi32>
        %add3A_507 = arith.addi %add3A_18, %add3A_506 : vector<16xi32>
        %mul3A_508 = arith.constant 50 : i32
        %mul3A_509 = vector.broadcast %mul3A_508 : i32 to vector<16xi32>
        %mul3A_510 = arith.muli %add3A_507, %mul3A_509 : vector<16xi32>
        %add3A_511 = vector.broadcast %select_n3A_422 : i32 to vector<16xi32>
        %add3A_512 = arith.addi %mul3A_510, %add3A_511 : vector<16xi32>
        %gather3A_513 = tpu.vector_load_idx %arg5[%add3A_512] : memref<25600xi32, #tpu.memory_space<vmem>>[vector<16xi32>], vector<16xi32>,
        %shift_right_logical3A_514 = arith.constant 2 : i32
        %shift_right_logical3A_515 = vector.broadcast %shift_right_logical3A_514 : i32 to vector<16xi32>
        %shift_right_logical3A_516 = arith.shrui %gather3A_513, %shift_right_logical3A_515 : vector<16xi32>
        tpu.vector_store_idx %arg7[%add3A_18], %shift_right_logical3A_516 : memref<128xi32, #tpu.memory_space<vmem>>[vector<16xi32>], vector<16xi32>,
        %mul3A_517 = arith.constant 128 : i32
        %mul3A_518 = arith.muli %mul3A_517, %select_n3A_438 : i32
        %add3A_519 = vector.broadcast %mul3A_518 : i32 to vector<16xi32>
        %add3A_520 = arith.addi %add3A_21, %add3A_519 : vector<16xi32>
        %mul3A_521 = arith.constant 50 : i32
        %mul3A_522 = vector.broadcast %mul3A_521 : i32 to vector<16xi32>
        %mul3A_523 = arith.muli %add3A_520, %mul3A_522 : vector<16xi32>
        %add3A_524 = vector.broadcast %select_n3A_422 : i32 to vector<16xi32>
        %add3A_525 = arith.addi %mul3A_523, %add3A_524 : vector<16xi32>
        %gather3A_526 = tpu.vector_load_idx %arg5[%add3A_525] : memref<25600xi32, #tpu.memory_space<vmem>>[vector<16xi32>], vector<16xi32>,
        %shift_right_logical3A_527 = arith.constant 2 : i32
        %shift_right_logical3A_528 = vector.broadcast %shift_right_logical3A_527 : i32 to vector<16xi32>
        %shift_right_logical3A_529 = arith.shrui %gather3A_526, %shift_right_logical3A_528 : vector<16xi32>
        tpu.vector_store_idx %arg7[%add3A_21], %shift_right_logical3A_529 : memref<128xi32, #tpu.memory_space<vmem>>[vector<16xi32>], vector<16xi32>,
        %mul3A_530 = arith.constant 128 : i32
        %mul3A_531 = arith.muli %mul3A_530, %select_n3A_438 : i32
        %add3A_532 = vector.broadcast %mul3A_531 : i32 to vector<16xi32>
        %add3A_533 = arith.addi %add3A_24, %add3A_532 : vector<16xi32>
        %mul3A_534 = arith.constant 50 : i32
        %mul3A_535 = vector.broadcast %mul3A_534 : i32 to vector<16xi32>
        %mul3A_536 = arith.muli %add3A_533, %mul3A_535 : vector<16xi32>
        %add3A_537 = vector.broadcast %select_n3A_422 : i32 to vector<16xi32>
        %add3A_538 = arith.addi %mul3A_536, %add3A_537 : vector<16xi32>
        %gather3A_539 = tpu.vector_load_idx %arg5[%add3A_538] : memref<25600xi32, #tpu.memory_space<vmem>>[vector<16xi32>], vector<16xi32>,
        %shift_right_logical3A_540 = arith.constant 2 : i32
        %shift_right_logical3A_541 = vector.broadcast %shift_right_logical3A_540 : i32 to vector<16xi32>
        %shift_right_logical3A_542 = arith.shrui %gather3A_539, %shift_right_logical3A_541 : vector<16xi32>
        tpu.vector_store_idx %arg7[%add3A_24], %shift_right_logical3A_542 : memref<128xi32, #tpu.memory_space<vmem>>[vector<16xi32>], vector<16xi32>,
        %dma_start3A_543 = arith.constant 0 : i32
        %dma_start3A_544 = arith.constant 0 : i32
        %dma_start3A_545 = tpu.memref_slice %arg3[%dma_start3A_543, %dma_start3A_544] : memref<250000x128xf32, #tpu.memory_space<hbm>> -> memref<250000x128xf32, #tpu.memory_space<hbm>>
        tpu.enqueue_indirect_dma source(%dma_start3A_545 : memref<250000x128xf32, #tpu.memory_space<hbm>>) target(%arg9 : memref<128x128xf32, #tpu.memory_space<vmem>>) offsets(%arg7 : memref<128xi32, #tpu.memory_space<vmem>>) semaphore(%arg13 : memref<!tpu.dma_semaphore, #tpu.memory_space<semaphore_mem>>)
      } else {
      }
      %dma_wait3A_257 = arith.constant 0 : i32
      %dma_wait3A_258 = arith.constant 0 : i32
      %dma_wait3A_259 = tpu.memref_slice %arg3[%dma_wait3A_257, %dma_wait3A_258] : memref<250000x128xf32, #tpu.memory_space<hbm>> -> memref<128x128xf32, #tpu.memory_space<hbm>>
      %dma_wait3A_260 = arith.constant 0 : i32
      %dma_wait3A_261 = arith.constant 0 : i32
      %dma_wait3A_262 = tpu.memref_slice %arg3[%dma_wait3A_260, %dma_wait3A_261] : memref<250000x128xf32, #tpu.memory_space<hbm>> -> memref<128x128xf32, #tpu.memory_space<hbm>>
      tpu.wait_dma2 semaphore(%arg12 : memref<!tpu.dma_semaphore, #tpu.memory_space<semaphore_mem>>) src(%dma_wait3A_262 : memref<128x128xf32, #tpu.memory_space<hbm>>) dst(%arg8 : memref<128x128xf32, #tpu.memory_space<vmem>>)
      %ge3A = arith.constant 2 : i32
      %ge3A_263 = arith.cmpi sge, %add3A_252, %ge3A : i32
      %convert_element_type3A_264 = arith.extui %ge3A_263 : i1 to i32
      %cond3A_265 = arith.constant 0 : i32
      %cond3A_266 = arith.cmpi ne, %convert_element_type3A_264, %cond3A_265 : i32
      scf.if %cond3A_266 {
        %dma_wait3A_397 = arith.constant 0 : i32
        %dma_wait3A_398 = arith.constant 0 : i32
        %dma_wait3A_399 = arith.constant 0 : i32
        %dma_wait3A_400 = tpu.memref_slice %arg4[%dma_wait3A_397, %dma_wait3A_398, %dma_wait3A_399] : memref<50x32x16384xf32, #tpu.memory_space<hbm>> -> memref<1x32x128xf32, #tpu.memory_space<hbm>>
        %dma_wait3A_401 = tpu.memref_squeeze %dma_wait3A_400 : memref<1x32x128xf32, #tpu.memory_space<hbm>> -> memref<32x128xf32, #tpu.memory_space<hbm>>
        %dma_wait3A_402 = arith.constant 0 : i32
        %dma_wait3A_403 = arith.constant 0 : i32
        %dma_wait3A_404 = tpu.memref_slice %arg4[%dma_wait3A_397, %dma_wait3A_402, %dma_wait3A_403] : memref<50x32x16384xf32, #tpu.memory_space<hbm>> -> memref<1x32x128xf32, #tpu.memory_space<hbm>>
        %dma_wait3A_405 = tpu.memref_squeeze %dma_wait3A_404 : memref<1x32x128xf32, #tpu.memory_space<hbm>> -> memref<32x128xf32, #tpu.memory_space<hbm>>
        tpu.wait_dma2 semaphore(%arg14 : memref<!tpu.dma_semaphore, #tpu.memory_space<semaphore_mem>>) src(%arg10 : memref<32x128xf32, #tpu.memory_space<vmem>>) dst(%dma_wait3A_405 : memref<32x128xf32, #tpu.memory_space<hbm>>)
      } else {
      }
      %jit3A = arith.constant 4 : i32
      %div3A = arith.divsi %add3A_252, %jit3A : i32
      %sign3A = arith.constant 0 : i32
      %sign3A_267 = arith.cmpi sgt, %add3A_252, %sign3A : i32
      %sign3A_268 = arith.extui %sign3A_267 : i1 to i32
      %sign3A_269 = arith.constant 0 : i32
      %sign3A_270 = arith.cmpi slt, %add3A_252, %sign3A_269 : i32
      %sign3A_271 = arith.extui %sign3A_270 : i1 to i32
      %sign3A_272 = arith.subi %sign3A_268, %sign3A_271 : i32
      %sign3A_273 = arith.constant 0 : i32
      %sign3A_274 = arith.cmpi sgt, %jit3A, %sign3A_273 : i32
      %sign3A_275 = arith.extui %sign3A_274 : i1 to i32
      %sign3A_276 = arith.constant 0 : i32
      %sign3A_277 = arith.cmpi slt, %jit3A, %sign3A_276 : i32
      %sign3A_278 = arith.extui %sign3A_277 : i1 to i32
      %sign3A_279 = arith.subi %sign3A_275, %sign3A_278 : i32
      %ne3A = arith.cmpi ne, %sign3A_272, %sign3A_279 : i32
      %rem3A_280 = arith.remsi %add3A_252, %jit3A : i32
      %ne3A_281 = arith.constant 0 : i32
      %ne3A_282 = arith.cmpi ne, %rem3A_280, %ne3A_281 : i32
      %and3A = arith.andi %ne3A, %ne3A_282 : i1
      %sub3A = arith.constant 1 : i32
      %sub3A_283 = arith.subi %div3A, %sub3A : i32
      %select_n3A = arith.select %and3A, %sub3A_283, %div3A : i32
      %jit3A_284 = arith.constant 4 : i32
      %eq3A = arith.constant 0 : i32
      %eq3A_285 = arith.cmpi eq, %jit3A_284, %eq3A : i32
      %jit3A_286 = arith.constant 1 : i32
      %select_n3A_287 = arith.select %eq3A_285, %jit3A_286, %jit3A_284 : i32
      %rem3A_288 = arith.remsi %add3A_252, %select_n3A_287 : i32
      %ne3A_289 = arith.constant 0 : i32
      %ne3A_290 = arith.cmpi ne, %rem3A_288, %ne3A_289 : i32
      %lt3A_291 = arith.constant 0 : i32
      %lt3A_292 = arith.cmpi slt, %rem3A_288, %lt3A_291 : i32
      %lt3A_293 = arith.constant 0 : i32
      %lt3A_294 = arith.cmpi slt, %select_n3A_287, %lt3A_293 : i32
      %ne3A_295 = arith.xori %lt3A_292, %lt3A_294 : i1
      %and3A_296 = arith.andi %ne3A_295, %ne3A_290 : i1
      %add3A_297 = arith.addi %rem3A_288, %select_n3A_287 : i32
      %select_n3A_298 = arith.select %and3A_296, %add3A_297, %rem3A_288 : i32
      %scan3A_299 = arith.constant 0 : i32
      %scan3A_300 = arith.constant 0 : i32
      %scan3A_301 = arith.constant 4 : i32
      %scan3A_302 = arith.addi %scan3A_300, %scan3A_301 : i32
      %scan3A_303 = arith.constant 1 : i32
      scf.for %scan3A_397 = %scan3A_300 to %scan3A_302 step %scan3A_303  : i32 {
        %mul3A_398 = arith.constant 2 : i32
        %mul3A_399 = arith.muli %mul3A_398, %scan3A_397 : i32
        %add3A_400 = arith.constant 0 : i32
        %add3A_401 = arith.addi %mul3A_399, %add3A_400 : i32
        %mul3A_402 = arith.constant 16 : i32
        %mul3A_403 = arith.muli %mul3A_402, %add3A_401 : i32
        %add3A_404 = vector.broadcast %mul3A_403 : i32 to vector<16xi32>
        %add3A_405 = arith.addi %iota3A, %add3A_404 : vector<16xi32>
        %mul3A_406 = arith.constant 128 : i32
        %mul3A_407 = arith.muli %mul3A_406, %select_n3A_298 : i32
        %add3A_408 = vector.broadcast %mul3A_407 : i32 to vector<16xi32>
        %add3A_409 = arith.addi %add3A_405, %add3A_408 : vector<16xi32>
        %mul3A_410 = arith.constant 50 : i32
        %mul3A_411 = vector.broadcast %mul3A_410 : i32 to vector<16xi32>
        %mul3A_412 = arith.muli %add3A_409, %mul3A_411 : vector<16xi32>
        %add3A_413 = vector.broadcast %select_n3A : i32 to vector<16xi32>
        %add3A_414 = arith.addi %mul3A_412, %add3A_413 : vector<16xi32>
        %gather3A_415 = tpu.vector_load_idx %arg5[%add3A_414] : memref<25600xi32, #tpu.memory_space<vmem>>[vector<16xi32>], vector<16xi32>,
        %and3A_416 = arith.constant 3 : i32
        %and3A_417 = vector.broadcast %and3A_416 : i32 to vector<16xi32>
        %and3A_418 = arith.andi %gather3A_415, %and3A_417 : vector<16xi32>
        %mul3A_419 = arith.constant 32 : i32
        %mul3A_420 = vector.broadcast %mul3A_419 : i32 to vector<16xi32>
        %mul3A_421 = arith.muli %and3A_418, %mul3A_420 : vector<16xi32>
        %add3A_422 = arith.constant 0 : i32
        %add3A_423 = vector.broadcast %add3A_422 : i32 to vector<16xi32>
        %add3A_424 = arith.addi %rem3A_29, %add3A_423 : vector<16xi32>
        %add3A_425 = arith.constant 0 : i32
        %add3A_426 = vector.broadcast %add3A_425 : i32 to vector<16xi32>
        %add3A_427 = arith.addi %rem3A_35, %add3A_426 : vector<16xi32>
        %add3A_428 = arith.constant 0 : i32
        %add3A_429 = vector.broadcast %add3A_428 : i32 to vector<16xi32>
        %add3A_430 = arith.addi %rem3A_41, %add3A_429 : vector<16xi32>
        %add3A_431 = arith.constant 0 : i32
        %add3A_432 = vector.broadcast %add3A_431 : i32 to vector<16xi32>
        %add3A_433 = arith.addi %rem3A_47, %add3A_432 : vector<16xi32>
        %add3A_434 = arith.constant 0 : i32
        %add3A_435 = vector.broadcast %add3A_434 : i32 to vector<16xi32>
        %add3A_436 = arith.addi %rem3A_53, %add3A_435 : vector<16xi32>
        %add3A_437 = arith.constant 0 : i32
        %add3A_438 = vector.broadcast %add3A_437 : i32 to vector<16xi32>
        %add3A_439 = arith.addi %rem3A_59, %add3A_438 : vector<16xi32>
        %add3A_440 = arith.constant 0 : i32
        %add3A_441 = vector.broadcast %add3A_440 : i32 to vector<16xi32>
        %add3A_442 = arith.addi %rem3A_65, %add3A_441 : vector<16xi32>
        %add3A_443 = arith.constant 0 : i32
        %add3A_444 = vector.broadcast %add3A_443 : i32 to vector<16xi32>
        %add3A_445 = arith.addi %rem3A_71, %add3A_444 : vector<16xi32>
        %add3A_446 = arith.addi %mul3A_421, %add3A_424 : vector<16xi32>
        %gather3A_447 = tpu.vector_load_idx %arg8[%add3A_405, %add3A_446] : memref<128x128xf32, #tpu.memory_space<vmem>>[vector<16xi32>, vector<16xi32>], vector<16xf32>,
        %add3A_448 = arith.addi %mul3A_421, %add3A_427 : vector<16xi32>
        %gather3A_449 = tpu.vector_load_idx %arg8[%add3A_405, %add3A_448] : memref<128x128xf32, #tpu.memory_space<vmem>>[vector<16xi32>, vector<16xi32>], vector<16xf32>,
        %add3A_450 = arith.addi %mul3A_421, %add3A_430 : vector<16xi32>
        %gather3A_451 = tpu.vector_load_idx %arg8[%add3A_405, %add3A_450] : memref<128x128xf32, #tpu.memory_space<vmem>>[vector<16xi32>, vector<16xi32>], vector<16xf32>,
        %add3A_452 = arith.addi %mul3A_421, %add3A_433 : vector<16xi32>
        %gather3A_453 = tpu.vector_load_idx %arg8[%add3A_405, %add3A_452] : memref<128x128xf32, #tpu.memory_space<vmem>>[vector<16xi32>, vector<16xi32>], vector<16xf32>,
        %add3A_454 = arith.addi %mul3A_421, %add3A_436 : vector<16xi32>
        %gather3A_455 = tpu.vector_load_idx %arg8[%add3A_405, %add3A_454] : memref<128x128xf32, #tpu.memory_space<vmem>>[vector<16xi32>, vector<16xi32>], vector<16xf32>,
        %add3A_456 = arith.addi %mul3A_421, %add3A_439 : vector<16xi32>
        %gather3A_457 = tpu.vector_load_idx %arg8[%add3A_405, %add3A_456] : memref<128x128xf32, #tpu.memory_space<vmem>>[vector<16xi32>, vector<16xi32>], vector<16xf32>,
        %add3A_458 = arith.addi %mul3A_421, %add3A_442 : vector<16xi32>
        %gather3A_459 = tpu.vector_load_idx %arg8[%add3A_405, %add3A_458] : memref<128x128xf32, #tpu.memory_space<vmem>>[vector<16xi32>, vector<16xi32>], vector<16xf32>,
        %add3A_460 = arith.addi %mul3A_421, %add3A_445 : vector<16xi32>
        %gather3A_461 = tpu.vector_load_idx %arg8[%add3A_405, %add3A_460] : memref<128x128xf32, #tpu.memory_space<vmem>>[vector<16xi32>, vector<16xi32>], vector<16xf32>,
        tpu.vector_store_idx %arg10[%add3A_424, %add3A_405], %gather3A_447 : memref<32x128xf32, #tpu.memory_space<vmem>>[vector<16xi32>, vector<16xi32>], vector<16xf32>,
        tpu.vector_store_idx %arg10[%add3A_427, %add3A_405], %gather3A_449 : memref<32x128xf32, #tpu.memory_space<vmem>>[vector<16xi32>, vector<16xi32>], vector<16xf32>,
        tpu.vector_store_idx %arg10[%add3A_430, %add3A_405], %gather3A_451 : memref<32x128xf32, #tpu.memory_space<vmem>>[vector<16xi32>, vector<16xi32>], vector<16xf32>,
        tpu.vector_store_idx %arg10[%add3A_433, %add3A_405], %gather3A_453 : memref<32x128xf32, #tpu.memory_space<vmem>>[vector<16xi32>, vector<16xi32>], vector<16xf32>,
        tpu.vector_store_idx %arg10[%add3A_436, %add3A_405], %gather3A_455 : memref<32x128xf32, #tpu.memory_space<vmem>>[vector<16xi32>, vector<16xi32>], vector<16xf32>,
        tpu.vector_store_idx %arg10[%add3A_439, %add3A_405], %gather3A_457 : memref<32x128xf32, #tpu.memory_space<vmem>>[vector<16xi32>, vector<16xi32>], vector<16xf32>,
        tpu.vector_store_idx %arg10[%add3A_442, %add3A_405], %gather3A_459 : memref<32x128xf32, #tpu.memory_space<vmem>>[vector<16xi32>, vector<16xi32>], vector<16xf32>,
        tpu.vector_store_idx %arg10[%add3A_445, %add3A_405], %gather3A_461 : memref<32x128xf32, #tpu.memory_space<vmem>>[vector<16xi32>, vector<16xi32>], vector<16xf32>,
        %add3A_462 = arith.constant 0 : i32
        %add3A_463 = vector.broadcast %add3A_462 : i32 to vector<16xi32>
        %add3A_464 = arith.addi %rem3A_77, %add3A_463 : vector<16xi32>
        %add3A_465 = arith.constant 0 : i32
        %add3A_466 = vector.broadcast %add3A_465 : i32 to vector<16xi32>
        %add3A_467 = arith.addi %rem3A_83, %add3A_466 : vector<16xi32>
        %add3A_468 = arith.constant 0 : i32
        %add3A_469 = vector.broadcast %add3A_468 : i32 to vector<16xi32>
        %add3A_470 = arith.addi %rem3A_89, %add3A_469 : vector<16xi32>
        %add3A_471 = arith.constant 0 : i32
        %add3A_472 = vector.broadcast %add3A_471 : i32 to vector<16xi32>
        %add3A_473 = arith.addi %rem3A_95, %add3A_472 : vector<16xi32>
        %add3A_474 = arith.constant 0 : i32
        %add3A_475 = vector.broadcast %add3A_474 : i32 to vector<16xi32>
        %add3A_476 = arith.addi %rem3A_101, %add3A_475 : vector<16xi32>
        %add3A_477 = arith.constant 0 : i32
        %add3A_478 = vector.broadcast %add3A_477 : i32 to vector<16xi32>
        %add3A_479 = arith.addi %rem3A_107, %add3A_478 : vector<16xi32>
        %add3A_480 = arith.constant 0 : i32
        %add3A_481 = vector.broadcast %add3A_480 : i32 to vector<16xi32>
        %add3A_482 = arith.addi %rem3A_113, %add3A_481 : vector<16xi32>
        %add3A_483 = arith.constant 0 : i32
        %add3A_484 = vector.broadcast %add3A_483 : i32 to vector<16xi32>
        %add3A_485 = arith.addi %rem3A_119, %add3A_484 : vector<16xi32>
        %add3A_486 = arith.addi %mul3A_421, %add3A_464 : vector<16xi32>
        %gather3A_487 = tpu.vector_load_idx %arg8[%add3A_405, %add3A_486] : memref<128x128xf32, #tpu.memory_space<vmem>>[vector<16xi32>, vector<16xi32>], vector<16xf32>,
        %add3A_488 = arith.addi %mul3A_421, %add3A_467 : vector<16xi32>
        %gather3A_489 = tpu.vector_load_idx %arg8[%add3A_405, %add3A_488] : memref<128x128xf32, #tpu.memory_space<vmem>>[vector<16xi32>, vector<16xi32>], vector<16xf32>,
        %add3A_490 = arith.addi %mul3A_421, %add3A_470 : vector<16xi32>
        %gather3A_491 = tpu.vector_load_idx %arg8[%add3A_405, %add3A_490] : memref<128x128xf32, #tpu.memory_space<vmem>>[vector<16xi32>, vector<16xi32>], vector<16xf32>,
        %add3A_492 = arith.addi %mul3A_421, %add3A_473 : vector<16xi32>
        %gather3A_493 = tpu.vector_load_idx %arg8[%add3A_405, %add3A_492] : memref<128x128xf32, #tpu.memory_space<vmem>>[vector<16xi32>, vector<16xi32>], vector<16xf32>,
        %add3A_494 = arith.addi %mul3A_421, %add3A_476 : vector<16xi32>
        %gather3A_495 = tpu.vector_load_idx %arg8[%add3A_405, %add3A_494] : memref<128x128xf32, #tpu.memory_space<vmem>>[vector<16xi32>, vector<16xi32>], vector<16xf32>,
        %add3A_496 = arith.addi %mul3A_421, %add3A_479 : vector<16xi32>
        %gather3A_497 = tpu.vector_load_idx %arg8[%add3A_405, %add3A_496] : memref<128x128xf32, #tpu.memory_space<vmem>>[vector<16xi32>, vector<16xi32>], vector<16xf32>,
        %add3A_498 = arith.addi %mul3A_421, %add3A_482 : vector<16xi32>
        %gather3A_499 = tpu.vector_load_idx %arg8[%add3A_405, %add3A_498] : memref<128x128xf32, #tpu.memory_space<vmem>>[vector<16xi32>, vector<16xi32>], vector<16xf32>,
        %add3A_500 = arith.addi %mul3A_421, %add3A_485 : vector<16xi32>
        %gather3A_501 = tpu.vector_load_idx %arg8[%add3A_405, %add3A_500] : memref<128x128xf32, #tpu.memory_space<vmem>>[vector<16xi32>, vector<16xi32>], vector<16xf32>,
        tpu.vector_store_idx %arg10[%add3A_464, %add3A_405], %gather3A_487 : memref<32x128xf32, #tpu.memory_space<vmem>>[vector<16xi32>, vector<16xi32>], vector<16xf32>,
        tpu.vector_store_idx %arg10[%add3A_467, %add3A_405], %gather3A_489 : memref<32x128xf32, #tpu.memory_space<vmem>>[vector<16xi32>, vector<16xi32>], vector<16xf32>,
        tpu.vector_store_idx %arg10[%add3A_470, %add3A_405], %gather3A_491 : memref<32x128xf32, #tpu.memory_space<vmem>>[vector<16xi32>, vector<16xi32>], vector<16xf32>,
        tpu.vector_store_idx %arg10[%add3A_473, %add3A_405], %gather3A_493 : memref<32x128xf32, #tpu.memory_space<vmem>>[vector<16xi32>, vector<16xi32>], vector<16xf32>,
        tpu.vector_store_idx %arg10[%add3A_476, %add3A_405], %gather3A_495 : memref<32x128xf32, #tpu.memory_space<vmem>>[vector<16xi32>, vector<16xi32>], vector<16xf32>,
        tpu.vector_store_idx %arg10[%add3A_479, %add3A_405], %gather3A_497 : memref<32x128xf32, #tpu.memory_space<vmem>>[vector<16xi32>, vector<16xi32>], vector<16xf32>,
        tpu.vector_store_idx %arg10[%add3A_482, %add3A_405], %gather3A_499 : memref<32x128xf32, #tpu.memory_space<vmem>>[vector<16xi32>, vector<16xi32>], vector<16xf32>,
        tpu.vector_store_idx %arg10[%add3A_485, %add3A_405], %gather3A_501 : memref<32x128xf32, #tpu.memory_space<vmem>>[vector<16xi32>, vector<16xi32>], vector<16xf32>,
        %add3A_502 = arith.constant 16 : i32
        %add3A_503 = vector.broadcast %add3A_502 : i32 to vector<16xi32>
        %add3A_504 = arith.addi %rem3A_29, %add3A_503 : vector<16xi32>
        %add3A_505 = arith.constant 16 : i32
        %add3A_506 = vector.broadcast %add3A_505 : i32 to vector<16xi32>
        %add3A_507 = arith.addi %rem3A_35, %add3A_506 : vector<16xi32>
        %add3A_508 = arith.constant 16 : i32
        %add3A_509 = vector.broadcast %add3A_508 : i32 to vector<16xi32>
        %add3A_510 = arith.addi %rem3A_41, %add3A_509 : vector<16xi32>
        %add3A_511 = arith.constant 16 : i32
        %add3A_512 = vector.broadcast %add3A_511 : i32 to vector<16xi32>
        %add3A_513 = arith.addi %rem3A_47, %add3A_512 : vector<16xi32>
        %add3A_514 = arith.constant 16 : i32
        %add3A_515 = vector.broadcast %add3A_514 : i32 to vector<16xi32>
        %add3A_516 = arith.addi %rem3A_53, %add3A_515 : vector<16xi32>
        %add3A_517 = arith.constant 16 : i32
        %add3A_518 = vector.broadcast %add3A_517 : i32 to vector<16xi32>
        %add3A_519 = arith.addi %rem3A_59, %add3A_518 : vector<16xi32>
        %add3A_520 = arith.constant 16 : i32
        %add3A_521 = vector.broadcast %add3A_520 : i32 to vector<16xi32>
        %add3A_522 = arith.addi %rem3A_65, %add3A_521 : vector<16xi32>
        %add3A_523 = arith.constant 16 : i32
        %add3A_524 = vector.broadcast %add3A_523 : i32 to vector<16xi32>
        %add3A_525 = arith.addi %rem3A_71, %add3A_524 : vector<16xi32>
        %add3A_526 = arith.addi %mul3A_421, %add3A_504 : vector<16xi32>
        %gather3A_527 = tpu.vector_load_idx %arg8[%add3A_405, %add3A_526] : memref<128x128xf32, #tpu.memory_space<vmem>>[vector<16xi32>, vector<16xi32>], vector<16xf32>,
        %add3A_528 = arith.addi %mul3A_421, %add3A_507 : vector<16xi32>
        %gather3A_529 = tpu.vector_load_idx %arg8[%add3A_405, %add3A_528] : memref<128x128xf32, #tpu.memory_space<vmem>>[vector<16xi32>, vector<16xi32>], vector<16xf32>,
        %add3A_530 = arith.addi %mul3A_421, %add3A_510 : vector<16xi32>
        %gather3A_531 = tpu.vector_load_idx %arg8[%add3A_405, %add3A_530] : memref<128x128xf32, #tpu.memory_space<vmem>>[vector<16xi32>, vector<16xi32>], vector<16xf32>,
        %add3A_532 = arith.addi %mul3A_421, %add3A_513 : vector<16xi32>
        %gather3A_533 = tpu.vector_load_idx %arg8[%add3A_405, %add3A_532] : memref<128x128xf32, #tpu.memory_space<vmem>>[vector<16xi32>, vector<16xi32>], vector<16xf32>,
        %add3A_534 = arith.addi %mul3A_421, %add3A_516 : vector<16xi32>
        %gather3A_535 = tpu.vector_load_idx %arg8[%add3A_405, %add3A_534] : memref<128x128xf32, #tpu.memory_space<vmem>>[vector<16xi32>, vector<16xi32>], vector<16xf32>,
        %add3A_536 = arith.addi %mul3A_421, %add3A_519 : vector<16xi32>
        %gather3A_537 = tpu.vector_load_idx %arg8[%add3A_405, %add3A_536] : memref<128x128xf32, #tpu.memory_space<vmem>>[vector<16xi32>, vector<16xi32>], vector<16xf32>,
        %add3A_538 = arith.addi %mul3A_421, %add3A_522 : vector<16xi32>
        %gather3A_539 = tpu.vector_load_idx %arg8[%add3A_405, %add3A_538] : memref<128x128xf32, #tpu.memory_space<vmem>>[vector<16xi32>, vector<16xi32>], vector<16xf32>,
        %add3A_540 = arith.addi %mul3A_421, %add3A_525 : vector<16xi32>
        %gather3A_541 = tpu.vector_load_idx %arg8[%add3A_405, %add3A_540] : memref<128x128xf32, #tpu.memory_space<vmem>>[vector<16xi32>, vector<16xi32>], vector<16xf32>,
        tpu.vector_store_idx %arg10[%add3A_504, %add3A_405], %gather3A_527 : memref<32x128xf32, #tpu.memory_space<vmem>>[vector<16xi32>, vector<16xi32>], vector<16xf32>,
        tpu.vector_store_idx %arg10[%add3A_507, %add3A_405], %gather3A_529 : memref<32x128xf32, #tpu.memory_space<vmem>>[vector<16xi32>, vector<16xi32>], vector<16xf32>,
        tpu.vector_store_idx %arg10[%add3A_510, %add3A_405], %gather3A_531 : memref<32x128xf32, #tpu.memory_space<vmem>>[vector<16xi32>, vector<16xi32>], vector<16xf32>,
        tpu.vector_store_idx %arg10[%add3A_513, %add3A_405], %gather3A_533 : memref<32x128xf32, #tpu.memory_space<vmem>>[vector<16xi32>, vector<16xi32>], vector<16xf32>,
        tpu.vector_store_idx %arg10[%add3A_516, %add3A_405], %gather3A_535 : memref<32x128xf32, #tpu.memory_space<vmem>>[vector<16xi32>, vector<16xi32>], vector<16xf32>,
        tpu.vector_store_idx %arg10[%add3A_519, %add3A_405], %gather3A_537 : memref<32x128xf32, #tpu.memory_space<vmem>>[vector<16xi32>, vector<16xi32>], vector<16xf32>,
        tpu.vector_store_idx %arg10[%add3A_522, %add3A_405], %gather3A_539 : memref<32x128xf32, #tpu.memory_space<vmem>>[vector<16xi32>, vector<16xi32>], vector<16xf32>,
        tpu.vector_store_idx %arg10[%add3A_525, %add3A_405], %gather3A_541 : memref<32x128xf32, #tpu.memory_space<vmem>>[vector<16xi32>, vector<16xi32>], vector<16xf32>,
        %add3A_542 = arith.constant 16 : i32
        %add3A_543 = vector.broadcast %add3A_542 : i32 to vector<16xi32>
        %add3A_544 = arith.addi %rem3A_77, %add3A_543 : vector<16xi32>
        %add3A_545 = arith.constant 16 : i32
        %add3A_546 = vector.broadcast %add3A_545 : i32 to vector<16xi32>
        %add3A_547 = arith.addi %rem3A_83, %add3A_546 : vector<16xi32>
        %add3A_548 = arith.constant 16 : i32
        %add3A_549 = vector.broadcast %add3A_548 : i32 to vector<16xi32>
        %add3A_550 = arith.addi %rem3A_89, %add3A_549 : vector<16xi32>
        %add3A_551 = arith.constant 16 : i32
        %add3A_552 = vector.broadcast %add3A_551 : i32 to vector<16xi32>
        %add3A_553 = arith.addi %rem3A_95, %add3A_552 : vector<16xi32>
        %add3A_554 = arith.constant 16 : i32
        %add3A_555 = vector.broadcast %add3A_554 : i32 to vector<16xi32>
        %add3A_556 = arith.addi %rem3A_101, %add3A_555 : vector<16xi32>
        %add3A_557 = arith.constant 16 : i32
        %add3A_558 = vector.broadcast %add3A_557 : i32 to vector<16xi32>
        %add3A_559 = arith.addi %rem3A_107, %add3A_558 : vector<16xi32>
        %add3A_560 = arith.constant 16 : i32
        %add3A_561 = vector.broadcast %add3A_560 : i32 to vector<16xi32>
        %add3A_562 = arith.addi %rem3A_113, %add3A_561 : vector<16xi32>
        %add3A_563 = arith.constant 16 : i32
        %add3A_564 = vector.broadcast %add3A_563 : i32 to vector<16xi32>
        %add3A_565 = arith.addi %rem3A_119, %add3A_564 : vector<16xi32>
        %add3A_566 = arith.addi %mul3A_421, %add3A_544 : vector<16xi32>
        %gather3A_567 = tpu.vector_load_idx %arg8[%add3A_405, %add3A_566] : memref<128x128xf32, #tpu.memory_space<vmem>>[vector<16xi32>, vector<16xi32>], vector<16xf32>,
        %add3A_568 = arith.addi %mul3A_421, %add3A_547 : vector<16xi32>
        %gather3A_569 = tpu.vector_load_idx %arg8[%add3A_405, %add3A_568] : memref<128x128xf32, #tpu.memory_space<vmem>>[vector<16xi32>, vector<16xi32>], vector<16xf32>,
        %add3A_570 = arith.addi %mul3A_421, %add3A_550 : vector<16xi32>
        %gather3A_571 = tpu.vector_load_idx %arg8[%add3A_405, %add3A_570] : memref<128x128xf32, #tpu.memory_space<vmem>>[vector<16xi32>, vector<16xi32>], vector<16xf32>,
        %add3A_572 = arith.addi %mul3A_421, %add3A_553 : vector<16xi32>
        %gather3A_573 = tpu.vector_load_idx %arg8[%add3A_405, %add3A_572] : memref<128x128xf32, #tpu.memory_space<vmem>>[vector<16xi32>, vector<16xi32>], vector<16xf32>,
        %add3A_574 = arith.addi %mul3A_421, %add3A_556 : vector<16xi32>
        %gather3A_575 = tpu.vector_load_idx %arg8[%add3A_405, %add3A_574] : memref<128x128xf32, #tpu.memory_space<vmem>>[vector<16xi32>, vector<16xi32>], vector<16xf32>,
        %add3A_576 = arith.addi %mul3A_421, %add3A_559 : vector<16xi32>
        %gather3A_577 = tpu.vector_load_idx %arg8[%add3A_405, %add3A_576] : memref<128x128xf32, #tpu.memory_space<vmem>>[vector<16xi32>, vector<16xi32>], vector<16xf32>,
        %add3A_578 = arith.addi %mul3A_421, %add3A_562 : vector<16xi32>
        %gather3A_579 = tpu.vector_load_idx %arg8[%add3A_405, %add3A_578] : memref<128x128xf32, #tpu.memory_space<vmem>>[vector<16xi32>, vector<16xi32>], vector<16xf32>,
        %add3A_580 = arith.addi %mul3A_421, %add3A_565 : vector<16xi32>
        %gather3A_581 = tpu.vector_load_idx %arg8[%add3A_405, %add3A_580] : memref<128x128xf32, #tpu.memory_space<vmem>>[vector<16xi32>, vector<16xi32>], vector<16xf32>,
        tpu.vector_store_idx %arg10[%add3A_544, %add3A_405], %gather3A_567 : memref<32x128xf32, #tpu.memory_space<vmem>>[vector<16xi32>, vector<16xi32>], vector<16xf32>,
        tpu.vector_store_idx %arg10[%add3A_547, %add3A_405], %gather3A_569 : memref<32x128xf32, #tpu.memory_space<vmem>>[vector<16xi32>, vector<16xi32>], vector<16xf32>,
        tpu.vector_store_idx %arg10[%add3A_550, %add3A_405], %gather3A_571 : memref<32x128xf32, #tpu.memory_space<vmem>>[vector<16xi32>, vector<16xi32>], vector<16xf32>,
        tpu.vector_store_idx %arg10[%add3A_553, %add3A_405], %gather3A_573 : memref<32x128xf32, #tpu.memory_space<vmem>>[vector<16xi32>, vector<16xi32>], vector<16xf32>,
        tpu.vector_store_idx %arg10[%add3A_556, %add3A_405], %gather3A_575 : memref<32x128xf32, #tpu.memory_space<vmem>>[vector<16xi32>, vector<16xi32>], vector<16xf32>,
        tpu.vector_store_idx %arg10[%add3A_559, %add3A_405], %gather3A_577 : memref<32x128xf32, #tpu.memory_space<vmem>>[vector<16xi32>, vector<16xi32>], vector<16xf32>,
        tpu.vector_store_idx %arg10[%add3A_562, %add3A_405], %gather3A_579 : memref<32x128xf32, #tpu.memory_space<vmem>>[vector<16xi32>, vector<16xi32>], vector<16xf32>,
        tpu.vector_store_idx %arg10[%add3A_565, %add3A_405], %gather3A_581 : memref<32x128xf32, #tpu.memory_space<vmem>>[vector<16xi32>, vector<16xi32>], vector<16xf32>,
        %mul3A_582 = arith.constant 2 : i32
        %mul3A_583 = arith.muli %mul3A_582, %scan3A_397 : i32
        %add3A_584 = arith.constant 1 : i32
        %add3A_585 = arith.addi %mul3A_583, %add3A_584 : i32
        %mul3A_586 = arith.constant 16 : i32
        %mul3A_587 = arith.muli %mul3A_586, %add3A_585 : i32
        %add3A_588 = vector.broadcast %mul3A_587 : i32 to vector<16xi32>
        %add3A_589 = arith.addi %iota3A, %add3A_588 : vector<16xi32>
        %mul3A_590 = arith.constant 128 : i32
        %mul3A_591 = arith.muli %mul3A_590, %select_n3A_298 : i32
        %add3A_592 = vector.broadcast %mul3A_591 : i32 to vector<16xi32>
        %add3A_593 = arith.addi %add3A_589, %add3A_592 : vector<16xi32>
        %mul3A_594 = arith.constant 50 : i32
        %mul3A_595 = vector.broadcast %mul3A_594 : i32 to vector<16xi32>
        %mul3A_596 = arith.muli %add3A_593, %mul3A_595 : vector<16xi32>
        %add3A_597 = vector.broadcast %select_n3A : i32 to vector<16xi32>
        %add3A_598 = arith.addi %mul3A_596, %add3A_597 : vector<16xi32>
        %gather3A_599 = tpu.vector_load_idx %arg5[%add3A_598] : memref<25600xi32, #tpu.memory_space<vmem>>[vector<16xi32>], vector<16xi32>,
        %and3A_600 = arith.constant 3 : i32
        %and3A_601 = vector.broadcast %and3A_600 : i32 to vector<16xi32>
        %and3A_602 = arith.andi %gather3A_599, %and3A_601 : vector<16xi32>
        %mul3A_603 = arith.constant 32 : i32
        %mul3A_604 = vector.broadcast %mul3A_603 : i32 to vector<16xi32>
        %mul3A_605 = arith.muli %and3A_602, %mul3A_604 : vector<16xi32>
        %add3A_606 = arith.constant 0 : i32
        %add3A_607 = vector.broadcast %add3A_606 : i32 to vector<16xi32>
        %add3A_608 = arith.addi %rem3A_29, %add3A_607 : vector<16xi32>
        %add3A_609 = arith.constant 0 : i32
        %add3A_610 = vector.broadcast %add3A_609 : i32 to vector<16xi32>
        %add3A_611 = arith.addi %rem3A_35, %add3A_610 : vector<16xi32>
        %add3A_612 = arith.constant 0 : i32
        %add3A_613 = vector.broadcast %add3A_612 : i32 to vector<16xi32>
        %add3A_614 = arith.addi %rem3A_41, %add3A_613 : vector<16xi32>
        %add3A_615 = arith.constant 0 : i32
        %add3A_616 = vector.broadcast %add3A_615 : i32 to vector<16xi32>
        %add3A_617 = arith.addi %rem3A_47, %add3A_616 : vector<16xi32>
        %add3A_618 = arith.constant 0 : i32
        %add3A_619 = vector.broadcast %add3A_618 : i32 to vector<16xi32>
        %add3A_620 = arith.addi %rem3A_53, %add3A_619 : vector<16xi32>
        %add3A_621 = arith.constant 0 : i32
        %add3A_622 = vector.broadcast %add3A_621 : i32 to vector<16xi32>
        %add3A_623 = arith.addi %rem3A_59, %add3A_622 : vector<16xi32>
        %add3A_624 = arith.constant 0 : i32
        %add3A_625 = vector.broadcast %add3A_624 : i32 to vector<16xi32>
        %add3A_626 = arith.addi %rem3A_65, %add3A_625 : vector<16xi32>
        %add3A_627 = arith.constant 0 : i32
        %add3A_628 = vector.broadcast %add3A_627 : i32 to vector<16xi32>
        %add3A_629 = arith.addi %rem3A_71, %add3A_628 : vector<16xi32>
        %add3A_630 = arith.addi %mul3A_605, %add3A_608 : vector<16xi32>
        %gather3A_631 = tpu.vector_load_idx %arg8[%add3A_589, %add3A_630] : memref<128x128xf32, #tpu.memory_space<vmem>>[vector<16xi32>, vector<16xi32>], vector<16xf32>,
        %add3A_632 = arith.addi %mul3A_605, %add3A_611 : vector<16xi32>
        %gather3A_633 = tpu.vector_load_idx %arg8[%add3A_589, %add3A_632] : memref<128x128xf32, #tpu.memory_space<vmem>>[vector<16xi32>, vector<16xi32>], vector<16xf32>,
        %add3A_634 = arith.addi %mul3A_605, %add3A_614 : vector<16xi32>
        %gather3A_635 = tpu.vector_load_idx %arg8[%add3A_589, %add3A_634] : memref<128x128xf32, #tpu.memory_space<vmem>>[vector<16xi32>, vector<16xi32>], vector<16xf32>,
        %add3A_636 = arith.addi %mul3A_605, %add3A_617 : vector<16xi32>
        %gather3A_637 = tpu.vector_load_idx %arg8[%add3A_589, %add3A_636] : memref<128x128xf32, #tpu.memory_space<vmem>>[vector<16xi32>, vector<16xi32>], vector<16xf32>,
        %add3A_638 = arith.addi %mul3A_605, %add3A_620 : vector<16xi32>
        %gather3A_639 = tpu.vector_load_idx %arg8[%add3A_589, %add3A_638] : memref<128x128xf32, #tpu.memory_space<vmem>>[vector<16xi32>, vector<16xi32>], vector<16xf32>,
        %add3A_640 = arith.addi %mul3A_605, %add3A_623 : vector<16xi32>
        %gather3A_641 = tpu.vector_load_idx %arg8[%add3A_589, %add3A_640] : memref<128x128xf32, #tpu.memory_space<vmem>>[vector<16xi32>, vector<16xi32>], vector<16xf32>,
        %add3A_642 = arith.addi %mul3A_605, %add3A_626 : vector<16xi32>
        %gather3A_643 = tpu.vector_load_idx %arg8[%add3A_589, %add3A_642] : memref<128x128xf32, #tpu.memory_space<vmem>>[vector<16xi32>, vector<16xi32>], vector<16xf32>,
        %add3A_644 = arith.addi %mul3A_605, %add3A_629 : vector<16xi32>
        %gather3A_645 = tpu.vector_load_idx %arg8[%add3A_589, %add3A_644] : memref<128x128xf32, #tpu.memory_space<vmem>>[vector<16xi32>, vector<16xi32>], vector<16xf32>,
        tpu.vector_store_idx %arg10[%add3A_608, %add3A_589], %gather3A_631 : memref<32x128xf32, #tpu.memory_space<vmem>>[vector<16xi32>, vector<16xi32>], vector<16xf32>,
        tpu.vector_store_idx %arg10[%add3A_611, %add3A_589], %gather3A_633 : memref<32x128xf32, #tpu.memory_space<vmem>>[vector<16xi32>, vector<16xi32>], vector<16xf32>,
        tpu.vector_store_idx %arg10[%add3A_614, %add3A_589], %gather3A_635 : memref<32x128xf32, #tpu.memory_space<vmem>>[vector<16xi32>, vector<16xi32>], vector<16xf32>,
        tpu.vector_store_idx %arg10[%add3A_617, %add3A_589], %gather3A_637 : memref<32x128xf32, #tpu.memory_space<vmem>>[vector<16xi32>, vector<16xi32>], vector<16xf32>,
        tpu.vector_store_idx %arg10[%add3A_620, %add3A_589], %gather3A_639 : memref<32x128xf32, #tpu.memory_space<vmem>>[vector<16xi32>, vector<16xi32>], vector<16xf32>,
        tpu.vector_store_idx %arg10[%add3A_623, %add3A_589], %gather3A_641 : memref<32x128xf32, #tpu.memory_space<vmem>>[vector<16xi32>, vector<16xi32>], vector<16xf32>,
        tpu.vector_store_idx %arg10[%add3A_626, %add3A_589], %gather3A_643 : memref<32x128xf32, #tpu.memory_space<vmem>>[vector<16xi32>, vector<16xi32>], vector<16xf32>,
        tpu.vector_store_idx %arg10[%add3A_629, %add3A_589], %gather3A_645 : memref<32x128xf32, #tpu.memory_space<vmem>>[vector<16xi32>, vector<16xi32>], vector<16xf32>,
        %add3A_646 = arith.constant 0 : i32
        %add3A_647 = vector.broadcast %add3A_646 : i32 to vector<16xi32>
        %add3A_648 = arith.addi %rem3A_77, %add3A_647 : vector<16xi32>
        %add3A_649 = arith.constant 0 : i32
        %add3A_650 = vector.broadcast %add3A_649 : i32 to vector<16xi32>
        %add3A_651 = arith.addi %rem3A_83, %add3A_650 : vector<16xi32>
        %add3A_652 = arith.constant 0 : i32
        %add3A_653 = vector.broadcast %add3A_652 : i32 to vector<16xi32>
        %add3A_654 = arith.addi %rem3A_89, %add3A_653 : vector<16xi32>
        %add3A_655 = arith.constant 0 : i32
        %add3A_656 = vector.broadcast %add3A_655 : i32 to vector<16xi32>
        %add3A_657 = arith.addi %rem3A_95, %add3A_656 : vector<16xi32>
        %add3A_658 = arith.constant 0 : i32
        %add3A_659 = vector.broadcast %add3A_658 : i32 to vector<16xi32>
        %add3A_660 = arith.addi %rem3A_101, %add3A_659 : vector<16xi32>
        %add3A_661 = arith.constant 0 : i32
        %add3A_662 = vector.broadcast %add3A_661 : i32 to vector<16xi32>
        %add3A_663 = arith.addi %rem3A_107, %add3A_662 : vector<16xi32>
        %add3A_664 = arith.constant 0 : i32
        %add3A_665 = vector.broadcast %add3A_664 : i32 to vector<16xi32>
        %add3A_666 = arith.addi %rem3A_113, %add3A_665 : vector<16xi32>
        %add3A_667 = arith.constant 0 : i32
        %add3A_668 = vector.broadcast %add3A_667 : i32 to vector<16xi32>
        %add3A_669 = arith.addi %rem3A_119, %add3A_668 : vector<16xi32>
        %add3A_670 = arith.addi %mul3A_605, %add3A_648 : vector<16xi32>
        %gather3A_671 = tpu.vector_load_idx %arg8[%add3A_589, %add3A_670] : memref<128x128xf32, #tpu.memory_space<vmem>>[vector<16xi32>, vector<16xi32>], vector<16xf32>,
        %add3A_672 = arith.addi %mul3A_605, %add3A_651 : vector<16xi32>
        %gather3A_673 = tpu.vector_load_idx %arg8[%add3A_589, %add3A_672] : memref<128x128xf32, #tpu.memory_space<vmem>>[vector<16xi32>, vector<16xi32>], vector<16xf32>,
        %add3A_674 = arith.addi %mul3A_605, %add3A_654 : vector<16xi32>
        %gather3A_675 = tpu.vector_load_idx %arg8[%add3A_589, %add3A_674] : memref<128x128xf32, #tpu.memory_space<vmem>>[vector<16xi32>, vector<16xi32>], vector<16xf32>,
        %add3A_676 = arith.addi %mul3A_605, %add3A_657 : vector<16xi32>
        %gather3A_677 = tpu.vector_load_idx %arg8[%add3A_589, %add3A_676] : memref<128x128xf32, #tpu.memory_space<vmem>>[vector<16xi32>, vector<16xi32>], vector<16xf32>,
        %add3A_678 = arith.addi %mul3A_605, %add3A_660 : vector<16xi32>
        %gather3A_679 = tpu.vector_load_idx %arg8[%add3A_589, %add3A_678] : memref<128x128xf32, #tpu.memory_space<vmem>>[vector<16xi32>, vector<16xi32>], vector<16xf32>,
        %add3A_680 = arith.addi %mul3A_605, %add3A_663 : vector<16xi32>
        %gather3A_681 = tpu.vector_load_idx %arg8[%add3A_589, %add3A_680] : memref<128x128xf32, #tpu.memory_space<vmem>>[vector<16xi32>, vector<16xi32>], vector<16xf32>,
        %add3A_682 = arith.addi %mul3A_605, %add3A_666 : vector<16xi32>
        %gather3A_683 = tpu.vector_load_idx %arg8[%add3A_589, %add3A_682] : memref<128x128xf32, #tpu.memory_space<vmem>>[vector<16xi32>, vector<16xi32>], vector<16xf32>,
        %add3A_684 = arith.addi %mul3A_605, %add3A_669 : vector<16xi32>
        %gather3A_685 = tpu.vector_load_idx %arg8[%add3A_589, %add3A_684] : memref<128x128xf32, #tpu.memory_space<vmem>>[vector<16xi32>, vector<16xi32>], vector<16xf32>,
        tpu.vector_store_idx %arg10[%add3A_648, %add3A_589], %gather3A_671 : memref<32x128xf32, #tpu.memory_space<vmem>>[vector<16xi32>, vector<16xi32>], vector<16xf32>,
        tpu.vector_store_idx %arg10[%add3A_651, %add3A_589], %gather3A_673 : memref<32x128xf32, #tpu.memory_space<vmem>>[vector<16xi32>, vector<16xi32>], vector<16xf32>,
        tpu.vector_store_idx %arg10[%add3A_654, %add3A_589], %gather3A_675 : memref<32x128xf32, #tpu.memory_space<vmem>>[vector<16xi32>, vector<16xi32>], vector<16xf32>,
        tpu.vector_store_idx %arg10[%add3A_657, %add3A_589], %gather3A_677 : memref<32x128xf32, #tpu.memory_space<vmem>>[vector<16xi32>, vector<16xi32>], vector<16xf32>,
        tpu.vector_store_idx %arg10[%add3A_660, %add3A_589], %gather3A_679 : memref<32x128xf32, #tpu.memory_space<vmem>>[vector<16xi32>, vector<16xi32>], vector<16xf32>,
        tpu.vector_store_idx %arg10[%add3A_663, %add3A_589], %gather3A_681 : memref<32x128xf32, #tpu.memory_space<vmem>>[vector<16xi32>, vector<16xi32>], vector<16xf32>,
        tpu.vector_store_idx %arg10[%add3A_666, %add3A_589], %gather3A_683 : memref<32x128xf32, #tpu.memory_space<vmem>>[vector<16xi32>, vector<16xi32>], vector<16xf32>,
        tpu.vector_store_idx %arg10[%add3A_669, %add3A_589], %gather3A_685 : memref<32x128xf32, #tpu.memory_space<vmem>>[vector<16xi32>, vector<16xi32>], vector<16xf32>,
        %add3A_686 = arith.constant 16 : i32
        %add3A_687 = vector.broadcast %add3A_686 : i32 to vector<16xi32>
        %add3A_688 = arith.addi %rem3A_29, %add3A_687 : vector<16xi32>
        %add3A_689 = arith.constant 16 : i32
        %add3A_690 = vector.broadcast %add3A_689 : i32 to vector<16xi32>
        %add3A_691 = arith.addi %rem3A_35, %add3A_690 : vector<16xi32>
        %add3A_692 = arith.constant 16 : i32
        %add3A_693 = vector.broadcast %add3A_692 : i32 to vector<16xi32>
        %add3A_694 = arith.addi %rem3A_41, %add3A_693 : vector<16xi32>
        %add3A_695 = arith.constant 16 : i32
        %add3A_696 = vector.broadcast %add3A_695 : i32 to vector<16xi32>
        %add3A_697 = arith.addi %rem3A_47, %add3A_696 : vector<16xi32>
        %add3A_698 = arith.constant 16 : i32
        %add3A_699 = vector.broadcast %add3A_698 : i32 to vector<16xi32>
        %add3A_700 = arith.addi %rem3A_53, %add3A_699 : vector<16xi32>
        %add3A_701 = arith.constant 16 : i32
        %add3A_702 = vector.broadcast %add3A_701 : i32 to vector<16xi32>
        %add3A_703 = arith.addi %rem3A_59, %add3A_702 : vector<16xi32>
        %add3A_704 = arith.constant 16 : i32
        %add3A_705 = vector.broadcast %add3A_704 : i32 to vector<16xi32>
        %add3A_706 = arith.addi %rem3A_65, %add3A_705 : vector<16xi32>
        %add3A_707 = arith.constant 16 : i32
        %add3A_708 = vector.broadcast %add3A_707 : i32 to vector<16xi32>
        %add3A_709 = arith.addi %rem3A_71, %add3A_708 : vector<16xi32>
        %add3A_710 = arith.addi %mul3A_605, %add3A_688 : vector<16xi32>
        %gather3A_711 = tpu.vector_load_idx %arg8[%add3A_589, %add3A_710] : memref<128x128xf32, #tpu.memory_space<vmem>>[vector<16xi32>, vector<16xi32>], vector<16xf32>,
        %add3A_712 = arith.addi %mul3A_605, %add3A_691 : vector<16xi32>
        %gather3A_713 = tpu.vector_load_idx %arg8[%add3A_589, %add3A_712] : memref<128x128xf32, #tpu.memory_space<vmem>>[vector<16xi32>, vector<16xi32>], vector<16xf32>,
        %add3A_714 = arith.addi %mul3A_605, %add3A_694 : vector<16xi32>
        %gather3A_715 = tpu.vector_load_idx %arg8[%add3A_589, %add3A_714] : memref<128x128xf32, #tpu.memory_space<vmem>>[vector<16xi32>, vector<16xi32>], vector<16xf32>,
        %add3A_716 = arith.addi %mul3A_605, %add3A_697 : vector<16xi32>
        %gather3A_717 = tpu.vector_load_idx %arg8[%add3A_589, %add3A_716] : memref<128x128xf32, #tpu.memory_space<vmem>>[vector<16xi32>, vector<16xi32>], vector<16xf32>,
        %add3A_718 = arith.addi %mul3A_605, %add3A_700 : vector<16xi32>
        %gather3A_719 = tpu.vector_load_idx %arg8[%add3A_589, %add3A_718] : memref<128x128xf32, #tpu.memory_space<vmem>>[vector<16xi32>, vector<16xi32>], vector<16xf32>,
        %add3A_720 = arith.addi %mul3A_605, %add3A_703 : vector<16xi32>
        %gather3A_721 = tpu.vector_load_idx %arg8[%add3A_589, %add3A_720] : memref<128x128xf32, #tpu.memory_space<vmem>>[vector<16xi32>, vector<16xi32>], vector<16xf32>,
        %add3A_722 = arith.addi %mul3A_605, %add3A_706 : vector<16xi32>
        %gather3A_723 = tpu.vector_load_idx %arg8[%add3A_589, %add3A_722] : memref<128x128xf32, #tpu.memory_space<vmem>>[vector<16xi32>, vector<16xi32>], vector<16xf32>,
        %add3A_724 = arith.addi %mul3A_605, %add3A_709 : vector<16xi32>
        %gather3A_725 = tpu.vector_load_idx %arg8[%add3A_589, %add3A_724] : memref<128x128xf32, #tpu.memory_space<vmem>>[vector<16xi32>, vector<16xi32>], vector<16xf32>,
        tpu.vector_store_idx %arg10[%add3A_688, %add3A_589], %gather3A_711 : memref<32x128xf32, #tpu.memory_space<vmem>>[vector<16xi32>, vector<16xi32>], vector<16xf32>,
        tpu.vector_store_idx %arg10[%add3A_691, %add3A_589], %gather3A_713 : memref<32x128xf32, #tpu.memory_space<vmem>>[vector<16xi32>, vector<16xi32>], vector<16xf32>,
        tpu.vector_store_idx %arg10[%add3A_694, %add3A_589], %gather3A_715 : memref<32x128xf32, #tpu.memory_space<vmem>>[vector<16xi32>, vector<16xi32>], vector<16xf32>,
        tpu.vector_store_idx %arg10[%add3A_697, %add3A_589], %gather3A_717 : memref<32x128xf32, #tpu.memory_space<vmem>>[vector<16xi32>, vector<16xi32>], vector<16xf32>,
        tpu.vector_store_idx %arg10[%add3A_700, %add3A_589], %gather3A_719 : memref<32x128xf32, #tpu.memory_space<vmem>>[vector<16xi32>, vector<16xi32>], vector<16xf32>,
        tpu.vector_store_idx %arg10[%add3A_703, %add3A_589], %gather3A_721 : memref<32x128xf32, #tpu.memory_space<vmem>>[vector<16xi32>, vector<16xi32>], vector<16xf32>,
        tpu.vector_store_idx %arg10[%add3A_706, %add3A_589], %gather3A_723 : memref<32x128xf32, #tpu.memory_space<vmem>>[vector<16xi32>, vector<16xi32>], vector<16xf32>,
        tpu.vector_store_idx %arg10[%add3A_709, %add3A_589], %gather3A_725 : memref<32x128xf32, #tpu.memory_space<vmem>>[vector<16xi32>, vector<16xi32>], vector<16xf32>,
        %add3A_726 = arith.constant 16 : i32
        %add3A_727 = vector.broadcast %add3A_726 : i32 to vector<16xi32>
        %add3A_728 = arith.addi %rem3A_77, %add3A_727 : vector<16xi32>
        %add3A_729 = arith.constant 16 : i32
        %add3A_730 = vector.broadcast %add3A_729 : i32 to vector<16xi32>
        %add3A_731 = arith.addi %rem3A_83, %add3A_730 : vector<16xi32>
        %add3A_732 = arith.constant 16 : i32
        %add3A_733 = vector.broadcast %add3A_732 : i32 to vector<16xi32>
        %add3A_734 = arith.addi %rem3A_89, %add3A_733 : vector<16xi32>
        %add3A_735 = arith.constant 16 : i32
        %add3A_736 = vector.broadcast %add3A_735 : i32 to vector<16xi32>
        %add3A_737 = arith.addi %rem3A_95, %add3A_736 : vector<16xi32>
        %add3A_738 = arith.constant 16 : i32
        %add3A_739 = vector.broadcast %add3A_738 : i32 to vector<16xi32>
        %add3A_740 = arith.addi %rem3A_101, %add3A_739 : vector<16xi32>
        %add3A_741 = arith.constant 16 : i32
        %add3A_742 = vector.broadcast %add3A_741 : i32 to vector<16xi32>
        %add3A_743 = arith.addi %rem3A_107, %add3A_742 : vector<16xi32>
        %add3A_744 = arith.constant 16 : i32
        %add3A_745 = vector.broadcast %add3A_744 : i32 to vector<16xi32>
        %add3A_746 = arith.addi %rem3A_113, %add3A_745 : vector<16xi32>
        %add3A_747 = arith.constant 16 : i32
        %add3A_748 = vector.broadcast %add3A_747 : i32 to vector<16xi32>
        %add3A_749 = arith.addi %rem3A_119, %add3A_748 : vector<16xi32>
        %add3A_750 = arith.addi %mul3A_605, %add3A_728 : vector<16xi32>
        %gather3A_751 = tpu.vector_load_idx %arg8[%add3A_589, %add3A_750] : memref<128x128xf32, #tpu.memory_space<vmem>>[vector<16xi32>, vector<16xi32>], vector<16xf32>,
        %add3A_752 = arith.addi %mul3A_605, %add3A_731 : vector<16xi32>
        %gather3A_753 = tpu.vector_load_idx %arg8[%add3A_589, %add3A_752] : memref<128x128xf32, #tpu.memory_space<vmem>>[vector<16xi32>, vector<16xi32>], vector<16xf32>,
        %add3A_754 = arith.addi %mul3A_605, %add3A_734 : vector<16xi32>
        %gather3A_755 = tpu.vector_load_idx %arg8[%add3A_589, %add3A_754] : memref<128x128xf32, #tpu.memory_space<vmem>>[vector<16xi32>, vector<16xi32>], vector<16xf32>,
        %add3A_756 = arith.addi %mul3A_605, %add3A_737 : vector<16xi32>
        %gather3A_757 = tpu.vector_load_idx %arg8[%add3A_589, %add3A_756] : memref<128x128xf32, #tpu.memory_space<vmem>>[vector<16xi32>, vector<16xi32>], vector<16xf32>,
        %add3A_758 = arith.addi %mul3A_605, %add3A_740 : vector<16xi32>
        %gather3A_759 = tpu.vector_load_idx %arg8[%add3A_589, %add3A_758] : memref<128x128xf32, #tpu.memory_space<vmem>>[vector<16xi32>, vector<16xi32>], vector<16xf32>,
        %add3A_760 = arith.addi %mul3A_605, %add3A_743 : vector<16xi32>
        %gather3A_761 = tpu.vector_load_idx %arg8[%add3A_589, %add3A_760] : memref<128x128xf32, #tpu.memory_space<vmem>>[vector<16xi32>, vector<16xi32>], vector<16xf32>,
        %add3A_762 = arith.addi %mul3A_605, %add3A_746 : vector<16xi32>
        %gather3A_763 = tpu.vector_load_idx %arg8[%add3A_589, %add3A_762] : memref<128x128xf32, #tpu.memory_space<vmem>>[vector<16xi32>, vector<16xi32>], vector<16xf32>,
        %add3A_764 = arith.addi %mul3A_605, %add3A_749 : vector<16xi32>
        %gather3A_765 = tpu.vector_load_idx %arg8[%add3A_589, %add3A_764] : memref<128x128xf32, #tpu.memory_space<vmem>>[vector<16xi32>, vector<16xi32>], vector<16xf32>,
        tpu.vector_store_idx %arg10[%add3A_728, %add3A_589], %gather3A_751 : memref<32x128xf32, #tpu.memory_space<vmem>>[vector<16xi32>, vector<16xi32>], vector<16xf32>,
        tpu.vector_store_idx %arg10[%add3A_731, %add3A_589], %gather3A_753 : memref<32x128xf32, #tpu.memory_space<vmem>>[vector<16xi32>, vector<16xi32>], vector<16xf32>,
        tpu.vector_store_idx %arg10[%add3A_734, %add3A_589], %gather3A_755 : memref<32x128xf32, #tpu.memory_space<vmem>>[vector<16xi32>, vector<16xi32>], vector<16xf32>,
        tpu.vector_store_idx %arg10[%add3A_737, %add3A_589], %gather3A_757 : memref<32x128xf32, #tpu.memory_space<vmem>>[vector<16xi32>, vector<16xi32>], vector<16xf32>,
        tpu.vector_store_idx %arg10[%add3A_740, %add3A_589], %gather3A_759 : memref<32x128xf32, #tpu.memory_space<vmem>>[vector<16xi32>, vector<16xi32>], vector<16xf32>,
        tpu.vector_store_idx %arg10[%add3A_743, %add3A_589], %gather3A_761 : memref<32x128xf32, #tpu.memory_space<vmem>>[vector<16xi32>, vector<16xi32>], vector<16xf32>,
        tpu.vector_store_idx %arg10[%add3A_746, %add3A_589], %gather3A_763 : memref<32x128xf32, #tpu.memory_space<vmem>>[vector<16xi32>, vector<16xi32>], vector<16xf32>,
        tpu.vector_store_idx %arg10[%add3A_749, %add3A_589], %gather3A_765 : memref<32x128xf32, #tpu.memory_space<vmem>>[vector<16xi32>, vector<16xi32>], vector<16xf32>,
      }
      %scan3A_304 = arith.constant 4 : i32
      %mul3A_305 = arith.constant 512 : i32
      %mul3A_306 = arith.muli %add3A, %mul3A_305 : i32
      %mul3A_307 = arith.constant 128 : i32
      %mul3A_308 = arith.muli %select_n3A_298, %mul3A_307 : i32
      %add3A_309 = arith.addi %mul3A_306, %mul3A_308 : i32
      %multiple_of3A_310 = tpu.assume_multiple %add3A_309, 128 : i32
      %dma_start3A_311 = arith.constant 0 : i32
      %dma_start3A_312 = tpu.memref_slice %arg4[%select_n3A, %dma_start3A_311, %multiple_of3A_310] : memref<50x32x16384xf32, #tpu.memory_space<hbm>> -> memref<1x32x128xf32, #tpu.memory_space<hbm>>
      %dma_start3A_313 = tpu.memref_squeeze %dma_start3A_312 : memref<1x32x128xf32, #tpu.memory_space<hbm>> -> memref<32x128xf32, #tpu.memory_space<hbm>>
      %dma_start3A_314 = arith.constant 0 : i32
      %dma_start3A_315 = tpu.memref_slice %arg4[%select_n3A, %dma_start3A_314, %multiple_of3A_310] : memref<50x32x16384xf32, #tpu.memory_space<hbm>> -> memref<1x32x128xf32, #tpu.memory_space<hbm>>
      %dma_start3A_316 = tpu.memref_squeeze %dma_start3A_315 : memref<1x32x128xf32, #tpu.memory_space<hbm>> -> memref<32x128xf32, #tpu.memory_space<hbm>>
      tpu.enqueue_dma source(%arg10 : memref<32x128xf32, #tpu.memory_space<vmem>>) target(%dma_start3A_316 : memref<32x128xf32, #tpu.memory_space<hbm>>) target_semaphore(%arg14 : memref<!tpu.dma_semaphore, #tpu.memory_space<semaphore_mem>>)
      %mul3A_317 = arith.constant 2 : i32
      %mul3A_318 = arith.muli %mul3A_317, %scan3A_248 : i32
      %add3A_319 = arith.constant 1 : i32
      %add3A_320 = arith.addi %mul3A_318, %add3A_319 : i32
      %add3A_321 = arith.constant 1 : i32
      %add3A_322 = arith.addi %add3A_320, %add3A_321 : i32
      %lt3A_323 = arith.constant 200 : i32
      %lt3A_324 = arith.cmpi slt, %add3A_322, %lt3A_323 : i32
      %convert_element_type3A_325 = arith.extui %lt3A_324 : i1 to i32
      %cond3A_326 = arith.constant 0 : i32
      %cond3A_327 = arith.cmpi ne, %convert_element_type3A_325, %cond3A_326 : i32
      scf.if %cond3A_327 {
        %add3A_397 = arith.constant 1 : i32
        %add3A_398 = arith.addi %add3A_320, %add3A_397 : i32
        %jit3A_399 = arith.constant 4 : i32
        %div3A_400 = arith.divsi %add3A_398, %jit3A_399 : i32
        %sign3A_401 = arith.constant 0 : i32
        %sign3A_402 = arith.cmpi sgt, %add3A_398, %sign3A_401 : i32
        %sign3A_403 = arith.extui %sign3A_402 : i1 to i32
        %sign3A_404 = arith.constant 0 : i32
        %sign3A_405 = arith.cmpi slt, %add3A_398, %sign3A_404 : i32
        %sign3A_406 = arith.extui %sign3A_405 : i1 to i32
        %sign3A_407 = arith.subi %sign3A_403, %sign3A_406 : i32
        %sign3A_408 = arith.constant 0 : i32
        %sign3A_409 = arith.cmpi sgt, %jit3A_399, %sign3A_408 : i32
        %sign3A_410 = arith.extui %sign3A_409 : i1 to i32
        %sign3A_411 = arith.constant 0 : i32
        %sign3A_412 = arith.cmpi slt, %jit3A_399, %sign3A_411 : i32
        %sign3A_413 = arith.extui %sign3A_412 : i1 to i32
        %sign3A_414 = arith.subi %sign3A_410, %sign3A_413 : i32
        %ne3A_415 = arith.cmpi ne, %sign3A_407, %sign3A_414 : i32
        %rem3A_416 = arith.remsi %add3A_398, %jit3A_399 : i32
        %ne3A_417 = arith.constant 0 : i32
        %ne3A_418 = arith.cmpi ne, %rem3A_416, %ne3A_417 : i32
        %and3A_419 = arith.andi %ne3A_415, %ne3A_418 : i1
        %sub3A_420 = arith.constant 1 : i32
        %sub3A_421 = arith.subi %div3A_400, %sub3A_420 : i32
        %select_n3A_422 = arith.select %and3A_419, %sub3A_421, %div3A_400 : i32
        %jit3A_423 = arith.constant 4 : i32
        %eq3A_424 = arith.constant 0 : i32
        %eq3A_425 = arith.cmpi eq, %jit3A_423, %eq3A_424 : i32
        %jit3A_426 = arith.constant 1 : i32
        %select_n3A_427 = arith.select %eq3A_425, %jit3A_426, %jit3A_423 : i32
        %rem3A_428 = arith.remsi %add3A_398, %select_n3A_427 : i32
        %ne3A_429 = arith.constant 0 : i32
        %ne3A_430 = arith.cmpi ne, %rem3A_428, %ne3A_429 : i32
        %lt3A_431 = arith.constant 0 : i32
        %lt3A_432 = arith.cmpi slt, %rem3A_428, %lt3A_431 : i32
        %lt3A_433 = arith.constant 0 : i32
        %lt3A_434 = arith.cmpi slt, %select_n3A_427, %lt3A_433 : i32
        %ne3A_435 = arith.xori %lt3A_432, %lt3A_434 : i1
        %and3A_436 = arith.andi %ne3A_435, %ne3A_430 : i1
        %add3A_437 = arith.addi %rem3A_428, %select_n3A_427 : i32
        %select_n3A_438 = arith.select %and3A_436, %add3A_437, %rem3A_428 : i32
        %mul3A_439 = arith.constant 128 : i32
        %mul3A_440 = arith.muli %mul3A_439, %select_n3A_438 : i32
        %add3A_441 = vector.broadcast %mul3A_440 : i32 to vector<16xi32>
        %add3A_442 = arith.addi %add3A_3, %add3A_441 : vector<16xi32>
        %mul3A_443 = arith.constant 50 : i32
        %mul3A_444 = vector.broadcast %mul3A_443 : i32 to vector<16xi32>
        %mul3A_445 = arith.muli %add3A_442, %mul3A_444 : vector<16xi32>
        %add3A_446 = vector.broadcast %select_n3A_422 : i32 to vector<16xi32>
        %add3A_447 = arith.addi %mul3A_445, %add3A_446 : vector<16xi32>
        %gather3A_448 = tpu.vector_load_idx %arg5[%add3A_447] : memref<25600xi32, #tpu.memory_space<vmem>>[vector<16xi32>], vector<16xi32>,
        %shift_right_logical3A_449 = arith.constant 2 : i32
        %shift_right_logical3A_450 = vector.broadcast %shift_right_logical3A_449 : i32 to vector<16xi32>
        %shift_right_logical3A_451 = arith.shrui %gather3A_448, %shift_right_logical3A_450 : vector<16xi32>
        tpu.vector_store_idx %arg6[%add3A_3], %shift_right_logical3A_451 : memref<128xi32, #tpu.memory_space<vmem>>[vector<16xi32>], vector<16xi32>,
        %mul3A_452 = arith.constant 128 : i32
        %mul3A_453 = arith.muli %mul3A_452, %select_n3A_438 : i32
        %add3A_454 = vector.broadcast %mul3A_453 : i32 to vector<16xi32>
        %add3A_455 = arith.addi %add3A_6, %add3A_454 : vector<16xi32>
        %mul3A_456 = arith.constant 50 : i32
        %mul3A_457 = vector.broadcast %mul3A_456 : i32 to vector<16xi32>
        %mul3A_458 = arith.muli %add3A_455, %mul3A_457 : vector<16xi32>
        %add3A_459 = vector.broadcast %select_n3A_422 : i32 to vector<16xi32>
        %add3A_460 = arith.addi %mul3A_458, %add3A_459 : vector<16xi32>
        %gather3A_461 = tpu.vector_load_idx %arg5[%add3A_460] : memref<25600xi32, #tpu.memory_space<vmem>>[vector<16xi32>], vector<16xi32>,
        %shift_right_logical3A_462 = arith.constant 2 : i32
        %shift_right_logical3A_463 = vector.broadcast %shift_right_logical3A_462 : i32 to vector<16xi32>
        %shift_right_logical3A_464 = arith.shrui %gather3A_461, %shift_right_logical3A_463 : vector<16xi32>
        tpu.vector_store_idx %arg6[%add3A_6], %shift_right_logical3A_464 : memref<128xi32, #tpu.memory_space<vmem>>[vector<16xi32>], vector<16xi32>,
        %mul3A_465 = arith.constant 128 : i32
        %mul3A_466 = arith.muli %mul3A_465, %select_n3A_438 : i32
        %add3A_467 = vector.broadcast %mul3A_466 : i32 to vector<16xi32>
        %add3A_468 = arith.addi %add3A_9, %add3A_467 : vector<16xi32>
        %mul3A_469 = arith.constant 50 : i32
        %mul3A_470 = vector.broadcast %mul3A_469 : i32 to vector<16xi32>
        %mul3A_471 = arith.muli %add3A_468, %mul3A_470 : vector<16xi32>
        %add3A_472 = vector.broadcast %select_n3A_422 : i32 to vector<16xi32>
        %add3A_473 = arith.addi %mul3A_471, %add3A_472 : vector<16xi32>
        %gather3A_474 = tpu.vector_load_idx %arg5[%add3A_473] : memref<25600xi32, #tpu.memory_space<vmem>>[vector<16xi32>], vector<16xi32>,
        %shift_right_logical3A_475 = arith.constant 2 : i32
        %shift_right_logical3A_476 = vector.broadcast %shift_right_logical3A_475 : i32 to vector<16xi32>
        %shift_right_logical3A_477 = arith.shrui %gather3A_474, %shift_right_logical3A_476 : vector<16xi32>
        tpu.vector_store_idx %arg6[%add3A_9], %shift_right_logical3A_477 : memref<128xi32, #tpu.memory_space<vmem>>[vector<16xi32>], vector<16xi32>,
        %mul3A_478 = arith.constant 128 : i32
        %mul3A_479 = arith.muli %mul3A_478, %select_n3A_438 : i32
        %add3A_480 = vector.broadcast %mul3A_479 : i32 to vector<16xi32>
        %add3A_481 = arith.addi %add3A_12, %add3A_480 : vector<16xi32>
        %mul3A_482 = arith.constant 50 : i32
        %mul3A_483 = vector.broadcast %mul3A_482 : i32 to vector<16xi32>
        %mul3A_484 = arith.muli %add3A_481, %mul3A_483 : vector<16xi32>
        %add3A_485 = vector.broadcast %select_n3A_422 : i32 to vector<16xi32>
        %add3A_486 = arith.addi %mul3A_484, %add3A_485 : vector<16xi32>
        %gather3A_487 = tpu.vector_load_idx %arg5[%add3A_486] : memref<25600xi32, #tpu.memory_space<vmem>>[vector<16xi32>], vector<16xi32>,
        %shift_right_logical3A_488 = arith.constant 2 : i32
        %shift_right_logical3A_489 = vector.broadcast %shift_right_logical3A_488 : i32 to vector<16xi32>
        %shift_right_logical3A_490 = arith.shrui %gather3A_487, %shift_right_logical3A_489 : vector<16xi32>
        tpu.vector_store_idx %arg6[%add3A_12], %shift_right_logical3A_490 : memref<128xi32, #tpu.memory_space<vmem>>[vector<16xi32>], vector<16xi32>,
        %mul3A_491 = arith.constant 128 : i32
        %mul3A_492 = arith.muli %mul3A_491, %select_n3A_438 : i32
        %add3A_493 = vector.broadcast %mul3A_492 : i32 to vector<16xi32>
        %add3A_494 = arith.addi %add3A_15, %add3A_493 : vector<16xi32>
        %mul3A_495 = arith.constant 50 : i32
        %mul3A_496 = vector.broadcast %mul3A_495 : i32 to vector<16xi32>
        %mul3A_497 = arith.muli %add3A_494, %mul3A_496 : vector<16xi32>
        %add3A_498 = vector.broadcast %select_n3A_422 : i32 to vector<16xi32>
        %add3A_499 = arith.addi %mul3A_497, %add3A_498 : vector<16xi32>
        %gather3A_500 = tpu.vector_load_idx %arg5[%add3A_499] : memref<25600xi32, #tpu.memory_space<vmem>>[vector<16xi32>], vector<16xi32>,
        %shift_right_logical3A_501 = arith.constant 2 : i32
        %shift_right_logical3A_502 = vector.broadcast %shift_right_logical3A_501 : i32 to vector<16xi32>
        %shift_right_logical3A_503 = arith.shrui %gather3A_500, %shift_right_logical3A_502 : vector<16xi32>
        tpu.vector_store_idx %arg6[%add3A_15], %shift_right_logical3A_503 : memref<128xi32, #tpu.memory_space<vmem>>[vector<16xi32>], vector<16xi32>,
        %mul3A_504 = arith.constant 128 : i32
        %mul3A_505 = arith.muli %mul3A_504, %select_n3A_438 : i32
        %add3A_506 = vector.broadcast %mul3A_505 : i32 to vector<16xi32>
        %add3A_507 = arith.addi %add3A_18, %add3A_506 : vector<16xi32>
        %mul3A_508 = arith.constant 50 : i32
        %mul3A_509 = vector.broadcast %mul3A_508 : i32 to vector<16xi32>
        %mul3A_510 = arith.muli %add3A_507, %mul3A_509 : vector<16xi32>
        %add3A_511 = vector.broadcast %select_n3A_422 : i32 to vector<16xi32>
        %add3A_512 = arith.addi %mul3A_510, %add3A_511 : vector<16xi32>
        %gather3A_513 = tpu.vector_load_idx %arg5[%add3A_512] : memref<25600xi32, #tpu.memory_space<vmem>>[vector<16xi32>], vector<16xi32>,
        %shift_right_logical3A_514 = arith.constant 2 : i32
        %shift_right_logical3A_515 = vector.broadcast %shift_right_logical3A_514 : i32 to vector<16xi32>
        %shift_right_logical3A_516 = arith.shrui %gather3A_513, %shift_right_logical3A_515 : vector<16xi32>
        tpu.vector_store_idx %arg6[%add3A_18], %shift_right_logical3A_516 : memref<128xi32, #tpu.memory_space<vmem>>[vector<16xi32>], vector<16xi32>,
        %mul3A_517 = arith.constant 128 : i32
        %mul3A_518 = arith.muli %mul3A_517, %select_n3A_438 : i32
        %add3A_519 = vector.broadcast %mul3A_518 : i32 to vector<16xi32>
        %add3A_520 = arith.addi %add3A_21, %add3A_519 : vector<16xi32>
        %mul3A_521 = arith.constant 50 : i32
        %mul3A_522 = vector.broadcast %mul3A_521 : i32 to vector<16xi32>
        %mul3A_523 = arith.muli %add3A_520, %mul3A_522 : vector<16xi32>
        %add3A_524 = vector.broadcast %select_n3A_422 : i32 to vector<16xi32>
        %add3A_525 = arith.addi %mul3A_523, %add3A_524 : vector<16xi32>
        %gather3A_526 = tpu.vector_load_idx %arg5[%add3A_525] : memref<25600xi32, #tpu.memory_space<vmem>>[vector<16xi32>], vector<16xi32>,
        %shift_right_logical3A_527 = arith.constant 2 : i32
        %shift_right_logical3A_528 = vector.broadcast %shift_right_logical3A_527 : i32 to vector<16xi32>
        %shift_right_logical3A_529 = arith.shrui %gather3A_526, %shift_right_logical3A_528 : vector<16xi32>
        tpu.vector_store_idx %arg6[%add3A_21], %shift_right_logical3A_529 : memref<128xi32, #tpu.memory_space<vmem>>[vector<16xi32>], vector<16xi32>,
        %mul3A_530 = arith.constant 128 : i32
        %mul3A_531 = arith.muli %mul3A_530, %select_n3A_438 : i32
        %add3A_532 = vector.broadcast %mul3A_531 : i32 to vector<16xi32>
        %add3A_533 = arith.addi %add3A_24, %add3A_532 : vector<16xi32>
        %mul3A_534 = arith.constant 50 : i32
        %mul3A_535 = vector.broadcast %mul3A_534 : i32 to vector<16xi32>
        %mul3A_536 = arith.muli %add3A_533, %mul3A_535 : vector<16xi32>
        %add3A_537 = vector.broadcast %select_n3A_422 : i32 to vector<16xi32>
        %add3A_538 = arith.addi %mul3A_536, %add3A_537 : vector<16xi32>
        %gather3A_539 = tpu.vector_load_idx %arg5[%add3A_538] : memref<25600xi32, #tpu.memory_space<vmem>>[vector<16xi32>], vector<16xi32>,
        %shift_right_logical3A_540 = arith.constant 2 : i32
        %shift_right_logical3A_541 = vector.broadcast %shift_right_logical3A_540 : i32 to vector<16xi32>
        %shift_right_logical3A_542 = arith.shrui %gather3A_539, %shift_right_logical3A_541 : vector<16xi32>
        tpu.vector_store_idx %arg6[%add3A_24], %shift_right_logical3A_542 : memref<128xi32, #tpu.memory_space<vmem>>[vector<16xi32>], vector<16xi32>,
        %dma_start3A_543 = arith.constant 0 : i32
        %dma_start3A_544 = arith.constant 0 : i32
        %dma_start3A_545 = tpu.memref_slice %arg3[%dma_start3A_543, %dma_start3A_544] : memref<250000x128xf32, #tpu.memory_space<hbm>> -> memref<250000x128xf32, #tpu.memory_space<hbm>>
        tpu.enqueue_indirect_dma source(%dma_start3A_545 : memref<250000x128xf32, #tpu.memory_space<hbm>>) target(%arg8 : memref<128x128xf32, #tpu.memory_space<vmem>>) offsets(%arg6 : memref<128xi32, #tpu.memory_space<vmem>>) semaphore(%arg12 : memref<!tpu.dma_semaphore, #tpu.memory_space<semaphore_mem>>)
      } else {
      }
      %dma_wait3A_328 = arith.constant 0 : i32
      %dma_wait3A_329 = arith.constant 0 : i32
      %dma_wait3A_330 = tpu.memref_slice %arg3[%dma_wait3A_328, %dma_wait3A_329] : memref<250000x128xf32, #tpu.memory_space<hbm>> -> memref<128x128xf32, #tpu.memory_space<hbm>>
      %dma_wait3A_331 = arith.constant 0 : i32
      %dma_wait3A_332 = arith.constant 0 : i32
      %dma_wait3A_333 = tpu.memref_slice %arg3[%dma_wait3A_331, %dma_wait3A_332] : memref<250000x128xf32, #tpu.memory_space<hbm>> -> memref<128x128xf32, #tpu.memory_space<hbm>>
      tpu.wait_dma2 semaphore(%arg13 : memref<!tpu.dma_semaphore, #tpu.memory_space<semaphore_mem>>) src(%dma_wait3A_333 : memref<128x128xf32, #tpu.memory_space<hbm>>) dst(%arg9 : memref<128x128xf32, #tpu.memory_space<vmem>>)
      %ge3A_334 = arith.constant 2 : i32
      %ge3A_335 = arith.cmpi sge, %add3A_320, %ge3A_334 : i32
      %convert_element_type3A_336 = arith.extui %ge3A_335 : i1 to i32
      %cond3A_337 = arith.constant 0 : i32
      %cond3A_338 = arith.cmpi ne, %convert_element_type3A_336, %cond3A_337 : i32
      scf.if %cond3A_338 {
        %dma_wait3A_397 = arith.constant 0 : i32
        %dma_wait3A_398 = arith.constant 0 : i32
        %dma_wait3A_399 = arith.constant 0 : i32
        %dma_wait3A_400 = tpu.memref_slice %arg4[%dma_wait3A_397, %dma_wait3A_398, %dma_wait3A_399] : memref<50x32x16384xf32, #tpu.memory_space<hbm>> -> memref<1x32x128xf32, #tpu.memory_space<hbm>>
        %dma_wait3A_401 = tpu.memref_squeeze %dma_wait3A_400 : memref<1x32x128xf32, #tpu.memory_space<hbm>> -> memref<32x128xf32, #tpu.memory_space<hbm>>
        %dma_wait3A_402 = arith.constant 0 : i32
        %dma_wait3A_403 = arith.constant 0 : i32
        %dma_wait3A_404 = tpu.memref_slice %arg4[%dma_wait3A_397, %dma_wait3A_402, %dma_wait3A_403] : memref<50x32x16384xf32, #tpu.memory_space<hbm>> -> memref<1x32x128xf32, #tpu.memory_space<hbm>>
        %dma_wait3A_405 = tpu.memref_squeeze %dma_wait3A_404 : memref<1x32x128xf32, #tpu.memory_space<hbm>> -> memref<32x128xf32, #tpu.memory_space<hbm>>
        tpu.wait_dma2 semaphore(%arg15 : memref<!tpu.dma_semaphore, #tpu.memory_space<semaphore_mem>>) src(%arg11 : memref<32x128xf32, #tpu.memory_space<vmem>>) dst(%dma_wait3A_405 : memref<32x128xf32, #tpu.memory_space<hbm>>)
      } else {
      }
      %jit3A_339 = arith.constant 4 : i32
      %div3A_340 = arith.divsi %add3A_320, %jit3A_339 : i32
      %sign3A_341 = arith.constant 0 : i32
      %sign3A_342 = arith.cmpi sgt, %add3A_320, %sign3A_341 : i32
      %sign3A_343 = arith.extui %sign3A_342 : i1 to i32
      %sign3A_344 = arith.constant 0 : i32
      %sign3A_345 = arith.cmpi slt, %add3A_320, %sign3A_344 : i32
      %sign3A_346 = arith.extui %sign3A_345 : i1 to i32
      %sign3A_347 = arith.subi %sign3A_343, %sign3A_346 : i32
      %sign3A_348 = arith.constant 0 : i32
      %sign3A_349 = arith.cmpi sgt, %jit3A_339, %sign3A_348 : i32
      %sign3A_350 = arith.extui %sign3A_349 : i1 to i32
      %sign3A_351 = arith.constant 0 : i32
      %sign3A_352 = arith.cmpi slt, %jit3A_339, %sign3A_351 : i32
      %sign3A_353 = arith.extui %sign3A_352 : i1 to i32
      %sign3A_354 = arith.subi %sign3A_350, %sign3A_353 : i32
      %ne3A_355 = arith.cmpi ne, %sign3A_347, %sign3A_354 : i32
      %rem3A_356 = arith.remsi %add3A_320, %jit3A_339 : i32
      %ne3A_357 = arith.constant 0 : i32
      %ne3A_358 = arith.cmpi ne, %rem3A_356, %ne3A_357 : i32
      %and3A_359 = arith.andi %ne3A_355, %ne3A_358 : i1
      %sub3A_360 = arith.constant 1 : i32
      %sub3A_361 = arith.subi %div3A_340, %sub3A_360 : i32
      %select_n3A_362 = arith.select %and3A_359, %sub3A_361, %div3A_340 : i32
      %jit3A_363 = arith.constant 4 : i32
      %eq3A_364 = arith.constant 0 : i32
      %eq3A_365 = arith.cmpi eq, %jit3A_363, %eq3A_364 : i32
      %jit3A_366 = arith.constant 1 : i32
      %select_n3A_367 = arith.select %eq3A_365, %jit3A_366, %jit3A_363 : i32
      %rem3A_368 = arith.remsi %add3A_320, %select_n3A_367 : i32
      %ne3A_369 = arith.constant 0 : i32
      %ne3A_370 = arith.cmpi ne, %rem3A_368, %ne3A_369 : i32
      %lt3A_371 = arith.constant 0 : i32
      %lt3A_372 = arith.cmpi slt, %rem3A_368, %lt3A_371 : i32
      %lt3A_373 = arith.constant 0 : i32
      %lt3A_374 = arith.cmpi slt, %select_n3A_367, %lt3A_373 : i32
      %ne3A_375 = arith.xori %lt3A_372, %lt3A_374 : i1
      %and3A_376 = arith.andi %ne3A_375, %ne3A_370 : i1
      %add3A_377 = arith.addi %rem3A_368, %select_n3A_367 : i32
      %select_n3A_378 = arith.select %and3A_376, %add3A_377, %rem3A_368 : i32
      %scan3A_379 = arith.constant 0 : i32
      %scan3A_380 = arith.constant 0 : i32
      %scan3A_381 = arith.constant 4 : i32
      %scan3A_382 = arith.addi %scan3A_380, %scan3A_381 : i32
      %scan3A_383 = arith.constant 1 : i32
      scf.for %scan3A_397 = %scan3A_380 to %scan3A_382 step %scan3A_383  : i32 {
        %mul3A_398 = arith.constant 2 : i32
        %mul3A_399 = arith.muli %mul3A_398, %scan3A_397 : i32
        %add3A_400 = arith.constant 0 : i32
        %add3A_401 = arith.addi %mul3A_399, %add3A_400 : i32
        %mul3A_402 = arith.constant 16 : i32
        %mul3A_403 = arith.muli %mul3A_402, %add3A_401 : i32
        %add3A_404 = vector.broadcast %mul3A_403 : i32 to vector<16xi32>
        %add3A_405 = arith.addi %iota3A, %add3A_404 : vector<16xi32>
        %mul3A_406 = arith.constant 128 : i32
        %mul3A_407 = arith.muli %mul3A_406, %select_n3A_378 : i32
        %add3A_408 = vector.broadcast %mul3A_407 : i32 to vector<16xi32>
        %add3A_409 = arith.addi %add3A_405, %add3A_408 : vector<16xi32>
        %mul3A_410 = arith.constant 50 : i32
        %mul3A_411 = vector.broadcast %mul3A_410 : i32 to vector<16xi32>
        %mul3A_412 = arith.muli %add3A_409, %mul3A_411 : vector<16xi32>
        %add3A_413 = vector.broadcast %select_n3A_362 : i32 to vector<16xi32>
        %add3A_414 = arith.addi %mul3A_412, %add3A_413 : vector<16xi32>
        %gather3A_415 = tpu.vector_load_idx %arg5[%add3A_414] : memref<25600xi32, #tpu.memory_space<vmem>>[vector<16xi32>], vector<16xi32>,
        %and3A_416 = arith.constant 3 : i32
        %and3A_417 = vector.broadcast %and3A_416 : i32 to vector<16xi32>
        %and3A_418 = arith.andi %gather3A_415, %and3A_417 : vector<16xi32>
        %mul3A_419 = arith.constant 32 : i32
        %mul3A_420 = vector.broadcast %mul3A_419 : i32 to vector<16xi32>
        %mul3A_421 = arith.muli %and3A_418, %mul3A_420 : vector<16xi32>
        %add3A_422 = arith.constant 0 : i32
        %add3A_423 = vector.broadcast %add3A_422 : i32 to vector<16xi32>
        %add3A_424 = arith.addi %rem3A_29, %add3A_423 : vector<16xi32>
        %add3A_425 = arith.constant 0 : i32
        %add3A_426 = vector.broadcast %add3A_425 : i32 to vector<16xi32>
        %add3A_427 = arith.addi %rem3A_35, %add3A_426 : vector<16xi32>
        %add3A_428 = arith.constant 0 : i32
        %add3A_429 = vector.broadcast %add3A_428 : i32 to vector<16xi32>
        %add3A_430 = arith.addi %rem3A_41, %add3A_429 : vector<16xi32>
        %add3A_431 = arith.constant 0 : i32
        %add3A_432 = vector.broadcast %add3A_431 : i32 to vector<16xi32>
        %add3A_433 = arith.addi %rem3A_47, %add3A_432 : vector<16xi32>
        %add3A_434 = arith.constant 0 : i32
        %add3A_435 = vector.broadcast %add3A_434 : i32 to vector<16xi32>
        %add3A_436 = arith.addi %rem3A_53, %add3A_435 : vector<16xi32>
        %add3A_437 = arith.constant 0 : i32
        %add3A_438 = vector.broadcast %add3A_437 : i32 to vector<16xi32>
        %add3A_439 = arith.addi %rem3A_59, %add3A_438 : vector<16xi32>
        %add3A_440 = arith.constant 0 : i32
        %add3A_441 = vector.broadcast %add3A_440 : i32 to vector<16xi32>
        %add3A_442 = arith.addi %rem3A_65, %add3A_441 : vector<16xi32>
        %add3A_443 = arith.constant 0 : i32
        %add3A_444 = vector.broadcast %add3A_443 : i32 to vector<16xi32>
        %add3A_445 = arith.addi %rem3A_71, %add3A_444 : vector<16xi32>
        %add3A_446 = arith.addi %mul3A_421, %add3A_424 : vector<16xi32>
        %gather3A_447 = tpu.vector_load_idx %arg9[%add3A_405, %add3A_446] : memref<128x128xf32, #tpu.memory_space<vmem>>[vector<16xi32>, vector<16xi32>], vector<16xf32>,
        %add3A_448 = arith.addi %mul3A_421, %add3A_427 : vector<16xi32>
        %gather3A_449 = tpu.vector_load_idx %arg9[%add3A_405, %add3A_448] : memref<128x128xf32, #tpu.memory_space<vmem>>[vector<16xi32>, vector<16xi32>], vector<16xf32>,
        %add3A_450 = arith.addi %mul3A_421, %add3A_430 : vector<16xi32>
        %gather3A_451 = tpu.vector_load_idx %arg9[%add3A_405, %add3A_450] : memref<128x128xf32, #tpu.memory_space<vmem>>[vector<16xi32>, vector<16xi32>], vector<16xf32>,
        %add3A_452 = arith.addi %mul3A_421, %add3A_433 : vector<16xi32>
        %gather3A_453 = tpu.vector_load_idx %arg9[%add3A_405, %add3A_452] : memref<128x128xf32, #tpu.memory_space<vmem>>[vector<16xi32>, vector<16xi32>], vector<16xf32>,
        %add3A_454 = arith.addi %mul3A_421, %add3A_436 : vector<16xi32>
        %gather3A_455 = tpu.vector_load_idx %arg9[%add3A_405, %add3A_454] : memref<128x128xf32, #tpu.memory_space<vmem>>[vector<16xi32>, vector<16xi32>], vector<16xf32>,
        %add3A_456 = arith.addi %mul3A_421, %add3A_439 : vector<16xi32>
        %gather3A_457 = tpu.vector_load_idx %arg9[%add3A_405, %add3A_456] : memref<128x128xf32, #tpu.memory_space<vmem>>[vector<16xi32>, vector<16xi32>], vector<16xf32>,
        %add3A_458 = arith.addi %mul3A_421, %add3A_442 : vector<16xi32>
        %gather3A_459 = tpu.vector_load_idx %arg9[%add3A_405, %add3A_458] : memref<128x128xf32, #tpu.memory_space<vmem>>[vector<16xi32>, vector<16xi32>], vector<16xf32>,
        %add3A_460 = arith.addi %mul3A_421, %add3A_445 : vector<16xi32>
        %gather3A_461 = tpu.vector_load_idx %arg9[%add3A_405, %add3A_460] : memref<128x128xf32, #tpu.memory_space<vmem>>[vector<16xi32>, vector<16xi32>], vector<16xf32>,
        tpu.vector_store_idx %arg11[%add3A_424, %add3A_405], %gather3A_447 : memref<32x128xf32, #tpu.memory_space<vmem>>[vector<16xi32>, vector<16xi32>], vector<16xf32>,
        tpu.vector_store_idx %arg11[%add3A_427, %add3A_405], %gather3A_449 : memref<32x128xf32, #tpu.memory_space<vmem>>[vector<16xi32>, vector<16xi32>], vector<16xf32>,
        tpu.vector_store_idx %arg11[%add3A_430, %add3A_405], %gather3A_451 : memref<32x128xf32, #tpu.memory_space<vmem>>[vector<16xi32>, vector<16xi32>], vector<16xf32>,
        tpu.vector_store_idx %arg11[%add3A_433, %add3A_405], %gather3A_453 : memref<32x128xf32, #tpu.memory_space<vmem>>[vector<16xi32>, vector<16xi32>], vector<16xf32>,
        tpu.vector_store_idx %arg11[%add3A_436, %add3A_405], %gather3A_455 : memref<32x128xf32, #tpu.memory_space<vmem>>[vector<16xi32>, vector<16xi32>], vector<16xf32>,
        tpu.vector_store_idx %arg11[%add3A_439, %add3A_405], %gather3A_457 : memref<32x128xf32, #tpu.memory_space<vmem>>[vector<16xi32>, vector<16xi32>], vector<16xf32>,
        tpu.vector_store_idx %arg11[%add3A_442, %add3A_405], %gather3A_459 : memref<32x128xf32, #tpu.memory_space<vmem>>[vector<16xi32>, vector<16xi32>], vector<16xf32>,
        tpu.vector_store_idx %arg11[%add3A_445, %add3A_405], %gather3A_461 : memref<32x128xf32, #tpu.memory_space<vmem>>[vector<16xi32>, vector<16xi32>], vector<16xf32>,
        %add3A_462 = arith.constant 0 : i32
        %add3A_463 = vector.broadcast %add3A_462 : i32 to vector<16xi32>
        %add3A_464 = arith.addi %rem3A_77, %add3A_463 : vector<16xi32>
        %add3A_465 = arith.constant 0 : i32
        %add3A_466 = vector.broadcast %add3A_465 : i32 to vector<16xi32>
        %add3A_467 = arith.addi %rem3A_83, %add3A_466 : vector<16xi32>
        %add3A_468 = arith.constant 0 : i32
        %add3A_469 = vector.broadcast %add3A_468 : i32 to vector<16xi32>
        %add3A_470 = arith.addi %rem3A_89, %add3A_469 : vector<16xi32>
        %add3A_471 = arith.constant 0 : i32
        %add3A_472 = vector.broadcast %add3A_471 : i32 to vector<16xi32>
        %add3A_473 = arith.addi %rem3A_95, %add3A_472 : vector<16xi32>
        %add3A_474 = arith.constant 0 : i32
        %add3A_475 = vector.broadcast %add3A_474 : i32 to vector<16xi32>
        %add3A_476 = arith.addi %rem3A_101, %add3A_475 : vector<16xi32>
        %add3A_477 = arith.constant 0 : i32
        %add3A_478 = vector.broadcast %add3A_477 : i32 to vector<16xi32>
        %add3A_479 = arith.addi %rem3A_107, %add3A_478 : vector<16xi32>
        %add3A_480 = arith.constant 0 : i32
        %add3A_481 = vector.broadcast %add3A_480 : i32 to vector<16xi32>
        %add3A_482 = arith.addi %rem3A_113, %add3A_481 : vector<16xi32>
        %add3A_483 = arith.constant 0 : i32
        %add3A_484 = vector.broadcast %add3A_483 : i32 to vector<16xi32>
        %add3A_485 = arith.addi %rem3A_119, %add3A_484 : vector<16xi32>
        %add3A_486 = arith.addi %mul3A_421, %add3A_464 : vector<16xi32>
        %gather3A_487 = tpu.vector_load_idx %arg9[%add3A_405, %add3A_486] : memref<128x128xf32, #tpu.memory_space<vmem>>[vector<16xi32>, vector<16xi32>], vector<16xf32>,
        %add3A_488 = arith.addi %mul3A_421, %add3A_467 : vector<16xi32>
        %gather3A_489 = tpu.vector_load_idx %arg9[%add3A_405, %add3A_488] : memref<128x128xf32, #tpu.memory_space<vmem>>[vector<16xi32>, vector<16xi32>], vector<16xf32>,
        %add3A_490 = arith.addi %mul3A_421, %add3A_470 : vector<16xi32>
        %gather3A_491 = tpu.vector_load_idx %arg9[%add3A_405, %add3A_490] : memref<128x128xf32, #tpu.memory_space<vmem>>[vector<16xi32>, vector<16xi32>], vector<16xf32>,
        %add3A_492 = arith.addi %mul3A_421, %add3A_473 : vector<16xi32>
        %gather3A_493 = tpu.vector_load_idx %arg9[%add3A_405, %add3A_492] : memref<128x128xf32, #tpu.memory_space<vmem>>[vector<16xi32>, vector<16xi32>], vector<16xf32>,
        %add3A_494 = arith.addi %mul3A_421, %add3A_476 : vector<16xi32>
        %gather3A_495 = tpu.vector_load_idx %arg9[%add3A_405, %add3A_494] : memref<128x128xf32, #tpu.memory_space<vmem>>[vector<16xi32>, vector<16xi32>], vector<16xf32>,
        %add3A_496 = arith.addi %mul3A_421, %add3A_479 : vector<16xi32>
        %gather3A_497 = tpu.vector_load_idx %arg9[%add3A_405, %add3A_496] : memref<128x128xf32, #tpu.memory_space<vmem>>[vector<16xi32>, vector<16xi32>], vector<16xf32>,
        %add3A_498 = arith.addi %mul3A_421, %add3A_482 : vector<16xi32>
        %gather3A_499 = tpu.vector_load_idx %arg9[%add3A_405, %add3A_498] : memref<128x128xf32, #tpu.memory_space<vmem>>[vector<16xi32>, vector<16xi32>], vector<16xf32>,
        %add3A_500 = arith.addi %mul3A_421, %add3A_485 : vector<16xi32>
        %gather3A_501 = tpu.vector_load_idx %arg9[%add3A_405, %add3A_500] : memref<128x128xf32, #tpu.memory_space<vmem>>[vector<16xi32>, vector<16xi32>], vector<16xf32>,
        tpu.vector_store_idx %arg11[%add3A_464, %add3A_405], %gather3A_487 : memref<32x128xf32, #tpu.memory_space<vmem>>[vector<16xi32>, vector<16xi32>], vector<16xf32>,
        tpu.vector_store_idx %arg11[%add3A_467, %add3A_405], %gather3A_489 : memref<32x128xf32, #tpu.memory_space<vmem>>[vector<16xi32>, vector<16xi32>], vector<16xf32>,
        tpu.vector_store_idx %arg11[%add3A_470, %add3A_405], %gather3A_491 : memref<32x128xf32, #tpu.memory_space<vmem>>[vector<16xi32>, vector<16xi32>], vector<16xf32>,
        tpu.vector_store_idx %arg11[%add3A_473, %add3A_405], %gather3A_493 : memref<32x128xf32, #tpu.memory_space<vmem>>[vector<16xi32>, vector<16xi32>], vector<16xf32>,
        tpu.vector_store_idx %arg11[%add3A_476, %add3A_405], %gather3A_495 : memref<32x128xf32, #tpu.memory_space<vmem>>[vector<16xi32>, vector<16xi32>], vector<16xf32>,
        tpu.vector_store_idx %arg11[%add3A_479, %add3A_405], %gather3A_497 : memref<32x128xf32, #tpu.memory_space<vmem>>[vector<16xi32>, vector<16xi32>], vector<16xf32>,
        tpu.vector_store_idx %arg11[%add3A_482, %add3A_405], %gather3A_499 : memref<32x128xf32, #tpu.memory_space<vmem>>[vector<16xi32>, vector<16xi32>], vector<16xf32>,
        tpu.vector_store_idx %arg11[%add3A_485, %add3A_405], %gather3A_501 : memref<32x128xf32, #tpu.memory_space<vmem>>[vector<16xi32>, vector<16xi32>], vector<16xf32>,
        %add3A_502 = arith.constant 16 : i32
        %add3A_503 = vector.broadcast %add3A_502 : i32 to vector<16xi32>
        %add3A_504 = arith.addi %rem3A_29, %add3A_503 : vector<16xi32>
        %add3A_505 = arith.constant 16 : i32
        %add3A_506 = vector.broadcast %add3A_505 : i32 to vector<16xi32>
        %add3A_507 = arith.addi %rem3A_35, %add3A_506 : vector<16xi32>
        %add3A_508 = arith.constant 16 : i32
        %add3A_509 = vector.broadcast %add3A_508 : i32 to vector<16xi32>
        %add3A_510 = arith.addi %rem3A_41, %add3A_509 : vector<16xi32>
        %add3A_511 = arith.constant 16 : i32
        %add3A_512 = vector.broadcast %add3A_511 : i32 to vector<16xi32>
        %add3A_513 = arith.addi %rem3A_47, %add3A_512 : vector<16xi32>
        %add3A_514 = arith.constant 16 : i32
        %add3A_515 = vector.broadcast %add3A_514 : i32 to vector<16xi32>
        %add3A_516 = arith.addi %rem3A_53, %add3A_515 : vector<16xi32>
        %add3A_517 = arith.constant 16 : i32
        %add3A_518 = vector.broadcast %add3A_517 : i32 to vector<16xi32>
        %add3A_519 = arith.addi %rem3A_59, %add3A_518 : vector<16xi32>
        %add3A_520 = arith.constant 16 : i32
        %add3A_521 = vector.broadcast %add3A_520 : i32 to vector<16xi32>
        %add3A_522 = arith.addi %rem3A_65, %add3A_521 : vector<16xi32>
        %add3A_523 = arith.constant 16 : i32
        %add3A_524 = vector.broadcast %add3A_523 : i32 to vector<16xi32>
        %add3A_525 = arith.addi %rem3A_71, %add3A_524 : vector<16xi32>
        %add3A_526 = arith.addi %mul3A_421, %add3A_504 : vector<16xi32>
        %gather3A_527 = tpu.vector_load_idx %arg9[%add3A_405, %add3A_526] : memref<128x128xf32, #tpu.memory_space<vmem>>[vector<16xi32>, vector<16xi32>], vector<16xf32>,
        %add3A_528 = arith.addi %mul3A_421, %add3A_507 : vector<16xi32>
        %gather3A_529 = tpu.vector_load_idx %arg9[%add3A_405, %add3A_528] : memref<128x128xf32, #tpu.memory_space<vmem>>[vector<16xi32>, vector<16xi32>], vector<16xf32>,
        %add3A_530 = arith.addi %mul3A_421, %add3A_510 : vector<16xi32>
        %gather3A_531 = tpu.vector_load_idx %arg9[%add3A_405, %add3A_530] : memref<128x128xf32, #tpu.memory_space<vmem>>[vector<16xi32>, vector<16xi32>], vector<16xf32>,
        %add3A_532 = arith.addi %mul3A_421, %add3A_513 : vector<16xi32>
        %gather3A_533 = tpu.vector_load_idx %arg9[%add3A_405, %add3A_532] : memref<128x128xf32, #tpu.memory_space<vmem>>[vector<16xi32>, vector<16xi32>], vector<16xf32>,
        %add3A_534 = arith.addi %mul3A_421, %add3A_516 : vector<16xi32>
        %gather3A_535 = tpu.vector_load_idx %arg9[%add3A_405, %add3A_534] : memref<128x128xf32, #tpu.memory_space<vmem>>[vector<16xi32>, vector<16xi32>], vector<16xf32>,
        %add3A_536 = arith.addi %mul3A_421, %add3A_519 : vector<16xi32>
        %gather3A_537 = tpu.vector_load_idx %arg9[%add3A_405, %add3A_536] : memref<128x128xf32, #tpu.memory_space<vmem>>[vector<16xi32>, vector<16xi32>], vector<16xf32>,
        %add3A_538 = arith.addi %mul3A_421, %add3A_522 : vector<16xi32>
        %gather3A_539 = tpu.vector_load_idx %arg9[%add3A_405, %add3A_538] : memref<128x128xf32, #tpu.memory_space<vmem>>[vector<16xi32>, vector<16xi32>], vector<16xf32>,
        %add3A_540 = arith.addi %mul3A_421, %add3A_525 : vector<16xi32>
        %gather3A_541 = tpu.vector_load_idx %arg9[%add3A_405, %add3A_540] : memref<128x128xf32, #tpu.memory_space<vmem>>[vector<16xi32>, vector<16xi32>], vector<16xf32>,
        tpu.vector_store_idx %arg11[%add3A_504, %add3A_405], %gather3A_527 : memref<32x128xf32, #tpu.memory_space<vmem>>[vector<16xi32>, vector<16xi32>], vector<16xf32>,
        tpu.vector_store_idx %arg11[%add3A_507, %add3A_405], %gather3A_529 : memref<32x128xf32, #tpu.memory_space<vmem>>[vector<16xi32>, vector<16xi32>], vector<16xf32>,
        tpu.vector_store_idx %arg11[%add3A_510, %add3A_405], %gather3A_531 : memref<32x128xf32, #tpu.memory_space<vmem>>[vector<16xi32>, vector<16xi32>], vector<16xf32>,
        tpu.vector_store_idx %arg11[%add3A_513, %add3A_405], %gather3A_533 : memref<32x128xf32, #tpu.memory_space<vmem>>[vector<16xi32>, vector<16xi32>], vector<16xf32>,
        tpu.vector_store_idx %arg11[%add3A_516, %add3A_405], %gather3A_535 : memref<32x128xf32, #tpu.memory_space<vmem>>[vector<16xi32>, vector<16xi32>], vector<16xf32>,
        tpu.vector_store_idx %arg11[%add3A_519, %add3A_405], %gather3A_537 : memref<32x128xf32, #tpu.memory_space<vmem>>[vector<16xi32>, vector<16xi32>], vector<16xf32>,
        tpu.vector_store_idx %arg11[%add3A_522, %add3A_405], %gather3A_539 : memref<32x128xf32, #tpu.memory_space<vmem>>[vector<16xi32>, vector<16xi32>], vector<16xf32>,
        tpu.vector_store_idx %arg11[%add3A_525, %add3A_405], %gather3A_541 : memref<32x128xf32, #tpu.memory_space<vmem>>[vector<16xi32>, vector<16xi32>], vector<16xf32>,
        %add3A_542 = arith.constant 16 : i32
        %add3A_543 = vector.broadcast %add3A_542 : i32 to vector<16xi32>
        %add3A_544 = arith.addi %rem3A_77, %add3A_543 : vector<16xi32>
        %add3A_545 = arith.constant 16 : i32
        %add3A_546 = vector.broadcast %add3A_545 : i32 to vector<16xi32>
        %add3A_547 = arith.addi %rem3A_83, %add3A_546 : vector<16xi32>
        %add3A_548 = arith.constant 16 : i32
        %add3A_549 = vector.broadcast %add3A_548 : i32 to vector<16xi32>
        %add3A_550 = arith.addi %rem3A_89, %add3A_549 : vector<16xi32>
        %add3A_551 = arith.constant 16 : i32
        %add3A_552 = vector.broadcast %add3A_551 : i32 to vector<16xi32>
        %add3A_553 = arith.addi %rem3A_95, %add3A_552 : vector<16xi32>
        %add3A_554 = arith.constant 16 : i32
        %add3A_555 = vector.broadcast %add3A_554 : i32 to vector<16xi32>
        %add3A_556 = arith.addi %rem3A_101, %add3A_555 : vector<16xi32>
        %add3A_557 = arith.constant 16 : i32
        %add3A_558 = vector.broadcast %add3A_557 : i32 to vector<16xi32>
        %add3A_559 = arith.addi %rem3A_107, %add3A_558 : vector<16xi32>
        %add3A_560 = arith.constant 16 : i32
        %add3A_561 = vector.broadcast %add3A_560 : i32 to vector<16xi32>
        %add3A_562 = arith.addi %rem3A_113, %add3A_561 : vector<16xi32>
        %add3A_563 = arith.constant 16 : i32
        %add3A_564 = vector.broadcast %add3A_563 : i32 to vector<16xi32>
        %add3A_565 = arith.addi %rem3A_119, %add3A_564 : vector<16xi32>
        %add3A_566 = arith.addi %mul3A_421, %add3A_544 : vector<16xi32>
        %gather3A_567 = tpu.vector_load_idx %arg9[%add3A_405, %add3A_566] : memref<128x128xf32, #tpu.memory_space<vmem>>[vector<16xi32>, vector<16xi32>], vector<16xf32>,
        %add3A_568 = arith.addi %mul3A_421, %add3A_547 : vector<16xi32>
        %gather3A_569 = tpu.vector_load_idx %arg9[%add3A_405, %add3A_568] : memref<128x128xf32, #tpu.memory_space<vmem>>[vector<16xi32>, vector<16xi32>], vector<16xf32>,
        %add3A_570 = arith.addi %mul3A_421, %add3A_550 : vector<16xi32>
        %gather3A_571 = tpu.vector_load_idx %arg9[%add3A_405, %add3A_570] : memref<128x128xf32, #tpu.memory_space<vmem>>[vector<16xi32>, vector<16xi32>], vector<16xf32>,
        %add3A_572 = arith.addi %mul3A_421, %add3A_553 : vector<16xi32>
        %gather3A_573 = tpu.vector_load_idx %arg9[%add3A_405, %add3A_572] : memref<128x128xf32, #tpu.memory_space<vmem>>[vector<16xi32>, vector<16xi32>], vector<16xf32>,
        %add3A_574 = arith.addi %mul3A_421, %add3A_556 : vector<16xi32>
        %gather3A_575 = tpu.vector_load_idx %arg9[%add3A_405, %add3A_574] : memref<128x128xf32, #tpu.memory_space<vmem>>[vector<16xi32>, vector<16xi32>], vector<16xf32>,
        %add3A_576 = arith.addi %mul3A_421, %add3A_559 : vector<16xi32>
        %gather3A_577 = tpu.vector_load_idx %arg9[%add3A_405, %add3A_576] : memref<128x128xf32, #tpu.memory_space<vmem>>[vector<16xi32>, vector<16xi32>], vector<16xf32>,
        %add3A_578 = arith.addi %mul3A_421, %add3A_562 : vector<16xi32>
        %gather3A_579 = tpu.vector_load_idx %arg9[%add3A_405, %add3A_578] : memref<128x128xf32, #tpu.memory_space<vmem>>[vector<16xi32>, vector<16xi32>], vector<16xf32>,
        %add3A_580 = arith.addi %mul3A_421, %add3A_565 : vector<16xi32>
        %gather3A_581 = tpu.vector_load_idx %arg9[%add3A_405, %add3A_580] : memref<128x128xf32, #tpu.memory_space<vmem>>[vector<16xi32>, vector<16xi32>], vector<16xf32>,
        tpu.vector_store_idx %arg11[%add3A_544, %add3A_405], %gather3A_567 : memref<32x128xf32, #tpu.memory_space<vmem>>[vector<16xi32>, vector<16xi32>], vector<16xf32>,
        tpu.vector_store_idx %arg11[%add3A_547, %add3A_405], %gather3A_569 : memref<32x128xf32, #tpu.memory_space<vmem>>[vector<16xi32>, vector<16xi32>], vector<16xf32>,
        tpu.vector_store_idx %arg11[%add3A_550, %add3A_405], %gather3A_571 : memref<32x128xf32, #tpu.memory_space<vmem>>[vector<16xi32>, vector<16xi32>], vector<16xf32>,
        tpu.vector_store_idx %arg11[%add3A_553, %add3A_405], %gather3A_573 : memref<32x128xf32, #tpu.memory_space<vmem>>[vector<16xi32>, vector<16xi32>], vector<16xf32>,
        tpu.vector_store_idx %arg11[%add3A_556, %add3A_405], %gather3A_575 : memref<32x128xf32, #tpu.memory_space<vmem>>[vector<16xi32>, vector<16xi32>], vector<16xf32>,
        tpu.vector_store_idx %arg11[%add3A_559, %add3A_405], %gather3A_577 : memref<32x128xf32, #tpu.memory_space<vmem>>[vector<16xi32>, vector<16xi32>], vector<16xf32>,
        tpu.vector_store_idx %arg11[%add3A_562, %add3A_405], %gather3A_579 : memref<32x128xf32, #tpu.memory_space<vmem>>[vector<16xi32>, vector<16xi32>], vector<16xf32>,
        tpu.vector_store_idx %arg11[%add3A_565, %add3A_405], %gather3A_581 : memref<32x128xf32, #tpu.memory_space<vmem>>[vector<16xi32>, vector<16xi32>], vector<16xf32>,
        %mul3A_582 = arith.constant 2 : i32
        %mul3A_583 = arith.muli %mul3A_582, %scan3A_397 : i32
        %add3A_584 = arith.constant 1 : i32
        %add3A_585 = arith.addi %mul3A_583, %add3A_584 : i32
        %mul3A_586 = arith.constant 16 : i32
        %mul3A_587 = arith.muli %mul3A_586, %add3A_585 : i32
        %add3A_588 = vector.broadcast %mul3A_587 : i32 to vector<16xi32>
        %add3A_589 = arith.addi %iota3A, %add3A_588 : vector<16xi32>
        %mul3A_590 = arith.constant 128 : i32
        %mul3A_591 = arith.muli %mul3A_590, %select_n3A_378 : i32
        %add3A_592 = vector.broadcast %mul3A_591 : i32 to vector<16xi32>
        %add3A_593 = arith.addi %add3A_589, %add3A_592 : vector<16xi32>
        %mul3A_594 = arith.constant 50 : i32
        %mul3A_595 = vector.broadcast %mul3A_594 : i32 to vector<16xi32>
        %mul3A_596 = arith.muli %add3A_593, %mul3A_595 : vector<16xi32>
        %add3A_597 = vector.broadcast %select_n3A_362 : i32 to vector<16xi32>
        %add3A_598 = arith.addi %mul3A_596, %add3A_597 : vector<16xi32>
        %gather3A_599 = tpu.vector_load_idx %arg5[%add3A_598] : memref<25600xi32, #tpu.memory_space<vmem>>[vector<16xi32>], vector<16xi32>,
        %and3A_600 = arith.constant 3 : i32
        %and3A_601 = vector.broadcast %and3A_600 : i32 to vector<16xi32>
        %and3A_602 = arith.andi %gather3A_599, %and3A_601 : vector<16xi32>
        %mul3A_603 = arith.constant 32 : i32
        %mul3A_604 = vector.broadcast %mul3A_603 : i32 to vector<16xi32>
        %mul3A_605 = arith.muli %and3A_602, %mul3A_604 : vector<16xi32>
        %add3A_606 = arith.constant 0 : i32
        %add3A_607 = vector.broadcast %add3A_606 : i32 to vector<16xi32>
        %add3A_608 = arith.addi %rem3A_29, %add3A_607 : vector<16xi32>
        %add3A_609 = arith.constant 0 : i32
        %add3A_610 = vector.broadcast %add3A_609 : i32 to vector<16xi32>
        %add3A_611 = arith.addi %rem3A_35, %add3A_610 : vector<16xi32>
        %add3A_612 = arith.constant 0 : i32
        %add3A_613 = vector.broadcast %add3A_612 : i32 to vector<16xi32>
        %add3A_614 = arith.addi %rem3A_41, %add3A_613 : vector<16xi32>
        %add3A_615 = arith.constant 0 : i32
        %add3A_616 = vector.broadcast %add3A_615 : i32 to vector<16xi32>
        %add3A_617 = arith.addi %rem3A_47, %add3A_616 : vector<16xi32>
        %add3A_618 = arith.constant 0 : i32
        %add3A_619 = vector.broadcast %add3A_618 : i32 to vector<16xi32>
        %add3A_620 = arith.addi %rem3A_53, %add3A_619 : vector<16xi32>
        %add3A_621 = arith.constant 0 : i32
        %add3A_622 = vector.broadcast %add3A_621 : i32 to vector<16xi32>
        %add3A_623 = arith.addi %rem3A_59, %add3A_622 : vector<16xi32>
        %add3A_624 = arith.constant 0 : i32
        %add3A_625 = vector.broadcast %add3A_624 : i32 to vector<16xi32>
        %add3A_626 = arith.addi %rem3A_65, %add3A_625 : vector<16xi32>
        %add3A_627 = arith.constant 0 : i32
        %add3A_628 = vector.broadcast %add3A_627 : i32 to vector<16xi32>
        %add3A_629 = arith.addi %rem3A_71, %add3A_628 : vector<16xi32>
        %add3A_630 = arith.addi %mul3A_605, %add3A_608 : vector<16xi32>
        %gather3A_631 = tpu.vector_load_idx %arg9[%add3A_589, %add3A_630] : memref<128x128xf32, #tpu.memory_space<vmem>>[vector<16xi32>, vector<16xi32>], vector<16xf32>,
        %add3A_632 = arith.addi %mul3A_605, %add3A_611 : vector<16xi32>
        %gather3A_633 = tpu.vector_load_idx %arg9[%add3A_589, %add3A_632] : memref<128x128xf32, #tpu.memory_space<vmem>>[vector<16xi32>, vector<16xi32>], vector<16xf32>,
        %add3A_634 = arith.addi %mul3A_605, %add3A_614 : vector<16xi32>
        %gather3A_635 = tpu.vector_load_idx %arg9[%add3A_589, %add3A_634] : memref<128x128xf32, #tpu.memory_space<vmem>>[vector<16xi32>, vector<16xi32>], vector<16xf32>,
        %add3A_636 = arith.addi %mul3A_605, %add3A_617 : vector<16xi32>
        %gather3A_637 = tpu.vector_load_idx %arg9[%add3A_589, %add3A_636] : memref<128x128xf32, #tpu.memory_space<vmem>>[vector<16xi32>, vector<16xi32>], vector<16xf32>,
        %add3A_638 = arith.addi %mul3A_605, %add3A_620 : vector<16xi32>
        %gather3A_639 = tpu.vector_load_idx %arg9[%add3A_589, %add3A_638] : memref<128x128xf32, #tpu.memory_space<vmem>>[vector<16xi32>, vector<16xi32>], vector<16xf32>,
        %add3A_640 = arith.addi %mul3A_605, %add3A_623 : vector<16xi32>
        %gather3A_641 = tpu.vector_load_idx %arg9[%add3A_589, %add3A_640] : memref<128x128xf32, #tpu.memory_space<vmem>>[vector<16xi32>, vector<16xi32>], vector<16xf32>,
        %add3A_642 = arith.addi %mul3A_605, %add3A_626 : vector<16xi32>
        %gather3A_643 = tpu.vector_load_idx %arg9[%add3A_589, %add3A_642] : memref<128x128xf32, #tpu.memory_space<vmem>>[vector<16xi32>, vector<16xi32>], vector<16xf32>,
        %add3A_644 = arith.addi %mul3A_605, %add3A_629 : vector<16xi32>
        %gather3A_645 = tpu.vector_load_idx %arg9[%add3A_589, %add3A_644] : memref<128x128xf32, #tpu.memory_space<vmem>>[vector<16xi32>, vector<16xi32>], vector<16xf32>,
        tpu.vector_store_idx %arg11[%add3A_608, %add3A_589], %gather3A_631 : memref<32x128xf32, #tpu.memory_space<vmem>>[vector<16xi32>, vector<16xi32>], vector<16xf32>,
        tpu.vector_store_idx %arg11[%add3A_611, %add3A_589], %gather3A_633 : memref<32x128xf32, #tpu.memory_space<vmem>>[vector<16xi32>, vector<16xi32>], vector<16xf32>,
        tpu.vector_store_idx %arg11[%add3A_614, %add3A_589], %gather3A_635 : memref<32x128xf32, #tpu.memory_space<vmem>>[vector<16xi32>, vector<16xi32>], vector<16xf32>,
        tpu.vector_store_idx %arg11[%add3A_617, %add3A_589], %gather3A_637 : memref<32x128xf32, #tpu.memory_space<vmem>>[vector<16xi32>, vector<16xi32>], vector<16xf32>,
        tpu.vector_store_idx %arg11[%add3A_620, %add3A_589], %gather3A_639 : memref<32x128xf32, #tpu.memory_space<vmem>>[vector<16xi32>, vector<16xi32>], vector<16xf32>,
        tpu.vector_store_idx %arg11[%add3A_623, %add3A_589], %gather3A_641 : memref<32x128xf32, #tpu.memory_space<vmem>>[vector<16xi32>, vector<16xi32>], vector<16xf32>,
        tpu.vector_store_idx %arg11[%add3A_626, %add3A_589], %gather3A_643 : memref<32x128xf32, #tpu.memory_space<vmem>>[vector<16xi32>, vector<16xi32>], vector<16xf32>,
        tpu.vector_store_idx %arg11[%add3A_629, %add3A_589], %gather3A_645 : memref<32x128xf32, #tpu.memory_space<vmem>>[vector<16xi32>, vector<16xi32>], vector<16xf32>,
        %add3A_646 = arith.constant 0 : i32
        %add3A_647 = vector.broadcast %add3A_646 : i32 to vector<16xi32>
        %add3A_648 = arith.addi %rem3A_77, %add3A_647 : vector<16xi32>
        %add3A_649 = arith.constant 0 : i32
        %add3A_650 = vector.broadcast %add3A_649 : i32 to vector<16xi32>
        %add3A_651 = arith.addi %rem3A_83, %add3A_650 : vector<16xi32>
        %add3A_652 = arith.constant 0 : i32
        %add3A_653 = vector.broadcast %add3A_652 : i32 to vector<16xi32>
        %add3A_654 = arith.addi %rem3A_89, %add3A_653 : vector<16xi32>
        %add3A_655 = arith.constant 0 : i32
        %add3A_656 = vector.broadcast %add3A_655 : i32 to vector<16xi32>
        %add3A_657 = arith.addi %rem3A_95, %add3A_656 : vector<16xi32>
        %add3A_658 = arith.constant 0 : i32
        %add3A_659 = vector.broadcast %add3A_658 : i32 to vector<16xi32>
        %add3A_660 = arith.addi %rem3A_101, %add3A_659 : vector<16xi32>
        %add3A_661 = arith.constant 0 : i32
        %add3A_662 = vector.broadcast %add3A_661 : i32 to vector<16xi32>
        %add3A_663 = arith.addi %rem3A_107, %add3A_662 : vector<16xi32>
        %add3A_664 = arith.constant 0 : i32
        %add3A_665 = vector.broadcast %add3A_664 : i32 to vector<16xi32>
        %add3A_666 = arith.addi %rem3A_113, %add3A_665 : vector<16xi32>
        %add3A_667 = arith.constant 0 : i32
        %add3A_668 = vector.broadcast %add3A_667 : i32 to vector<16xi32>
        %add3A_669 = arith.addi %rem3A_119, %add3A_668 : vector<16xi32>
        %add3A_670 = arith.addi %mul3A_605, %add3A_648 : vector<16xi32>
        %gather3A_671 = tpu.vector_load_idx %arg9[%add3A_589, %add3A_670] : memref<128x128xf32, #tpu.memory_space<vmem>>[vector<16xi32>, vector<16xi32>], vector<16xf32>,
        %add3A_672 = arith.addi %mul3A_605, %add3A_651 : vector<16xi32>
        %gather3A_673 = tpu.vector_load_idx %arg9[%add3A_589, %add3A_672] : memref<128x128xf32, #tpu.memory_space<vmem>>[vector<16xi32>, vector<16xi32>], vector<16xf32>,
        %add3A_674 = arith.addi %mul3A_605, %add3A_654 : vector<16xi32>
        %gather3A_675 = tpu.vector_load_idx %arg9[%add3A_589, %add3A_674] : memref<128x128xf32, #tpu.memory_space<vmem>>[vector<16xi32>, vector<16xi32>], vector<16xf32>,
        %add3A_676 = arith.addi %mul3A_605, %add3A_657 : vector<16xi32>
        %gather3A_677 = tpu.vector_load_idx %arg9[%add3A_589, %add3A_676] : memref<128x128xf32, #tpu.memory_space<vmem>>[vector<16xi32>, vector<16xi32>], vector<16xf32>,
        %add3A_678 = arith.addi %mul3A_605, %add3A_660 : vector<16xi32>
        %gather3A_679 = tpu.vector_load_idx %arg9[%add3A_589, %add3A_678] : memref<128x128xf32, #tpu.memory_space<vmem>>[vector<16xi32>, vector<16xi32>], vector<16xf32>,
        %add3A_680 = arith.addi %mul3A_605, %add3A_663 : vector<16xi32>
        %gather3A_681 = tpu.vector_load_idx %arg9[%add3A_589, %add3A_680] : memref<128x128xf32, #tpu.memory_space<vmem>>[vector<16xi32>, vector<16xi32>], vector<16xf32>,
        %add3A_682 = arith.addi %mul3A_605, %add3A_666 : vector<16xi32>
        %gather3A_683 = tpu.vector_load_idx %arg9[%add3A_589, %add3A_682] : memref<128x128xf32, #tpu.memory_space<vmem>>[vector<16xi32>, vector<16xi32>], vector<16xf32>,
        %add3A_684 = arith.addi %mul3A_605, %add3A_669 : vector<16xi32>
        %gather3A_685 = tpu.vector_load_idx %arg9[%add3A_589, %add3A_684] : memref<128x128xf32, #tpu.memory_space<vmem>>[vector<16xi32>, vector<16xi32>], vector<16xf32>,
        tpu.vector_store_idx %arg11[%add3A_648, %add3A_589], %gather3A_671 : memref<32x128xf32, #tpu.memory_space<vmem>>[vector<16xi32>, vector<16xi32>], vector<16xf32>,
        tpu.vector_store_idx %arg11[%add3A_651, %add3A_589], %gather3A_673 : memref<32x128xf32, #tpu.memory_space<vmem>>[vector<16xi32>, vector<16xi32>], vector<16xf32>,
        tpu.vector_store_idx %arg11[%add3A_654, %add3A_589], %gather3A_675 : memref<32x128xf32, #tpu.memory_space<vmem>>[vector<16xi32>, vector<16xi32>], vector<16xf32>,
        tpu.vector_store_idx %arg11[%add3A_657, %add3A_589], %gather3A_677 : memref<32x128xf32, #tpu.memory_space<vmem>>[vector<16xi32>, vector<16xi32>], vector<16xf32>,
        tpu.vector_store_idx %arg11[%add3A_660, %add3A_589], %gather3A_679 : memref<32x128xf32, #tpu.memory_space<vmem>>[vector<16xi32>, vector<16xi32>], vector<16xf32>,
        tpu.vector_store_idx %arg11[%add3A_663, %add3A_589], %gather3A_681 : memref<32x128xf32, #tpu.memory_space<vmem>>[vector<16xi32>, vector<16xi32>], vector<16xf32>,
        tpu.vector_store_idx %arg11[%add3A_666, %add3A_589], %gather3A_683 : memref<32x128xf32, #tpu.memory_space<vmem>>[vector<16xi32>, vector<16xi32>], vector<16xf32>,
        tpu.vector_store_idx %arg11[%add3A_669, %add3A_589], %gather3A_685 : memref<32x128xf32, #tpu.memory_space<vmem>>[vector<16xi32>, vector<16xi32>], vector<16xf32>,
        %add3A_686 = arith.constant 16 : i32
        %add3A_687 = vector.broadcast %add3A_686 : i32 to vector<16xi32>
        %add3A_688 = arith.addi %rem3A_29, %add3A_687 : vector<16xi32>
        %add3A_689 = arith.constant 16 : i32
        %add3A_690 = vector.broadcast %add3A_689 : i32 to vector<16xi32>
        %add3A_691 = arith.addi %rem3A_35, %add3A_690 : vector<16xi32>
        %add3A_692 = arith.constant 16 : i32
        %add3A_693 = vector.broadcast %add3A_692 : i32 to vector<16xi32>
        %add3A_694 = arith.addi %rem3A_41, %add3A_693 : vector<16xi32>
        %add3A_695 = arith.constant 16 : i32
        %add3A_696 = vector.broadcast %add3A_695 : i32 to vector<16xi32>
        %add3A_697 = arith.addi %rem3A_47, %add3A_696 : vector<16xi32>
        %add3A_698 = arith.constant 16 : i32
        %add3A_699 = vector.broadcast %add3A_698 : i32 to vector<16xi32>
        %add3A_700 = arith.addi %rem3A_53, %add3A_699 : vector<16xi32>
        %add3A_701 = arith.constant 16 : i32
        %add3A_702 = vector.broadcast %add3A_701 : i32 to vector<16xi32>
        %add3A_703 = arith.addi %rem3A_59, %add3A_702 : vector<16xi32>
        %add3A_704 = arith.constant 16 : i32
        %add3A_705 = vector.broadcast %add3A_704 : i32 to vector<16xi32>
        %add3A_706 = arith.addi %rem3A_65, %add3A_705 : vector<16xi32>
        %add3A_707 = arith.constant 16 : i32
        %add3A_708 = vector.broadcast %add3A_707 : i32 to vector<16xi32>
        %add3A_709 = arith.addi %rem3A_71, %add3A_708 : vector<16xi32>
        %add3A_710 = arith.addi %mul3A_605, %add3A_688 : vector<16xi32>
        %gather3A_711 = tpu.vector_load_idx %arg9[%add3A_589, %add3A_710] : memref<128x128xf32, #tpu.memory_space<vmem>>[vector<16xi32>, vector<16xi32>], vector<16xf32>,
        %add3A_712 = arith.addi %mul3A_605, %add3A_691 : vector<16xi32>
        %gather3A_713 = tpu.vector_load_idx %arg9[%add3A_589, %add3A_712] : memref<128x128xf32, #tpu.memory_space<vmem>>[vector<16xi32>, vector<16xi32>], vector<16xf32>,
        %add3A_714 = arith.addi %mul3A_605, %add3A_694 : vector<16xi32>
        %gather3A_715 = tpu.vector_load_idx %arg9[%add3A_589, %add3A_714] : memref<128x128xf32, #tpu.memory_space<vmem>>[vector<16xi32>, vector<16xi32>], vector<16xf32>,
        %add3A_716 = arith.addi %mul3A_605, %add3A_697 : vector<16xi32>
        %gather3A_717 = tpu.vector_load_idx %arg9[%add3A_589, %add3A_716] : memref<128x128xf32, #tpu.memory_space<vmem>>[vector<16xi32>, vector<16xi32>], vector<16xf32>,
        %add3A_718 = arith.addi %mul3A_605, %add3A_700 : vector<16xi32>
        %gather3A_719 = tpu.vector_load_idx %arg9[%add3A_589, %add3A_718] : memref<128x128xf32, #tpu.memory_space<vmem>>[vector<16xi32>, vector<16xi32>], vector<16xf32>,
        %add3A_720 = arith.addi %mul3A_605, %add3A_703 : vector<16xi32>
        %gather3A_721 = tpu.vector_load_idx %arg9[%add3A_589, %add3A_720] : memref<128x128xf32, #tpu.memory_space<vmem>>[vector<16xi32>, vector<16xi32>], vector<16xf32>,
        %add3A_722 = arith.addi %mul3A_605, %add3A_706 : vector<16xi32>
        %gather3A_723 = tpu.vector_load_idx %arg9[%add3A_589, %add3A_722] : memref<128x128xf32, #tpu.memory_space<vmem>>[vector<16xi32>, vector<16xi32>], vector<16xf32>,
        %add3A_724 = arith.addi %mul3A_605, %add3A_709 : vector<16xi32>
        %gather3A_725 = tpu.vector_load_idx %arg9[%add3A_589, %add3A_724] : memref<128x128xf32, #tpu.memory_space<vmem>>[vector<16xi32>, vector<16xi32>], vector<16xf32>,
        tpu.vector_store_idx %arg11[%add3A_688, %add3A_589], %gather3A_711 : memref<32x128xf32, #tpu.memory_space<vmem>>[vector<16xi32>, vector<16xi32>], vector<16xf32>,
        tpu.vector_store_idx %arg11[%add3A_691, %add3A_589], %gather3A_713 : memref<32x128xf32, #tpu.memory_space<vmem>>[vector<16xi32>, vector<16xi32>], vector<16xf32>,
        tpu.vector_store_idx %arg11[%add3A_694, %add3A_589], %gather3A_715 : memref<32x128xf32, #tpu.memory_space<vmem>>[vector<16xi32>, vector<16xi32>], vector<16xf32>,
        tpu.vector_store_idx %arg11[%add3A_697, %add3A_589], %gather3A_717 : memref<32x128xf32, #tpu.memory_space<vmem>>[vector<16xi32>, vector<16xi32>], vector<16xf32>,
        tpu.vector_store_idx %arg11[%add3A_700, %add3A_589], %gather3A_719 : memref<32x128xf32, #tpu.memory_space<vmem>>[vector<16xi32>, vector<16xi32>], vector<16xf32>,
        tpu.vector_store_idx %arg11[%add3A_703, %add3A_589], %gather3A_721 : memref<32x128xf32, #tpu.memory_space<vmem>>[vector<16xi32>, vector<16xi32>], vector<16xf32>,
        tpu.vector_store_idx %arg11[%add3A_706, %add3A_589], %gather3A_723 : memref<32x128xf32, #tpu.memory_space<vmem>>[vector<16xi32>, vector<16xi32>], vector<16xf32>,
        tpu.vector_store_idx %arg11[%add3A_709, %add3A_589], %gather3A_725 : memref<32x128xf32, #tpu.memory_space<vmem>>[vector<16xi32>, vector<16xi32>], vector<16xf32>,
        %add3A_726 = arith.constant 16 : i32
        %add3A_727 = vector.broadcast %add3A_726 : i32 to vector<16xi32>
        %add3A_728 = arith.addi %rem3A_77, %add3A_727 : vector<16xi32>
        %add3A_729 = arith.constant 16 : i32
        %add3A_730 = vector.broadcast %add3A_729 : i32 to vector<16xi32>
        %add3A_731 = arith.addi %rem3A_83, %add3A_730 : vector<16xi32>
        %add3A_732 = arith.constant 16 : i32
        %add3A_733 = vector.broadcast %add3A_732 : i32 to vector<16xi32>
        %add3A_734 = arith.addi %rem3A_89, %add3A_733 : vector<16xi32>
        %add3A_735 = arith.constant 16 : i32
        %add3A_736 = vector.broadcast %add3A_735 : i32 to vector<16xi32>
        %add3A_737 = arith.addi %rem3A_95, %add3A_736 : vector<16xi32>
        %add3A_738 = arith.constant 16 : i32
        %add3A_739 = vector.broadcast %add3A_738 : i32 to vector<16xi32>
        %add3A_740 = arith.addi %rem3A_101, %add3A_739 : vector<16xi32>
        %add3A_741 = arith.constant 16 : i32
        %add3A_742 = vector.broadcast %add3A_741 : i32 to vector<16xi32>
        %add3A_743 = arith.addi %rem3A_107, %add3A_742 : vector<16xi32>
        %add3A_744 = arith.constant 16 : i32
        %add3A_745 = vector.broadcast %add3A_744 : i32 to vector<16xi32>
        %add3A_746 = arith.addi %rem3A_113, %add3A_745 : vector<16xi32>
        %add3A_747 = arith.constant 16 : i32
        %add3A_748 = vector.broadcast %add3A_747 : i32 to vector<16xi32>
        %add3A_749 = arith.addi %rem3A_119, %add3A_748 : vector<16xi32>
        %add3A_750 = arith.addi %mul3A_605, %add3A_728 : vector<16xi32>
        %gather3A_751 = tpu.vector_load_idx %arg9[%add3A_589, %add3A_750] : memref<128x128xf32, #tpu.memory_space<vmem>>[vector<16xi32>, vector<16xi32>], vector<16xf32>,
        %add3A_752 = arith.addi %mul3A_605, %add3A_731 : vector<16xi32>
        %gather3A_753 = tpu.vector_load_idx %arg9[%add3A_589, %add3A_752] : memref<128x128xf32, #tpu.memory_space<vmem>>[vector<16xi32>, vector<16xi32>], vector<16xf32>,
        %add3A_754 = arith.addi %mul3A_605, %add3A_734 : vector<16xi32>
        %gather3A_755 = tpu.vector_load_idx %arg9[%add3A_589, %add3A_754] : memref<128x128xf32, #tpu.memory_space<vmem>>[vector<16xi32>, vector<16xi32>], vector<16xf32>,
        %add3A_756 = arith.addi %mul3A_605, %add3A_737 : vector<16xi32>
        %gather3A_757 = tpu.vector_load_idx %arg9[%add3A_589, %add3A_756] : memref<128x128xf32, #tpu.memory_space<vmem>>[vector<16xi32>, vector<16xi32>], vector<16xf32>,
        %add3A_758 = arith.addi %mul3A_605, %add3A_740 : vector<16xi32>
        %gather3A_759 = tpu.vector_load_idx %arg9[%add3A_589, %add3A_758] : memref<128x128xf32, #tpu.memory_space<vmem>>[vector<16xi32>, vector<16xi32>], vector<16xf32>,
        %add3A_760 = arith.addi %mul3A_605, %add3A_743 : vector<16xi32>
        %gather3A_761 = tpu.vector_load_idx %arg9[%add3A_589, %add3A_760] : memref<128x128xf32, #tpu.memory_space<vmem>>[vector<16xi32>, vector<16xi32>], vector<16xf32>,
        %add3A_762 = arith.addi %mul3A_605, %add3A_746 : vector<16xi32>
        %gather3A_763 = tpu.vector_load_idx %arg9[%add3A_589, %add3A_762] : memref<128x128xf32, #tpu.memory_space<vmem>>[vector<16xi32>, vector<16xi32>], vector<16xf32>,
        %add3A_764 = arith.addi %mul3A_605, %add3A_749 : vector<16xi32>
        %gather3A_765 = tpu.vector_load_idx %arg9[%add3A_589, %add3A_764] : memref<128x128xf32, #tpu.memory_space<vmem>>[vector<16xi32>, vector<16xi32>], vector<16xf32>,
        tpu.vector_store_idx %arg11[%add3A_728, %add3A_589], %gather3A_751 : memref<32x128xf32, #tpu.memory_space<vmem>>[vector<16xi32>, vector<16xi32>], vector<16xf32>,
        tpu.vector_store_idx %arg11[%add3A_731, %add3A_589], %gather3A_753 : memref<32x128xf32, #tpu.memory_space<vmem>>[vector<16xi32>, vector<16xi32>], vector<16xf32>,
        tpu.vector_store_idx %arg11[%add3A_734, %add3A_589], %gather3A_755 : memref<32x128xf32, #tpu.memory_space<vmem>>[vector<16xi32>, vector<16xi32>], vector<16xf32>,
        tpu.vector_store_idx %arg11[%add3A_737, %add3A_589], %gather3A_757 : memref<32x128xf32, #tpu.memory_space<vmem>>[vector<16xi32>, vector<16xi32>], vector<16xf32>,
        tpu.vector_store_idx %arg11[%add3A_740, %add3A_589], %gather3A_759 : memref<32x128xf32, #tpu.memory_space<vmem>>[vector<16xi32>, vector<16xi32>], vector<16xf32>,
        tpu.vector_store_idx %arg11[%add3A_743, %add3A_589], %gather3A_761 : memref<32x128xf32, #tpu.memory_space<vmem>>[vector<16xi32>, vector<16xi32>], vector<16xf32>,
        tpu.vector_store_idx %arg11[%add3A_746, %add3A_589], %gather3A_763 : memref<32x128xf32, #tpu.memory_space<vmem>>[vector<16xi32>, vector<16xi32>], vector<16xf32>,
        tpu.vector_store_idx %arg11[%add3A_749, %add3A_589], %gather3A_765 : memref<32x128xf32, #tpu.memory_space<vmem>>[vector<16xi32>, vector<16xi32>], vector<16xf32>,
      }
      %scan3A_384 = arith.constant 4 : i32
      %mul3A_385 = arith.constant 512 : i32
      %mul3A_386 = arith.muli %add3A, %mul3A_385 : i32
      %mul3A_387 = arith.constant 128 : i32
      %mul3A_388 = arith.muli %select_n3A_378, %mul3A_387 : i32
      %add3A_389 = arith.addi %mul3A_386, %mul3A_388 : i32
      %multiple_of3A_390 = tpu.assume_multiple %add3A_389, 128 : i32
      %dma_start3A_391 = arith.constant 0 : i32
      %dma_start3A_392 = tpu.memref_slice %arg4[%select_n3A_362, %dma_start3A_391, %multiple_of3A_390] : memref<50x32x16384xf32, #tpu.memory_space<hbm>> -> memref<1x32x128xf32, #tpu.memory_space<hbm>>
      %dma_start3A_393 = tpu.memref_squeeze %dma_start3A_392 : memref<1x32x128xf32, #tpu.memory_space<hbm>> -> memref<32x128xf32, #tpu.memory_space<hbm>>
      %dma_start3A_394 = arith.constant 0 : i32
      %dma_start3A_395 = tpu.memref_slice %arg4[%select_n3A_362, %dma_start3A_394, %multiple_of3A_390] : memref<50x32x16384xf32, #tpu.memory_space<hbm>> -> memref<1x32x128xf32, #tpu.memory_space<hbm>>
      %dma_start3A_396 = tpu.memref_squeeze %dma_start3A_395 : memref<1x32x128xf32, #tpu.memory_space<hbm>> -> memref<32x128xf32, #tpu.memory_space<hbm>>
      tpu.enqueue_dma source(%arg11 : memref<32x128xf32, #tpu.memory_space<vmem>>) target(%dma_start3A_396 : memref<32x128xf32, #tpu.memory_space<hbm>>) target_semaphore(%arg15 : memref<!tpu.dma_semaphore, #tpu.memory_space<semaphore_mem>>)
    }
    %scan3A_230 = arith.constant 100 : i32
    %dma_wait3A = arith.constant 0 : i32
    %dma_wait3A_231 = arith.constant 0 : i32
    %dma_wait3A_232 = arith.constant 0 : i32
    %dma_wait3A_233 = tpu.memref_slice %arg4[%dma_wait3A, %dma_wait3A_231, %dma_wait3A_232] : memref<50x32x16384xf32, #tpu.memory_space<hbm>> -> memref<1x32x128xf32, #tpu.memory_space<hbm>>
    %dma_wait3A_234 = tpu.memref_squeeze %dma_wait3A_233 : memref<1x32x128xf32, #tpu.memory_space<hbm>> -> memref<32x128xf32, #tpu.memory_space<hbm>>
    %dma_wait3A_235 = arith.constant 0 : i32
    %dma_wait3A_236 = arith.constant 0 : i32
    %dma_wait3A_237 = tpu.memref_slice %arg4[%dma_wait3A, %dma_wait3A_235, %dma_wait3A_236] : memref<50x32x16384xf32, #tpu.memory_space<hbm>> -> memref<1x32x128xf32, #tpu.memory_space<hbm>>
    %dma_wait3A_238 = tpu.memref_squeeze %dma_wait3A_237 : memref<1x32x128xf32, #tpu.memory_space<hbm>> -> memref<32x128xf32, #tpu.memory_space<hbm>>
    tpu.wait_dma2 semaphore(%arg14 : memref<!tpu.dma_semaphore, #tpu.memory_space<semaphore_mem>>) src(%arg10 : memref<32x128xf32, #tpu.memory_space<vmem>>) dst(%dma_wait3A_238 : memref<32x128xf32, #tpu.memory_space<hbm>>)
    %dma_wait3A_239 = arith.constant 0 : i32
    %dma_wait3A_240 = arith.constant 0 : i32
    %dma_wait3A_241 = arith.constant 0 : i32
    %dma_wait3A_242 = tpu.memref_slice %arg4[%dma_wait3A_239, %dma_wait3A_240, %dma_wait3A_241] : memref<50x32x16384xf32, #tpu.memory_space<hbm>> -> memref<1x32x128xf32, #tpu.memory_space<hbm>>
    %dma_wait3A_243 = tpu.memref_squeeze %dma_wait3A_242 : memref<1x32x128xf32, #tpu.memory_space<hbm>> -> memref<32x128xf32, #tpu.memory_space<hbm>>
    %dma_wait3A_244 = arith.constant 0 : i32
    %dma_wait3A_245 = arith.constant 0 : i32
    %dma_wait3A_246 = tpu.memref_slice %arg4[%dma_wait3A_239, %dma_wait3A_244, %dma_wait3A_245] : memref<50x32x16384xf32, #tpu.memory_space<hbm>> -> memref<1x32x128xf32, #tpu.memory_space<hbm>>
    %dma_wait3A_247 = tpu.memref_squeeze %dma_wait3A_246 : memref<1x32x128xf32, #tpu.memory_space<hbm>> -> memref<32x128xf32, #tpu.memory_space<hbm>>
    tpu.wait_dma2 semaphore(%arg15 : memref<!tpu.dma_semaphore, #tpu.memory_space<semaphore_mem>>) src(%arg11 : memref<32x128xf32, #tpu.memory_space<vmem>>) dst(%dma_wait3A_247 : memref<32x128xf32, #tpu.memory_space<hbm>>)
    return
  }
}

#map = affine_map<(d0, d1) -> (0, 0)>
module attributes {stable_mosaic.version = 14 : i64} {
  func.func @k(%arg0: i32, %arg1: i32, %arg2: memref<32x1000000xf32, #tpu.memory_space<hbm>>, %arg3: memref<16x128xf32, #tpu.memory_space<hbm>>, %arg4: memref<250000x128xf32, #tpu.memory_space<hbm>>, %arg5: memref<32x512xf32, #tpu.memory_space<vmem>>, %arg6: memref<32x512xf32, #tpu.memory_space<vmem>>, %arg7: memref<128x128xf32, #tpu.memory_space<vmem>>, %arg8: memref<128x128xf32, #tpu.memory_space<vmem>>, %arg9: memref<!tpu.dma_semaphore, #tpu.memory_space<semaphore_mem>>, %arg10: memref<!tpu.dma_semaphore, #tpu.memory_space<semaphore_mem>>, %arg11: memref<!tpu.dma_semaphore, #tpu.memory_space<semaphore_mem>>, %arg12: memref<!tpu.dma_semaphore, #tpu.memory_space<semaphore_mem>>) attributes {dimension_semantics = [#tpu.dimension_semantics<core_parallel>, #tpu.dimension_semantics<subcore_parallel>], iteration_bounds = array<i64: 2, 16>, scalar_prefetch = 0 : i64, scratch_operands = 8 : i64, tpu.core_type = #tpu.core_type<sc_vector_subcore>, window_params = [{transform_indices = #map}, {transform_indices = #map}, {transform_indices = #map}]} {
    %mul3A = arith.constant 2 : i32
    %mul3A_0 = arith.muli %arg1, %mul3A : i32
    %add3A = arith.addi %mul3A_0, %arg0 : i32
    %iota3A = tpu.iota {dimensions = array<i32: 0>} : vector<16xi32>
    %add3A_1 = arith.constant 0 : i32
    %add3A_2 = vector.broadcast %add3A_1 : i32 to vector<16xi32>
    %add3A_3 = arith.addi %iota3A, %add3A_2 : vector<16xi32>
    %rem3A = arith.constant 16 : i32
    %rem3A_4 = vector.broadcast %rem3A : i32 to vector<16xi32>
    %rem3A_5 = arith.remsi %add3A_3, %rem3A_4 : vector<16xi32>
    %add3A_6 = arith.constant 1 : i32
    %add3A_7 = vector.broadcast %add3A_6 : i32 to vector<16xi32>
    %add3A_8 = arith.addi %iota3A, %add3A_7 : vector<16xi32>
    %rem3A_9 = arith.constant 16 : i32
    %rem3A_10 = vector.broadcast %rem3A_9 : i32 to vector<16xi32>
    %rem3A_11 = arith.remsi %add3A_8, %rem3A_10 : vector<16xi32>
    %add3A_12 = arith.constant 2 : i32
    %add3A_13 = vector.broadcast %add3A_12 : i32 to vector<16xi32>
    %add3A_14 = arith.addi %iota3A, %add3A_13 : vector<16xi32>
    %rem3A_15 = arith.constant 16 : i32
    %rem3A_16 = vector.broadcast %rem3A_15 : i32 to vector<16xi32>
    %rem3A_17 = arith.remsi %add3A_14, %rem3A_16 : vector<16xi32>
    %add3A_18 = arith.constant 3 : i32
    %add3A_19 = vector.broadcast %add3A_18 : i32 to vector<16xi32>
    %add3A_20 = arith.addi %iota3A, %add3A_19 : vector<16xi32>
    %rem3A_21 = arith.constant 16 : i32
    %rem3A_22 = vector.broadcast %rem3A_21 : i32 to vector<16xi32>
    %rem3A_23 = arith.remsi %add3A_20, %rem3A_22 : vector<16xi32>
    %add3A_24 = arith.constant 4 : i32
    %add3A_25 = vector.broadcast %add3A_24 : i32 to vector<16xi32>
    %add3A_26 = arith.addi %iota3A, %add3A_25 : vector<16xi32>
    %rem3A_27 = arith.constant 16 : i32
    %rem3A_28 = vector.broadcast %rem3A_27 : i32 to vector<16xi32>
    %rem3A_29 = arith.remsi %add3A_26, %rem3A_28 : vector<16xi32>
    %add3A_30 = arith.constant 5 : i32
    %add3A_31 = vector.broadcast %add3A_30 : i32 to vector<16xi32>
    %add3A_32 = arith.addi %iota3A, %add3A_31 : vector<16xi32>
    %rem3A_33 = arith.constant 16 : i32
    %rem3A_34 = vector.broadcast %rem3A_33 : i32 to vector<16xi32>
    %rem3A_35 = arith.remsi %add3A_32, %rem3A_34 : vector<16xi32>
    %add3A_36 = arith.constant 6 : i32
    %add3A_37 = vector.broadcast %add3A_36 : i32 to vector<16xi32>
    %add3A_38 = arith.addi %iota3A, %add3A_37 : vector<16xi32>
    %rem3A_39 = arith.constant 16 : i32
    %rem3A_40 = vector.broadcast %rem3A_39 : i32 to vector<16xi32>
    %rem3A_41 = arith.remsi %add3A_38, %rem3A_40 : vector<16xi32>
    %add3A_42 = arith.constant 7 : i32
    %add3A_43 = vector.broadcast %add3A_42 : i32 to vector<16xi32>
    %add3A_44 = arith.addi %iota3A, %add3A_43 : vector<16xi32>
    %rem3A_45 = arith.constant 16 : i32
    %rem3A_46 = vector.broadcast %rem3A_45 : i32 to vector<16xi32>
    %rem3A_47 = arith.remsi %add3A_44, %rem3A_46 : vector<16xi32>
    %add3A_48 = arith.constant 8 : i32
    %add3A_49 = vector.broadcast %add3A_48 : i32 to vector<16xi32>
    %add3A_50 = arith.addi %iota3A, %add3A_49 : vector<16xi32>
    %rem3A_51 = arith.constant 16 : i32
    %rem3A_52 = vector.broadcast %rem3A_51 : i32 to vector<16xi32>
    %rem3A_53 = arith.remsi %add3A_50, %rem3A_52 : vector<16xi32>
    %add3A_54 = arith.constant 9 : i32
    %add3A_55 = vector.broadcast %add3A_54 : i32 to vector<16xi32>
    %add3A_56 = arith.addi %iota3A, %add3A_55 : vector<16xi32>
    %rem3A_57 = arith.constant 16 : i32
    %rem3A_58 = vector.broadcast %rem3A_57 : i32 to vector<16xi32>
    %rem3A_59 = arith.remsi %add3A_56, %rem3A_58 : vector<16xi32>
    %add3A_60 = arith.constant 10 : i32
    %add3A_61 = vector.broadcast %add3A_60 : i32 to vector<16xi32>
    %add3A_62 = arith.addi %iota3A, %add3A_61 : vector<16xi32>
    %rem3A_63 = arith.constant 16 : i32
    %rem3A_64 = vector.broadcast %rem3A_63 : i32 to vector<16xi32>
    %rem3A_65 = arith.remsi %add3A_62, %rem3A_64 : vector<16xi32>
    %add3A_66 = arith.constant 11 : i32
    %add3A_67 = vector.broadcast %add3A_66 : i32 to vector<16xi32>
    %add3A_68 = arith.addi %iota3A, %add3A_67 : vector<16xi32>
    %rem3A_69 = arith.constant 16 : i32
    %rem3A_70 = vector.broadcast %rem3A_69 : i32 to vector<16xi32>
    %rem3A_71 = arith.remsi %add3A_68, %rem3A_70 : vector<16xi32>
    %add3A_72 = arith.constant 12 : i32
    %add3A_73 = vector.broadcast %add3A_72 : i32 to vector<16xi32>
    %add3A_74 = arith.addi %iota3A, %add3A_73 : vector<16xi32>
    %rem3A_75 = arith.constant 16 : i32
    %rem3A_76 = vector.broadcast %rem3A_75 : i32 to vector<16xi32>
    %rem3A_77 = arith.remsi %add3A_74, %rem3A_76 : vector<16xi32>
    %add3A_78 = arith.constant 13 : i32
    %add3A_79 = vector.broadcast %add3A_78 : i32 to vector<16xi32>
    %add3A_80 = arith.addi %iota3A, %add3A_79 : vector<16xi32>
    %rem3A_81 = arith.constant 16 : i32
    %rem3A_82 = vector.broadcast %rem3A_81 : i32 to vector<16xi32>
    %rem3A_83 = arith.remsi %add3A_80, %rem3A_82 : vector<16xi32>
    %add3A_84 = arith.constant 14 : i32
    %add3A_85 = vector.broadcast %add3A_84 : i32 to vector<16xi32>
    %add3A_86 = arith.addi %iota3A, %add3A_85 : vector<16xi32>
    %rem3A_87 = arith.constant 16 : i32
    %rem3A_88 = vector.broadcast %rem3A_87 : i32 to vector<16xi32>
    %rem3A_89 = arith.remsi %add3A_86, %rem3A_88 : vector<16xi32>
    %add3A_90 = arith.constant 15 : i32
    %add3A_91 = vector.broadcast %add3A_90 : i32 to vector<16xi32>
    %add3A_92 = arith.addi %iota3A, %add3A_91 : vector<16xi32>
    %rem3A_93 = arith.constant 16 : i32
    %rem3A_94 = vector.broadcast %rem3A_93 : i32 to vector<16xi32>
    %rem3A_95 = arith.remsi %add3A_92, %rem3A_94 : vector<16xi32>
    %add3A_96 = arith.constant 0 : i32
    %add3A_97 = arith.addi %add3A, %add3A_96 : i32
    %mul3A_98 = arith.constant 512 : i32
    %mul3A_99 = arith.muli %add3A_97, %mul3A_98 : i32
    %multiple_of3A = tpu.assume_multiple %mul3A_99, 512 : i32
    %dma_start3A = arith.constant 0 : i32
    %dma_start3A_100 = tpu.memref_slice %arg2[%dma_start3A, %multiple_of3A] : memref<32x1000000xf32, #tpu.memory_space<hbm>> -> memref<32x512xf32, #tpu.memory_space<hbm>>
    %dma_start3A_101 = arith.constant 0 : i32
    %dma_start3A_102 = tpu.memref_slice %arg2[%dma_start3A_101, %multiple_of3A] : memref<32x1000000xf32, #tpu.memory_space<hbm>> -> memref<32x512xf32, #tpu.memory_space<hbm>>
    tpu.enqueue_dma source(%dma_start3A_102 : memref<32x512xf32, #tpu.memory_space<hbm>>) target(%arg5 : memref<32x512xf32, #tpu.memory_space<vmem>>) target_semaphore(%arg9 : memref<!tpu.dma_semaphore, #tpu.memory_space<semaphore_mem>>)
    %scan3A = arith.constant 0 : i32
    %scan3A_103 = arith.constant 0 : i32
    %scan3A_104 = arith.constant 31 : i32
    %scan3A_105 = arith.addi %scan3A_103, %scan3A_104 : i32
    %scan3A_106 = arith.constant 1 : i32
    scf.for %scan3A_121 = %scan3A_103 to %scan3A_105 step %scan3A_106  : i32 {
      %mul3A_122 = arith.constant 2 : i32
      %mul3A_123 = arith.muli %mul3A_122, %scan3A_121 : i32
      %add3A_124 = arith.constant 0 : i32
      %add3A_125 = arith.addi %mul3A_123, %add3A_124 : i32
      %mul3A_126 = arith.constant 32 : i32
      %mul3A_127 = arith.muli %mul3A_126, %add3A_125 : i32
      %add3A_128 = arith.addi %add3A, %mul3A_127 : i32
      %lt3A = arith.constant 1953 : i32
      %lt3A_129 = arith.cmpi slt, %add3A_128, %lt3A : i32
      %convert_element_type3A_130 = arith.extui %lt3A_129 : i1 to i32
      %cond3A_131 = arith.constant 0 : i32
      %cond3A_132 = arith.cmpi ne, %convert_element_type3A_130, %cond3A_131 : i32
      scf.if %cond3A_132 {
        %add3A_145 = arith.constant 1 : i32
        %add3A_146 = arith.addi %add3A_125, %add3A_145 : i32
        %mul3A_147 = arith.constant 32 : i32
        %mul3A_148 = arith.muli %mul3A_147, %add3A_146 : i32
        %add3A_149 = arith.addi %add3A, %mul3A_148 : i32
        %lt3A_150 = arith.constant 1953 : i32
        %lt3A_151 = arith.cmpi slt, %add3A_149, %lt3A_150 : i32
        %convert_element_type3A_152 = arith.extui %lt3A_151 : i1 to i32
        %cond3A_153 = arith.constant 0 : i32
        %cond3A_154 = arith.cmpi ne, %convert_element_type3A_152, %cond3A_153 : i32
        scf.if %cond3A_154 {
          %add3A_181 = arith.constant 1 : i32
          %add3A_182 = arith.addi %add3A_125, %add3A_181 : i32
          %mul3A_183 = arith.constant 32 : i32
          %mul3A_184 = arith.muli %mul3A_183, %add3A_182 : i32
          %add3A_185 = arith.addi %add3A, %mul3A_184 : i32
          %mul3A_186 = arith.constant 512 : i32
          %mul3A_187 = arith.muli %add3A_185, %mul3A_186 : i32
          %multiple_of3A_188 = tpu.assume_multiple %mul3A_187, 512 : i32
          %dma_start3A_189 = arith.constant 0 : i32
          %dma_start3A_190 = tpu.memref_slice %arg2[%dma_start3A_189, %multiple_of3A_188] : memref<32x1000000xf32, #tpu.memory_space<hbm>> -> memref<32x512xf32, #tpu.memory_space<hbm>>
          %dma_start3A_191 = arith.constant 0 : i32
          %dma_start3A_192 = tpu.memref_slice %arg2[%dma_start3A_191, %multiple_of3A_188] : memref<32x1000000xf32, #tpu.memory_space<hbm>> -> memref<32x512xf32, #tpu.memory_space<hbm>>
          tpu.enqueue_dma source(%dma_start3A_192 : memref<32x512xf32, #tpu.memory_space<hbm>>) target(%arg6 : memref<32x512xf32, #tpu.memory_space<vmem>>) target_semaphore(%arg10 : memref<!tpu.dma_semaphore, #tpu.memory_space<semaphore_mem>>)
        } else {
        }
        %dma_wait3A_155 = arith.constant 0 : i32
        %dma_wait3A_156 = arith.constant 0 : i32
        %dma_wait3A_157 = tpu.memref_slice %arg2[%dma_wait3A_155, %dma_wait3A_156] : memref<32x1000000xf32, #tpu.memory_space<hbm>> -> memref<32x512xf32, #tpu.memory_space<hbm>>
        %dma_wait3A_158 = arith.constant 0 : i32
        %dma_wait3A_159 = arith.constant 0 : i32
        %dma_wait3A_160 = tpu.memref_slice %arg2[%dma_wait3A_158, %dma_wait3A_159] : memref<32x1000000xf32, #tpu.memory_space<hbm>> -> memref<32x512xf32, #tpu.memory_space<hbm>>
        tpu.wait_dma2 semaphore(%arg9 : memref<!tpu.dma_semaphore, #tpu.memory_space<semaphore_mem>>) src(%dma_wait3A_160 : memref<32x512xf32, #tpu.memory_space<hbm>>) dst(%arg5 : memref<32x512xf32, #tpu.memory_space<vmem>>)
        %scan3A_161 = arith.constant 0 : i32
        %scan3A_162 = arith.constant 0 : i32
        %scan3A_163 = arith.constant 16 : i32
        %scan3A_164 = arith.addi %scan3A_162, %scan3A_163 : i32
        %scan3A_165 = arith.constant 1 : i32
        scf.for %scan3A_181 = %scan3A_162 to %scan3A_164 step %scan3A_165  : i32 {
          %mul3A_182 = arith.constant 2 : i32
          %mul3A_183 = arith.muli %mul3A_182, %scan3A_181 : i32
          %add3A_184 = arith.constant 0 : i32
          %add3A_185 = arith.addi %mul3A_183, %add3A_184 : i32
          %mul3A_186 = arith.constant 16 : i32
          %mul3A_187 = arith.muli %add3A_185, %mul3A_186 : i32
          %add3A_188 = vector.broadcast %mul3A_187 : i32 to vector<16xi32>
          %add3A_189 = arith.addi %iota3A, %add3A_188 : vector<16xi32>
          %shift_right_logical3A = arith.constant 2 : i32
          %shift_right_logical3A_190 = vector.broadcast %shift_right_logical3A : i32 to vector<16xi32>
          %shift_right_logical3A_191 = arith.shrui %add3A_189, %shift_right_logical3A_190 : vector<16xi32>
          %and3A = arith.constant 3 : i32
          %and3A_192 = vector.broadcast %and3A : i32 to vector<16xi32>
          %and3A_193 = arith.andi %add3A_189, %and3A_192 : vector<16xi32>
          %mul3A_194 = arith.constant 32 : i32
          %mul3A_195 = vector.broadcast %mul3A_194 : i32 to vector<16xi32>
          %mul3A_196 = arith.muli %and3A_193, %mul3A_195 : vector<16xi32>
          %add3A_197 = arith.constant 0 : i32
          %add3A_198 = vector.broadcast %add3A_197 : i32 to vector<16xi32>
          %add3A_199 = arith.addi %rem3A_5, %add3A_198 : vector<16xi32>
          %add3A_200 = arith.constant 0 : i32
          %add3A_201 = vector.broadcast %add3A_200 : i32 to vector<16xi32>
          %add3A_202 = arith.addi %rem3A_11, %add3A_201 : vector<16xi32>
          %add3A_203 = arith.constant 0 : i32
          %add3A_204 = vector.broadcast %add3A_203 : i32 to vector<16xi32>
          %add3A_205 = arith.addi %rem3A_17, %add3A_204 : vector<16xi32>
          %add3A_206 = arith.constant 0 : i32
          %add3A_207 = vector.broadcast %add3A_206 : i32 to vector<16xi32>
          %add3A_208 = arith.addi %rem3A_23, %add3A_207 : vector<16xi32>
          %add3A_209 = arith.constant 0 : i32
          %add3A_210 = vector.broadcast %add3A_209 : i32 to vector<16xi32>
          %add3A_211 = arith.addi %rem3A_29, %add3A_210 : vector<16xi32>
          %add3A_212 = arith.constant 0 : i32
          %add3A_213 = vector.broadcast %add3A_212 : i32 to vector<16xi32>
          %add3A_214 = arith.addi %rem3A_35, %add3A_213 : vector<16xi32>
          %add3A_215 = arith.constant 0 : i32
          %add3A_216 = vector.broadcast %add3A_215 : i32 to vector<16xi32>
          %add3A_217 = arith.addi %rem3A_41, %add3A_216 : vector<16xi32>
          %add3A_218 = arith.constant 0 : i32
          %add3A_219 = vector.broadcast %add3A_218 : i32 to vector<16xi32>
          %add3A_220 = arith.addi %rem3A_47, %add3A_219 : vector<16xi32>
          %gather3A = tpu.vector_load_idx %arg5[%add3A_199, %add3A_189] : memref<32x512xf32, #tpu.memory_space<vmem>>[vector<16xi32>, vector<16xi32>], vector<16xf32>,
          %gather3A_221 = tpu.vector_load_idx %arg5[%add3A_202, %add3A_189] : memref<32x512xf32, #tpu.memory_space<vmem>>[vector<16xi32>, vector<16xi32>], vector<16xf32>,
          %gather3A_222 = tpu.vector_load_idx %arg5[%add3A_205, %add3A_189] : memref<32x512xf32, #tpu.memory_space<vmem>>[vector<16xi32>, vector<16xi32>], vector<16xf32>,
          %gather3A_223 = tpu.vector_load_idx %arg5[%add3A_208, %add3A_189] : memref<32x512xf32, #tpu.memory_space<vmem>>[vector<16xi32>, vector<16xi32>], vector<16xf32>,
          %gather3A_224 = tpu.vector_load_idx %arg5[%add3A_211, %add3A_189] : memref<32x512xf32, #tpu.memory_space<vmem>>[vector<16xi32>, vector<16xi32>], vector<16xf32>,
          %gather3A_225 = tpu.vector_load_idx %arg5[%add3A_214, %add3A_189] : memref<32x512xf32, #tpu.memory_space<vmem>>[vector<16xi32>, vector<16xi32>], vector<16xf32>,
          %gather3A_226 = tpu.vector_load_idx %arg5[%add3A_217, %add3A_189] : memref<32x512xf32, #tpu.memory_space<vmem>>[vector<16xi32>, vector<16xi32>], vector<16xf32>,
          %gather3A_227 = tpu.vector_load_idx %arg5[%add3A_220, %add3A_189] : memref<32x512xf32, #tpu.memory_space<vmem>>[vector<16xi32>, vector<16xi32>], vector<16xf32>,
          %add3A_228 = arith.addi %mul3A_196, %add3A_199 : vector<16xi32>
          tpu.vector_store_idx %arg7[%shift_right_logical3A_191, %add3A_228], %gather3A : memref<128x128xf32, #tpu.memory_space<vmem>>[vector<16xi32>, vector<16xi32>], vector<16xf32>,
          %add3A_229 = arith.addi %mul3A_196, %add3A_202 : vector<16xi32>
          tpu.vector_store_idx %arg7[%shift_right_logical3A_191, %add3A_229], %gather3A_221 : memref<128x128xf32, #tpu.memory_space<vmem>>[vector<16xi32>, vector<16xi32>], vector<16xf32>,
          %add3A_230 = arith.addi %mul3A_196, %add3A_205 : vector<16xi32>
          tpu.vector_store_idx %arg7[%shift_right_logical3A_191, %add3A_230], %gather3A_222 : memref<128x128xf32, #tpu.memory_space<vmem>>[vector<16xi32>, vector<16xi32>], vector<16xf32>,
          %add3A_231 = arith.addi %mul3A_196, %add3A_208 : vector<16xi32>
          tpu.vector_store_idx %arg7[%shift_right_logical3A_191, %add3A_231], %gather3A_223 : memref<128x128xf32, #tpu.memory_space<vmem>>[vector<16xi32>, vector<16xi32>], vector<16xf32>,
          %add3A_232 = arith.addi %mul3A_196, %add3A_211 : vector<16xi32>
          tpu.vector_store_idx %arg7[%shift_right_logical3A_191, %add3A_232], %gather3A_224 : memref<128x128xf32, #tpu.memory_space<vmem>>[vector<16xi32>, vector<16xi32>], vector<16xf32>,
          %add3A_233 = arith.addi %mul3A_196, %add3A_214 : vector<16xi32>
          tpu.vector_store_idx %arg7[%shift_right_logical3A_191, %add3A_233], %gather3A_225 : memref<128x128xf32, #tpu.memory_space<vmem>>[vector<16xi32>, vector<16xi32>], vector<16xf32>,
          %add3A_234 = arith.addi %mul3A_196, %add3A_217 : vector<16xi32>
          tpu.vector_store_idx %arg7[%shift_right_logical3A_191, %add3A_234], %gather3A_226 : memref<128x128xf32, #tpu.memory_space<vmem>>[vector<16xi32>, vector<16xi32>], vector<16xf32>,
          %add3A_235 = arith.addi %mul3A_196, %add3A_220 : vector<16xi32>
          tpu.vector_store_idx %arg7[%shift_right_logical3A_191, %add3A_235], %gather3A_227 : memref<128x128xf32, #tpu.memory_space<vmem>>[vector<16xi32>, vector<16xi32>], vector<16xf32>,
          %add3A_236 = arith.constant 0 : i32
          %add3A_237 = vector.broadcast %add3A_236 : i32 to vector<16xi32>
          %add3A_238 = arith.addi %rem3A_53, %add3A_237 : vector<16xi32>
          %add3A_239 = arith.constant 0 : i32
          %add3A_240 = vector.broadcast %add3A_239 : i32 to vector<16xi32>
          %add3A_241 = arith.addi %rem3A_59, %add3A_240 : vector<16xi32>
          %add3A_242 = arith.constant 0 : i32
          %add3A_243 = vector.broadcast %add3A_242 : i32 to vector<16xi32>
          %add3A_244 = arith.addi %rem3A_65, %add3A_243 : vector<16xi32>
          %add3A_245 = arith.constant 0 : i32
          %add3A_246 = vector.broadcast %add3A_245 : i32 to vector<16xi32>
          %add3A_247 = arith.addi %rem3A_71, %add3A_246 : vector<16xi32>
          %add3A_248 = arith.constant 0 : i32
          %add3A_249 = vector.broadcast %add3A_248 : i32 to vector<16xi32>
          %add3A_250 = arith.addi %rem3A_77, %add3A_249 : vector<16xi32>
          %add3A_251 = arith.constant 0 : i32
          %add3A_252 = vector.broadcast %add3A_251 : i32 to vector<16xi32>
          %add3A_253 = arith.addi %rem3A_83, %add3A_252 : vector<16xi32>
          %add3A_254 = arith.constant 0 : i32
          %add3A_255 = vector.broadcast %add3A_254 : i32 to vector<16xi32>
          %add3A_256 = arith.addi %rem3A_89, %add3A_255 : vector<16xi32>
          %add3A_257 = arith.constant 0 : i32
          %add3A_258 = vector.broadcast %add3A_257 : i32 to vector<16xi32>
          %add3A_259 = arith.addi %rem3A_95, %add3A_258 : vector<16xi32>
          %gather3A_260 = tpu.vector_load_idx %arg5[%add3A_238, %add3A_189] : memref<32x512xf32, #tpu.memory_space<vmem>>[vector<16xi32>, vector<16xi32>], vector<16xf32>,
          %gather3A_261 = tpu.vector_load_idx %arg5[%add3A_241, %add3A_189] : memref<32x512xf32, #tpu.memory_space<vmem>>[vector<16xi32>, vector<16xi32>], vector<16xf32>,
          %gather3A_262 = tpu.vector_load_idx %arg5[%add3A_244, %add3A_189] : memref<32x512xf32, #tpu.memory_space<vmem>>[vector<16xi32>, vector<16xi32>], vector<16xf32>,
          %gather3A_263 = tpu.vector_load_idx %arg5[%add3A_247, %add3A_189] : memref<32x512xf32, #tpu.memory_space<vmem>>[vector<16xi32>, vector<16xi32>], vector<16xf32>,
          %gather3A_264 = tpu.vector_load_idx %arg5[%add3A_250, %add3A_189] : memref<32x512xf32, #tpu.memory_space<vmem>>[vector<16xi32>, vector<16xi32>], vector<16xf32>,
          %gather3A_265 = tpu.vector_load_idx %arg5[%add3A_253, %add3A_189] : memref<32x512xf32, #tpu.memory_space<vmem>>[vector<16xi32>, vector<16xi32>], vector<16xf32>,
          %gather3A_266 = tpu.vector_load_idx %arg5[%add3A_256, %add3A_189] : memref<32x512xf32, #tpu.memory_space<vmem>>[vector<16xi32>, vector<16xi32>], vector<16xf32>,
          %gather3A_267 = tpu.vector_load_idx %arg5[%add3A_259, %add3A_189] : memref<32x512xf32, #tpu.memory_space<vmem>>[vector<16xi32>, vector<16xi32>], vector<16xf32>,
          %add3A_268 = arith.addi %mul3A_196, %add3A_238 : vector<16xi32>
          tpu.vector_store_idx %arg7[%shift_right_logical3A_191, %add3A_268], %gather3A_260 : memref<128x128xf32, #tpu.memory_space<vmem>>[vector<16xi32>, vector<16xi32>], vector<16xf32>,
          %add3A_269 = arith.addi %mul3A_196, %add3A_241 : vector<16xi32>
          tpu.vector_store_idx %arg7[%shift_right_logical3A_191, %add3A_269], %gather3A_261 : memref<128x128xf32, #tpu.memory_space<vmem>>[vector<16xi32>, vector<16xi32>], vector<16xf32>,
          %add3A_270 = arith.addi %mul3A_196, %add3A_244 : vector<16xi32>
          tpu.vector_store_idx %arg7[%shift_right_logical3A_191, %add3A_270], %gather3A_262 : memref<128x128xf32, #tpu.memory_space<vmem>>[vector<16xi32>, vector<16xi32>], vector<16xf32>,
          %add3A_271 = arith.addi %mul3A_196, %add3A_247 : vector<16xi32>
          tpu.vector_store_idx %arg7[%shift_right_logical3A_191, %add3A_271], %gather3A_263 : memref<128x128xf32, #tpu.memory_space<vmem>>[vector<16xi32>, vector<16xi32>], vector<16xf32>,
          %add3A_272 = arith.addi %mul3A_196, %add3A_250 : vector<16xi32>
          tpu.vector_store_idx %arg7[%shift_right_logical3A_191, %add3A_272], %gather3A_264 : memref<128x128xf32, #tpu.memory_space<vmem>>[vector<16xi32>, vector<16xi32>], vector<16xf32>,
          %add3A_273 = arith.addi %mul3A_196, %add3A_253 : vector<16xi32>
          tpu.vector_store_idx %arg7[%shift_right_logical3A_191, %add3A_273], %gather3A_265 : memref<128x128xf32, #tpu.memory_space<vmem>>[vector<16xi32>, vector<16xi32>], vector<16xf32>,
          %add3A_274 = arith.addi %mul3A_196, %add3A_256 : vector<16xi32>
          tpu.vector_store_idx %arg7[%shift_right_logical3A_191, %add3A_274], %gather3A_266 : memref<128x128xf32, #tpu.memory_space<vmem>>[vector<16xi32>, vector<16xi32>], vector<16xf32>,
          %add3A_275 = arith.addi %mul3A_196, %add3A_259 : vector<16xi32>
          tpu.vector_store_idx %arg7[%shift_right_logical3A_191, %add3A_275], %gather3A_267 : memref<128x128xf32, #tpu.memory_space<vmem>>[vector<16xi32>, vector<16xi32>], vector<16xf32>,
          %add3A_276 = arith.constant 16 : i32
          %add3A_277 = vector.broadcast %add3A_276 : i32 to vector<16xi32>
          %add3A_278 = arith.addi %rem3A_5, %add3A_277 : vector<16xi32>
          %add3A_279 = arith.constant 16 : i32
          %add3A_280 = vector.broadcast %add3A_279 : i32 to vector<16xi32>
          %add3A_281 = arith.addi %rem3A_11, %add3A_280 : vector<16xi32>
          %add3A_282 = arith.constant 16 : i32
          %add3A_283 = vector.broadcast %add3A_282 : i32 to vector<16xi32>
          %add3A_284 = arith.addi %rem3A_17, %add3A_283 : vector<16xi32>
          %add3A_285 = arith.constant 16 : i32
          %add3A_286 = vector.broadcast %add3A_285 : i32 to vector<16xi32>
          %add3A_287 = arith.addi %rem3A_23, %add3A_286 : vector<16xi32>
          %add3A_288 = arith.constant 16 : i32
          %add3A_289 = vector.broadcast %add3A_288 : i32 to vector<16xi32>
          %add3A_290 = arith.addi %rem3A_29, %add3A_289 : vector<16xi32>
          %add3A_291 = arith.constant 16 : i32
          %add3A_292 = vector.broadcast %add3A_291 : i32 to vector<16xi32>
          %add3A_293 = arith.addi %rem3A_35, %add3A_292 : vector<16xi32>
          %add3A_294 = arith.constant 16 : i32
          %add3A_295 = vector.broadcast %add3A_294 : i32 to vector<16xi32>
          %add3A_296 = arith.addi %rem3A_41, %add3A_295 : vector<16xi32>
          %add3A_297 = arith.constant 16 : i32
          %add3A_298 = vector.broadcast %add3A_297 : i32 to vector<16xi32>
          %add3A_299 = arith.addi %rem3A_47, %add3A_298 : vector<16xi32>
          %gather3A_300 = tpu.vector_load_idx %arg5[%add3A_278, %add3A_189] : memref<32x512xf32, #tpu.memory_space<vmem>>[vector<16xi32>, vector<16xi32>], vector<16xf32>,
          %gather3A_301 = tpu.vector_load_idx %arg5[%add3A_281, %add3A_189] : memref<32x512xf32, #tpu.memory_space<vmem>>[vector<16xi32>, vector<16xi32>], vector<16xf32>,
          %gather3A_302 = tpu.vector_load_idx %arg5[%add3A_284, %add3A_189] : memref<32x512xf32, #tpu.memory_space<vmem>>[vector<16xi32>, vector<16xi32>], vector<16xf32>,
          %gather3A_303 = tpu.vector_load_idx %arg5[%add3A_287, %add3A_189] : memref<32x512xf32, #tpu.memory_space<vmem>>[vector<16xi32>, vector<16xi32>], vector<16xf32>,
          %gather3A_304 = tpu.vector_load_idx %arg5[%add3A_290, %add3A_189] : memref<32x512xf32, #tpu.memory_space<vmem>>[vector<16xi32>, vector<16xi32>], vector<16xf32>,
          %gather3A_305 = tpu.vector_load_idx %arg5[%add3A_293, %add3A_189] : memref<32x512xf32, #tpu.memory_space<vmem>>[vector<16xi32>, vector<16xi32>], vector<16xf32>,
          %gather3A_306 = tpu.vector_load_idx %arg5[%add3A_296, %add3A_189] : memref<32x512xf32, #tpu.memory_space<vmem>>[vector<16xi32>, vector<16xi32>], vector<16xf32>,
          %gather3A_307 = tpu.vector_load_idx %arg5[%add3A_299, %add3A_189] : memref<32x512xf32, #tpu.memory_space<vmem>>[vector<16xi32>, vector<16xi32>], vector<16xf32>,
          %add3A_308 = arith.addi %mul3A_196, %add3A_278 : vector<16xi32>
          tpu.vector_store_idx %arg7[%shift_right_logical3A_191, %add3A_308], %gather3A_300 : memref<128x128xf32, #tpu.memory_space<vmem>>[vector<16xi32>, vector<16xi32>], vector<16xf32>,
          %add3A_309 = arith.addi %mul3A_196, %add3A_281 : vector<16xi32>
          tpu.vector_store_idx %arg7[%shift_right_logical3A_191, %add3A_309], %gather3A_301 : memref<128x128xf32, #tpu.memory_space<vmem>>[vector<16xi32>, vector<16xi32>], vector<16xf32>,
          %add3A_310 = arith.addi %mul3A_196, %add3A_284 : vector<16xi32>
          tpu.vector_store_idx %arg7[%shift_right_logical3A_191, %add3A_310], %gather3A_302 : memref<128x128xf32, #tpu.memory_space<vmem>>[vector<16xi32>, vector<16xi32>], vector<16xf32>,
          %add3A_311 = arith.addi %mul3A_196, %add3A_287 : vector<16xi32>
          tpu.vector_store_idx %arg7[%shift_right_logical3A_191, %add3A_311], %gather3A_303 : memref<128x128xf32, #tpu.memory_space<vmem>>[vector<16xi32>, vector<16xi32>], vector<16xf32>,
          %add3A_312 = arith.addi %mul3A_196, %add3A_290 : vector<16xi32>
          tpu.vector_store_idx %arg7[%shift_right_logical3A_191, %add3A_312], %gather3A_304 : memref<128x128xf32, #tpu.memory_space<vmem>>[vector<16xi32>, vector<16xi32>], vector<16xf32>,
          %add3A_313 = arith.addi %mul3A_196, %add3A_293 : vector<16xi32>
          tpu.vector_store_idx %arg7[%shift_right_logical3A_191, %add3A_313], %gather3A_305 : memref<128x128xf32, #tpu.memory_space<vmem>>[vector<16xi32>, vector<16xi32>], vector<16xf32>,
          %add3A_314 = arith.addi %mul3A_196, %add3A_296 : vector<16xi32>
          tpu.vector_store_idx %arg7[%shift_right_logical3A_191, %add3A_314], %gather3A_306 : memref<128x128xf32, #tpu.memory_space<vmem>>[vector<16xi32>, vector<16xi32>], vector<16xf32>,
          %add3A_315 = arith.addi %mul3A_196, %add3A_299 : vector<16xi32>
          tpu.vector_store_idx %arg7[%shift_right_logical3A_191, %add3A_315], %gather3A_307 : memref<128x128xf32, #tpu.memory_space<vmem>>[vector<16xi32>, vector<16xi32>], vector<16xf32>,
          %add3A_316 = arith.constant 16 : i32
          %add3A_317 = vector.broadcast %add3A_316 : i32 to vector<16xi32>
          %add3A_318 = arith.addi %rem3A_53, %add3A_317 : vector<16xi32>
          %add3A_319 = arith.constant 16 : i32
          %add3A_320 = vector.broadcast %add3A_319 : i32 to vector<16xi32>
          %add3A_321 = arith.addi %rem3A_59, %add3A_320 : vector<16xi32>
          %add3A_322 = arith.constant 16 : i32
          %add3A_323 = vector.broadcast %add3A_322 : i32 to vector<16xi32>
          %add3A_324 = arith.addi %rem3A_65, %add3A_323 : vector<16xi32>
          %add3A_325 = arith.constant 16 : i32
          %add3A_326 = vector.broadcast %add3A_325 : i32 to vector<16xi32>
          %add3A_327 = arith.addi %rem3A_71, %add3A_326 : vector<16xi32>
          %add3A_328 = arith.constant 16 : i32
          %add3A_329 = vector.broadcast %add3A_328 : i32 to vector<16xi32>
          %add3A_330 = arith.addi %rem3A_77, %add3A_329 : vector<16xi32>
          %add3A_331 = arith.constant 16 : i32
          %add3A_332 = vector.broadcast %add3A_331 : i32 to vector<16xi32>
          %add3A_333 = arith.addi %rem3A_83, %add3A_332 : vector<16xi32>
          %add3A_334 = arith.constant 16 : i32
          %add3A_335 = vector.broadcast %add3A_334 : i32 to vector<16xi32>
          %add3A_336 = arith.addi %rem3A_89, %add3A_335 : vector<16xi32>
          %add3A_337 = arith.constant 16 : i32
          %add3A_338 = vector.broadcast %add3A_337 : i32 to vector<16xi32>
          %add3A_339 = arith.addi %rem3A_95, %add3A_338 : vector<16xi32>
          %gather3A_340 = tpu.vector_load_idx %arg5[%add3A_318, %add3A_189] : memref<32x512xf32, #tpu.memory_space<vmem>>[vector<16xi32>, vector<16xi32>], vector<16xf32>,
          %gather3A_341 = tpu.vector_load_idx %arg5[%add3A_321, %add3A_189] : memref<32x512xf32, #tpu.memory_space<vmem>>[vector<16xi32>, vector<16xi32>], vector<16xf32>,
          %gather3A_342 = tpu.vector_load_idx %arg5[%add3A_324, %add3A_189] : memref<32x512xf32, #tpu.memory_space<vmem>>[vector<16xi32>, vector<16xi32>], vector<16xf32>,
          %gather3A_343 = tpu.vector_load_idx %arg5[%add3A_327, %add3A_189] : memref<32x512xf32, #tpu.memory_space<vmem>>[vector<16xi32>, vector<16xi32>], vector<16xf32>,
          %gather3A_344 = tpu.vector_load_idx %arg5[%add3A_330, %add3A_189] : memref<32x512xf32, #tpu.memory_space<vmem>>[vector<16xi32>, vector<16xi32>], vector<16xf32>,
          %gather3A_345 = tpu.vector_load_idx %arg5[%add3A_333, %add3A_189] : memref<32x512xf32, #tpu.memory_space<vmem>>[vector<16xi32>, vector<16xi32>], vector<16xf32>,
          %gather3A_346 = tpu.vector_load_idx %arg5[%add3A_336, %add3A_189] : memref<32x512xf32, #tpu.memory_space<vmem>>[vector<16xi32>, vector<16xi32>], vector<16xf32>,
          %gather3A_347 = tpu.vector_load_idx %arg5[%add3A_339, %add3A_189] : memref<32x512xf32, #tpu.memory_space<vmem>>[vector<16xi32>, vector<16xi32>], vector<16xf32>,
          %add3A_348 = arith.addi %mul3A_196, %add3A_318 : vector<16xi32>
          tpu.vector_store_idx %arg7[%shift_right_logical3A_191, %add3A_348], %gather3A_340 : memref<128x128xf32, #tpu.memory_space<vmem>>[vector<16xi32>, vector<16xi32>], vector<16xf32>,
          %add3A_349 = arith.addi %mul3A_196, %add3A_321 : vector<16xi32>
          tpu.vector_store_idx %arg7[%shift_right_logical3A_191, %add3A_349], %gather3A_341 : memref<128x128xf32, #tpu.memory_space<vmem>>[vector<16xi32>, vector<16xi32>], vector<16xf32>,
          %add3A_350 = arith.addi %mul3A_196, %add3A_324 : vector<16xi32>
          tpu.vector_store_idx %arg7[%shift_right_logical3A_191, %add3A_350], %gather3A_342 : memref<128x128xf32, #tpu.memory_space<vmem>>[vector<16xi32>, vector<16xi32>], vector<16xf32>,
          %add3A_351 = arith.addi %mul3A_196, %add3A_327 : vector<16xi32>
          tpu.vector_store_idx %arg7[%shift_right_logical3A_191, %add3A_351], %gather3A_343 : memref<128x128xf32, #tpu.memory_space<vmem>>[vector<16xi32>, vector<16xi32>], vector<16xf32>,
          %add3A_352 = arith.addi %mul3A_196, %add3A_330 : vector<16xi32>
          tpu.vector_store_idx %arg7[%shift_right_logical3A_191, %add3A_352], %gather3A_344 : memref<128x128xf32, #tpu.memory_space<vmem>>[vector<16xi32>, vector<16xi32>], vector<16xf32>,
          %add3A_353 = arith.addi %mul3A_196, %add3A_333 : vector<16xi32>
          tpu.vector_store_idx %arg7[%shift_right_logical3A_191, %add3A_353], %gather3A_345 : memref<128x128xf32, #tpu.memory_space<vmem>>[vector<16xi32>, vector<16xi32>], vector<16xf32>,
          %add3A_354 = arith.addi %mul3A_196, %add3A_336 : vector<16xi32>
          tpu.vector_store_idx %arg7[%shift_right_logical3A_191, %add3A_354], %gather3A_346 : memref<128x128xf32, #tpu.memory_space<vmem>>[vector<16xi32>, vector<16xi32>], vector<16xf32>,
          %add3A_355 = arith.addi %mul3A_196, %add3A_339 : vector<16xi32>
          tpu.vector_store_idx %arg7[%shift_right_logical3A_191, %add3A_355], %gather3A_347 : memref<128x128xf32, #tpu.memory_space<vmem>>[vector<16xi32>, vector<16xi32>], vector<16xf32>,
          %mul3A_356 = arith.constant 2 : i32
          %mul3A_357 = arith.muli %mul3A_356, %scan3A_181 : i32
          %add3A_358 = arith.constant 1 : i32
          %add3A_359 = arith.addi %mul3A_357, %add3A_358 : i32
          %mul3A_360 = arith.constant 16 : i32
          %mul3A_361 = arith.muli %add3A_359, %mul3A_360 : i32
          %add3A_362 = vector.broadcast %mul3A_361 : i32 to vector<16xi32>
          %add3A_363 = arith.addi %iota3A, %add3A_362 : vector<16xi32>
          %shift_right_logical3A_364 = arith.constant 2 : i32
          %shift_right_logical3A_365 = vector.broadcast %shift_right_logical3A_364 : i32 to vector<16xi32>
          %shift_right_logical3A_366 = arith.shrui %add3A_363, %shift_right_logical3A_365 : vector<16xi32>
          %and3A_367 = arith.constant 3 : i32
          %and3A_368 = vector.broadcast %and3A_367 : i32 to vector<16xi32>
          %and3A_369 = arith.andi %add3A_363, %and3A_368 : vector<16xi32>
          %mul3A_370 = arith.constant 32 : i32
          %mul3A_371 = vector.broadcast %mul3A_370 : i32 to vector<16xi32>
          %mul3A_372 = arith.muli %and3A_369, %mul3A_371 : vector<16xi32>
          %add3A_373 = arith.constant 0 : i32
          %add3A_374 = vector.broadcast %add3A_373 : i32 to vector<16xi32>
          %add3A_375 = arith.addi %rem3A_5, %add3A_374 : vector<16xi32>
          %add3A_376 = arith.constant 0 : i32
          %add3A_377 = vector.broadcast %add3A_376 : i32 to vector<16xi32>
          %add3A_378 = arith.addi %rem3A_11, %add3A_377 : vector<16xi32>
          %add3A_379 = arith.constant 0 : i32
          %add3A_380 = vector.broadcast %add3A_379 : i32 to vector<16xi32>
          %add3A_381 = arith.addi %rem3A_17, %add3A_380 : vector<16xi32>
          %add3A_382 = arith.constant 0 : i32
          %add3A_383 = vector.broadcast %add3A_382 : i32 to vector<16xi32>
          %add3A_384 = arith.addi %rem3A_23, %add3A_383 : vector<16xi32>
          %add3A_385 = arith.constant 0 : i32
          %add3A_386 = vector.broadcast %add3A_385 : i32 to vector<16xi32>
          %add3A_387 = arith.addi %rem3A_29, %add3A_386 : vector<16xi32>
          %add3A_388 = arith.constant 0 : i32
          %add3A_389 = vector.broadcast %add3A_388 : i32 to vector<16xi32>
          %add3A_390 = arith.addi %rem3A_35, %add3A_389 : vector<16xi32>
          %add3A_391 = arith.constant 0 : i32
          %add3A_392 = vector.broadcast %add3A_391 : i32 to vector<16xi32>
          %add3A_393 = arith.addi %rem3A_41, %add3A_392 : vector<16xi32>
          %add3A_394 = arith.constant 0 : i32
          %add3A_395 = vector.broadcast %add3A_394 : i32 to vector<16xi32>
          %add3A_396 = arith.addi %rem3A_47, %add3A_395 : vector<16xi32>
          %gather3A_397 = tpu.vector_load_idx %arg5[%add3A_375, %add3A_363] : memref<32x512xf32, #tpu.memory_space<vmem>>[vector<16xi32>, vector<16xi32>], vector<16xf32>,
          %gather3A_398 = tpu.vector_load_idx %arg5[%add3A_378, %add3A_363] : memref<32x512xf32, #tpu.memory_space<vmem>>[vector<16xi32>, vector<16xi32>], vector<16xf32>,
          %gather3A_399 = tpu.vector_load_idx %arg5[%add3A_381, %add3A_363] : memref<32x512xf32, #tpu.memory_space<vmem>>[vector<16xi32>, vector<16xi32>], vector<16xf32>,
          %gather3A_400 = tpu.vector_load_idx %arg5[%add3A_384, %add3A_363] : memref<32x512xf32, #tpu.memory_space<vmem>>[vector<16xi32>, vector<16xi32>], vector<16xf32>,
          %gather3A_401 = tpu.vector_load_idx %arg5[%add3A_387, %add3A_363] : memref<32x512xf32, #tpu.memory_space<vmem>>[vector<16xi32>, vector<16xi32>], vector<16xf32>,
          %gather3A_402 = tpu.vector_load_idx %arg5[%add3A_390, %add3A_363] : memref<32x512xf32, #tpu.memory_space<vmem>>[vector<16xi32>, vector<16xi32>], vector<16xf32>,
          %gather3A_403 = tpu.vector_load_idx %arg5[%add3A_393, %add3A_363] : memref<32x512xf32, #tpu.memory_space<vmem>>[vector<16xi32>, vector<16xi32>], vector<16xf32>,
          %gather3A_404 = tpu.vector_load_idx %arg5[%add3A_396, %add3A_363] : memref<32x512xf32, #tpu.memory_space<vmem>>[vector<16xi32>, vector<16xi32>], vector<16xf32>,
          %add3A_405 = arith.addi %mul3A_372, %add3A_375 : vector<16xi32>
          tpu.vector_store_idx %arg7[%shift_right_logical3A_366, %add3A_405], %gather3A_397 : memref<128x128xf32, #tpu.memory_space<vmem>>[vector<16xi32>, vector<16xi32>], vector<16xf32>,
          %add3A_406 = arith.addi %mul3A_372, %add3A_378 : vector<16xi32>
          tpu.vector_store_idx %arg7[%shift_right_logical3A_366, %add3A_406], %gather3A_398 : memref<128x128xf32, #tpu.memory_space<vmem>>[vector<16xi32>, vector<16xi32>], vector<16xf32>,
          %add3A_407 = arith.addi %mul3A_372, %add3A_381 : vector<16xi32>
          tpu.vector_store_idx %arg7[%shift_right_logical3A_366, %add3A_407], %gather3A_399 : memref<128x128xf32, #tpu.memory_space<vmem>>[vector<16xi32>, vector<16xi32>], vector<16xf32>,
          %add3A_408 = arith.addi %mul3A_372, %add3A_384 : vector<16xi32>
          tpu.vector_store_idx %arg7[%shift_right_logical3A_366, %add3A_408], %gather3A_400 : memref<128x128xf32, #tpu.memory_space<vmem>>[vector<16xi32>, vector<16xi32>], vector<16xf32>,
          %add3A_409 = arith.addi %mul3A_372, %add3A_387 : vector<16xi32>
          tpu.vector_store_idx %arg7[%shift_right_logical3A_366, %add3A_409], %gather3A_401 : memref<128x128xf32, #tpu.memory_space<vmem>>[vector<16xi32>, vector<16xi32>], vector<16xf32>,
          %add3A_410 = arith.addi %mul3A_372, %add3A_390 : vector<16xi32>
          tpu.vector_store_idx %arg7[%shift_right_logical3A_366, %add3A_410], %gather3A_402 : memref<128x128xf32, #tpu.memory_space<vmem>>[vector<16xi32>, vector<16xi32>], vector<16xf32>,
          %add3A_411 = arith.addi %mul3A_372, %add3A_393 : vector<16xi32>
          tpu.vector_store_idx %arg7[%shift_right_logical3A_366, %add3A_411], %gather3A_403 : memref<128x128xf32, #tpu.memory_space<vmem>>[vector<16xi32>, vector<16xi32>], vector<16xf32>,
          %add3A_412 = arith.addi %mul3A_372, %add3A_396 : vector<16xi32>
          tpu.vector_store_idx %arg7[%shift_right_logical3A_366, %add3A_412], %gather3A_404 : memref<128x128xf32, #tpu.memory_space<vmem>>[vector<16xi32>, vector<16xi32>], vector<16xf32>,
          %add3A_413 = arith.constant 0 : i32
          %add3A_414 = vector.broadcast %add3A_413 : i32 to vector<16xi32>
          %add3A_415 = arith.addi %rem3A_53, %add3A_414 : vector<16xi32>
          %add3A_416 = arith.constant 0 : i32
          %add3A_417 = vector.broadcast %add3A_416 : i32 to vector<16xi32>
          %add3A_418 = arith.addi %rem3A_59, %add3A_417 : vector<16xi32>
          %add3A_419 = arith.constant 0 : i32
          %add3A_420 = vector.broadcast %add3A_419 : i32 to vector<16xi32>
          %add3A_421 = arith.addi %rem3A_65, %add3A_420 : vector<16xi32>
          %add3A_422 = arith.constant 0 : i32
          %add3A_423 = vector.broadcast %add3A_422 : i32 to vector<16xi32>
          %add3A_424 = arith.addi %rem3A_71, %add3A_423 : vector<16xi32>
          %add3A_425 = arith.constant 0 : i32
          %add3A_426 = vector.broadcast %add3A_425 : i32 to vector<16xi32>
          %add3A_427 = arith.addi %rem3A_77, %add3A_426 : vector<16xi32>
          %add3A_428 = arith.constant 0 : i32
          %add3A_429 = vector.broadcast %add3A_428 : i32 to vector<16xi32>
          %add3A_430 = arith.addi %rem3A_83, %add3A_429 : vector<16xi32>
          %add3A_431 = arith.constant 0 : i32
          %add3A_432 = vector.broadcast %add3A_431 : i32 to vector<16xi32>
          %add3A_433 = arith.addi %rem3A_89, %add3A_432 : vector<16xi32>
          %add3A_434 = arith.constant 0 : i32
          %add3A_435 = vector.broadcast %add3A_434 : i32 to vector<16xi32>
          %add3A_436 = arith.addi %rem3A_95, %add3A_435 : vector<16xi32>
          %gather3A_437 = tpu.vector_load_idx %arg5[%add3A_415, %add3A_363] : memref<32x512xf32, #tpu.memory_space<vmem>>[vector<16xi32>, vector<16xi32>], vector<16xf32>,
          %gather3A_438 = tpu.vector_load_idx %arg5[%add3A_418, %add3A_363] : memref<32x512xf32, #tpu.memory_space<vmem>>[vector<16xi32>, vector<16xi32>], vector<16xf32>,
          %gather3A_439 = tpu.vector_load_idx %arg5[%add3A_421, %add3A_363] : memref<32x512xf32, #tpu.memory_space<vmem>>[vector<16xi32>, vector<16xi32>], vector<16xf32>,
          %gather3A_440 = tpu.vector_load_idx %arg5[%add3A_424, %add3A_363] : memref<32x512xf32, #tpu.memory_space<vmem>>[vector<16xi32>, vector<16xi32>], vector<16xf32>,
          %gather3A_441 = tpu.vector_load_idx %arg5[%add3A_427, %add3A_363] : memref<32x512xf32, #tpu.memory_space<vmem>>[vector<16xi32>, vector<16xi32>], vector<16xf32>,
          %gather3A_442 = tpu.vector_load_idx %arg5[%add3A_430, %add3A_363] : memref<32x512xf32, #tpu.memory_space<vmem>>[vector<16xi32>, vector<16xi32>], vector<16xf32>,
          %gather3A_443 = tpu.vector_load_idx %arg5[%add3A_433, %add3A_363] : memref<32x512xf32, #tpu.memory_space<vmem>>[vector<16xi32>, vector<16xi32>], vector<16xf32>,
          %gather3A_444 = tpu.vector_load_idx %arg5[%add3A_436, %add3A_363] : memref<32x512xf32, #tpu.memory_space<vmem>>[vector<16xi32>, vector<16xi32>], vector<16xf32>,
          %add3A_445 = arith.addi %mul3A_372, %add3A_415 : vector<16xi32>
          tpu.vector_store_idx %arg7[%shift_right_logical3A_366, %add3A_445], %gather3A_437 : memref<128x128xf32, #tpu.memory_space<vmem>>[vector<16xi32>, vector<16xi32>], vector<16xf32>,
          %add3A_446 = arith.addi %mul3A_372, %add3A_418 : vector<16xi32>
          tpu.vector_store_idx %arg7[%shift_right_logical3A_366, %add3A_446], %gather3A_438 : memref<128x128xf32, #tpu.memory_space<vmem>>[vector<16xi32>, vector<16xi32>], vector<16xf32>,
          %add3A_447 = arith.addi %mul3A_372, %add3A_421 : vector<16xi32>
          tpu.vector_store_idx %arg7[%shift_right_logical3A_366, %add3A_447], %gather3A_439 : memref<128x128xf32, #tpu.memory_space<vmem>>[vector<16xi32>, vector<16xi32>], vector<16xf32>,
          %add3A_448 = arith.addi %mul3A_372, %add3A_424 : vector<16xi32>
          tpu.vector_store_idx %arg7[%shift_right_logical3A_366, %add3A_448], %gather3A_440 : memref<128x128xf32, #tpu.memory_space<vmem>>[vector<16xi32>, vector<16xi32>], vector<16xf32>,
          %add3A_449 = arith.addi %mul3A_372, %add3A_427 : vector<16xi32>
          tpu.vector_store_idx %arg7[%shift_right_logical3A_366, %add3A_449], %gather3A_441 : memref<128x128xf32, #tpu.memory_space<vmem>>[vector<16xi32>, vector<16xi32>], vector<16xf32>,
          %add3A_450 = arith.addi %mul3A_372, %add3A_430 : vector<16xi32>
          tpu.vector_store_idx %arg7[%shift_right_logical3A_366, %add3A_450], %gather3A_442 : memref<128x128xf32, #tpu.memory_space<vmem>>[vector<16xi32>, vector<16xi32>], vector<16xf32>,
          %add3A_451 = arith.addi %mul3A_372, %add3A_433 : vector<16xi32>
          tpu.vector_store_idx %arg7[%shift_right_logical3A_366, %add3A_451], %gather3A_443 : memref<128x128xf32, #tpu.memory_space<vmem>>[vector<16xi32>, vector<16xi32>], vector<16xf32>,
          %add3A_452 = arith.addi %mul3A_372, %add3A_436 : vector<16xi32>
          tpu.vector_store_idx %arg7[%shift_right_logical3A_366, %add3A_452], %gather3A_444 : memref<128x128xf32, #tpu.memory_space<vmem>>[vector<16xi32>, vector<16xi32>], vector<16xf32>,
          %add3A_453 = arith.constant 16 : i32
          %add3A_454 = vector.broadcast %add3A_453 : i32 to vector<16xi32>
          %add3A_455 = arith.addi %rem3A_5, %add3A_454 : vector<16xi32>
          %add3A_456 = arith.constant 16 : i32
          %add3A_457 = vector.broadcast %add3A_456 : i32 to vector<16xi32>
          %add3A_458 = arith.addi %rem3A_11, %add3A_457 : vector<16xi32>
          %add3A_459 = arith.constant 16 : i32
          %add3A_460 = vector.broadcast %add3A_459 : i32 to vector<16xi32>
          %add3A_461 = arith.addi %rem3A_17, %add3A_460 : vector<16xi32>
          %add3A_462 = arith.constant 16 : i32
          %add3A_463 = vector.broadcast %add3A_462 : i32 to vector<16xi32>
          %add3A_464 = arith.addi %rem3A_23, %add3A_463 : vector<16xi32>
          %add3A_465 = arith.constant 16 : i32
          %add3A_466 = vector.broadcast %add3A_465 : i32 to vector<16xi32>
          %add3A_467 = arith.addi %rem3A_29, %add3A_466 : vector<16xi32>
          %add3A_468 = arith.constant 16 : i32
          %add3A_469 = vector.broadcast %add3A_468 : i32 to vector<16xi32>
          %add3A_470 = arith.addi %rem3A_35, %add3A_469 : vector<16xi32>
          %add3A_471 = arith.constant 16 : i32
          %add3A_472 = vector.broadcast %add3A_471 : i32 to vector<16xi32>
          %add3A_473 = arith.addi %rem3A_41, %add3A_472 : vector<16xi32>
          %add3A_474 = arith.constant 16 : i32
          %add3A_475 = vector.broadcast %add3A_474 : i32 to vector<16xi32>
          %add3A_476 = arith.addi %rem3A_47, %add3A_475 : vector<16xi32>
          %gather3A_477 = tpu.vector_load_idx %arg5[%add3A_455, %add3A_363] : memref<32x512xf32, #tpu.memory_space<vmem>>[vector<16xi32>, vector<16xi32>], vector<16xf32>,
          %gather3A_478 = tpu.vector_load_idx %arg5[%add3A_458, %add3A_363] : memref<32x512xf32, #tpu.memory_space<vmem>>[vector<16xi32>, vector<16xi32>], vector<16xf32>,
          %gather3A_479 = tpu.vector_load_idx %arg5[%add3A_461, %add3A_363] : memref<32x512xf32, #tpu.memory_space<vmem>>[vector<16xi32>, vector<16xi32>], vector<16xf32>,
          %gather3A_480 = tpu.vector_load_idx %arg5[%add3A_464, %add3A_363] : memref<32x512xf32, #tpu.memory_space<vmem>>[vector<16xi32>, vector<16xi32>], vector<16xf32>,
          %gather3A_481 = tpu.vector_load_idx %arg5[%add3A_467, %add3A_363] : memref<32x512xf32, #tpu.memory_space<vmem>>[vector<16xi32>, vector<16xi32>], vector<16xf32>,
          %gather3A_482 = tpu.vector_load_idx %arg5[%add3A_470, %add3A_363] : memref<32x512xf32, #tpu.memory_space<vmem>>[vector<16xi32>, vector<16xi32>], vector<16xf32>,
          %gather3A_483 = tpu.vector_load_idx %arg5[%add3A_473, %add3A_363] : memref<32x512xf32, #tpu.memory_space<vmem>>[vector<16xi32>, vector<16xi32>], vector<16xf32>,
          %gather3A_484 = tpu.vector_load_idx %arg5[%add3A_476, %add3A_363] : memref<32x512xf32, #tpu.memory_space<vmem>>[vector<16xi32>, vector<16xi32>], vector<16xf32>,
          %add3A_485 = arith.addi %mul3A_372, %add3A_455 : vector<16xi32>
          tpu.vector_store_idx %arg7[%shift_right_logical3A_366, %add3A_485], %gather3A_477 : memref<128x128xf32, #tpu.memory_space<vmem>>[vector<16xi32>, vector<16xi32>], vector<16xf32>,
          %add3A_486 = arith.addi %mul3A_372, %add3A_458 : vector<16xi32>
          tpu.vector_store_idx %arg7[%shift_right_logical3A_366, %add3A_486], %gather3A_478 : memref<128x128xf32, #tpu.memory_space<vmem>>[vector<16xi32>, vector<16xi32>], vector<16xf32>,
          %add3A_487 = arith.addi %mul3A_372, %add3A_461 : vector<16xi32>
          tpu.vector_store_idx %arg7[%shift_right_logical3A_366, %add3A_487], %gather3A_479 : memref<128x128xf32, #tpu.memory_space<vmem>>[vector<16xi32>, vector<16xi32>], vector<16xf32>,
          %add3A_488 = arith.addi %mul3A_372, %add3A_464 : vector<16xi32>
          tpu.vector_store_idx %arg7[%shift_right_logical3A_366, %add3A_488], %gather3A_480 : memref<128x128xf32, #tpu.memory_space<vmem>>[vector<16xi32>, vector<16xi32>], vector<16xf32>,
          %add3A_489 = arith.addi %mul3A_372, %add3A_467 : vector<16xi32>
          tpu.vector_store_idx %arg7[%shift_right_logical3A_366, %add3A_489], %gather3A_481 : memref<128x128xf32, #tpu.memory_space<vmem>>[vector<16xi32>, vector<16xi32>], vector<16xf32>,
          %add3A_490 = arith.addi %mul3A_372, %add3A_470 : vector<16xi32>
          tpu.vector_store_idx %arg7[%shift_right_logical3A_366, %add3A_490], %gather3A_482 : memref<128x128xf32, #tpu.memory_space<vmem>>[vector<16xi32>, vector<16xi32>], vector<16xf32>,
          %add3A_491 = arith.addi %mul3A_372, %add3A_473 : vector<16xi32>
          tpu.vector_store_idx %arg7[%shift_right_logical3A_366, %add3A_491], %gather3A_483 : memref<128x128xf32, #tpu.memory_space<vmem>>[vector<16xi32>, vector<16xi32>], vector<16xf32>,
          %add3A_492 = arith.addi %mul3A_372, %add3A_476 : vector<16xi32>
          tpu.vector_store_idx %arg7[%shift_right_logical3A_366, %add3A_492], %gather3A_484 : memref<128x128xf32, #tpu.memory_space<vmem>>[vector<16xi32>, vector<16xi32>], vector<16xf32>,
          %add3A_493 = arith.constant 16 : i32
          %add3A_494 = vector.broadcast %add3A_493 : i32 to vector<16xi32>
          %add3A_495 = arith.addi %rem3A_53, %add3A_494 : vector<16xi32>
          %add3A_496 = arith.constant 16 : i32
          %add3A_497 = vector.broadcast %add3A_496 : i32 to vector<16xi32>
          %add3A_498 = arith.addi %rem3A_59, %add3A_497 : vector<16xi32>
          %add3A_499 = arith.constant 16 : i32
          %add3A_500 = vector.broadcast %add3A_499 : i32 to vector<16xi32>
          %add3A_501 = arith.addi %rem3A_65, %add3A_500 : vector<16xi32>
          %add3A_502 = arith.constant 16 : i32
          %add3A_503 = vector.broadcast %add3A_502 : i32 to vector<16xi32>
          %add3A_504 = arith.addi %rem3A_71, %add3A_503 : vector<16xi32>
          %add3A_505 = arith.constant 16 : i32
          %add3A_506 = vector.broadcast %add3A_505 : i32 to vector<16xi32>
          %add3A_507 = arith.addi %rem3A_77, %add3A_506 : vector<16xi32>
          %add3A_508 = arith.constant 16 : i32
          %add3A_509 = vector.broadcast %add3A_508 : i32 to vector<16xi32>
          %add3A_510 = arith.addi %rem3A_83, %add3A_509 : vector<16xi32>
          %add3A_511 = arith.constant 16 : i32
          %add3A_512 = vector.broadcast %add3A_511 : i32 to vector<16xi32>
          %add3A_513 = arith.addi %rem3A_89, %add3A_512 : vector<16xi32>
          %add3A_514 = arith.constant 16 : i32
          %add3A_515 = vector.broadcast %add3A_514 : i32 to vector<16xi32>
          %add3A_516 = arith.addi %rem3A_95, %add3A_515 : vector<16xi32>
          %gather3A_517 = tpu.vector_load_idx %arg5[%add3A_495, %add3A_363] : memref<32x512xf32, #tpu.memory_space<vmem>>[vector<16xi32>, vector<16xi32>], vector<16xf32>,
          %gather3A_518 = tpu.vector_load_idx %arg5[%add3A_498, %add3A_363] : memref<32x512xf32, #tpu.memory_space<vmem>>[vector<16xi32>, vector<16xi32>], vector<16xf32>,
          %gather3A_519 = tpu.vector_load_idx %arg5[%add3A_501, %add3A_363] : memref<32x512xf32, #tpu.memory_space<vmem>>[vector<16xi32>, vector<16xi32>], vector<16xf32>,
          %gather3A_520 = tpu.vector_load_idx %arg5[%add3A_504, %add3A_363] : memref<32x512xf32, #tpu.memory_space<vmem>>[vector<16xi32>, vector<16xi32>], vector<16xf32>,
          %gather3A_521 = tpu.vector_load_idx %arg5[%add3A_507, %add3A_363] : memref<32x512xf32, #tpu.memory_space<vmem>>[vector<16xi32>, vector<16xi32>], vector<16xf32>,
          %gather3A_522 = tpu.vector_load_idx %arg5[%add3A_510, %add3A_363] : memref<32x512xf32, #tpu.memory_space<vmem>>[vector<16xi32>, vector<16xi32>], vector<16xf32>,
          %gather3A_523 = tpu.vector_load_idx %arg5[%add3A_513, %add3A_363] : memref<32x512xf32, #tpu.memory_space<vmem>>[vector<16xi32>, vector<16xi32>], vector<16xf32>,
          %gather3A_524 = tpu.vector_load_idx %arg5[%add3A_516, %add3A_363] : memref<32x512xf32, #tpu.memory_space<vmem>>[vector<16xi32>, vector<16xi32>], vector<16xf32>,
          %add3A_525 = arith.addi %mul3A_372, %add3A_495 : vector<16xi32>
          tpu.vector_store_idx %arg7[%shift_right_logical3A_366, %add3A_525], %gather3A_517 : memref<128x128xf32, #tpu.memory_space<vmem>>[vector<16xi32>, vector<16xi32>], vector<16xf32>,
          %add3A_526 = arith.addi %mul3A_372, %add3A_498 : vector<16xi32>
          tpu.vector_store_idx %arg7[%shift_right_logical3A_366, %add3A_526], %gather3A_518 : memref<128x128xf32, #tpu.memory_space<vmem>>[vector<16xi32>, vector<16xi32>], vector<16xf32>,
          %add3A_527 = arith.addi %mul3A_372, %add3A_501 : vector<16xi32>
          tpu.vector_store_idx %arg7[%shift_right_logical3A_366, %add3A_527], %gather3A_519 : memref<128x128xf32, #tpu.memory_space<vmem>>[vector<16xi32>, vector<16xi32>], vector<16xf32>,
          %add3A_528 = arith.addi %mul3A_372, %add3A_504 : vector<16xi32>
          tpu.vector_store_idx %arg7[%shift_right_logical3A_366, %add3A_528], %gather3A_520 : memref<128x128xf32, #tpu.memory_space<vmem>>[vector<16xi32>, vector<16xi32>], vector<16xf32>,
          %add3A_529 = arith.addi %mul3A_372, %add3A_507 : vector<16xi32>
          tpu.vector_store_idx %arg7[%shift_right_logical3A_366, %add3A_529], %gather3A_521 : memref<128x128xf32, #tpu.memory_space<vmem>>[vector<16xi32>, vector<16xi32>], vector<16xf32>,
          %add3A_530 = arith.addi %mul3A_372, %add3A_510 : vector<16xi32>
          tpu.vector_store_idx %arg7[%shift_right_logical3A_366, %add3A_530], %gather3A_522 : memref<128x128xf32, #tpu.memory_space<vmem>>[vector<16xi32>, vector<16xi32>], vector<16xf32>,
          %add3A_531 = arith.addi %mul3A_372, %add3A_513 : vector<16xi32>
          tpu.vector_store_idx %arg7[%shift_right_logical3A_366, %add3A_531], %gather3A_523 : memref<128x128xf32, #tpu.memory_space<vmem>>[vector<16xi32>, vector<16xi32>], vector<16xf32>,
          %add3A_532 = arith.addi %mul3A_372, %add3A_516 : vector<16xi32>
          tpu.vector_store_idx %arg7[%shift_right_logical3A_366, %add3A_532], %gather3A_524 : memref<128x128xf32, #tpu.memory_space<vmem>>[vector<16xi32>, vector<16xi32>], vector<16xf32>,
        }
        %scan3A_166 = arith.constant 16 : i32
        %ge3A = arith.constant 2 : i32
        %ge3A_167 = arith.cmpi sge, %add3A_125, %ge3A : i32
        %convert_element_type3A_168 = arith.extui %ge3A_167 : i1 to i32
        %cond3A_169 = arith.constant 0 : i32
        %cond3A_170 = arith.cmpi ne, %convert_element_type3A_168, %cond3A_169 : i32
        scf.if %cond3A_170 {
          %dma_wait3A_181 = arith.constant 0 : i32
          %dma_wait3A_182 = arith.constant 0 : i32
          %dma_wait3A_183 = tpu.memref_slice %arg4[%dma_wait3A_181, %dma_wait3A_182] : memref<250000x128xf32, #tpu.memory_space<hbm>> -> memref<128x128xf32, #tpu.memory_space<hbm>>
          %dma_wait3A_184 = arith.constant 0 : i32
          %dma_wait3A_185 = arith.constant 0 : i32
          %dma_wait3A_186 = tpu.memref_slice %arg4[%dma_wait3A_184, %dma_wait3A_185] : memref<250000x128xf32, #tpu.memory_space<hbm>> -> memref<128x128xf32, #tpu.memory_space<hbm>>
          tpu.wait_dma2 semaphore(%arg11 : memref<!tpu.dma_semaphore, #tpu.memory_space<semaphore_mem>>) src(%arg7 : memref<128x128xf32, #tpu.memory_space<vmem>>) dst(%dma_wait3A_186 : memref<128x128xf32, #tpu.memory_space<hbm>>)
        } else {
        }
        %mul3A_171 = arith.constant 32 : i32
        %mul3A_172 = arith.muli %mul3A_171, %add3A_125 : i32
        %add3A_173 = arith.addi %add3A, %mul3A_172 : i32
        %mul3A_174 = arith.constant 128 : i32
        %mul3A_175 = arith.muli %add3A_173, %mul3A_174 : i32
        %multiple_of3A_176 = tpu.assume_multiple %mul3A_175, 128 : i32
        %dma_start3A_177 = arith.constant 0 : i32
        %dma_start3A_178 = tpu.memref_slice %arg4[%multiple_of3A_176, %dma_start3A_177] : memref<250000x128xf32, #tpu.memory_space<hbm>> -> memref<128x128xf32, #tpu.memory_space<hbm>>
        %dma_start3A_179 = arith.constant 0 : i32
        %dma_start3A_180 = tpu.memref_slice %arg4[%multiple_of3A_176, %dma_start3A_179] : memref<250000x128xf32, #tpu.memory_space<hbm>> -> memref<128x128xf32, #tpu.memory_space<hbm>>
        tpu.enqueue_dma source(%arg7 : memref<128x128xf32, #tpu.memory_space<vmem>>) target(%dma_start3A_180 : memref<128x128xf32, #tpu.memory_space<hbm>>) target_semaphore(%arg11 : memref<!tpu.dma_semaphore, #tpu.memory_space<semaphore_mem>>)
      } else {
      }
      %mul3A_133 = arith.constant 2 : i32
      %mul3A_134 = arith.muli %mul3A_133, %scan3A_121 : i32
      %add3A_135 = arith.constant 1 : i32
      %add3A_136 = arith.addi %mul3A_134, %add3A_135 : i32
      %mul3A_137 = arith.constant 32 : i32
      %mul3A_138 = arith.muli %mul3A_137, %add3A_136 : i32
      %add3A_139 = arith.addi %add3A, %mul3A_138 : i32
      %lt3A_140 = arith.constant 1953 : i32
      %lt3A_141 = arith.cmpi slt, %add3A_139, %lt3A_140 : i32
      %convert_element_type3A_142 = arith.extui %lt3A_141 : i1 to i32
      %cond3A_143 = arith.constant 0 : i32
      %cond3A_144 = arith.cmpi ne, %convert_element_type3A_142, %cond3A_143 : i32
      scf.if %cond3A_144 {
        %add3A_145 = arith.constant 1 : i32
        %add3A_146 = arith.addi %add3A_136, %add3A_145 : i32
        %mul3A_147 = arith.constant 32 : i32
        %mul3A_148 = arith.muli %mul3A_147, %add3A_146 : i32
        %add3A_149 = arith.addi %add3A, %mul3A_148 : i32
        %lt3A_150 = arith.constant 1953 : i32
        %lt3A_151 = arith.cmpi slt, %add3A_149, %lt3A_150 : i32
        %convert_element_type3A_152 = arith.extui %lt3A_151 : i1 to i32
        %cond3A_153 = arith.constant 0 : i32
        %cond3A_154 = arith.cmpi ne, %convert_element_type3A_152, %cond3A_153 : i32
        scf.if %cond3A_154 {
          %add3A_181 = arith.constant 1 : i32
          %add3A_182 = arith.addi %add3A_136, %add3A_181 : i32
          %mul3A_183 = arith.constant 32 : i32
          %mul3A_184 = arith.muli %mul3A_183, %add3A_182 : i32
          %add3A_185 = arith.addi %add3A, %mul3A_184 : i32
          %mul3A_186 = arith.constant 512 : i32
          %mul3A_187 = arith.muli %add3A_185, %mul3A_186 : i32
          %multiple_of3A_188 = tpu.assume_multiple %mul3A_187, 512 : i32
          %dma_start3A_189 = arith.constant 0 : i32
          %dma_start3A_190 = tpu.memref_slice %arg2[%dma_start3A_189, %multiple_of3A_188] : memref<32x1000000xf32, #tpu.memory_space<hbm>> -> memref<32x512xf32, #tpu.memory_space<hbm>>
          %dma_start3A_191 = arith.constant 0 : i32
          %dma_start3A_192 = tpu.memref_slice %arg2[%dma_start3A_191, %multiple_of3A_188] : memref<32x1000000xf32, #tpu.memory_space<hbm>> -> memref<32x512xf32, #tpu.memory_space<hbm>>
          tpu.enqueue_dma source(%dma_start3A_192 : memref<32x512xf32, #tpu.memory_space<hbm>>) target(%arg5 : memref<32x512xf32, #tpu.memory_space<vmem>>) target_semaphore(%arg9 : memref<!tpu.dma_semaphore, #tpu.memory_space<semaphore_mem>>)
        } else {
        }
        %dma_wait3A_155 = arith.constant 0 : i32
        %dma_wait3A_156 = arith.constant 0 : i32
        %dma_wait3A_157 = tpu.memref_slice %arg2[%dma_wait3A_155, %dma_wait3A_156] : memref<32x1000000xf32, #tpu.memory_space<hbm>> -> memref<32x512xf32, #tpu.memory_space<hbm>>
        %dma_wait3A_158 = arith.constant 0 : i32
        %dma_wait3A_159 = arith.constant 0 : i32
        %dma_wait3A_160 = tpu.memref_slice %arg2[%dma_wait3A_158, %dma_wait3A_159] : memref<32x1000000xf32, #tpu.memory_space<hbm>> -> memref<32x512xf32, #tpu.memory_space<hbm>>
        tpu.wait_dma2 semaphore(%arg10 : memref<!tpu.dma_semaphore, #tpu.memory_space<semaphore_mem>>) src(%dma_wait3A_160 : memref<32x512xf32, #tpu.memory_space<hbm>>) dst(%arg6 : memref<32x512xf32, #tpu.memory_space<vmem>>)
        %scan3A_161 = arith.constant 0 : i32
        %scan3A_162 = arith.constant 0 : i32
        %scan3A_163 = arith.constant 16 : i32
        %scan3A_164 = arith.addi %scan3A_162, %scan3A_163 : i32
        %scan3A_165 = arith.constant 1 : i32
        scf.for %scan3A_181 = %scan3A_162 to %scan3A_164 step %scan3A_165  : i32 {
          %mul3A_182 = arith.constant 2 : i32
          %mul3A_183 = arith.muli %mul3A_182, %scan3A_181 : i32
          %add3A_184 = arith.constant 0 : i32
          %add3A_185 = arith.addi %mul3A_183, %add3A_184 : i32
          %mul3A_186 = arith.constant 16 : i32
          %mul3A_187 = arith.muli %add3A_185, %mul3A_186 : i32
          %add3A_188 = vector.broadcast %mul3A_187 : i32 to vector<16xi32>
          %add3A_189 = arith.addi %iota3A, %add3A_188 : vector<16xi32>
          %shift_right_logical3A = arith.constant 2 : i32
          %shift_right_logical3A_190 = vector.broadcast %shift_right_logical3A : i32 to vector<16xi32>
          %shift_right_logical3A_191 = arith.shrui %add3A_189, %shift_right_logical3A_190 : vector<16xi32>
          %and3A = arith.constant 3 : i32
          %and3A_192 = vector.broadcast %and3A : i32 to vector<16xi32>
          %and3A_193 = arith.andi %add3A_189, %and3A_192 : vector<16xi32>
          %mul3A_194 = arith.constant 32 : i32
          %mul3A_195 = vector.broadcast %mul3A_194 : i32 to vector<16xi32>
          %mul3A_196 = arith.muli %and3A_193, %mul3A_195 : vector<16xi32>
          %add3A_197 = arith.constant 0 : i32
          %add3A_198 = vector.broadcast %add3A_197 : i32 to vector<16xi32>
          %add3A_199 = arith.addi %rem3A_5, %add3A_198 : vector<16xi32>
          %add3A_200 = arith.constant 0 : i32
          %add3A_201 = vector.broadcast %add3A_200 : i32 to vector<16xi32>
          %add3A_202 = arith.addi %rem3A_11, %add3A_201 : vector<16xi32>
          %add3A_203 = arith.constant 0 : i32
          %add3A_204 = vector.broadcast %add3A_203 : i32 to vector<16xi32>
          %add3A_205 = arith.addi %rem3A_17, %add3A_204 : vector<16xi32>
          %add3A_206 = arith.constant 0 : i32
          %add3A_207 = vector.broadcast %add3A_206 : i32 to vector<16xi32>
          %add3A_208 = arith.addi %rem3A_23, %add3A_207 : vector<16xi32>
          %add3A_209 = arith.constant 0 : i32
          %add3A_210 = vector.broadcast %add3A_209 : i32 to vector<16xi32>
          %add3A_211 = arith.addi %rem3A_29, %add3A_210 : vector<16xi32>
          %add3A_212 = arith.constant 0 : i32
          %add3A_213 = vector.broadcast %add3A_212 : i32 to vector<16xi32>
          %add3A_214 = arith.addi %rem3A_35, %add3A_213 : vector<16xi32>
          %add3A_215 = arith.constant 0 : i32
          %add3A_216 = vector.broadcast %add3A_215 : i32 to vector<16xi32>
          %add3A_217 = arith.addi %rem3A_41, %add3A_216 : vector<16xi32>
          %add3A_218 = arith.constant 0 : i32
          %add3A_219 = vector.broadcast %add3A_218 : i32 to vector<16xi32>
          %add3A_220 = arith.addi %rem3A_47, %add3A_219 : vector<16xi32>
          %gather3A = tpu.vector_load_idx %arg6[%add3A_199, %add3A_189] : memref<32x512xf32, #tpu.memory_space<vmem>>[vector<16xi32>, vector<16xi32>], vector<16xf32>,
          %gather3A_221 = tpu.vector_load_idx %arg6[%add3A_202, %add3A_189] : memref<32x512xf32, #tpu.memory_space<vmem>>[vector<16xi32>, vector<16xi32>], vector<16xf32>,
          %gather3A_222 = tpu.vector_load_idx %arg6[%add3A_205, %add3A_189] : memref<32x512xf32, #tpu.memory_space<vmem>>[vector<16xi32>, vector<16xi32>], vector<16xf32>,
          %gather3A_223 = tpu.vector_load_idx %arg6[%add3A_208, %add3A_189] : memref<32x512xf32, #tpu.memory_space<vmem>>[vector<16xi32>, vector<16xi32>], vector<16xf32>,
          %gather3A_224 = tpu.vector_load_idx %arg6[%add3A_211, %add3A_189] : memref<32x512xf32, #tpu.memory_space<vmem>>[vector<16xi32>, vector<16xi32>], vector<16xf32>,
          %gather3A_225 = tpu.vector_load_idx %arg6[%add3A_214, %add3A_189] : memref<32x512xf32, #tpu.memory_space<vmem>>[vector<16xi32>, vector<16xi32>], vector<16xf32>,
          %gather3A_226 = tpu.vector_load_idx %arg6[%add3A_217, %add3A_189] : memref<32x512xf32, #tpu.memory_space<vmem>>[vector<16xi32>, vector<16xi32>], vector<16xf32>,
          %gather3A_227 = tpu.vector_load_idx %arg6[%add3A_220, %add3A_189] : memref<32x512xf32, #tpu.memory_space<vmem>>[vector<16xi32>, vector<16xi32>], vector<16xf32>,
          %add3A_228 = arith.addi %mul3A_196, %add3A_199 : vector<16xi32>
          tpu.vector_store_idx %arg8[%shift_right_logical3A_191, %add3A_228], %gather3A : memref<128x128xf32, #tpu.memory_space<vmem>>[vector<16xi32>, vector<16xi32>], vector<16xf32>,
          %add3A_229 = arith.addi %mul3A_196, %add3A_202 : vector<16xi32>
          tpu.vector_store_idx %arg8[%shift_right_logical3A_191, %add3A_229], %gather3A_221 : memref<128x128xf32, #tpu.memory_space<vmem>>[vector<16xi32>, vector<16xi32>], vector<16xf32>,
          %add3A_230 = arith.addi %mul3A_196, %add3A_205 : vector<16xi32>
          tpu.vector_store_idx %arg8[%shift_right_logical3A_191, %add3A_230], %gather3A_222 : memref<128x128xf32, #tpu.memory_space<vmem>>[vector<16xi32>, vector<16xi32>], vector<16xf32>,
          %add3A_231 = arith.addi %mul3A_196, %add3A_208 : vector<16xi32>
          tpu.vector_store_idx %arg8[%shift_right_logical3A_191, %add3A_231], %gather3A_223 : memref<128x128xf32, #tpu.memory_space<vmem>>[vector<16xi32>, vector<16xi32>], vector<16xf32>,
          %add3A_232 = arith.addi %mul3A_196, %add3A_211 : vector<16xi32>
          tpu.vector_store_idx %arg8[%shift_right_logical3A_191, %add3A_232], %gather3A_224 : memref<128x128xf32, #tpu.memory_space<vmem>>[vector<16xi32>, vector<16xi32>], vector<16xf32>,
          %add3A_233 = arith.addi %mul3A_196, %add3A_214 : vector<16xi32>
          tpu.vector_store_idx %arg8[%shift_right_logical3A_191, %add3A_233], %gather3A_225 : memref<128x128xf32, #tpu.memory_space<vmem>>[vector<16xi32>, vector<16xi32>], vector<16xf32>,
          %add3A_234 = arith.addi %mul3A_196, %add3A_217 : vector<16xi32>
          tpu.vector_store_idx %arg8[%shift_right_logical3A_191, %add3A_234], %gather3A_226 : memref<128x128xf32, #tpu.memory_space<vmem>>[vector<16xi32>, vector<16xi32>], vector<16xf32>,
          %add3A_235 = arith.addi %mul3A_196, %add3A_220 : vector<16xi32>
          tpu.vector_store_idx %arg8[%shift_right_logical3A_191, %add3A_235], %gather3A_227 : memref<128x128xf32, #tpu.memory_space<vmem>>[vector<16xi32>, vector<16xi32>], vector<16xf32>,
          %add3A_236 = arith.constant 0 : i32
          %add3A_237 = vector.broadcast %add3A_236 : i32 to vector<16xi32>
          %add3A_238 = arith.addi %rem3A_53, %add3A_237 : vector<16xi32>
          %add3A_239 = arith.constant 0 : i32
          %add3A_240 = vector.broadcast %add3A_239 : i32 to vector<16xi32>
          %add3A_241 = arith.addi %rem3A_59, %add3A_240 : vector<16xi32>
          %add3A_242 = arith.constant 0 : i32
          %add3A_243 = vector.broadcast %add3A_242 : i32 to vector<16xi32>
          %add3A_244 = arith.addi %rem3A_65, %add3A_243 : vector<16xi32>
          %add3A_245 = arith.constant 0 : i32
          %add3A_246 = vector.broadcast %add3A_245 : i32 to vector<16xi32>
          %add3A_247 = arith.addi %rem3A_71, %add3A_246 : vector<16xi32>
          %add3A_248 = arith.constant 0 : i32
          %add3A_249 = vector.broadcast %add3A_248 : i32 to vector<16xi32>
          %add3A_250 = arith.addi %rem3A_77, %add3A_249 : vector<16xi32>
          %add3A_251 = arith.constant 0 : i32
          %add3A_252 = vector.broadcast %add3A_251 : i32 to vector<16xi32>
          %add3A_253 = arith.addi %rem3A_83, %add3A_252 : vector<16xi32>
          %add3A_254 = arith.constant 0 : i32
          %add3A_255 = vector.broadcast %add3A_254 : i32 to vector<16xi32>
          %add3A_256 = arith.addi %rem3A_89, %add3A_255 : vector<16xi32>
          %add3A_257 = arith.constant 0 : i32
          %add3A_258 = vector.broadcast %add3A_257 : i32 to vector<16xi32>
          %add3A_259 = arith.addi %rem3A_95, %add3A_258 : vector<16xi32>
          %gather3A_260 = tpu.vector_load_idx %arg6[%add3A_238, %add3A_189] : memref<32x512xf32, #tpu.memory_space<vmem>>[vector<16xi32>, vector<16xi32>], vector<16xf32>,
          %gather3A_261 = tpu.vector_load_idx %arg6[%add3A_241, %add3A_189] : memref<32x512xf32, #tpu.memory_space<vmem>>[vector<16xi32>, vector<16xi32>], vector<16xf32>,
          %gather3A_262 = tpu.vector_load_idx %arg6[%add3A_244, %add3A_189] : memref<32x512xf32, #tpu.memory_space<vmem>>[vector<16xi32>, vector<16xi32>], vector<16xf32>,
          %gather3A_263 = tpu.vector_load_idx %arg6[%add3A_247, %add3A_189] : memref<32x512xf32, #tpu.memory_space<vmem>>[vector<16xi32>, vector<16xi32>], vector<16xf32>,
          %gather3A_264 = tpu.vector_load_idx %arg6[%add3A_250, %add3A_189] : memref<32x512xf32, #tpu.memory_space<vmem>>[vector<16xi32>, vector<16xi32>], vector<16xf32>,
          %gather3A_265 = tpu.vector_load_idx %arg6[%add3A_253, %add3A_189] : memref<32x512xf32, #tpu.memory_space<vmem>>[vector<16xi32>, vector<16xi32>], vector<16xf32>,
          %gather3A_266 = tpu.vector_load_idx %arg6[%add3A_256, %add3A_189] : memref<32x512xf32, #tpu.memory_space<vmem>>[vector<16xi32>, vector<16xi32>], vector<16xf32>,
          %gather3A_267 = tpu.vector_load_idx %arg6[%add3A_259, %add3A_189] : memref<32x512xf32, #tpu.memory_space<vmem>>[vector<16xi32>, vector<16xi32>], vector<16xf32>,
          %add3A_268 = arith.addi %mul3A_196, %add3A_238 : vector<16xi32>
          tpu.vector_store_idx %arg8[%shift_right_logical3A_191, %add3A_268], %gather3A_260 : memref<128x128xf32, #tpu.memory_space<vmem>>[vector<16xi32>, vector<16xi32>], vector<16xf32>,
          %add3A_269 = arith.addi %mul3A_196, %add3A_241 : vector<16xi32>
          tpu.vector_store_idx %arg8[%shift_right_logical3A_191, %add3A_269], %gather3A_261 : memref<128x128xf32, #tpu.memory_space<vmem>>[vector<16xi32>, vector<16xi32>], vector<16xf32>,
          %add3A_270 = arith.addi %mul3A_196, %add3A_244 : vector<16xi32>
          tpu.vector_store_idx %arg8[%shift_right_logical3A_191, %add3A_270], %gather3A_262 : memref<128x128xf32, #tpu.memory_space<vmem>>[vector<16xi32>, vector<16xi32>], vector<16xf32>,
          %add3A_271 = arith.addi %mul3A_196, %add3A_247 : vector<16xi32>
          tpu.vector_store_idx %arg8[%shift_right_logical3A_191, %add3A_271], %gather3A_263 : memref<128x128xf32, #tpu.memory_space<vmem>>[vector<16xi32>, vector<16xi32>], vector<16xf32>,
          %add3A_272 = arith.addi %mul3A_196, %add3A_250 : vector<16xi32>
          tpu.vector_store_idx %arg8[%shift_right_logical3A_191, %add3A_272], %gather3A_264 : memref<128x128xf32, #tpu.memory_space<vmem>>[vector<16xi32>, vector<16xi32>], vector<16xf32>,
          %add3A_273 = arith.addi %mul3A_196, %add3A_253 : vector<16xi32>
          tpu.vector_store_idx %arg8[%shift_right_logical3A_191, %add3A_273], %gather3A_265 : memref<128x128xf32, #tpu.memory_space<vmem>>[vector<16xi32>, vector<16xi32>], vector<16xf32>,
          %add3A_274 = arith.addi %mul3A_196, %add3A_256 : vector<16xi32>
          tpu.vector_store_idx %arg8[%shift_right_logical3A_191, %add3A_274], %gather3A_266 : memref<128x128xf32, #tpu.memory_space<vmem>>[vector<16xi32>, vector<16xi32>], vector<16xf32>,
          %add3A_275 = arith.addi %mul3A_196, %add3A_259 : vector<16xi32>
          tpu.vector_store_idx %arg8[%shift_right_logical3A_191, %add3A_275], %gather3A_267 : memref<128x128xf32, #tpu.memory_space<vmem>>[vector<16xi32>, vector<16xi32>], vector<16xf32>,
          %add3A_276 = arith.constant 16 : i32
          %add3A_277 = vector.broadcast %add3A_276 : i32 to vector<16xi32>
          %add3A_278 = arith.addi %rem3A_5, %add3A_277 : vector<16xi32>
          %add3A_279 = arith.constant 16 : i32
          %add3A_280 = vector.broadcast %add3A_279 : i32 to vector<16xi32>
          %add3A_281 = arith.addi %rem3A_11, %add3A_280 : vector<16xi32>
          %add3A_282 = arith.constant 16 : i32
          %add3A_283 = vector.broadcast %add3A_282 : i32 to vector<16xi32>
          %add3A_284 = arith.addi %rem3A_17, %add3A_283 : vector<16xi32>
          %add3A_285 = arith.constant 16 : i32
          %add3A_286 = vector.broadcast %add3A_285 : i32 to vector<16xi32>
          %add3A_287 = arith.addi %rem3A_23, %add3A_286 : vector<16xi32>
          %add3A_288 = arith.constant 16 : i32
          %add3A_289 = vector.broadcast %add3A_288 : i32 to vector<16xi32>
          %add3A_290 = arith.addi %rem3A_29, %add3A_289 : vector<16xi32>
          %add3A_291 = arith.constant 16 : i32
          %add3A_292 = vector.broadcast %add3A_291 : i32 to vector<16xi32>
          %add3A_293 = arith.addi %rem3A_35, %add3A_292 : vector<16xi32>
          %add3A_294 = arith.constant 16 : i32
          %add3A_295 = vector.broadcast %add3A_294 : i32 to vector<16xi32>
          %add3A_296 = arith.addi %rem3A_41, %add3A_295 : vector<16xi32>
          %add3A_297 = arith.constant 16 : i32
          %add3A_298 = vector.broadcast %add3A_297 : i32 to vector<16xi32>
          %add3A_299 = arith.addi %rem3A_47, %add3A_298 : vector<16xi32>
          %gather3A_300 = tpu.vector_load_idx %arg6[%add3A_278, %add3A_189] : memref<32x512xf32, #tpu.memory_space<vmem>>[vector<16xi32>, vector<16xi32>], vector<16xf32>,
          %gather3A_301 = tpu.vector_load_idx %arg6[%add3A_281, %add3A_189] : memref<32x512xf32, #tpu.memory_space<vmem>>[vector<16xi32>, vector<16xi32>], vector<16xf32>,
          %gather3A_302 = tpu.vector_load_idx %arg6[%add3A_284, %add3A_189] : memref<32x512xf32, #tpu.memory_space<vmem>>[vector<16xi32>, vector<16xi32>], vector<16xf32>,
          %gather3A_303 = tpu.vector_load_idx %arg6[%add3A_287, %add3A_189] : memref<32x512xf32, #tpu.memory_space<vmem>>[vector<16xi32>, vector<16xi32>], vector<16xf32>,
          %gather3A_304 = tpu.vector_load_idx %arg6[%add3A_290, %add3A_189] : memref<32x512xf32, #tpu.memory_space<vmem>>[vector<16xi32>, vector<16xi32>], vector<16xf32>,
          %gather3A_305 = tpu.vector_load_idx %arg6[%add3A_293, %add3A_189] : memref<32x512xf32, #tpu.memory_space<vmem>>[vector<16xi32>, vector<16xi32>], vector<16xf32>,
          %gather3A_306 = tpu.vector_load_idx %arg6[%add3A_296, %add3A_189] : memref<32x512xf32, #tpu.memory_space<vmem>>[vector<16xi32>, vector<16xi32>], vector<16xf32>,
          %gather3A_307 = tpu.vector_load_idx %arg6[%add3A_299, %add3A_189] : memref<32x512xf32, #tpu.memory_space<vmem>>[vector<16xi32>, vector<16xi32>], vector<16xf32>,
          %add3A_308 = arith.addi %mul3A_196, %add3A_278 : vector<16xi32>
          tpu.vector_store_idx %arg8[%shift_right_logical3A_191, %add3A_308], %gather3A_300 : memref<128x128xf32, #tpu.memory_space<vmem>>[vector<16xi32>, vector<16xi32>], vector<16xf32>,
          %add3A_309 = arith.addi %mul3A_196, %add3A_281 : vector<16xi32>
          tpu.vector_store_idx %arg8[%shift_right_logical3A_191, %add3A_309], %gather3A_301 : memref<128x128xf32, #tpu.memory_space<vmem>>[vector<16xi32>, vector<16xi32>], vector<16xf32>,
          %add3A_310 = arith.addi %mul3A_196, %add3A_284 : vector<16xi32>
          tpu.vector_store_idx %arg8[%shift_right_logical3A_191, %add3A_310], %gather3A_302 : memref<128x128xf32, #tpu.memory_space<vmem>>[vector<16xi32>, vector<16xi32>], vector<16xf32>,
          %add3A_311 = arith.addi %mul3A_196, %add3A_287 : vector<16xi32>
          tpu.vector_store_idx %arg8[%shift_right_logical3A_191, %add3A_311], %gather3A_303 : memref<128x128xf32, #tpu.memory_space<vmem>>[vector<16xi32>, vector<16xi32>], vector<16xf32>,
          %add3A_312 = arith.addi %mul3A_196, %add3A_290 : vector<16xi32>
          tpu.vector_store_idx %arg8[%shift_right_logical3A_191, %add3A_312], %gather3A_304 : memref<128x128xf32, #tpu.memory_space<vmem>>[vector<16xi32>, vector<16xi32>], vector<16xf32>,
          %add3A_313 = arith.addi %mul3A_196, %add3A_293 : vector<16xi32>
          tpu.vector_store_idx %arg8[%shift_right_logical3A_191, %add3A_313], %gather3A_305 : memref<128x128xf32, #tpu.memory_space<vmem>>[vector<16xi32>, vector<16xi32>], vector<16xf32>,
          %add3A_314 = arith.addi %mul3A_196, %add3A_296 : vector<16xi32>
          tpu.vector_store_idx %arg8[%shift_right_logical3A_191, %add3A_314], %gather3A_306 : memref<128x128xf32, #tpu.memory_space<vmem>>[vector<16xi32>, vector<16xi32>], vector<16xf32>,
          %add3A_315 = arith.addi %mul3A_196, %add3A_299 : vector<16xi32>
          tpu.vector_store_idx %arg8[%shift_right_logical3A_191, %add3A_315], %gather3A_307 : memref<128x128xf32, #tpu.memory_space<vmem>>[vector<16xi32>, vector<16xi32>], vector<16xf32>,
          %add3A_316 = arith.constant 16 : i32
          %add3A_317 = vector.broadcast %add3A_316 : i32 to vector<16xi32>
          %add3A_318 = arith.addi %rem3A_53, %add3A_317 : vector<16xi32>
          %add3A_319 = arith.constant 16 : i32
          %add3A_320 = vector.broadcast %add3A_319 : i32 to vector<16xi32>
          %add3A_321 = arith.addi %rem3A_59, %add3A_320 : vector<16xi32>
          %add3A_322 = arith.constant 16 : i32
          %add3A_323 = vector.broadcast %add3A_322 : i32 to vector<16xi32>
          %add3A_324 = arith.addi %rem3A_65, %add3A_323 : vector<16xi32>
          %add3A_325 = arith.constant 16 : i32
          %add3A_326 = vector.broadcast %add3A_325 : i32 to vector<16xi32>
          %add3A_327 = arith.addi %rem3A_71, %add3A_326 : vector<16xi32>
          %add3A_328 = arith.constant 16 : i32
          %add3A_329 = vector.broadcast %add3A_328 : i32 to vector<16xi32>
          %add3A_330 = arith.addi %rem3A_77, %add3A_329 : vector<16xi32>
          %add3A_331 = arith.constant 16 : i32
          %add3A_332 = vector.broadcast %add3A_331 : i32 to vector<16xi32>
          %add3A_333 = arith.addi %rem3A_83, %add3A_332 : vector<16xi32>
          %add3A_334 = arith.constant 16 : i32
          %add3A_335 = vector.broadcast %add3A_334 : i32 to vector<16xi32>
          %add3A_336 = arith.addi %rem3A_89, %add3A_335 : vector<16xi32>
          %add3A_337 = arith.constant 16 : i32
          %add3A_338 = vector.broadcast %add3A_337 : i32 to vector<16xi32>
          %add3A_339 = arith.addi %rem3A_95, %add3A_338 : vector<16xi32>
          %gather3A_340 = tpu.vector_load_idx %arg6[%add3A_318, %add3A_189] : memref<32x512xf32, #tpu.memory_space<vmem>>[vector<16xi32>, vector<16xi32>], vector<16xf32>,
          %gather3A_341 = tpu.vector_load_idx %arg6[%add3A_321, %add3A_189] : memref<32x512xf32, #tpu.memory_space<vmem>>[vector<16xi32>, vector<16xi32>], vector<16xf32>,
          %gather3A_342 = tpu.vector_load_idx %arg6[%add3A_324, %add3A_189] : memref<32x512xf32, #tpu.memory_space<vmem>>[vector<16xi32>, vector<16xi32>], vector<16xf32>,
          %gather3A_343 = tpu.vector_load_idx %arg6[%add3A_327, %add3A_189] : memref<32x512xf32, #tpu.memory_space<vmem>>[vector<16xi32>, vector<16xi32>], vector<16xf32>,
          %gather3A_344 = tpu.vector_load_idx %arg6[%add3A_330, %add3A_189] : memref<32x512xf32, #tpu.memory_space<vmem>>[vector<16xi32>, vector<16xi32>], vector<16xf32>,
          %gather3A_345 = tpu.vector_load_idx %arg6[%add3A_333, %add3A_189] : memref<32x512xf32, #tpu.memory_space<vmem>>[vector<16xi32>, vector<16xi32>], vector<16xf32>,
          %gather3A_346 = tpu.vector_load_idx %arg6[%add3A_336, %add3A_189] : memref<32x512xf32, #tpu.memory_space<vmem>>[vector<16xi32>, vector<16xi32>], vector<16xf32>,
          %gather3A_347 = tpu.vector_load_idx %arg6[%add3A_339, %add3A_189] : memref<32x512xf32, #tpu.memory_space<vmem>>[vector<16xi32>, vector<16xi32>], vector<16xf32>,
          %add3A_348 = arith.addi %mul3A_196, %add3A_318 : vector<16xi32>
          tpu.vector_store_idx %arg8[%shift_right_logical3A_191, %add3A_348], %gather3A_340 : memref<128x128xf32, #tpu.memory_space<vmem>>[vector<16xi32>, vector<16xi32>], vector<16xf32>,
          %add3A_349 = arith.addi %mul3A_196, %add3A_321 : vector<16xi32>
          tpu.vector_store_idx %arg8[%shift_right_logical3A_191, %add3A_349], %gather3A_341 : memref<128x128xf32, #tpu.memory_space<vmem>>[vector<16xi32>, vector<16xi32>], vector<16xf32>,
          %add3A_350 = arith.addi %mul3A_196, %add3A_324 : vector<16xi32>
          tpu.vector_store_idx %arg8[%shift_right_logical3A_191, %add3A_350], %gather3A_342 : memref<128x128xf32, #tpu.memory_space<vmem>>[vector<16xi32>, vector<16xi32>], vector<16xf32>,
          %add3A_351 = arith.addi %mul3A_196, %add3A_327 : vector<16xi32>
          tpu.vector_store_idx %arg8[%shift_right_logical3A_191, %add3A_351], %gather3A_343 : memref<128x128xf32, #tpu.memory_space<vmem>>[vector<16xi32>, vector<16xi32>], vector<16xf32>,
          %add3A_352 = arith.addi %mul3A_196, %add3A_330 : vector<16xi32>
          tpu.vector_store_idx %arg8[%shift_right_logical3A_191, %add3A_352], %gather3A_344 : memref<128x128xf32, #tpu.memory_space<vmem>>[vector<16xi32>, vector<16xi32>], vector<16xf32>,
          %add3A_353 = arith.addi %mul3A_196, %add3A_333 : vector<16xi32>
          tpu.vector_store_idx %arg8[%shift_right_logical3A_191, %add3A_353], %gather3A_345 : memref<128x128xf32, #tpu.memory_space<vmem>>[vector<16xi32>, vector<16xi32>], vector<16xf32>,
          %add3A_354 = arith.addi %mul3A_196, %add3A_336 : vector<16xi32>
          tpu.vector_store_idx %arg8[%shift_right_logical3A_191, %add3A_354], %gather3A_346 : memref<128x128xf32, #tpu.memory_space<vmem>>[vector<16xi32>, vector<16xi32>], vector<16xf32>,
          %add3A_355 = arith.addi %mul3A_196, %add3A_339 : vector<16xi32>
          tpu.vector_store_idx %arg8[%shift_right_logical3A_191, %add3A_355], %gather3A_347 : memref<128x128xf32, #tpu.memory_space<vmem>>[vector<16xi32>, vector<16xi32>], vector<16xf32>,
          %mul3A_356 = arith.constant 2 : i32
          %mul3A_357 = arith.muli %mul3A_356, %scan3A_181 : i32
          %add3A_358 = arith.constant 1 : i32
          %add3A_359 = arith.addi %mul3A_357, %add3A_358 : i32
          %mul3A_360 = arith.constant 16 : i32
          %mul3A_361 = arith.muli %add3A_359, %mul3A_360 : i32
          %add3A_362 = vector.broadcast %mul3A_361 : i32 to vector<16xi32>
          %add3A_363 = arith.addi %iota3A, %add3A_362 : vector<16xi32>
          %shift_right_logical3A_364 = arith.constant 2 : i32
          %shift_right_logical3A_365 = vector.broadcast %shift_right_logical3A_364 : i32 to vector<16xi32>
          %shift_right_logical3A_366 = arith.shrui %add3A_363, %shift_right_logical3A_365 : vector<16xi32>
          %and3A_367 = arith.constant 3 : i32
          %and3A_368 = vector.broadcast %and3A_367 : i32 to vector<16xi32>
          %and3A_369 = arith.andi %add3A_363, %and3A_368 : vector<16xi32>
          %mul3A_370 = arith.constant 32 : i32
          %mul3A_371 = vector.broadcast %mul3A_370 : i32 to vector<16xi32>
          %mul3A_372 = arith.muli %and3A_369, %mul3A_371 : vector<16xi32>
          %add3A_373 = arith.constant 0 : i32
          %add3A_374 = vector.broadcast %add3A_373 : i32 to vector<16xi32>
          %add3A_375 = arith.addi %rem3A_5, %add3A_374 : vector<16xi32>
          %add3A_376 = arith.constant 0 : i32
          %add3A_377 = vector.broadcast %add3A_376 : i32 to vector<16xi32>
          %add3A_378 = arith.addi %rem3A_11, %add3A_377 : vector<16xi32>
          %add3A_379 = arith.constant 0 : i32
          %add3A_380 = vector.broadcast %add3A_379 : i32 to vector<16xi32>
          %add3A_381 = arith.addi %rem3A_17, %add3A_380 : vector<16xi32>
          %add3A_382 = arith.constant 0 : i32
          %add3A_383 = vector.broadcast %add3A_382 : i32 to vector<16xi32>
          %add3A_384 = arith.addi %rem3A_23, %add3A_383 : vector<16xi32>
          %add3A_385 = arith.constant 0 : i32
          %add3A_386 = vector.broadcast %add3A_385 : i32 to vector<16xi32>
          %add3A_387 = arith.addi %rem3A_29, %add3A_386 : vector<16xi32>
          %add3A_388 = arith.constant 0 : i32
          %add3A_389 = vector.broadcast %add3A_388 : i32 to vector<16xi32>
          %add3A_390 = arith.addi %rem3A_35, %add3A_389 : vector<16xi32>
          %add3A_391 = arith.constant 0 : i32
          %add3A_392 = vector.broadcast %add3A_391 : i32 to vector<16xi32>
          %add3A_393 = arith.addi %rem3A_41, %add3A_392 : vector<16xi32>
          %add3A_394 = arith.constant 0 : i32
          %add3A_395 = vector.broadcast %add3A_394 : i32 to vector<16xi32>
          %add3A_396 = arith.addi %rem3A_47, %add3A_395 : vector<16xi32>
          %gather3A_397 = tpu.vector_load_idx %arg6[%add3A_375, %add3A_363] : memref<32x512xf32, #tpu.memory_space<vmem>>[vector<16xi32>, vector<16xi32>], vector<16xf32>,
          %gather3A_398 = tpu.vector_load_idx %arg6[%add3A_378, %add3A_363] : memref<32x512xf32, #tpu.memory_space<vmem>>[vector<16xi32>, vector<16xi32>], vector<16xf32>,
          %gather3A_399 = tpu.vector_load_idx %arg6[%add3A_381, %add3A_363] : memref<32x512xf32, #tpu.memory_space<vmem>>[vector<16xi32>, vector<16xi32>], vector<16xf32>,
          %gather3A_400 = tpu.vector_load_idx %arg6[%add3A_384, %add3A_363] : memref<32x512xf32, #tpu.memory_space<vmem>>[vector<16xi32>, vector<16xi32>], vector<16xf32>,
          %gather3A_401 = tpu.vector_load_idx %arg6[%add3A_387, %add3A_363] : memref<32x512xf32, #tpu.memory_space<vmem>>[vector<16xi32>, vector<16xi32>], vector<16xf32>,
          %gather3A_402 = tpu.vector_load_idx %arg6[%add3A_390, %add3A_363] : memref<32x512xf32, #tpu.memory_space<vmem>>[vector<16xi32>, vector<16xi32>], vector<16xf32>,
          %gather3A_403 = tpu.vector_load_idx %arg6[%add3A_393, %add3A_363] : memref<32x512xf32, #tpu.memory_space<vmem>>[vector<16xi32>, vector<16xi32>], vector<16xf32>,
          %gather3A_404 = tpu.vector_load_idx %arg6[%add3A_396, %add3A_363] : memref<32x512xf32, #tpu.memory_space<vmem>>[vector<16xi32>, vector<16xi32>], vector<16xf32>,
          %add3A_405 = arith.addi %mul3A_372, %add3A_375 : vector<16xi32>
          tpu.vector_store_idx %arg8[%shift_right_logical3A_366, %add3A_405], %gather3A_397 : memref<128x128xf32, #tpu.memory_space<vmem>>[vector<16xi32>, vector<16xi32>], vector<16xf32>,
          %add3A_406 = arith.addi %mul3A_372, %add3A_378 : vector<16xi32>
          tpu.vector_store_idx %arg8[%shift_right_logical3A_366, %add3A_406], %gather3A_398 : memref<128x128xf32, #tpu.memory_space<vmem>>[vector<16xi32>, vector<16xi32>], vector<16xf32>,
          %add3A_407 = arith.addi %mul3A_372, %add3A_381 : vector<16xi32>
          tpu.vector_store_idx %arg8[%shift_right_logical3A_366, %add3A_407], %gather3A_399 : memref<128x128xf32, #tpu.memory_space<vmem>>[vector<16xi32>, vector<16xi32>], vector<16xf32>,
          %add3A_408 = arith.addi %mul3A_372, %add3A_384 : vector<16xi32>
          tpu.vector_store_idx %arg8[%shift_right_logical3A_366, %add3A_408], %gather3A_400 : memref<128x128xf32, #tpu.memory_space<vmem>>[vector<16xi32>, vector<16xi32>], vector<16xf32>,
          %add3A_409 = arith.addi %mul3A_372, %add3A_387 : vector<16xi32>
          tpu.vector_store_idx %arg8[%shift_right_logical3A_366, %add3A_409], %gather3A_401 : memref<128x128xf32, #tpu.memory_space<vmem>>[vector<16xi32>, vector<16xi32>], vector<16xf32>,
          %add3A_410 = arith.addi %mul3A_372, %add3A_390 : vector<16xi32>
          tpu.vector_store_idx %arg8[%shift_right_logical3A_366, %add3A_410], %gather3A_402 : memref<128x128xf32, #tpu.memory_space<vmem>>[vector<16xi32>, vector<16xi32>], vector<16xf32>,
          %add3A_411 = arith.addi %mul3A_372, %add3A_393 : vector<16xi32>
          tpu.vector_store_idx %arg8[%shift_right_logical3A_366, %add3A_411], %gather3A_403 : memref<128x128xf32, #tpu.memory_space<vmem>>[vector<16xi32>, vector<16xi32>], vector<16xf32>,
          %add3A_412 = arith.addi %mul3A_372, %add3A_396 : vector<16xi32>
          tpu.vector_store_idx %arg8[%shift_right_logical3A_366, %add3A_412], %gather3A_404 : memref<128x128xf32, #tpu.memory_space<vmem>>[vector<16xi32>, vector<16xi32>], vector<16xf32>,
          %add3A_413 = arith.constant 0 : i32
          %add3A_414 = vector.broadcast %add3A_413 : i32 to vector<16xi32>
          %add3A_415 = arith.addi %rem3A_53, %add3A_414 : vector<16xi32>
          %add3A_416 = arith.constant 0 : i32
          %add3A_417 = vector.broadcast %add3A_416 : i32 to vector<16xi32>
          %add3A_418 = arith.addi %rem3A_59, %add3A_417 : vector<16xi32>
          %add3A_419 = arith.constant 0 : i32
          %add3A_420 = vector.broadcast %add3A_419 : i32 to vector<16xi32>
          %add3A_421 = arith.addi %rem3A_65, %add3A_420 : vector<16xi32>
          %add3A_422 = arith.constant 0 : i32
          %add3A_423 = vector.broadcast %add3A_422 : i32 to vector<16xi32>
          %add3A_424 = arith.addi %rem3A_71, %add3A_423 : vector<16xi32>
          %add3A_425 = arith.constant 0 : i32
          %add3A_426 = vector.broadcast %add3A_425 : i32 to vector<16xi32>
          %add3A_427 = arith.addi %rem3A_77, %add3A_426 : vector<16xi32>
          %add3A_428 = arith.constant 0 : i32
          %add3A_429 = vector.broadcast %add3A_428 : i32 to vector<16xi32>
          %add3A_430 = arith.addi %rem3A_83, %add3A_429 : vector<16xi32>
          %add3A_431 = arith.constant 0 : i32
          %add3A_432 = vector.broadcast %add3A_431 : i32 to vector<16xi32>
          %add3A_433 = arith.addi %rem3A_89, %add3A_432 : vector<16xi32>
          %add3A_434 = arith.constant 0 : i32
          %add3A_435 = vector.broadcast %add3A_434 : i32 to vector<16xi32>
          %add3A_436 = arith.addi %rem3A_95, %add3A_435 : vector<16xi32>
          %gather3A_437 = tpu.vector_load_idx %arg6[%add3A_415, %add3A_363] : memref<32x512xf32, #tpu.memory_space<vmem>>[vector<16xi32>, vector<16xi32>], vector<16xf32>,
          %gather3A_438 = tpu.vector_load_idx %arg6[%add3A_418, %add3A_363] : memref<32x512xf32, #tpu.memory_space<vmem>>[vector<16xi32>, vector<16xi32>], vector<16xf32>,
          %gather3A_439 = tpu.vector_load_idx %arg6[%add3A_421, %add3A_363] : memref<32x512xf32, #tpu.memory_space<vmem>>[vector<16xi32>, vector<16xi32>], vector<16xf32>,
          %gather3A_440 = tpu.vector_load_idx %arg6[%add3A_424, %add3A_363] : memref<32x512xf32, #tpu.memory_space<vmem>>[vector<16xi32>, vector<16xi32>], vector<16xf32>,
          %gather3A_441 = tpu.vector_load_idx %arg6[%add3A_427, %add3A_363] : memref<32x512xf32, #tpu.memory_space<vmem>>[vector<16xi32>, vector<16xi32>], vector<16xf32>,
          %gather3A_442 = tpu.vector_load_idx %arg6[%add3A_430, %add3A_363] : memref<32x512xf32, #tpu.memory_space<vmem>>[vector<16xi32>, vector<16xi32>], vector<16xf32>,
          %gather3A_443 = tpu.vector_load_idx %arg6[%add3A_433, %add3A_363] : memref<32x512xf32, #tpu.memory_space<vmem>>[vector<16xi32>, vector<16xi32>], vector<16xf32>,
          %gather3A_444 = tpu.vector_load_idx %arg6[%add3A_436, %add3A_363] : memref<32x512xf32, #tpu.memory_space<vmem>>[vector<16xi32>, vector<16xi32>], vector<16xf32>,
          %add3A_445 = arith.addi %mul3A_372, %add3A_415 : vector<16xi32>
          tpu.vector_store_idx %arg8[%shift_right_logical3A_366, %add3A_445], %gather3A_437 : memref<128x128xf32, #tpu.memory_space<vmem>>[vector<16xi32>, vector<16xi32>], vector<16xf32>,
          %add3A_446 = arith.addi %mul3A_372, %add3A_418 : vector<16xi32>
          tpu.vector_store_idx %arg8[%shift_right_logical3A_366, %add3A_446], %gather3A_438 : memref<128x128xf32, #tpu.memory_space<vmem>>[vector<16xi32>, vector<16xi32>], vector<16xf32>,
          %add3A_447 = arith.addi %mul3A_372, %add3A_421 : vector<16xi32>
          tpu.vector_store_idx %arg8[%shift_right_logical3A_366, %add3A_447], %gather3A_439 : memref<128x128xf32, #tpu.memory_space<vmem>>[vector<16xi32>, vector<16xi32>], vector<16xf32>,
          %add3A_448 = arith.addi %mul3A_372, %add3A_424 : vector<16xi32>
          tpu.vector_store_idx %arg8[%shift_right_logical3A_366, %add3A_448], %gather3A_440 : memref<128x128xf32, #tpu.memory_space<vmem>>[vector<16xi32>, vector<16xi32>], vector<16xf32>,
          %add3A_449 = arith.addi %mul3A_372, %add3A_427 : vector<16xi32>
          tpu.vector_store_idx %arg8[%shift_right_logical3A_366, %add3A_449], %gather3A_441 : memref<128x128xf32, #tpu.memory_space<vmem>>[vector<16xi32>, vector<16xi32>], vector<16xf32>,
          %add3A_450 = arith.addi %mul3A_372, %add3A_430 : vector<16xi32>
          tpu.vector_store_idx %arg8[%shift_right_logical3A_366, %add3A_450], %gather3A_442 : memref<128x128xf32, #tpu.memory_space<vmem>>[vector<16xi32>, vector<16xi32>], vector<16xf32>,
          %add3A_451 = arith.addi %mul3A_372, %add3A_433 : vector<16xi32>
          tpu.vector_store_idx %arg8[%shift_right_logical3A_366, %add3A_451], %gather3A_443 : memref<128x128xf32, #tpu.memory_space<vmem>>[vector<16xi32>, vector<16xi32>], vector<16xf32>,
          %add3A_452 = arith.addi %mul3A_372, %add3A_436 : vector<16xi32>
          tpu.vector_store_idx %arg8[%shift_right_logical3A_366, %add3A_452], %gather3A_444 : memref<128x128xf32, #tpu.memory_space<vmem>>[vector<16xi32>, vector<16xi32>], vector<16xf32>,
          %add3A_453 = arith.constant 16 : i32
          %add3A_454 = vector.broadcast %add3A_453 : i32 to vector<16xi32>
          %add3A_455 = arith.addi %rem3A_5, %add3A_454 : vector<16xi32>
          %add3A_456 = arith.constant 16 : i32
          %add3A_457 = vector.broadcast %add3A_456 : i32 to vector<16xi32>
          %add3A_458 = arith.addi %rem3A_11, %add3A_457 : vector<16xi32>
          %add3A_459 = arith.constant 16 : i32
          %add3A_460 = vector.broadcast %add3A_459 : i32 to vector<16xi32>
          %add3A_461 = arith.addi %rem3A_17, %add3A_460 : vector<16xi32>
          %add3A_462 = arith.constant 16 : i32
          %add3A_463 = vector.broadcast %add3A_462 : i32 to vector<16xi32>
          %add3A_464 = arith.addi %rem3A_23, %add3A_463 : vector<16xi32>
          %add3A_465 = arith.constant 16 : i32
          %add3A_466 = vector.broadcast %add3A_465 : i32 to vector<16xi32>
          %add3A_467 = arith.addi %rem3A_29, %add3A_466 : vector<16xi32>
          %add3A_468 = arith.constant 16 : i32
          %add3A_469 = vector.broadcast %add3A_468 : i32 to vector<16xi32>
          %add3A_470 = arith.addi %rem3A_35, %add3A_469 : vector<16xi32>
          %add3A_471 = arith.constant 16 : i32
          %add3A_472 = vector.broadcast %add3A_471 : i32 to vector<16xi32>
          %add3A_473 = arith.addi %rem3A_41, %add3A_472 : vector<16xi32>
          %add3A_474 = arith.constant 16 : i32
          %add3A_475 = vector.broadcast %add3A_474 : i32 to vector<16xi32>
          %add3A_476 = arith.addi %rem3A_47, %add3A_475 : vector<16xi32>
          %gather3A_477 = tpu.vector_load_idx %arg6[%add3A_455, %add3A_363] : memref<32x512xf32, #tpu.memory_space<vmem>>[vector<16xi32>, vector<16xi32>], vector<16xf32>,
          %gather3A_478 = tpu.vector_load_idx %arg6[%add3A_458, %add3A_363] : memref<32x512xf32, #tpu.memory_space<vmem>>[vector<16xi32>, vector<16xi32>], vector<16xf32>,
          %gather3A_479 = tpu.vector_load_idx %arg6[%add3A_461, %add3A_363] : memref<32x512xf32, #tpu.memory_space<vmem>>[vector<16xi32>, vector<16xi32>], vector<16xf32>,
          %gather3A_480 = tpu.vector_load_idx %arg6[%add3A_464, %add3A_363] : memref<32x512xf32, #tpu.memory_space<vmem>>[vector<16xi32>, vector<16xi32>], vector<16xf32>,
          %gather3A_481 = tpu.vector_load_idx %arg6[%add3A_467, %add3A_363] : memref<32x512xf32, #tpu.memory_space<vmem>>[vector<16xi32>, vector<16xi32>], vector<16xf32>,
          %gather3A_482 = tpu.vector_load_idx %arg6[%add3A_470, %add3A_363] : memref<32x512xf32, #tpu.memory_space<vmem>>[vector<16xi32>, vector<16xi32>], vector<16xf32>,
          %gather3A_483 = tpu.vector_load_idx %arg6[%add3A_473, %add3A_363] : memref<32x512xf32, #tpu.memory_space<vmem>>[vector<16xi32>, vector<16xi32>], vector<16xf32>,
          %gather3A_484 = tpu.vector_load_idx %arg6[%add3A_476, %add3A_363] : memref<32x512xf32, #tpu.memory_space<vmem>>[vector<16xi32>, vector<16xi32>], vector<16xf32>,
          %add3A_485 = arith.addi %mul3A_372, %add3A_455 : vector<16xi32>
          tpu.vector_store_idx %arg8[%shift_right_logical3A_366, %add3A_485], %gather3A_477 : memref<128x128xf32, #tpu.memory_space<vmem>>[vector<16xi32>, vector<16xi32>], vector<16xf32>,
          %add3A_486 = arith.addi %mul3A_372, %add3A_458 : vector<16xi32>
          tpu.vector_store_idx %arg8[%shift_right_logical3A_366, %add3A_486], %gather3A_478 : memref<128x128xf32, #tpu.memory_space<vmem>>[vector<16xi32>, vector<16xi32>], vector<16xf32>,
          %add3A_487 = arith.addi %mul3A_372, %add3A_461 : vector<16xi32>
          tpu.vector_store_idx %arg8[%shift_right_logical3A_366, %add3A_487], %gather3A_479 : memref<128x128xf32, #tpu.memory_space<vmem>>[vector<16xi32>, vector<16xi32>], vector<16xf32>,
          %add3A_488 = arith.addi %mul3A_372, %add3A_464 : vector<16xi32>
          tpu.vector_store_idx %arg8[%shift_right_logical3A_366, %add3A_488], %gather3A_480 : memref<128x128xf32, #tpu.memory_space<vmem>>[vector<16xi32>, vector<16xi32>], vector<16xf32>,
          %add3A_489 = arith.addi %mul3A_372, %add3A_467 : vector<16xi32>
          tpu.vector_store_idx %arg8[%shift_right_logical3A_366, %add3A_489], %gather3A_481 : memref<128x128xf32, #tpu.memory_space<vmem>>[vector<16xi32>, vector<16xi32>], vector<16xf32>,
          %add3A_490 = arith.addi %mul3A_372, %add3A_470 : vector<16xi32>
          tpu.vector_store_idx %arg8[%shift_right_logical3A_366, %add3A_490], %gather3A_482 : memref<128x128xf32, #tpu.memory_space<vmem>>[vector<16xi32>, vector<16xi32>], vector<16xf32>,
          %add3A_491 = arith.addi %mul3A_372, %add3A_473 : vector<16xi32>
          tpu.vector_store_idx %arg8[%shift_right_logical3A_366, %add3A_491], %gather3A_483 : memref<128x128xf32, #tpu.memory_space<vmem>>[vector<16xi32>, vector<16xi32>], vector<16xf32>,
          %add3A_492 = arith.addi %mul3A_372, %add3A_476 : vector<16xi32>
          tpu.vector_store_idx %arg8[%shift_right_logical3A_366, %add3A_492], %gather3A_484 : memref<128x128xf32, #tpu.memory_space<vmem>>[vector<16xi32>, vector<16xi32>], vector<16xf32>,
          %add3A_493 = arith.constant 16 : i32
          %add3A_494 = vector.broadcast %add3A_493 : i32 to vector<16xi32>
          %add3A_495 = arith.addi %rem3A_53, %add3A_494 : vector<16xi32>
          %add3A_496 = arith.constant 16 : i32
          %add3A_497 = vector.broadcast %add3A_496 : i32 to vector<16xi32>
          %add3A_498 = arith.addi %rem3A_59, %add3A_497 : vector<16xi32>
          %add3A_499 = arith.constant 16 : i32
          %add3A_500 = vector.broadcast %add3A_499 : i32 to vector<16xi32>
          %add3A_501 = arith.addi %rem3A_65, %add3A_500 : vector<16xi32>
          %add3A_502 = arith.constant 16 : i32
          %add3A_503 = vector.broadcast %add3A_502 : i32 to vector<16xi32>
          %add3A_504 = arith.addi %rem3A_71, %add3A_503 : vector<16xi32>
          %add3A_505 = arith.constant 16 : i32
          %add3A_506 = vector.broadcast %add3A_505 : i32 to vector<16xi32>
          %add3A_507 = arith.addi %rem3A_77, %add3A_506 : vector<16xi32>
          %add3A_508 = arith.constant 16 : i32
          %add3A_509 = vector.broadcast %add3A_508 : i32 to vector<16xi32>
          %add3A_510 = arith.addi %rem3A_83, %add3A_509 : vector<16xi32>
          %add3A_511 = arith.constant 16 : i32
          %add3A_512 = vector.broadcast %add3A_511 : i32 to vector<16xi32>
          %add3A_513 = arith.addi %rem3A_89, %add3A_512 : vector<16xi32>
          %add3A_514 = arith.constant 16 : i32
          %add3A_515 = vector.broadcast %add3A_514 : i32 to vector<16xi32>
          %add3A_516 = arith.addi %rem3A_95, %add3A_515 : vector<16xi32>
          %gather3A_517 = tpu.vector_load_idx %arg6[%add3A_495, %add3A_363] : memref<32x512xf32, #tpu.memory_space<vmem>>[vector<16xi32>, vector<16xi32>], vector<16xf32>,
          %gather3A_518 = tpu.vector_load_idx %arg6[%add3A_498, %add3A_363] : memref<32x512xf32, #tpu.memory_space<vmem>>[vector<16xi32>, vector<16xi32>], vector<16xf32>,
          %gather3A_519 = tpu.vector_load_idx %arg6[%add3A_501, %add3A_363] : memref<32x512xf32, #tpu.memory_space<vmem>>[vector<16xi32>, vector<16xi32>], vector<16xf32>,
          %gather3A_520 = tpu.vector_load_idx %arg6[%add3A_504, %add3A_363] : memref<32x512xf32, #tpu.memory_space<vmem>>[vector<16xi32>, vector<16xi32>], vector<16xf32>,
          %gather3A_521 = tpu.vector_load_idx %arg6[%add3A_507, %add3A_363] : memref<32x512xf32, #tpu.memory_space<vmem>>[vector<16xi32>, vector<16xi32>], vector<16xf32>,
          %gather3A_522 = tpu.vector_load_idx %arg6[%add3A_510, %add3A_363] : memref<32x512xf32, #tpu.memory_space<vmem>>[vector<16xi32>, vector<16xi32>], vector<16xf32>,
          %gather3A_523 = tpu.vector_load_idx %arg6[%add3A_513, %add3A_363] : memref<32x512xf32, #tpu.memory_space<vmem>>[vector<16xi32>, vector<16xi32>], vector<16xf32>,
          %gather3A_524 = tpu.vector_load_idx %arg6[%add3A_516, %add3A_363] : memref<32x512xf32, #tpu.memory_space<vmem>>[vector<16xi32>, vector<16xi32>], vector<16xf32>,
          %add3A_525 = arith.addi %mul3A_372, %add3A_495 : vector<16xi32>
          tpu.vector_store_idx %arg8[%shift_right_logical3A_366, %add3A_525], %gather3A_517 : memref<128x128xf32, #tpu.memory_space<vmem>>[vector<16xi32>, vector<16xi32>], vector<16xf32>,
          %add3A_526 = arith.addi %mul3A_372, %add3A_498 : vector<16xi32>
          tpu.vector_store_idx %arg8[%shift_right_logical3A_366, %add3A_526], %gather3A_518 : memref<128x128xf32, #tpu.memory_space<vmem>>[vector<16xi32>, vector<16xi32>], vector<16xf32>,
          %add3A_527 = arith.addi %mul3A_372, %add3A_501 : vector<16xi32>
          tpu.vector_store_idx %arg8[%shift_right_logical3A_366, %add3A_527], %gather3A_519 : memref<128x128xf32, #tpu.memory_space<vmem>>[vector<16xi32>, vector<16xi32>], vector<16xf32>,
          %add3A_528 = arith.addi %mul3A_372, %add3A_504 : vector<16xi32>
          tpu.vector_store_idx %arg8[%shift_right_logical3A_366, %add3A_528], %gather3A_520 : memref<128x128xf32, #tpu.memory_space<vmem>>[vector<16xi32>, vector<16xi32>], vector<16xf32>,
          %add3A_529 = arith.addi %mul3A_372, %add3A_507 : vector<16xi32>
          tpu.vector_store_idx %arg8[%shift_right_logical3A_366, %add3A_529], %gather3A_521 : memref<128x128xf32, #tpu.memory_space<vmem>>[vector<16xi32>, vector<16xi32>], vector<16xf32>,
          %add3A_530 = arith.addi %mul3A_372, %add3A_510 : vector<16xi32>
          tpu.vector_store_idx %arg8[%shift_right_logical3A_366, %add3A_530], %gather3A_522 : memref<128x128xf32, #tpu.memory_space<vmem>>[vector<16xi32>, vector<16xi32>], vector<16xf32>,
          %add3A_531 = arith.addi %mul3A_372, %add3A_513 : vector<16xi32>
          tpu.vector_store_idx %arg8[%shift_right_logical3A_366, %add3A_531], %gather3A_523 : memref<128x128xf32, #tpu.memory_space<vmem>>[vector<16xi32>, vector<16xi32>], vector<16xf32>,
          %add3A_532 = arith.addi %mul3A_372, %add3A_516 : vector<16xi32>
          tpu.vector_store_idx %arg8[%shift_right_logical3A_366, %add3A_532], %gather3A_524 : memref<128x128xf32, #tpu.memory_space<vmem>>[vector<16xi32>, vector<16xi32>], vector<16xf32>,
        }
        %scan3A_166 = arith.constant 16 : i32
        %ge3A = arith.constant 2 : i32
        %ge3A_167 = arith.cmpi sge, %add3A_136, %ge3A : i32
        %convert_element_type3A_168 = arith.extui %ge3A_167 : i1 to i32
        %cond3A_169 = arith.constant 0 : i32
        %cond3A_170 = arith.cmpi ne, %convert_element_type3A_168, %cond3A_169 : i32
        scf.if %cond3A_170 {
          %dma_wait3A_181 = arith.constant 0 : i32
          %dma_wait3A_182 = arith.constant 0 : i32
          %dma_wait3A_183 = tpu.memref_slice %arg4[%dma_wait3A_181, %dma_wait3A_182] : memref<250000x128xf32, #tpu.memory_space<hbm>> -> memref<128x128xf32, #tpu.memory_space<hbm>>
          %dma_wait3A_184 = arith.constant 0 : i32
          %dma_wait3A_185 = arith.constant 0 : i32
          %dma_wait3A_186 = tpu.memref_slice %arg4[%dma_wait3A_184, %dma_wait3A_185] : memref<250000x128xf32, #tpu.memory_space<hbm>> -> memref<128x128xf32, #tpu.memory_space<hbm>>
          tpu.wait_dma2 semaphore(%arg12 : memref<!tpu.dma_semaphore, #tpu.memory_space<semaphore_mem>>) src(%arg8 : memref<128x128xf32, #tpu.memory_space<vmem>>) dst(%dma_wait3A_186 : memref<128x128xf32, #tpu.memory_space<hbm>>)
        } else {
        }
        %mul3A_171 = arith.constant 32 : i32
        %mul3A_172 = arith.muli %mul3A_171, %add3A_136 : i32
        %add3A_173 = arith.addi %add3A, %mul3A_172 : i32
        %mul3A_174 = arith.constant 128 : i32
        %mul3A_175 = arith.muli %add3A_173, %mul3A_174 : i32
        %multiple_of3A_176 = tpu.assume_multiple %mul3A_175, 128 : i32
        %dma_start3A_177 = arith.constant 0 : i32
        %dma_start3A_178 = tpu.memref_slice %arg4[%multiple_of3A_176, %dma_start3A_177] : memref<250000x128xf32, #tpu.memory_space<hbm>> -> memref<128x128xf32, #tpu.memory_space<hbm>>
        %dma_start3A_179 = arith.constant 0 : i32
        %dma_start3A_180 = tpu.memref_slice %arg4[%multiple_of3A_176, %dma_start3A_179] : memref<250000x128xf32, #tpu.memory_space<hbm>> -> memref<128x128xf32, #tpu.memory_space<hbm>>
        tpu.enqueue_dma source(%arg8 : memref<128x128xf32, #tpu.memory_space<vmem>>) target(%dma_start3A_180 : memref<128x128xf32, #tpu.memory_space<hbm>>) target_semaphore(%arg12 : memref<!tpu.dma_semaphore, #tpu.memory_space<semaphore_mem>>)
      } else {
      }
    }
    %scan3A_107 = arith.constant 31 : i32
    %dma_wait3A = arith.constant 0 : i32
    %dma_wait3A_108 = arith.constant 0 : i32
    %dma_wait3A_109 = tpu.memref_slice %arg4[%dma_wait3A, %dma_wait3A_108] : memref<250000x128xf32, #tpu.memory_space<hbm>> -> memref<128x128xf32, #tpu.memory_space<hbm>>
    %dma_wait3A_110 = arith.constant 0 : i32
    %dma_wait3A_111 = arith.constant 0 : i32
    %dma_wait3A_112 = tpu.memref_slice %arg4[%dma_wait3A_110, %dma_wait3A_111] : memref<250000x128xf32, #tpu.memory_space<hbm>> -> memref<128x128xf32, #tpu.memory_space<hbm>>
    tpu.wait_dma2 semaphore(%arg11 : memref<!tpu.dma_semaphore, #tpu.memory_space<semaphore_mem>>) src(%arg7 : memref<128x128xf32, #tpu.memory_space<vmem>>) dst(%dma_wait3A_112 : memref<128x128xf32, #tpu.memory_space<hbm>>)
    %dma_wait3A_113 = arith.constant 0 : i32
    %dma_wait3A_114 = arith.constant 0 : i32
    %dma_wait3A_115 = tpu.memref_slice %arg4[%dma_wait3A_113, %dma_wait3A_114] : memref<250000x128xf32, #tpu.memory_space<hbm>> -> memref<128x128xf32, #tpu.memory_space<hbm>>
    %dma_wait3A_116 = arith.constant 0 : i32
    %dma_wait3A_117 = arith.constant 0 : i32
    %dma_wait3A_118 = tpu.memref_slice %arg4[%dma_wait3A_116, %dma_wait3A_117] : memref<250000x128xf32, #tpu.memory_space<hbm>> -> memref<128x128xf32, #tpu.memory_space<hbm>>
    tpu.wait_dma2 semaphore(%arg12 : memref<!tpu.dma_semaphore, #tpu.memory_space<semaphore_mem>>) src(%arg8 : memref<128x128xf32, #tpu.memory_space<vmem>>) dst(%dma_wait3A_118 : memref<128x128xf32, #tpu.memory_space<hbm>>)
    %eq3A = arith.constant 31 : i32
    %eq3A_119 = arith.cmpi eq, %add3A, %eq3A : i32
    %convert_element_type3A = arith.extui %eq3A_119 : i1 to i32
    %cond3A = arith.constant 0 : i32
    %cond3A_120 = arith.cmpi ne, %convert_element_type3A, %cond3A : i32
    scf.if %cond3A_120 {
      "tpu.region"() ({
        %run_scoped3A = tpu.sem_alloc : memref<!tpu.dma_semaphore, #tpu.memory_space<semaphore_mem>>
        %dma_start3A_121 = arith.constant 0 : i32
        %dma_start3A_122 = arith.constant 0 : i32
        %dma_start3A_123 = tpu.memref_slice %arg7[%dma_start3A_121, %dma_start3A_122] : memref<128x128xf32, #tpu.memory_space<vmem>> -> memref<16x128xf32, #tpu.memory_space<vmem>>
        %dma_start3A_124 = arith.constant 0 : i32
        %dma_start3A_125 = arith.constant 0 : i32
        %dma_start3A_126 = tpu.memref_slice %arg7[%dma_start3A_124, %dma_start3A_125] : memref<128x128xf32, #tpu.memory_space<vmem>> -> memref<16x128xf32, #tpu.memory_space<vmem>>
        tpu.enqueue_dma source(%arg3 : memref<16x128xf32, #tpu.memory_space<hbm>>) target(%dma_start3A_126 : memref<16x128xf32, #tpu.memory_space<vmem>>) target_semaphore(%run_scoped3A : memref<!tpu.dma_semaphore, #tpu.memory_space<semaphore_mem>>)
        %dma_wait3A_127 = arith.constant 0 : i32
        %dma_wait3A_128 = arith.constant 0 : i32
        %dma_wait3A_129 = tpu.memref_slice %arg7[%dma_wait3A_127, %dma_wait3A_128] : memref<128x128xf32, #tpu.memory_space<vmem>> -> memref<16x128xf32, #tpu.memory_space<vmem>>
        %dma_wait3A_130 = arith.constant 0 : i32
        %dma_wait3A_131 = arith.constant 0 : i32
        %dma_wait3A_132 = tpu.memref_slice %arg7[%dma_wait3A_130, %dma_wait3A_131] : memref<128x128xf32, #tpu.memory_space<vmem>> -> memref<16x128xf32, #tpu.memory_space<vmem>>
        tpu.wait_dma2 semaphore(%run_scoped3A : memref<!tpu.dma_semaphore, #tpu.memory_space<semaphore_mem>>) src(%arg3 : memref<16x128xf32, #tpu.memory_space<hbm>>) dst(%dma_wait3A_132 : memref<16x128xf32, #tpu.memory_space<vmem>>)
        tpu.yield
      }) : () -> ()
      "tpu.region"() ({
        %run_scoped3A = tpu.sem_alloc : memref<!tpu.dma_semaphore, #tpu.memory_space<semaphore_mem>>
        %dma_start3A_121 = arith.constant 0 : i32
        %dma_start3A_122 = arith.constant 0 : i32
        %dma_start3A_123 = tpu.memref_slice %arg7[%dma_start3A_121, %dma_start3A_122] : memref<128x128xf32, #tpu.memory_space<vmem>> -> memref<16x128xf32, #tpu.memory_space<vmem>>
        %dma_start3A_124 = arith.constant 249984 : i32
        %dma_start3A_125 = arith.constant 0 : i32
        %dma_start3A_126 = tpu.memref_slice %arg4[%dma_start3A_124, %dma_start3A_125] : memref<250000x128xf32, #tpu.memory_space<hbm>> -> memref<16x128xf32, #tpu.memory_space<hbm>>
        %dma_start3A_127 = arith.constant 249984 : i32
        %dma_start3A_128 = arith.constant 0 : i32
        %dma_start3A_129 = tpu.memref_slice %arg4[%dma_start3A_127, %dma_start3A_128] : memref<250000x128xf32, #tpu.memory_space<hbm>> -> memref<16x128xf32, #tpu.memory_space<hbm>>
        %dma_start3A_130 = arith.constant 0 : i32
        %dma_start3A_131 = arith.constant 0 : i32
        %dma_start3A_132 = tpu.memref_slice %arg7[%dma_start3A_130, %dma_start3A_131] : memref<128x128xf32, #tpu.memory_space<vmem>> -> memref<16x128xf32, #tpu.memory_space<vmem>>
        tpu.enqueue_dma source(%dma_start3A_132 : memref<16x128xf32, #tpu.memory_space<vmem>>) target(%dma_start3A_129 : memref<16x128xf32, #tpu.memory_space<hbm>>) target_semaphore(%run_scoped3A : memref<!tpu.dma_semaphore, #tpu.memory_space<semaphore_mem>>)
        %dma_wait3A_133 = arith.constant 0 : i32
        %dma_wait3A_134 = arith.constant 0 : i32
        %dma_wait3A_135 = tpu.memref_slice %arg7[%dma_wait3A_133, %dma_wait3A_134] : memref<128x128xf32, #tpu.memory_space<vmem>> -> memref<16x128xf32, #tpu.memory_space<vmem>>
        %dma_wait3A_136 = arith.constant 249984 : i32
        %dma_wait3A_137 = arith.constant 0 : i32
        %dma_wait3A_138 = tpu.memref_slice %arg4[%dma_wait3A_136, %dma_wait3A_137] : memref<250000x128xf32, #tpu.memory_space<hbm>> -> memref<16x128xf32, #tpu.memory_space<hbm>>
        %dma_wait3A_139 = arith.constant 249984 : i32
        %dma_wait3A_140 = arith.constant 0 : i32
        %dma_wait3A_141 = tpu.memref_slice %arg4[%dma_wait3A_139, %dma_wait3A_140] : memref<250000x128xf32, #tpu.memory_space<hbm>> -> memref<16x128xf32, #tpu.memory_space<hbm>>
        %dma_wait3A_142 = arith.constant 0 : i32
        %dma_wait3A_143 = arith.constant 0 : i32
        %dma_wait3A_144 = tpu.memref_slice %arg7[%dma_wait3A_142, %dma_wait3A_143] : memref<128x128xf32, #tpu.memory_space<vmem>> -> memref<16x128xf32, #tpu.memory_space<vmem>>
        tpu.wait_dma2 semaphore(%run_scoped3A : memref<!tpu.dma_semaphore, #tpu.memory_space<semaphore_mem>>) src(%dma_wait3A_144 : memref<16x128xf32, #tpu.memory_space<vmem>>) dst(%dma_wait3A_141 : memref<16x128xf32, #tpu.memory_space<hbm>>)
        tpu.yield
      }) : () -> ()
    } else {
    }
    return
  }
}

</mosaic_0001>

<sc_bundles>
// kernel: kernel.4.cloned.1.call-start
scs
__scs_entry_jumppad:
0x0: {  	(pc) =	sbr.rel $0x88, $3  }
0x1: {  	(tag) =	ssettag $0x0;
	lr =	simm.s32 $0x1  }
0x2: {  	[smem:$0x3F9F] =	sst lr;
	_ =	strace $0xD0000000  }
0x3: {  	_ = 	snop  }
0x4: {  	_ = 	snop  }
0x5: {  	_ = 	snop  }
0x6: {  	_ = 	snop  }
0x7: {  	_ = 	snop  }
__scs_overlays_trampoline_lowered:
0x8: {  	[smem:$0x3FAE] =	sst s0  }
0x9: {  	[smem:$0x3FAF] =	sst s1  }
0xa: {  	[smem:$0x3FB0] =	sst s2  }
0xb: {  	[smem:$0x3FB1] =	sst s3  }
0xc: {  	[smem:$0x3FB2] =	sst s4  }
0xd: {  	[smem:$0x3FB3] =	sst s5  }
0xe: {  	[smem:$0x3FB4] =	sst s6  }
0xf: {  	[smem:$0x3FB5] =	sst s7  }
0x10: {  	[smem:$0x3FB6] =	sst s8  }
0x11: {  	[smem:$0x3FB7] =	sst s9;
	s0 =	simm.s32 @!p0 $0x0  }
0x12: {  	s1 =	sld [smem:$0x3F9D];
	s0 =	simm.s32 @p0 $0x1  }
0x13: {  	[smem:$0x3FB8] =	sst s0;
	s0 =	simm.s32 @!p1 $0x0  }
0x14: {  	s2 =	sld [smem:$0x3F9C];
	s0 =	simm.s32 @p1 $0x1  }
0x15: {  	[smem:$0x3FB9] =	sst s0;
	s0 =	simm.s32 @!p2 $0x0  }
0x16: {  	s3 =	sld [smem:$0x3FDB];
	s0 =	simm.s32 @p2 $0x1  }
0x17: {  	s4 =	simm.s32 $0x1BF5;
	[smem:$0x3FBB] =	sst s0  }
0x18: {  	s0 =	sld [smem:$0x3F9E];
	_ =	swait.ge [sflag:s4], $0x0  }
0x19: {  	s7 =	sld [smem:$0x3F9F]  }
0x1a: {  	s8 =	sadd.s32 $0xFFFFE003, lr  }
0x1b: {  	s9 =	sadd.s32 $0xFFFFFEF7, lr;
	s5 =	simm.s32 $0xFFFFFFFF;
	p2 =	slt.u32 s8, $0xFFFFF086  }
0x1c: {  	p1 =	slt.u32 s9, $0xF7A;
	s5 =	simm.s32 @!p2 $0x0  }
0x1d: {  	s5 =	simm.s32 @p1 $0x1;
	p0 =	seq.s32 s7, s2  }
0x1e: {  	s7 =	smul.u32 @!p0 $0xF7A, s2;
	p2 =	seq.s32 @!p0 s5, $0x0  }
0x1f: {  	s9 =	smul.u32 $0xF7A, s1;
	s8 =	simm.s32 @!p0 $0x1BF5;
	p2 =	por !p2, p0  }
0x20: {  	[sflag:s8] =	ssyncset.s32 @!p0 $0xFFFFF086;
	s6 =	sadd.s32 @!p0 s3, s7;
	s7 =	simm.s32 @!p0 $0x108  }
0x21: {  	s3 =	sadd.s32 s3, s9;
	s6 =	sadd.s32 @!p0 $0x88, s6;
	s7 =	simm.s32 @p2 $0x1082  }
0x22: {  	[simem:s7], [sflag:s8] =	dma.local @!p0 [hbm:s6], $0xF7A  }
0x23: {  	s9 =	sor.u32 $0xD0000000, s2;
	s6 =	simm.s32 $0x108;
	_ =	swait.ge @!p0 [sflag:s8], $0x0  }
0x24: {  	s3 =	sadd.s32 $0x88, s3;
	s6 =	simm.s32 @!p1 $0x1082;
	[sflag:s4] =	ssyncset.s32 $0xFFFFF086  }
0x25: {  	[simem:s6], [sflag:s4] =	dma.local [hbm:s3], $0xF7A  }
0x26: {  	[smem:$0x3F9F] =	sst s1;
	(tag) =	ssettag s2;
	_ =	strace s9  }
0x27: {  	s1 =	sld [smem:$0x3FAF]  }
0x28: {  	s2 =	sld [smem:$0x3FB0]  }
0x29: {  	s4 =	sld [smem:$0x3FB2]  }
0x2a: {  	p0 =	seq.s32 s5, $0x0;
	s5 =	sld [smem:$0x3FB3]  }
0x2b: {  	s6 =	sld [smem:$0x3FB4]  }
0x2c: {  	s7 =	sld [smem:$0x3FB5]  }
0x2d: {  	s3 =	simm.s32 $0x108;
	s8 =	sld [smem:$0x3FB6]  }
0x2e: {  	s3 =	simm.s32 @!p0 $0x1082;
	s9 =	sld [smem:$0x3FB7]  }
0x2f: {  	lr =	sadd.s32 s0, s3;
	s0 =	sld [smem:$0x3FAE]  }
0x30: {  	s3 =	sld [smem:$0x3FB1]  }
0x31: {  	[smem:$0x3FBA] =	sst s10  }
0x32: {  	s10 =	sld [smem:$0x3FB8];
	_ =	sdelay $0x3  }
0x33: {  	p0 =	seq.s32 s10, $0x1;
	s10 =	sld [smem:$0x3FBA];
	_ =	sdelay $0x3  }
0x34: {  	[smem:$0x3FBA] =	sst s10  }
0x35: {  	s10 =	sld [smem:$0x3FB9];
	_ =	sdelay $0x3  }
0x36: {  	p1 =	seq.s32 s10, $0x1;
	s10 =	sld [smem:$0x3FBA];
	_ =	sdelay $0x3  }
0x37: {  	[smem:$0x3FBA] =	sst s10  }
0x38: {  	s10 =	sld [smem:$0x3FBB]  }
0x39: {  	_ = 	snop;
	(pc) =	sbr.ind lr, $3  }
0x3a: {  	_ = 	snop  }
0x3b: {  	_ = 	snop  }
0x3c: {  	p2 =	seq.s32 s10, $0x1;
	s10 =	sld [smem:$0x3FBA]  }
0x3d: {  	_ =	shalt  }
0x3e: {  	_ =	shalt  }
0x3f: {  	_ =	shalt  }
0x40: {  	_ =	shalt  }
0x41: {  	_ =	shalt  }
0x42: {  	_ =	shalt  }
0x43: {  	_ =	shalt  }
0x44: {  	_ =	shalt  }
0x45: {  	_ =	shalt  }
0x46: {  	_ =	shalt  }
0x47: {  	_ =	shalt  }
0x48: {  	_ =	shalt  }
0x49: {  	_ =	shalt  }
0x4a: {  	_ =	shalt  }
0x4b: {  	_ =	shalt  }
0x4c: {  	_ =	shalt  }
0x4d: {  	_ =	shalt  }
0x4e: {  	_ =	shalt  }
0x4f: {  	_ =	shalt  }
0x50: {  	_ =	shalt  }
0x51: {  	_ =	shalt  }
0x52: {  	_ =	shalt  }
0x53: {  	_ =	shalt  }
0x54: {  	_ =	shalt  }
0x55: {  	_ =	shalt  }
0x56: {  	_ =	shalt  }
0x57: {  	_ =	shalt  }
0x58: {  	_ =	shalt  }
0x59: {  	_ =	shalt  }
0x5a: {  	_ =	shalt  }
0x5b: {  	_ =	shalt  }
0x5c: {  	_ =	shalt  }
0x5d: {  	_ =	shalt  }
0x5e: {  	_ =	shalt  }
0x5f: {  	_ =	shalt  }
0x60: {  	_ =	shalt  }
0x61: {  	_ =	shalt  }
0x62: {  	_ =	shalt  }
0x63: {  	_ =	shalt  }
0x64: {  	_ =	shalt  }
0x65: {  	_ =	shalt  }
0x66: {  	_ =	shalt  }
0x67: {  	_ =	shalt  }
0x68: {  	_ =	shalt  }
0x69: {  	_ =	shalt  }
0x6a: {  	_ =	shalt  }
0x6b: {  	_ =	shalt  }
0x6c: {  	_ =	shalt  }
0x6d: {  	_ =	shalt  }
0x6e: {  	_ =	shalt  }
0x6f: {  	_ =	shalt  }
0x70: {  	_ =	shalt  }
0x71: {  	_ =	shalt  }
0x72: {  	_ =	shalt  }
0x73: {  	_ =	shalt  }
0x74: {  	_ =	shalt  }
0x75: {  	_ =	shalt  }
0x76: {  	_ =	shalt  }
0x77: {  	_ =	shalt  }
0x78: {  	_ =	shalt  }
0x79: {  	_ =	shalt  }
0x7a: {  	_ =	shalt  }
0x7b: {  	_ =	shalt  }
0x7c: {  	_ =	shalt  }
0x7d: {  	_ =	shalt  }
0x7e: {  	_ =	shalt  }
0x7f: {  	_ =	shalt  }
0x80: {  	_ =	shalt  }
0x81: {  	_ =	shalt  }
0x82: {  	_ =	shalt  }
0x83: {  	_ =	shalt  }
0x84: {  	_ =	shalt  }
0x85: {  	_ =	shalt  }
0x86: {  	_ =	shalt  }
0x87: {  	_ =	shalt  }
.Lfunc_end0:
.L_simem_size_0:
called_computation_lowered:
.L_overlay_start_0:
0x88: {  	s2 =	sld [smem:$0x3FD9]  }
0x89: {  	s3 =	sld [smem:$0x3FFE];
	_ =	sdelay $0x1  }
0x8a: {  	s1 =	srdreg.scid  }
0x8b: {  	s0 =	sand.u32 $0x1, s1  }
0x8c: {  	s17 =	sshll.u32 s0, $0xA;
	s2 =	sadd.s32 s3, s2  }
0x8d: {  	s2 =	sadd.s32 s2, s17  }
0x8e: {  	[smem:$0x3FC6] =	sst s2  }
0x8f: {  	_ = 	snop  }
0x90: {  	s2 =	sld [smem:$0x3FC8]  }
0x91: {  	s18 =	sld [smem:$0x3FD0];
	(tm) =	ssettm $0x1  }
0x92: {  	s4 =	sld [smem:$0x3FFB];
	_ =	sdelay $0x3  }
0x93: {  	_ =	strace s4  }
0x94: {  	s4 =	sld [smem:$0x3FFC];
	_ =	sdelay $0x3  }
0x95: {  	_ =	strace s4  }
0x96: {  	s4 =	sld [smem:$0x3FFD];
	_ =	sdelay $0x3  }
0x97: {  	_ =	strace s4  }
0x98: {  	_ =	strace $0x8FFFFFFF  }
0x99: {  	s19 =	sld [smem:$0x3FDB];
	_ =	sdelay $0x1  }
0x9a: {  	s5 =	simm.s32 $_scs_section_size  }
0x9b: {  	s6 =	simm.s32 $_size__tile_overlayer_lowered;
	s7 =	simm.s32 $_tile_overlayer_lowered  }
0x9c: {  	s22 =	simm.s32 $0x1BFF;
	s21 =	sshll.u32 s7, $0x1;
	s4 =	sadd.s32 s5, s19  }
0x9d: {  	s8 =	simm.s32 $0x0;
	s20 =	sshll.u32 s6, $0x1;
	s6 =	sadd.s32 s21, s4  }
0x9e: {  	[timem:s8], [sflag:s22] =	dma.local [hbm:s6], s20  }
0x9f: {  	_ =	swait.ge [sflag:s22], s20  }
0xa0: {  	s5 =	ssub.s32 $0x0, s20;
	[sflag:s22] =	ssyncset.done $0x0  }
0xa1: {  	[sflag:s22] =	ssyncadd.s32 s5;
	_ =	sdelay $0x1  }
0xa2: {  	s23 =	simm.s32 $0x1B8B  }
0xa3: {  	_ =	swait.ge [sflag:s23], $0x1  }
0xa4: {  	[sflag:s23] =	ssyncset.done $0x0  }
0xa5: {  	s25 =	simm.s32 $0x1B8E;
	s24 =	sld [smem:$0x3FFE];
	[sflag:s23] =	ssyncadd.s32 $0xFFFFFFFF  }
0xa6: {  	s26 =	simm.s32 $execute0_lowered;
	[smem:$0x3FD2] =	sst s25  }
0xa7: {  	s6 =	sshll.u32 s26, $0x1;
	_ =	strace $0x80000046;
	[dreg:$0x1] =	wrdreg $0xFFFFFFFF  }
0xa8: {  	s28 =	simm.s32 $_size_execute0_lowered;
	s4 =	sadd.s32 s4, s6;
	[dreg:$0x0] =	wrdreg $0x0  }
0xa9: {  	s6 =	sshll.u32 s28, $0x1;
	[dreg:$0x2] =	wrdreg s4  }
0xaa: {  	[dreg:$0x3] =	wrdreg s6  }
0xab: {  	[dreg:$0x4] =	wrdreg $0xC0  }
0xac: {  	_ =	task [dreg:s8], $0x5FFFF  }
0xad: {  	[dreg:$0x1] =	wrdreg $0xFFFFFFFF  }
0xae: {  	[dreg:$0x0] =	wrdreg $0x60  }
0xaf: {  	[dreg:$0x2] =	wrdreg s2  }
0xb0: {  	[dreg:$0x3] =	wrdreg s18  }
0xb1: {  	[dreg:$0x4] =	wrdreg s24  }
0xb2: {  	[dreg:$0x5] =	wrdreg $0x9  }
0xb3: {  	_ =	task.clear_ibuf [dreg:s8], $0x6FFFF;
	_ =	strace $0x90000046  }
0xb4: {  	s29 =	simm.s32 $0x9;
	_ =	strace $0x80000048  }
0xb5: {  	_ =	swait.ge [sflag:s29], $0x1  }
0xb6: {  	[sflag:s29] =	ssyncadd.s32 $0xFFFFFFFF  }
0xb7: {  	_ =	strace $0x90000048  }
0xb8: {  	_ =	sfence  }
0xb9: {  	s30 =	sld [smem:$0x0];
	_ =	sdelay $0x2  }
0xba: {  	s31 =	sshll.u32 s1, $0xD;
	s1 =	sshrl.u32 s1, $0x2  }
0xbb: {  	s3 =	sand.u32 $0x4000, s31;
	s1 =	sadd.s32 s1, s30  }
0xbc: {  	s0 =	sor.u32 s3, s0;
	s1 =	sshll.u32 s1, $0x11  }
0xbd: {  	s0 =	sor.u32 s1, s0  }
0xbe: {  	s0 =	sadd.s32 $0x8F2B, s0  }
0xbf: {  	[sflag:s0] =	ssyncadd.remote.s32 $0x1  }
0xc0: {  	_ =	sfence.sel $0xFFFF  }
0xc1: {  	[dreg:$0x0] =	wrdreg $0xFFFFFFFF;
	(pc) =	sbr.abs _section_cstart, $3  }
0xc2: {  	[dreg:$0x1] =	wrdreg $0xFFFFFFFF  }
0xc3: {  	_ =	task.clear_ibuf [dreg:s8], $0x2FFFF;
	_ =	strace $0x9FFFFFFF  }
0xc4: {  	(tm) =	ssettm $0x7FFFFFFF  }
0xc5: {  	_ =	shalt  }
tec
execute0_lowered:
.L_overlay_start_1:
0x0: {  	(tag) =	ssettag $0x1  }
0x1: {  	vm14 =	vcmask $0x300;
	v0 =	vimm.s32 $0x1380;
	vm15 =	vcmask $0x704  }
0x2: {  	vm13 =	vcmask $0xB08;
	v1 =	vimm.s32 $0x0;
	v0 =	vsel vm14, $0x0, v0  }
0x3: {  	vm12 =	vcmask $0xF0C;
	vm11 =	vcmask $0x1310;
	v0 =	vsel vm15, $0x80, v0  }
0x4: {  	vm10 =	vcmask $0x1714;
	v1 =	vsel vm14, $0x80, v1;
	v0 =	vsel vm13, $0x100, v0  }
0x5: {  	vm9 =	vcmask $0x1B18;
	v1 =	vsel vm15, $0x100, v1;
	v0 =	vsel vm12, $0x180, v0  }
0x6: {  	vm8 =	vcmask $0x1F1C;
	v1 =	vsel vm13, $0x180, v1;
	v0 =	vsel vm11, $0x200, v0  }
0x7: {  	vm7 =	vcmask $0x2320;
	v1 =	vsel vm12, $0x200, v1;
	v0 =	vsel vm10, $0x280, v0  }
0x8: {  	vm6 =	vcmask $0x2724;
	v1 =	vsel vm11, $0x280, v1;
	v0 =	vsel vm9, $0x300, v0  }
0x9: {  	vm5 =	vcmask $0x2B28;
	v1 =	vsel vm10, $0x300, v1;
	v0 =	vsel vm8, $0x380, v0  }
0xa: {  	vm4 =	vcmask $0x2F2C;
	v1 =	vsel vm9, $0x380, v1;
	v0 =	vsel vm7, $0x1000, v0  }
0xb: {  	vm3 =	vcmask $0x3330;
	v1 =	vsel vm8, $0x1000, v1;
	v0 =	vsel vm6, $0x1080, v0  }
0xc: {  	vm1 =	vcmask $0x3734;
	v1 =	vsel vm7, $0x1080, v1;
	v0 =	vsel vm5, $0x1100, v0  }
0xd: {  	vm2 =	vcmask $0x3B38;
	v1 =	vsel vm6, $0x1100, v1;
	v0 =	vsel vm4, $0x1180, v0  }
0xe: {  	v2 =	vimm.s32 $0x80;
	v1 =	vsel vm5, $0x1180, v1;
	v0 =	vsel vm3, $0x1200, v0  }
0xf: {  	v3 =	vimm.s32 $0x6F4E2D0C;
	v1 =	vsel vm4, $0x1200, v1;
	v0 =	vsel vm1, $0x1280, v0  }
0x10: {  	v4 =	vimm.s32 $0x63422100;
	v1 =	vsel vm3, $0x1280, v1;
	v0 =	vsel vm2, $0x1300, v0  }
0x11: {  	v5 =	vimm.s32 $0x67462504;
	vm0 =	vcmask $0x1F10;
	[tilespmem:$0x1FBF0] =	vst v0;
	v0 =	vsel vm1, $0x1300, v1  }
0x12: {  	v6 =	vimm.s32 $0x6C4B2A09;
	v1 =	vsel vm14, $0x100, v2;
	v0 =	vsel vm2, $0x1380, v0  }
0x13: {  	v7 =	vimm.s32 $0x604F2E0D;
	v8 =	vimm.s32 $0x64432201;
	[tilespmem:$0x1FC00] =	vst v0;
	v0 =	vsel vm15, $0x180, v1  }
0x14: {  	v9 =	vimm.s32 $0x68472605;
	v1 =	vimm.s32 $0x100;
	v0 =	vsel vm13, $0x200, v0  }
0x15: {  	v10 =	vimm.s32 $0x6D4C2B0A;
	v1 =	vsel vm14, $0x180, v1;
	v0 =	vsel vm12, $0x280, v0  }
0x16: {  	v2 =	vimm.s32 $0x180;
	v1 =	vsel vm15, $0x200, v1;
	v0 =	vsel vm11, $0x300, v0  }
0x17: {  	v2 =	vsel vm14, $0x200, v2;
	v1 =	vsel vm13, $0x280, v1;
	v0 =	vsel vm10, $0x380, v0  }
0x18: {  	v2 =	vsel vm15, $0x280, v2;
	v1 =	vsel vm12, $0x300, v1;
	v0 =	vsel vm9, $0x1000, v0  }
0x19: {  	v2 =	vsel vm13, $0x300, v2;
	v1 =	vsel vm11, $0x380, v1;
	v0 =	vsel vm8, $0x1080, v0  }
0x1a: {  	v2 =	vsel vm12, $0x380, v2;
	v1 =	vsel vm10, $0x1000, v1;
	v0 =	vsel vm7, $0x1100, v0  }
0x1b: {  	v2 =	vsel vm11, $0x1000, v2;
	v1 =	vsel vm9, $0x1080, v1;
	v0 =	vsel vm6, $0x1180, v0  }
0x1c: {  	v2 =	vsel vm10, $0x1080, v2;
	v1 =	vsel vm8, $0x1100, v1;
	v0 =	vsel vm5, $0x1200, v0  }
0x1d: {  	v2 =	vsel vm9, $0x1100, v2;
	v1 =	vsel vm7, $0x1180, v1;
	v0 =	vsel vm4, $0x1280, v0  }
0x1e: {  	v2 =	vsel vm8, $0x1180, v2;
	v1 =	vsel vm6, $0x1200, v1;
	v0 =	vsel vm3, $0x1300, v0  }
0x1f: {  	v2 =	vsel vm7, $0x1200, v2;
	v1 =	vsel vm5, $0x1280, v1;
	v0 =	vsel vm1, $0x1380, v0  }
0x20: {  	v2 =	vsel vm6, $0x1280, v2;
	v1 =	vsel vm4, $0x1300, v1;
	v0 =	vsel vm2, $0x0, v0  }
0x21: {  	v42 =	vimm.s32 $0x6E4D2C0B;
	v2 =	vsel vm5, $0x1300, v2;
	[tilespmem:$0x1FC10] =	vst v0;
	v0 =	vsel vm3, $0x1380, v1  }
0x22: {  	v43 =	vimm.s32 $0x6241200F;
	v1 =	vsel vm4, $0x1380, v2;
	v0 =	vsel vm1, $0x0, v0  }
0x23: {  	v44 =	vimm.s32 $0x380;
	v1 =	vsel vm3, $0x0, v1;
	v0 =	vsel vm2, $0x80, v0  }
0x24: {  	v45 =	vimm.s32 $0x66452403;
	v2 =	vimm.s32 $0x200;
	[tilespmem:$0x1FC20] =	vst v0;
	v0 =	vsel vm1, $0x80, v1  }
0x25: {  	v46 =	vimm.s32 $0x6A492807;
	v1 =	vsel vm14, $0x280, v2;
	v0 =	vsel vm2, $0x100, v0  }
0x26: {  	v3 =	vunpack.c.0.s8.s32 v3;
	v4 =	vunpack.c.0.s8.s32 v4;
	[tilespmem:$0x1FC30] =	vst v0;
	v0 =	vsel vm15, $0x300, v1  }
0x27: {  	v5 =	vunpack.c.0.s8.s32 v5;
	v1 =	vimm.s32 $0x280;
	v0 =	vsel vm13, $0x380, v0  }
0x28: {  	v2 =	vimm.s32 $0x300;
	v1 =	vsel vm14, $0x300, v1;
	v0 =	vsel vm12, $0x1000, v0  }
0x29: {  	v2 =	vsel vm14, $0x380, v2;
	v1 =	vsel vm15, $0x380, v1;
	v0 =	vsel vm11, $0x1080, v0  }
0x2a: {  	v2 =	vsel vm15, $0x1000, v2;
	v1 =	vsel vm13, $0x1000, v1;
	v0 =	vsel vm10, $0x1100, v0  }
0x2b: {  	v2 =	vsel vm13, $0x1080, v2;
	v1 =	vsel vm12, $0x1080, v1;
	v0 =	vsel vm9, $0x1180, v0  }
0x2c: {  	v2 =	vsel vm12, $0x1100, v2;
	v1 =	vsel vm11, $0x1100, v1;
	v0 =	vsel vm8, $0x1200, v0  }
0x2d: {  	v2 =	vsel vm11, $0x1180, v2;
	v1 =	vsel vm10, $0x1180, v1;
	v0 =	vsel vm7, $0x1280, v0  }
0x2e: {  	v2 =	vsel vm10, $0x1200, v2;
	v1 =	vsel vm9, $0x1200, v1;
	v0 =	vsel vm6, $0x1300, v0  }
0x2f: {  	v2 =	vsel vm9, $0x1280, v2;
	v1 =	vsel vm8, $0x1280, v1;
	v0 =	vsel vm5, $0x1380, v0  }
0x30: {  	v2 =	vsel vm8, $0x1300, v2;
	v1 =	vsel vm7, $0x1300, v1;
	v0 =	vsel vm4, $0x0, v0  }
0x31: {  	v2 =	vsel vm7, $0x1380, v2;
	v1 =	vsel vm6, $0x1380, v1;
	v0 =	vsel vm3, $0x80, v0  }
0x32: {  	v2 =	vsel vm6, $0x0, v2;
	v1 =	vsel vm5, $0x0, v1;
	v0 =	vsel vm1, $0x100, v0  }
0x33: {  	v2 =	vsel vm5, $0x80, v2;
	v1 =	vsel vm4, $0x80, v1;
	v0 =	vsel vm2, $0x180, v0  }
0x34: {  	v13 =	vunpack.c.0.s8.s32 v9;
	[tilespmem:$0x1FC40] =	vst v0;
	v0 =	vsel vm3, $0x100, v1;
	v1 =	vsel vm4, $0x100, v2  }
0x35: {  	v2 =	vimm.s32 $0x6B4A2908;
	v0 =	vsel vm1, $0x180, v0;
	v1 =	vsel vm3, $0x180, v1  }
0x36: {  	v2 =	vunpack.c.0.s8.s32 v2;
	v1 =	vsel vm1, $0x200, v1;
	v0 =	vsel vm2, $0x200, v0  }
0x37: {  	v20 =	vunpack.c.0.s8.s32 v42;
	v21 =	vunpack.c.0.s8.s32 v43;
	[tilespmem:$0x1FC50] =	vst v0;
	v0 =	vsel vm2, $0x280, v1  }
0x38: {  	v9 =	vsel vm14, $0x1000, v44;
	v1 =	vsel vm0, v5, v4;
	[tilespmem:$0x1FC60] =	vst v0;
	v0 =	vsel vm0, v3, v2  }
0x39: {  	v22 =	vunpack.c.0.s8.s32 v45;
	v23 =	vunpack.c.0.s8.s32 v46;
	v11 =	vcombine.low v1, v0  }
0x3a: {  	v39 =	vimm.s32 $0x61402F0E;
	v40 =	vimm.s32 $0x65442302;
	v47 =	vsel vm15, $0x1080, v9  }
0x3b: {  	v28 =	vsel vm0, v21, v20;
	v27 =	vsel vm0, v23, v22;
	[tilespmem:$0x1FC70] =	vst v11;
	v11 =	vsel vm13, $0x1100, v47  }
0x3c: {  	v29 =	vsel vm0, v4, v3;
	v3 =	vcombine.low v27, v28;
	v11 =	vsel vm12, $0x1180, v11  }
0x3d: {  	v41 =	vimm.s32 $0x69482706;
	v5 =	vsel vm0, v2, v5;
	v2 =	vsel vm11, $0x1200, v11  }
0x3e: {  	v6 =	vunpack.c.0.s8.s32 v6;
	[tilespmem:$0x1FCA0] =	vst v3;
	v3 =	vcombine.low v5, v29;
	v2 =	vsel vm10, $0x1280, v2  }
0x3f: {  	v7 =	vunpack.c.0.s8.s32 v7;
	v8 =	vunpack.c.0.s8.s32 v8;
	v2 =	vsel vm9, $0x1300, v2  }
0x40: {  	v14 =	vunpack.c.0.s8.s32 v10;
	[tilespmem:$0x1FCB0] =	vst v3;
	v3 =	vimm.s32 $0x1000;
	v2 =	vsel vm8, $0x1380, v2  }
0x41: {  	v17 =	vunpack.c.0.s8.s32 v39;
	v3 =	vsel vm14, $0x1080, v3;
	v2 =	vsel vm7, $0x0, v2  }
0x42: {  	v18 =	vunpack.c.0.s8.s32 v40;
	v3 =	vsel vm15, $0x1100, v3;
	v2 =	vsel vm6, $0x80, v2  }
0x43: {  	v19 =	vunpack.c.0.s8.s32 v41;
	v3 =	vsel vm13, $0x1180, v3;
	v2 =	vsel vm5, $0x100, v2  }
0x44: {  	v16 =	vsel vm0, v7, v6;
	v3 =	vsel vm12, $0x1200, v3;
	v2 =	vsel vm4, $0x180, v2  }
0x45: {  	v32 =	vsel vm0, v8, v7;
	v3 =	vsel vm11, $0x1280, v3;
	v2 =	vsel vm3, $0x200, v2  }
0x46: {  	v6 =	vsel vm0, v6, v13;
	v3 =	vsel vm10, $0x1300, v3;
	v2 =	vsel vm1, $0x280, v2  }
0x47: {  	v4 =	vcombine.low v6, v32;
	v3 =	vsel vm9, $0x1380, v3;
	v2 =	vsel vm2, $0x300, v2  }
0x48: {  	v34 =	vsel vm0, v18, v17;
	v50 =	vsel vm0, v14, v19;
	[tilespmem:$0x1FCE0] =	vst v2;
	v2 =	vsel vm8, $0x0, v3  }
0x49: {  	[tilespmem:$0x1FCC0] =	vst v4;
	v4 =	vcombine.low v50, v34;
	v3 =	vimm.s32 $0x1080;
	v2 =	vsel vm7, $0x80, v2  }
0x4a: {  	v3 =	vsel vm14, $0x1100, v3;
	v2 =	vsel vm6, $0x100, v2  }
0x4b: {  	[tilespmem:$0x1FCD0] =	vst v4;
	v4 =	vimm.s32 $0x1100;
	v3 =	vsel vm15, $0x1180, v3;
	v2 =	vsel vm5, $0x180, v2  }
0x4c: {  	v4 =	vsel vm14, $0x1180, v4;
	v3 =	vsel vm13, $0x1200, v3;
	v2 =	vsel vm4, $0x200, v2  }
0x4d: {  	v4 =	vsel vm15, $0x1200, v4;
	v3 =	vsel vm12, $0x1280, v3;
	v2 =	vsel vm3, $0x280, v2  }
0x4e: {  	v4 =	vsel vm13, $0x1280, v4;
	v3 =	vsel vm11, $0x1300, v3;
	v2 =	vsel vm1, $0x300, v2  }
0x4f: {  	v4 =	vsel vm12, $0x1300, v4;
	v3 =	vsel vm10, $0x1380, v3;
	v2 =	vsel vm2, $0x380, v2  }
0x50: {  	v4 =	vsel vm11, $0x1380, v4;
	[tilespmem:$0x1FCF0] =	vst v2;
	v2 =	vsel vm9, $0x0, v3  }
0x51: {  	v3 =	vsel vm10, $0x0, v4;
	v2 =	vsel vm8, $0x80, v2  }
0x52: {  	v3 =	vsel vm9, $0x80, v3;
	v2 =	vsel vm7, $0x100, v2  }
0x53: {  	v4 =	vimm.s32 $0x1180;
	v3 =	vsel vm8, $0x100, v3;
	v2 =	vsel vm6, $0x180, v2  }
0x54: {  	v4 =	vsel vm14, $0x1200, v4;
	v3 =	vsel vm7, $0x180, v3;
	v2 =	vsel vm5, $0x200, v2  }
0x55: {  	v4 =	vsel vm15, $0x1280, v4;
	v3 =	vsel vm6, $0x200, v3;
	v2 =	vsel vm4, $0x280, v2  }
0x56: {  	v4 =	vsel vm13, $0x1300, v4;
	v3 =	vsel vm5, $0x280, v3;
	v2 =	vsel vm3, $0x300, v2  }
0x57: {  	v4 =	vsel vm12, $0x1380, v4;
	v3 =	vsel vm4, $0x300, v3;
	v2 =	vsel vm1, $0x380, v2  }
0x58: {  	v4 =	vsel vm11, $0x0, v4;
	v3 =	vsel vm3, $0x380, v3;
	v2 =	vsel vm2, $0x1000, v2  }
0x59: {  	v4 =	vsel vm10, $0x80, v4;
	[tilespmem:$0x1FD00] =	vst v2;
	v2 =	vsel vm1, $0x1000, v3  }
0x5a: {  	v3 =	vsel vm9, $0x100, v4;
	v2 =	vsel vm2, $0x1080, v2  }
0x5b: {  	[tilespmem:$0x1FD10] =	vst v2;
	v2 =	vsel vm8, $0x180, v3  }
0x5c: {  	v3 =	vimm.s32 $0x1200;
	v2 =	vsel vm7, $0x200, v2  }
0x5d: {  	v3 =	vsel vm14, $0x1280, v3;
	v2 =	vsel vm6, $0x280, v2  }
0x5e: {  	v4 =	vimm.s32 $0x1280;
	v3 =	vsel vm15, $0x1300, v3;
	v2 =	vsel vm5, $0x300, v2  }
0x5f: {  	v4 =	vsel vm14, $0x1300, v4;
	v3 =	vsel vm13, $0x1380, v3;
	v2 =	vsel vm4, $0x380, v2  }
0x60: {  	v4 =	vsel vm15, $0x1380, v4;
	v3 =	vsel vm12, $0x0, v3;
	v2 =	vsel vm3, $0x1000, v2  }
0x61: {  	v4 =	vsel vm13, $0x0, v4;
	v3 =	vsel vm11, $0x80, v3;
	v2 =	vsel vm1, $0x1080, v2  }
0x62: {  	v4 =	vsel vm12, $0x80, v4;
	v3 =	vsel vm10, $0x100, v3;
	v2 =	vsel vm2, $0x1100, v2  }
0x63: {  	v15 =	vsel vm0, v17, v14;
	v4 =	vsel vm11, $0x100, v4;
	[tilespmem:$0x1FD20] =	vst v2;
	v2 =	vsel vm9, $0x180, v3  }
0x64: {  	v26 =	vsel vm0, v19, v18;
	v3 =	vsel vm10, $0x180, v4;
	v2 =	vsel vm8, $0x200, v2  }
0x65: {  	v4 =	vimm.s32 $0x1300;
	v3 =	vsel vm9, $0x200, v3;
	v2 =	vsel vm7, $0x280, v2  }
0x66: {  	v4 =	vsel vm14, $0x1380, v4;
	v3 =	vsel vm8, $0x280, v3;
	v2 =	vsel vm6, $0x300, v2  }
0x67: {  	v4 =	vsel vm15, $0x0, v4;
	v3 =	vsel vm7, $0x300, v3;
	v2 =	vsel vm5, $0x380, v2  }
0x68: {  	v4 =	vsel vm13, $0x80, v4;
	v3 =	vsel vm6, $0x380, v3;
	v2 =	vsel vm4, $0x1000, v2  }
0x69: {  	v4 =	vsel vm12, $0x100, v4;
	v3 =	vsel vm5, $0x1000, v3;
	v2 =	vsel vm3, $0x1080, v2  }
0x6a: {  	v4 =	vsel vm11, $0x180, v4;
	v3 =	vsel vm4, $0x1080, v3;
	v2 =	vsel vm1, $0x1100, v2  }
0x6b: {  	v4 =	vsel vm10, $0x200, v4;
	v3 =	vsel vm3, $0x1100, v3;
	v2 =	vsel vm2, $0x1180, v2  }
0x6c: {  	v51 =	vsel vm0, v22, v21;
	[tilespmem:$0x1FD30] =	vst v2;
	v2 =	vsel vm1, $0x1180, v3;
	v3 =	vsel vm9, $0x280, v4  }
0x6d: {  	v33 =	vsel vm2, $0x1200, v2;
	v2 =	vsel vm8, $0x300, v3;
	v3 =	vimm.s32 $0x3380  }
0x6e: {  	v4 =	vimm.s32 $0x2000;
	v2 =	vsel vm7, $0x380, v2;
	v3 =	vsel vm14, $0x2000, v3  }
0x6f: {  	v4 =	vsel vm14, $0x2080, v4;
	v2 =	vsel vm6, $0x1000, v2;
	v3 =	vsel vm15, $0x2080, v3  }
0x70: {  	v4 =	vsel vm15, $0x2100, v4;
	v2 =	vsel vm5, $0x1080, v2;
	v3 =	vsel vm13, $0x2100, v3  }
0x71: {  	v4 =	vsel vm13, $0x2180, v4;
	v2 =	vsel vm4, $0x1100, v2;
	v3 =	vsel vm12, $0x2180, v3  }
0x72: {  	v4 =	vsel vm12, $0x2200, v4;
	v2 =	vsel vm3, $0x1180, v2;
	v3 =	vsel vm11, $0x2200, v3  }
0x73: {  	v4 =	vsel vm11, $0x2280, v4;
	v2 =	vsel vm1, $0x1200, v2;
	v3 =	vsel vm10, $0x2280, v3  }
0x74: {  	v59 =	vsel vm2, $0x1280, v2;
	v2 =	vsel vm9, $0x2300, v3;
	v3 =	vsel vm10, $0x2300, v4  }
0x75: {  	v18 =	vcombine.low v0, v1;
	v0 =	vsel vm8, $0x2380, v2;
	v1 =	vsel vm9, $0x2380, v3  }
0x76: {  	v52 =	vsel vm0, v20, v23;
	v0 =	vsel vm7, $0x3000, v0;
	v1 =	vsel vm8, $0x3000, v1  }
0x77: {  	v49 =	vcombine.low v26, v15;
	v0 =	vsel vm6, $0x3080, v0;
	v1 =	vsel vm7, $0x3080, v1  }
0x78: {  	v58 =	vcombine.low v15, v26;
	v0 =	vsel vm5, $0x3100, v0;
	v1 =	vsel vm6, $0x3100, v1  }
0x79: {  	v21 =	vcombine.low v28, v27;
	v0 =	vsel vm4, $0x3180, v0;
	v1 =	vsel vm5, $0x3180, v1  }
0x7a: {  	v36 =	vcombine.low v29, v5;
	v0 =	vsel vm3, $0x3200, v0;
	v1 =	vsel vm4, $0x3200, v1  }
0x7b: {  	v2 =	vcombine.low v34, v50;
	v0 =	vsel vm1, $0x3280, v0;
	v1 =	vsel vm3, $0x3280, v1  }
0x7c: {  	v45 =	vsel vm2, $0x3300, v0;
	v0 =	vsel vm1, $0x3300, v1;
	v1 =	vimm.s32 $0x2080  }
0x7d: {  	v25 =	vsel vm2, $0x3380, v0;
	v0 =	vsel vm14, $0x2100, v1;
	v1 =	vimm.s32 $0x2100  }
0x7e: {  	[tilespmem:$0x1FD40] =	vst v2;
	v2 =	vimm.s32 $0x2180;
	v0 =	vsel vm15, $0x2180, v0;
	v1 =	vsel vm14, $0x2180, v1  }
0x7f: {  	v2 =	vsel vm14, $0x2200, v2;
	v0 =	vsel vm13, $0x2200, v0;
	v1 =	vsel vm15, $0x2200, v1  }
0x80: {  	v2 =	vsel vm15, $0x2280, v2;
	v0 =	vsel vm12, $0x2280, v0;
	v1 =	vsel vm13, $0x2280, v1  }
0x81: {  	v2 =	vsel vm13, $0x2300, v2;
	v0 =	vsel vm11, $0x2300, v0;
	v1 =	vsel vm12, $0x2300, v1  }
0x82: {  	v2 =	vsel vm12, $0x2380, v2;
	v0 =	vsel vm10, $0x2380, v0;
	v1 =	vsel vm11, $0x2380, v1  }
0x83: {  	v2 =	vsel vm11, $0x3000, v2;
	v0 =	vsel vm9, $0x3000, v0;
	v1 =	vsel vm10, $0x3000, v1  }
0x84: {  	v2 =	vsel vm10, $0x3080, v2;
	v0 =	vsel vm8, $0x3080, v0;
	v1 =	vsel vm9, $0x3080, v1  }
0x85: {  	v2 =	vsel vm9, $0x3100, v2;
	v0 =	vsel vm7, $0x3100, v0;
	v1 =	vsel vm8, $0x3100, v1  }
0x86: {  	v2 =	vsel vm8, $0x3180, v2;
	v0 =	vsel vm6, $0x3180, v0;
	v1 =	vsel vm7, $0x3180, v1  }
0x87: {  	v2 =	vsel vm7, $0x3200, v2;
	v0 =	vsel vm5, $0x3200, v0;
	v1 =	vsel vm6, $0x3200, v1  }
0x88: {  	v2 =	vsel vm6, $0x3280, v2;
	v0 =	vsel vm4, $0x3280, v0;
	v1 =	vsel vm5, $0x3280, v1  }
0x89: {  	v2 =	vsel vm5, $0x3300, v2;
	v0 =	vsel vm3, $0x3300, v0;
	v1 =	vsel vm4, $0x3300, v1  }
0x8a: {  	v2 =	vsel vm4, $0x3380, v2;
	v0 =	vsel vm1, $0x3380, v0;
	v1 =	vsel vm3, $0x3380, v1  }
0x8b: {  	v38 =	vsel vm2, $0x2000, v0;
	v0 =	vsel vm1, $0x2000, v1;
	v1 =	vsel vm3, $0x2000, v2  }
0x8c: {  	v57 =	vsel vm2, $0x2080, v0;
	v0 =	vsel vm1, $0x2080, v1;
	v1 =	vimm.s32 $0x2200  }
0x8d: {  	v31 =	vsel vm2, $0x2100, v0;
	v0 =	vsel vm14, $0x2280, v1;
	v1 =	vimm.s32 $0x2280  }
0x8e: {  	v2 =	vimm.s32 $0x2300;
	v0 =	vsel vm15, $0x2300, v0;
	v1 =	vsel vm14, $0x2300, v1  }
0x8f: {  	v2 =	vsel vm14, $0x2380, v2;
	v0 =	vsel vm13, $0x2380, v0;
	v1 =	vsel vm15, $0x2380, v1  }
0x90: {  	v2 =	vsel vm15, $0x3000, v2;
	v0 =	vsel vm12, $0x3000, v0;
	v1 =	vsel vm13, $0x3000, v1  }
0x91: {  	v2 =	vsel vm13, $0x3080, v2;
	v0 =	vsel vm11, $0x3080, v0;
	v1 =	vsel vm12, $0x3080, v1  }
0x92: {  	v2 =	vsel vm12, $0x3100, v2;
	v0 =	vsel vm10, $0x3100, v0;
	v1 =	vsel vm11, $0x3100, v1  }
0x93: {  	v2 =	vsel vm11, $0x3180, v2;
	v0 =	vsel vm9, $0x3180, v0;
	v1 =	vsel vm10, $0x3180, v1  }
0x94: {  	v2 =	vsel vm10, $0x3200, v2;
	v0 =	vsel vm8, $0x3200, v0;
	v1 =	vsel vm9, $0x3200, v1  }
0x95: {  	v2 =	vsel vm9, $0x3280, v2;
	v0 =	vsel vm7, $0x3280, v0;
	v1 =	vsel vm8, $0x3280, v1  }
0x96: {  	v2 =	vsel vm8, $0x3300, v2;
	v0 =	vsel vm6, $0x3300, v0;
	v1 =	vsel vm7, $0x3300, v1  }
0x97: {  	v2 =	vsel vm7, $0x3380, v2;
	v0 =	vsel vm5, $0x3380, v0;
	v1 =	vsel vm6, $0x3380, v1  }
0x98: {  	v2 =	vsel vm6, $0x2000, v2;
	v0 =	vsel vm4, $0x2000, v0;
	v1 =	vsel vm5, $0x2000, v1  }
0x99: {  	v2 =	vsel vm5, $0x2080, v2;
	v0 =	vsel vm3, $0x2080, v0;
	v1 =	vsel vm4, $0x2080, v1  }
0x9a: {  	v2 =	vsel vm4, $0x2100, v2;
	v0 =	vsel vm1, $0x2100, v0;
	v1 =	vsel vm3, $0x2100, v1  }
0x9b: {  	v26 =	vsel vm2, $0x2180, v0;
	v0 =	vsel vm1, $0x2180, v1;
	v1 =	vsel vm3, $0x2180, v2  }
0x9c: {  	v20 =	vsel vm2, $0x2200, v0;
	v0 =	vsel vm1, $0x2200, v1;
	v1 =	vimm.s32 $0x7B5A3918  }
0x9d: {  	v37 =	vsel vm2, $0x2280, v0;
	v22 =	vunpack.c.0.s8.s32 v1;
	v0 =	vimm.s32 $0x7F5E3D1C  }
0x9e: {  	v1 =	vimm.s32 $0x77563514;
	v28 =	vunpack.c.0.s8.s32 v0;
	v0 =	vimm.s32 $0x73523110  }
0x9f: {  	v4 =	vunpack.c.0.s8.s32 v1;
	v29 =	vunpack.c.0.s8.s32 v0;
	v0 =	vimm.s32 $0x7C5B3A19  }
0xa0: {  	v1 =	vimm.s32 $0x74533211;
	v34 =	vunpack.c.0.s8.s32 v0;
	v0 =	vimm.s32 $0x705F3E1D  }
0xa1: {  	v3 =	vunpack.c.0.s8.s32 v0;
	v0 =	vunpack.c.0.s8.s32 v1  }
0xa2: {  	v2 =	vimm.s32 $0x71503F1E  }
0xa3: {  	v2 =	vunpack.c.0.s8.s32 v2;
	[tilespmem:$0x1FD50] =	vst v0;
	v0 =	vimm.s32 $0x78573615  }
0xa4: {  	v0 =	vunpack.c.0.s8.s32 v0  }
0xa5: {  	[tilespmem:$0x1FD80] =	vst v2;
	v2 =	vimm.s32 $0x75543312  }
0xa6: {  	v2 =	vunpack.c.0.s8.s32 v2;
	[tilespmem:$0x1FD60] =	vst v0;
	v0 =	vimm.s32 $0x7D5C3B1A  }
0xa7: {  	v0 =	vunpack.c.0.s8.s32 v0  }
0xa8: {  	v39 =	vsel vm0, v13, v8;
	v1 =	vimm.s32 $0x2380;
	[tilespmem:$0x1FD90] =	vst v2  }
0xa9: {  	v2 =	vimm.s32 $0x79583716;
	[tilespmem:$0x1FD70] =	vst v0;
	v0 =	vsel vm14, $0x3000, v1;
	v1 =	vimm.s32 $0x3000  }
0xaa: {  	v2 =	vunpack.c.0.s8.s32 v2;
	v0 =	vsel vm15, $0x3080, v0;
	v1 =	vsel vm14, $0x3080, v1  }
0xab: {  	v48 =	vcombine.low v39, v16;
	v0 =	vsel vm13, $0x3100, v0;
	v1 =	vsel vm15, $0x3100, v1  }
0xac: {  	[tilespmem:$0x1FDA0] =	vst v2;
	v2 =	vimm.s32 $0x7E5D3C1B;
	v0 =	vsel vm12, $0x3180, v0;
	v1 =	vsel vm13, $0x3180, v1  }
0xad: {  	v2 =	vunpack.c.0.s8.s32 v2;
	v0 =	vsel vm11, $0x3200, v0;
	v1 =	vsel vm12, $0x3200, v1  }
0xae: {  	v17 =	vcombine.low v16, v39;
	v0 =	vsel vm10, $0x3280, v0;
	v1 =	vsel vm11, $0x3280, v1  }
0xaf: {  	[tilespmem:$0x1FDB0] =	vst v2;
	v2 =	vimm.s32 $0x7251301F;
	v0 =	vsel vm9, $0x3300, v0;
	v1 =	vsel vm10, $0x3300, v1  }
0xb0: {  	v2 =	vunpack.c.0.s8.s32 v2;
	v0 =	vsel vm8, $0x3380, v0;
	v1 =	vsel vm9, $0x3380, v1  }
0xb1: {  	v53 =	vcombine.low v32, v6;
	v0 =	vsel vm7, $0x2000, v0;
	v1 =	vsel vm8, $0x2000, v1  }
0xb2: {  	[tilespmem:$0x1FDC0] =	vst v2;
	v2 =	vimm.s32 $0x76553413;
	v0 =	vsel vm6, $0x2080, v0;
	v1 =	vsel vm7, $0x2080, v1  }
0xb3: {  	v2 =	vunpack.c.0.s8.s32 v2;
	v0 =	vsel vm5, $0x2100, v0;
	v1 =	vsel vm6, $0x2100, v1  }
0xb4: {  	[tilespmem:$0x1FC90] =	vst v49;
	v49 =	vcombine.low v52, v51;
	v0 =	vsel vm4, $0x2180, v0;
	v1 =	vsel vm5, $0x2180, v1  }
0xb5: {  	s0 =	rddreg [dreg:$0x0];
	[tilespmem:$0x1FDD0] =	vst v2;
	v2 =	vimm.s32 $0x7A593817;
	v0 =	vsel vm3, $0x2200, v0;
	v1 =	vsel vm4, $0x2200, v1  }
0xb6: {  	s1 =	rddreg [dreg:$0x1];
	v2 =	vunpack.c.0.s8.s32 v2;
	v0 =	vsel vm1, $0x2280, v0;
	v1 =	vsel vm3, $0x2280, v1  }
0xb7: {  	s9 =	rddreg [dreg:$0x2];
	s4 =	simm.s32 $0x0;
	[tilespmem:$0x1FC80] =	vst v48;
	v27 =	vsel vm2, $0x2300, v0;
	v0 =	vsel vm1, $0x2300, v1;
	v1 =	vimm.s32 $0x3100  }
0xb8: {  	[smem:$0x7FF] =	sst s4;
	[tilespmem:$0x1FDE0] =	vst v2;
	v47 =	vsel vm2, $0x2380, v0;
	v0 =	vimm.s32 $0x3080;
	v1 =	vsel vm14, $0x3180, v1  }
0xb9: {  	s2 =	rddreg [dreg:$0x3];
	v2 =	vimm.s32 $0x3180;
	_ =	strace $0x80000047;
	[tilespmem:$0x1FDF0] =	vst v51;
	v0 =	vsel vm14, $0x3100, v0;
	v1 =	vsel vm15, $0x3200, v1  }
0xba: {  	v2 =	vsel vm14, $0x3200, v2;
	[tilespmem:$0x1FE00] =	vst v52;
	v0 =	vsel vm15, $0x3180, v0;
	v1 =	vsel vm13, $0x3280, v1  }
0xbb: {  	[tilespmem:$0x1FE10] =	vst v33;
	v2 =	vsel vm15, $0x3280, v2;
	v0 =	vsel vm13, $0x3200, v0;
	v1 =	vsel vm12, $0x3300, v1  }
0xbc: {  	[tilespmem:$0x1FE20] =	vst v59;
	v2 =	vsel vm13, $0x3300, v2;
	v0 =	vsel vm12, $0x3280, v0;
	v1 =	vsel vm11, $0x3380, v1  }
0xbd: {  	[tilespmem:$0x1FE30] =	vst v17;
	v2 =	vsel vm12, $0x3380, v2;
	v0 =	vsel vm11, $0x3300, v0;
	v1 =	vsel vm10, $0x2000, v1  }
0xbe: {  	[tilespmem:$0x1FE40] =	vst v18;
	v2 =	vsel vm11, $0x2000, v2;
	v0 =	vsel vm10, $0x3380, v0;
	v1 =	vsel vm9, $0x2080, v1  }
0xbf: {  	[tilespmem:$0x1FE50] =	vst v22;
	v2 =	vsel vm10, $0x2080, v2;
	v0 =	vsel vm9, $0x2000, v0;
	v1 =	vsel vm8, $0x2100, v1  }
0xc0: {  	[tilespmem:$0x1FE60] =	vst v28;
	v2 =	vsel vm9, $0x2100, v2;
	v0 =	vsel vm8, $0x2080, v0;
	v1 =	vsel vm7, $0x2180, v1  }
0xc1: {  	[tilespmem:$0x1FE70] =	vst v29;
	v2 =	vsel vm8, $0x2180, v2;
	v0 =	vsel vm7, $0x2100, v0;
	v1 =	vsel vm6, $0x2200, v1  }
0xc2: {  	[tilespmem:$0x1FE80] =	vst v4;
	v2 =	vsel vm7, $0x2200, v2;
	v0 =	vsel vm6, $0x2180, v0;
	v1 =	vsel vm5, $0x2280, v1  }
0xc3: {  	[tilespmem:$0x1FE90] =	vst v34;
	v2 =	vsel vm6, $0x2280, v2;
	v0 =	vsel vm5, $0x2200, v0;
	v1 =	vsel vm4, $0x2300, v1  }
0xc4: {  	[tilespmem:$0x1FEA0] =	vst v3;
	v2 =	vsel vm5, $0x2300, v2;
	v0 =	vsel vm4, $0x2280, v0;
	v1 =	vsel vm3, $0x2380, v1  }
0xc5: {  	[tilespmem:$0x1FF00] =	vst v45;
	v2 =	vsel vm4, $0x2380, v2;
	v0 =	vsel vm3, $0x2300, v0;
	v1 =	vsel vm1, $0x3000, v1  }
0xc6: {  	[tilespmem:$0x1FF30] =	vst v26;
	v2 =	vsel vm3, $0x3000, v2;
	v0 =	vsel vm1, $0x2380, v0;
	v60 =	vsel vm2, $0x3080, v1  }
0xc7: {  	[tilespmem:$0x1FF40] =	vst v31;
	v1 =	vimm.s32 $0x3280;
	v23 =	vsel vm2, $0x3000, v0;
	v0 =	vsel vm1, $0x3080, v2  }
0xc8: {  	[tilespmem:$0x1FF50] =	vst v37;
	v1 =	vsel vm14, $0x3300, v1;
	v24 =	vsel vm2, $0x3100, v0;
	v0 =	vimm.s32 $0x3200  }
0xc9: {  	[tilespmem:$0x1FF60] =	vst v49;
	v2 =	vimm.s32 $0x3300;
	v1 =	vsel vm15, $0x3380, v1;
	v0 =	vsel vm14, $0x3280, v0  }
0xca: {  	[tilespmem:$0x1FF70] =	vst v20;
	v2 =	vsel vm14, $0x3380, v2;
	v1 =	vsel vm13, $0x2000, v1;
	v0 =	vsel vm15, $0x3300, v0  }
0xcb: {  	[tilespmem:$0x1FF80] =	vst v21;
	v2 =	vsel vm15, $0x2000, v2;
	v1 =	vsel vm12, $0x2080, v1;
	v0 =	vsel vm13, $0x3380, v0  }
0xcc: {  	[tilespmem:$0x1FFA0] =	vst v57;
	v2 =	vsel vm13, $0x2080, v2;
	v1 =	vsel vm11, $0x2100, v1;
	v0 =	vsel vm12, $0x2000, v0  }
0xcd: {  	[tilespmem:$0x1FFB0] =	vst v38;
	v2 =	vsel vm12, $0x2100, v2;
	v1 =	vsel vm10, $0x2180, v1;
	v0 =	vsel vm11, $0x2080, v0  }
0xce: {  	[tilespmem:$0x1FFC0] =	vst v53;
	v2 =	vsel vm11, $0x2180, v2;
	v1 =	vsel vm9, $0x2200, v1;
	v0 =	vsel vm10, $0x2100, v0  }
0xcf: {  	[tilespmem:$0x1FFD0] =	vst v25;
	v2 =	vsel vm10, $0x2200, v2;
	v1 =	vsel vm8, $0x2280, v1;
	v0 =	vsel vm9, $0x2180, v0  }
0xd0: {  	[tilespmem:$0x1FFE0] =	vst v58;
	v2 =	vsel vm9, $0x2280, v2;
	v1 =	vsel vm7, $0x2300, v1;
	v0 =	vsel vm8, $0x2200, v0  }
0xd1: {  	s5 =	srdreg.scid;
	s11 =	simm.s32 $0x1000;
	[tilespmem:$0x1FFF0] =	vst v36;
	v2 =	vsel vm8, $0x2300, v2;
	v1 =	vsel vm6, $0x2380, v1;
	v0 =	vsel vm7, $0x2280, v0  }
0xd2: {  	s3 =	stileid.u32;
	s12 =	simm.s32 $0x7A1400;
	s13 =	simm.s32 $0x1;
	[tilespmem:$0x1FEB0] =	vst v27;
	v2 =	vsel vm7, $0x2380, v2;
	v1 =	vsel vm5, $0x3000, v1;
	v0 =	vsel vm6, $0x2300, v0  }
0xd3: {  	s14 =	simm.s32 $0x8000;
	s15 =	simm.s32 $0x2;
	s16 =	simm.s32 $0x4000;
	[tilespmem:$0x1FEC0] =	vst v47;
	v2 =	vsel vm6, $0x3000, v2;
	v1 =	vsel vm4, $0x3080, v1;
	v0 =	vsel vm5, $0x2380, v0  }
0xd4: {  	s17 =	simm.s32 $0xC000;
	s18 =	simm.s32 $0x3;
	s19 =	simm.s32 $0x4;
	[tilespmem:$0x1FEE0] =	vst v60;
	v2 =	vsel vm5, $0x3080, v2;
	v1 =	vsel vm3, $0x3100, v1;
	v0 =	vsel vm4, $0x3000, v0  }
.Ltmp0:
0xd5: {  	s5 =	sand.u32 $0x1, s5;
	s6 =	sshll.u32 s3, $0x1;
	[tilespmem:$0x1FED0] =	vst v23;
	v2 =	vsel vm4, $0x3100, v2;
	v1 =	vsel vm1, $0x3180, v1;
	v0 =	vsel vm3, $0x3080, v0;
	(pc) =	sbr.rel .LBB2_1-.Ltmp0, $4  }
0xd6: {  	s20 =	simm.s32 $0x0;
	s7 =	ssub.s32 $0x2, s5;
	s5 =	sor.u32 s5, s6;
	[tilespmem:$0x1FEF0] =	vst v24;
	v2 =	vsel vm3, $0x3180, v2;
	v63 =	vsel vm2, $0x3200, v1;
	v0 =	vsel vm1, $0x3100, v0  }
0xd7: {  	s6 =	sadd.s32 $0xA00, s9;
	s9 =	sadd.s32 $0x3D1200, s9;
	s8 =	sshrl.u32 s7, $0x1;
	[tilespmem:$0x1FF20] =	vst v63;
	v56 =	vsel vm2, $0x3180, v0;
	v0 =	vsel vm1, $0x3200, v2  }
0xd8: {  	s31 =	sshll.u32 s5, $0x9;
	p0 =	sne.s32 s5, $0x1F;
	s10 =	ssub.s32 s7, s8;
	v19 =	vsel vm2, $0x3280, v0;
	[tilespmem:$0x1FF10] =	vst v56  }
0xd9: {  	s7 =	sadd.s32 s0, s31;
	s8 =	sor.u32 $0x40, s5;
	s10 =	smax.u32 s10, $0x1;
	v1 =	vlaneseq.u32;
	[tilespmem:$0x1FF90] =	vst v19  }
.LBB2_9:
0xda: {  	_ =	swait.ge [sflag:s18], $0x4000  }
0xdb: {  	[sflag:s18] =	ssyncset.done $0x0  }
0xdc: {  	[sflag:s18] =	ssyncadd.s32 $0xFFFFC000  }
0xdd: {  	_ =	swait.ge [sflag:s19], $0x4000  }
0xde: {  	s21 =	simm.s32 @!p0 $0x0;
	[sflag:s19] =	ssyncset.done $0x0  }
0xdf: {  	s22 =	simm.s32 @!p0 $0x8000;
	s23 =	simm.s32 @!p0 $0x5;
	[sflag:s19] =	ssyncadd.s32 $0xFFFFC000  }
0xe0: {  	[tilespmem:s22], [sflag:$0x5] =	stream.linear.gather @!p0 [hbm4b:s1+s21], $0x800, $0x38;
	[tilespmem:$0x10000] =	vst v63  }
0xe1: {  	s20 =	sadd.s32 $0x1, s20;
	_ =	swait.ge @!p0 [sflag:s23], $0x800  }
0xe2: {  	p1 =	sne.s32 s20, s10;
	[sflag:s23] =	ssyncset.done @!p0 $0x0  }
.Ltmp1:
0xe3: {  	[sflag:s23] =	ssyncadd.s32 @!p0 $0xFFFFF800;
	(pc) =	sbr.rel @!p1 .LBB2_10-.Ltmp1, $4  }
0xe4: {  	[hbm4b:s9+s21] =	stream.linear.scatter @!p0 [tilespmem:s22], [sflag:$0x5], $0x800, $0x38;
	[tilespmem:$0x10000] =	vst v63  }
0xe5: {  	_ =	swait.ge @!p0 [sflag:s23], $0x800  }
0xe6: {  	[sflag:s23] =	ssyncset.done @!p0 $0x0  }
0xe7: {  	[sflag:s23] =	ssyncadd.s32 @!p0 $0xFFFFF800  }
.LBB2_1:
.Ltmp2:
0xe8: {  	(pc) =	sbr.rel .LBB2_2-.Ltmp2, $3  }
0xe9: {  	_ =	sdelay $0x1  }
0xea: {  	[tilespmem:s4], [sflag:$0x1] =	stream.strided.gather [hbm4b:s7+s11], $0x4000, s12, s11, $0x38;
	[tilespmem:$0x10000] =	vst v63  }
0xeb: {  	s21 =	simm.s32 $0x0  }
.LBB2_8:
0xec: {  	s21 =	sadd.s32 $0x1, s21  }
0xed: {  	p1 =	sne.s32 s21, $0x1F  }
.Ltmp3:
0xee: {  	_ = 	snop;
	(pc) =	sbr.rel @!p1 .LBB2_9-.Ltmp3, $1  }
0xef: {  	_ =	sdelay $0x3  }
.LBB2_2:
0xf0: {  	s23 =	sshll.u32 s21, $0x6  }
0xf1: {  	s24 =	sor.u32 s5, s23  }
0xf2: {  	s22 =	sor.u32 $0x20, s24  }
0xf3: {  	p2 =	sgt.u32 s22, $0x7A0  }
0xf4: {  	s25 =	sshll.u32 @!p2 s22, $0x9;
	s26 =	simm.s32 @!p2 $0x1000  }
0xf5: {  	s28 =	simm.s32 @!p2 $0x7A1400;
	s29 =	simm.s32 @!p2 $0x4000;
	s25 =	sadd.s32 @!p2 s0, s25  }
0xf6: {  	[tilespmem:s29], [sflag:$0x2] =	stream.strided.gather @!p2 [hbm4b:s25+s26], $0x4000, s28, s26, $0x38;
	[tilespmem:$0x10000] =	vst v63  }
0xf7: {  	_ =	swait.ge [sflag:s13], $0x4000  }
0xf8: {  	[sflag:s13] =	ssyncset.done $0x0  }
0xf9: {  	s25 =	simm.s32 $0x0;
	[sflag:s13] =	ssyncadd.s32 $0xFFFFC000  }
.LBB2_3:
0xfa: {  	v12 =	vld [tilespmem:$0x1FCB0]  }
0xfb: {  	v46 =	vld [tilespmem:$0x1FBF0]  }
0xfc: {  	v13 =	vld [tilespmem:$0x1FC70];
	v0 =	vmov s25  }
0xfd: {  	v9 =	vld [tilespmem:$0x1FC50];
	v2 =	vor.u32 s25, v1;
	v0 =	vshll.u32 v0, $0x3  }
0xfe: {  	v11 =	vld [tilespmem:$0x1FC90];
	v1 =	vand.u32 $0x6F, v2;
	v0 =	vand.u32 $0xC00, v0  }
0xff: {  	v14 =	vld [tilespmem:$0x1FCD0];
	v1 =	vor.u32 v0, v1  }
0x100: {  	v21 =	vld [tilespmem:$0x1FC00];
	v0 =	vor.u32 v46, v1  }
0x101: {  	v27 =	vld [tilespmem:$0x1FC20]  }
0x102: {  	v30 =	vmov v28;
	v28 =	vmov v4;
	v4 =	vld [tilespmem:$0x1FC10]  }
0x103: {  	v45 =	vld [tilespmem:$0x1FC30]  }
0x104: {  	v39 =	vld [tilespmem:$0x1FC60]  }
0x105: {  	v3 =	vor.u32 v21, v1;
	v7 =	vld.idx.msk [tilespmem:v0+s4+$0x0], $0xffff  }
0x106: {  	v5 =	vor.u32 v27, v1;
	v0 =	vld [tilespmem:$0x1FC40]  }
0x107: {  	v32 =	vmov v31;
	v31 =	vld [tilespmem:$0x1FCA0];
	v4 =	vor.u32 v4, v1  }
0x108: {  	v56 =	vld [tilespmem:$0x1FCF0]  }
0x109: {  	v48 =	vmov v29;
	v29 =	vld [tilespmem:$0x1FC80];
	v6 =	vor.u32 v45, v1  }
0x10a: {  	v15 =	vor.u32 v9, v1;
	v3 =	vld.idx.msk [tilespmem:v3+s4+$0x0], $0xffff  }
0x10b: {  	v5 =	vld.idx.msk [tilespmem:v5+s4+$0x0], $0xffff;
	v8 =	vor.u32 v0, v1;
	v0 =	vshll.u32 v2, $0x5  }
0x10c: {  	v2 =	vld.idx.msk [tilespmem:v4+s4+$0x0], $0xffff;
	v0 =	vand.u32 $0x3D80, v0  }
0x10d: {  	v4 =	vor.u32 v39, v1;
	v40 =	vor.u32 v13, v0;
	v42 =	vor.u32 v11, v0;
	v11 =	vmovc v37;
	v37 =	vld [tilespmem:$0x1FCC0]  }
0x10e: {  	v6 =	vld.idx.msk [tilespmem:v6+s4+$0x0], $0xffff;
	v41 =	vor.u32 v29, v0  }
0x10f: {  	v15 =	vld.idx.msk [tilespmem:v15+s4+$0x0], $0xffff  }
0x110: {  	v43 =	vor.u32 v31, v0;
	v44 =	vor.u32 v12, v0;
	v12 =	vmov v59;
	v59 =	vld [tilespmem:$0x1FCE0]  }
0x111: {  	v8 =	vld.idx.msk [tilespmem:v8+s4+$0x0], $0xffff  }
0x112: {  	v4 =	vld.idx.msk [tilespmem:v4+s4+$0x0], $0xffff;
	[tilespmem:v40+s14+$0x0] =	vst.idx.msk $0xffff, v7;
	v7 =	vor.u32 v37, v0  }
0x113: {  	v16 =	vmov v63;
	v63 =	vmov v38;
	v38 =	vld [tilespmem:$0x1FD00];
	[tilespmem:v41+s14+$0x0] =	vst.idx.msk $0xffff, v3;
	v3 =	vor.u32 v14, v0  }
0x114: {  	v13 =	vmov v57;
	v57 =	vld [tilespmem:$0x1FD10];
	[tilespmem:v42+s14+$0x0] =	vst.idx.msk $0xffff, v2;
	v2 =	vor.u32 v49, v0  }
0x115: {  	v19 =	vmov v33;
	v10 =	vld [tilespmem:$0x1FE00];
	[tilespmem:v43+s14+$0x0] =	vst.idx.msk $0xffff, v5;
	v5 =	vor.u32 v59, v1  }
0x116: {  	v23 =	vld [tilespmem:$0x1FD20];
	v47 =	vor.u32 v19, v1;
	[tilespmem:v44+s14+$0x0] =	vst.idx.msk $0xffff, v6  }
0x117: {  	v33 =	vld [tilespmem:$0x1FD30];
	v6 =	vor.u32 v56, v1;
	[tilespmem:v7+s14+$0x0] =	vst.idx.msk $0xffff, v8  }
0x118: {  	v55 =	vld [tilespmem:$0x1FDF0];
	v7 =	vor.u32 v38, v1;
	[tilespmem:v3+s14+$0x0] =	vst.idx.msk $0xffff, v15  }
0x119: {  	v3 =	vor.u32 v57, v1;
	v15 =	vor.u32 v12, v1;
	v12 =	vld [tilespmem:$0x1FF80];
	[tilespmem:v2+s14+$0x0] =	vst.idx.msk $0xffff, v4  }
0x11a: {  	v4 =	vld.idx.msk [tilespmem:v5+s4+$0x0], $0xffff  }
0x11b: {  	v2 =	vor.u32 v23, v1;
	v8 =	vld.idx.msk [tilespmem:v47+s4+$0x0], $0xffff  }
0x11c: {  	v5 =	vor.u32 v33, v1;
	v6 =	vld.idx.msk [tilespmem:v6+s4+$0x0], $0xffff  }
0x11d: {  	v50 =	vor.u32 v18, v0;
	v7 =	vld.idx.msk [tilespmem:v7+s4+$0x0], $0xffff  }
0x11e: {  	v3 =	vld.idx.msk [tilespmem:v3+s4+$0x0], $0xffff  }
0x11f: {  	v51 =	vor.u32 v17, v0;
	v15 =	vld.idx.msk [tilespmem:v15+s4+$0x0], $0xffff  }
0x120: {  	v52 =	vor.u32 v58, v0;
	v2 =	vld.idx.msk [tilespmem:v2+s4+$0x0], $0xffff  }
0x121: {  	v53 =	vor.u32 v12, v0;
	v5 =	vld.idx.msk [tilespmem:v5+s4+$0x0], $0xffff  }
0x122: {  	[tilespmem:v50+s14+$0x0] =	vst.idx.msk $0xffff, v4;
	v4 =	vld [tilespmem:$0x1FFC0]  }
0x123: {  	v60 =	vld [tilespmem:$0x1FD40];
	v54 =	vor.u32 v36, v0  }
0x124: {  	[tilespmem:v51+s14+$0x0] =	vst.idx.msk $0xffff, v6  }
0x125: {  	v35 =	vld [tilespmem:$0x1FEA0];
	[tilespmem:v52+s14+$0x0] =	vst.idx.msk $0xffff, v7  }
0x126: {  	[tilespmem:v53+s14+$0x0] =	vst.idx.msk $0xffff, v3;
	v3 =	vld [tilespmem:$0x1FFD0]  }
0x127: {  	v19 =	vld [tilespmem:$0x1FD60];
	v4 =	vor.u32 v4, v0  }
0x128: {  	v61 =	vcombine.low v55, v10;
	v6 =	vor.u32 v60, v0;
	[tilespmem:v54+s14+$0x0] =	vst.idx.msk $0xffff, v2;
	v2 =	vld [tilespmem:$0x1FF00]  }
0x129: {  	v18 =	vld [tilespmem:$0x1FD50]  }
0x12a: {  	v36 =	vld [tilespmem:$0x1FD90];
	v7 =	vor.u32 v61, v0  }
0x12b: {  	v44 =	vld [tilespmem:$0x1FDA0];
	v3 =	vor.u32 v3, v1  }
0x12c: {  	v47 =	vld [tilespmem:$0x1FDB0];
	[tilespmem:v4+s14+$0x0] =	vst.idx.msk $0xffff, v5  }
0x12d: {  	v2 =	vor.u32 v2, v1;
	[tilespmem:v6+s14+$0x0] =	vst.idx.msk $0xffff, v8;
	v6 =	vor.u32 v32, v1;
	v32 =	vld [tilespmem:$0x1FD70]  }
0x12e: {  	v12 =	vmov v63;
	v63 =	vmov v49;
	v8 =	vor.u32 v20, v1;
	v20 =	vld [tilespmem:$0x1FD80]  }
0x12f: {  	v49 =	vsel vm0, v30, v22;
	[tilespmem:v7+s14+$0x0] =	vst.idx.msk $0xffff, v15;
	v15 =	vor.u32 v11, v1;
	v11 =	vmov v22;
	v22 =	vld [tilespmem:$0x1FDC0]  }
0x130: {  	v25 =	vld.idx.msk [tilespmem:v3+s4+$0x0], $0xffff  }
0x131: {  	v3 =	vld [tilespmem:$0x1FDE0]  }
0x132: {  	v7 =	vor.u32 v26, v1;
	v26 =	vld.idx.msk [tilespmem:v2+s4+$0x0], $0xffff  }
0x133: {  	v4 =	vor.u32 v12, v1;
	v2 =	vld [tilespmem:$0x1FDD0]  }
0x134: {  	v10 =	vsel vm0, v48, v30;
	v50 =	vsel vm0, v28, v48;
	v5 =	vor.u32 v13, v1  }
0x135: {  	v43 =	vsel vm0, v35, v34;
	v30 =	vmovc v46;
	v62 =	vcombine.low v50, v49;
	v52 =	vsel vm0, v19, v18  }
0x136: {  	v18 =	vsel vm0, v18, v35;
	v19 =	vsel vm0, v34, v19;
	v34 =	vmovc v21;
	v51 =	vcombine.low v52, v43  }
0x137: {  	v35 =	vmovc v23;
	v48 =	vor.u32 v62, v0;
	v54 =	vsel vm0, v44, v36;
	v53 =	vsel vm0, v20, v32  }
0x138: {  	v4 =	vld.idx.msk [tilespmem:v4+s4+$0x0], $0xffff;
	v40 =	vcombine.low v54, v53;
	v55 =	vsel vm0, v22, v47;
	v24 =	vsel vm0, v3, v2  }
0x139: {  	v12 =	vor.u32 v51, v0;
	v11 =	vsel vm0, v11, v28;
	v5 =	vld.idx.msk [tilespmem:v5+s4+$0x0], $0xffff;
	v41 =	vcombine.low v24, v55  }
0x13a: {  	v42 =	vcombine.low v19, v18;
	v28 =	vcombine.low v11, v10;
	v6 =	vld.idx.msk [tilespmem:v6+s4+$0x0], $0xffff;
	v13 =	vor.u32 v40, v0  }
0x13b: {  	v20 =	vsel vm0, v36, v20;
	v21 =	vsel vm0, v32, v44;
	v9 =	vld.idx.msk [tilespmem:v7+s4+$0x0], $0xffff;
	v14 =	vor.u32 v41, v0  }
0x13c: {  	v17 =	vor.u32 v28, v0;
	v7 =	vld.idx.msk [tilespmem:v8+s4+$0x0], $0xffff;
	v46 =	vcombine.low v21, v20;
	v23 =	vsel vm0, v47, v3  }
0x13d: {  	v15 =	vld.idx.msk [tilespmem:v15+s4+$0x0], $0xffff;
	v22 =	vsel vm0, v2, v22;
	[tilespmem:v48+s14+$0x0] =	vst.idx.msk $0xffff, v26;
	v2 =	vor.u32 v42, v0  }
0x13e: {  	v3 =	vor.u32 v46, v0;
	v32 =	vcombine.low v23, v22;
	[tilespmem:v12+s14+$0x0] =	vst.idx.msk $0xffff, v25  }
0x13f: {  	v8 =	vld [tilespmem:$0x1FF90];
	[tilespmem:v13+s14+$0x0] =	vst.idx.msk $0xffff, v4  }
0x140: {  	v4 =	vor.u32 v32, v0;
	[tilespmem:v14+s14+$0x0] =	vst.idx.msk $0xffff, v5;
	v5 =	vld [tilespmem:$0x1FEB0]  }
0x141: {  	[tilespmem:v17+s14+$0x0] =	vst.idx.msk $0xffff, v6;
	v6 =	vld [tilespmem:$0x1FEC0]  }
0x142: {  	[tilespmem:v2+s14+$0x0] =	vst.idx.msk $0xffff, v9;
	v2 =	vld [tilespmem:$0x1FED0]  }
0x143: {  	[tilespmem:v3+s14+$0x0] =	vst.idx.msk $0xffff, v7;
	v3 =	vld [tilespmem:$0x1FEE0]  }
0x144: {  	v7 =	vld [tilespmem:$0x1FF10]  }
0x145: {  	v14 =	vor.u32 v16, v1;
	[tilespmem:v4+s14+$0x0] =	vst.idx.msk $0xffff, v15;
	v4 =	vld [tilespmem:$0x1FEF0]  }
0x146: {  	v36 =	vmov v59;
	v59 =	vmov v29;
	v29 =	vld [tilespmem:$0x1FC40];
	v5 =	vor.u32 v5, v1  }
0x147: {  	v54 =	vcombine.low v53, v54;
	v53 =	vcombine.low v20, v21;
	v20 =	vld [tilespmem:$0x1FC50];
	v6 =	vor.u32 v6, v1  }
0x148: {  	v21 =	vmov v34;
	v34 =	vld [tilespmem:$0x1FC90];
	v2 =	vor.u32 v2, v1  }
0x149: {  	v44 =	vcombine.low v49, v50;
	v48 =	vmov v60;
	v60 =	vld [tilespmem:$0x1FC70];
	v3 =	vor.u32 v3, v1  }
0x14a: {  	v7 =	vor.u32 v7, v1;
	v4 =	vor.u32 v4, v1;
	v1 =	vor.u32 v8, v1;
	v8 =	vld.idx.msk [tilespmem:v14+s4+$0x0], $0xffff  }
0x14b: {  	v43 =	vcombine.low v43, v52;
	v5 =	vld.idx.msk [tilespmem:v5+s4+$0x0], $0xffff  }
0x14c: {  	v12 =	vor.u32 v44, v0;
	v6 =	vld.idx.msk [tilespmem:v6+s4+$0x0], $0xffff  }
0x14d: {  	v55 =	vcombine.low v55, v24;
	v13 =	vor.u32 v43, v0;
	v2 =	vld.idx.msk [tilespmem:v2+s4+$0x0], $0xffff  }
0x14e: {  	v50 =	vcombine.low v10, v11;
	v9 =	vor.u32 v54, v0;
	v3 =	vld.idx.msk [tilespmem:v3+s4+$0x0], $0xffff  }
0x14f: {  	s26 =	sadd.s32 $0x10, s25;
	v47 =	vlaneseq.u32;
	v10 =	vor.u32 v55, v0;
	v15 =	vmovc v62;
	v62 =	vcombine.low v18, v19;
	v7 =	vld.idx.msk [tilespmem:v7+s4+$0x0], $0xffff  }
0x150: {  	v11 =	vor.u32 v50, v0;
	v52 =	vcombine.low v22, v23;
	v17 =	vmov s26;
	v4 =	vld.idx.msk [tilespmem:v4+s4+$0x0], $0xffff  }
0x151: {  	v14 =	vor.u32 v62, v0;
	v1 =	vld.idx.msk [tilespmem:v1+s4+$0x0], $0xffff;
	[tilespmem:v12+s14+$0x0] =	vst.idx.msk $0xffff, v5;
	v5 =	vor.u32 s26, v47;
	v12 =	vshll.u32 v17, $0x3  }
0x152: {  	v18 =	vld [tilespmem:$0x1FC10];
	[tilespmem:v13+s14+$0x0] =	vst.idx.msk $0xffff, v6;
	v6 =	vor.u32 v53, v0;
	v13 =	vand.u32 $0x7F, v5;
	v12 =	vand.u32 $0xC00, v12  }
0x153: {  	v26 =	vld [tilespmem:$0x1FFC0];
	v0 =	vor.u32 v52, v0;
	[tilespmem:v9+s14+$0x0] =	vst.idx.msk $0xffff, v2;
	v2 =	vor.u32 v12, v13  }
0x154: {  	v23 =	vld [tilespmem:$0x1FED0];
	[tilespmem:v10+s14+$0x0] =	vst.idx.msk $0xffff, v3;
	v3 =	vor.u32 v30, v2  }
0x155: {  	v22 =	vmov v37;
	v37 =	vld [tilespmem:$0x1FCB0];
	v39 =	vor.u32 v39, v2;
	[tilespmem:v11+s14+$0x0] =	vst.idx.msk $0xffff, v4  }
0x156: {  	v16 =	vmov v28;
	v28 =	vld [tilespmem:$0x1FCD0];
	v4 =	vor.u32 v21, v2;
	[tilespmem:v14+s14+$0x0] =	vst.idx.msk $0xffff, v7  }
0x157: {  	v19 =	vld [tilespmem:$0x1FE10];
	v7 =	vor.u32 v18, v2;
	[tilespmem:v6+s14+$0x0] =	vst.idx.msk $0xffff, v8  }
0x158: {  	v17 =	vld [tilespmem:$0x1FE30];
	v6 =	vor.u32 v27, v2;
	[tilespmem:v0+s14+$0x0] =	vst.idx.msk $0xffff, v1  }
0x159: {  	v5 =	vshll.u32 v5, $0x5;
	v8 =	vor.u32 v20, v2;
	v1 =	vld.idx.msk [tilespmem:v3+s4+$0x0], $0xffff  }
0x15a: {  	v5 =	vand.u32 $0x7FFFFF80, v5;
	v0 =	vor.u32 v45, v2;
	v9 =	vld.idx.msk [tilespmem:v39+s4+$0x0], $0xffff  }
0x15b: {  	v45 =	vor.u32 v60, v5;
	v3 =	vor.u32 v29, v2;
	v4 =	vld.idx.msk [tilespmem:v4+s4+$0x0], $0xffff  }
0x15c: {  	v60 =	vor.u32 v59, v5;
	v7 =	vld.idx.msk [tilespmem:v7+s4+$0x0], $0xffff  }
0x15d: {  	v12 =	vor.u32 v34, v5;
	v6 =	vld.idx.msk [tilespmem:v6+s4+$0x0], $0xffff  }
0x15e: {  	v13 =	vor.u32 v31, v5;
	v8 =	vld.idx.msk [tilespmem:v8+s4+$0x0], $0xffff  }
0x15f: {  	v14 =	vor.u32 v37, v5;
	v0 =	vld.idx.msk [tilespmem:v0+s4+$0x0], $0xffff  }
0x160: {  	v3 =	vld.idx.msk [tilespmem:v3+s4+$0x0], $0xffff;
	[tilespmem:v45+s14+$0x0] =	vst.idx.msk $0xffff, v1;
	v1 =	vor.u32 v22, v5  }
0x161: {  	v21 =	vld [tilespmem:$0x1FF80];
	[tilespmem:v60+s14+$0x0] =	vst.idx.msk $0xffff, v4;
	v4 =	vor.u32 v28, v5  }
0x162: {  	v18 =	vld [tilespmem:$0x1FE40];
	[tilespmem:v12+s14+$0x0] =	vst.idx.msk $0xffff, v7;
	v7 =	vor.u32 v63, v5  }
0x163: {  	v45 =	vld [tilespmem:$0x1FF00];
	[tilespmem:v13+s14+$0x0] =	vst.idx.msk $0xffff, v6;
	v6 =	vor.u32 v36, v2  }
0x164: {  	v49 =	vmov v63;
	v63 =	vld [tilespmem:$0x1FE20];
	[tilespmem:v14+s14+$0x0] =	vst.idx.msk $0xffff, v0;
	v0 =	vor.u32 v56, v2  }
0x165: {  	v36 =	vld [tilespmem:$0x1FFF0];
	[tilespmem:v1+s14+$0x0] =	vst.idx.msk $0xffff, v3;
	v1 =	vor.u32 v38, v2  }
0x166: {  	v25 =	vmov v33;
	v24 =	vmov v35;
	v3 =	vor.u32 v57, v2;
	v38 =	vld [tilespmem:$0x1FFB0];
	[tilespmem:v4+s14+$0x0] =	vst.idx.msk $0xffff, v8  }
0x167: {  	v4 =	vor.u32 v24, v2;
	[tilespmem:v7+s14+$0x0] =	vst.idx.msk $0xffff, v9;
	v7 =	vor.u32 v25, v2;
	v25 =	vld [tilespmem:$0x1FFD0]  }
0x168: {  	v8 =	vor.u32 v19, v2;
	v6 =	vld.idx.msk [tilespmem:v6+s4+$0x0], $0xffff  }
0x169: {  	v0 =	vld.idx.msk [tilespmem:v0+s4+$0x0], $0xffff  }
0x16a: {  	v39 =	vor.u32 v18, v5;
	v9 =	vor.u32 v63, v2;
	v1 =	vld.idx.msk [tilespmem:v1+s4+$0x0], $0xffff  }
0x16b: {  	v59 =	vor.u32 v17, v5;
	v3 =	vld.idx.msk [tilespmem:v3+s4+$0x0], $0xffff  }
0x16c: {  	v12 =	vor.u32 v58, v5;
	v4 =	vld.idx.msk [tilespmem:v4+s4+$0x0], $0xffff  }
0x16d: {  	v13 =	vor.u32 v21, v5;
	v8 =	vld.idx.msk [tilespmem:v8+s4+$0x0], $0xffff  }
0x16e: {  	v14 =	vor.u32 v36, v5;
	v7 =	vld.idx.msk [tilespmem:v7+s4+$0x0], $0xffff  }
0x16f: {  	v9 =	vld.idx.msk [tilespmem:v9+s4+$0x0], $0xffff;
	[tilespmem:v39+s14+$0x0] =	vst.idx.msk $0xffff, v6;
	v6 =	vor.u32 v26, v5  }
0x170: {  	v35 =	vld [tilespmem:$0x1FF30];
	[tilespmem:v59+s14+$0x0] =	vst.idx.msk $0xffff, v0;
	v0 =	vor.u32 v48, v5  }
0x171: {  	v37 =	vld [tilespmem:$0x1FF50];
	[tilespmem:v12+s14+$0x0] =	vst.idx.msk $0xffff, v1;
	v1 =	vor.u32 v61, v5  }
0x172: {  	v57 =	vld [tilespmem:$0x1FFA0];
	[tilespmem:v13+s14+$0x0] =	vst.idx.msk $0xffff, v3;
	v3 =	vor.u32 v45, v2  }
0x173: {  	v31 =	vld [tilespmem:$0x1FF40];
	[tilespmem:v14+s14+$0x0] =	vst.idx.msk $0xffff, v4;
	v4 =	vor.u32 v25, v2  }
0x174: {  	v20 =	vld [tilespmem:$0x1FF70];
	[tilespmem:v6+s14+$0x0] =	vst.idx.msk $0xffff, v7;
	v6 =	vor.u32 v38, v2  }
0x175: {  	v47 =	vld [tilespmem:$0x1FEC0];
	v7 =	vor.u32 v35, v2;
	[tilespmem:v0+s14+$0x0] =	vst.idx.msk $0xffff, v8  }
0x176: {  	v27 =	vld [tilespmem:$0x1FEB0];
	v39 =	vmov v26;
	v26 =	vmov v35;
	v35 =	vor.u32 v37, v2;
	[tilespmem:v1+s14+$0x0] =	vst.idx.msk $0xffff, v9  }
0x177: {  	v0 =	vor.u32 v57, v2;
	v3 =	vld.idx.msk [tilespmem:v3+s4+$0x0], $0xffff  }
0x178: {  	v1 =	vor.u32 v31, v2;
	v4 =	vld.idx.msk [tilespmem:v4+s4+$0x0], $0xffff  }
0x179: {  	v48 =	vor.u32 v15, v5;
	v8 =	vor.u32 v20, v2;
	v6 =	vld.idx.msk [tilespmem:v6+s4+$0x0], $0xffff  }
0x17a: {  	v59 =	vor.u32 v51, v5;
	v7 =	vld.idx.msk [tilespmem:v7+s4+$0x0], $0xffff  }
0x17b: {  	v12 =	vor.u32 v40, v5;
	v9 =	vld.idx.msk [tilespmem:v35+s4+$0x0], $0xffff  }
0x17c: {  	v13 =	vor.u32 v41, v5;
	v0 =	vld.idx.msk [tilespmem:v0+s4+$0x0], $0xffff  }
0x17d: {  	v14 =	vor.u32 v16, v5;
	v1 =	vld.idx.msk [tilespmem:v1+s4+$0x0], $0xffff  }
0x17e: {  	v8 =	vld.idx.msk [tilespmem:v8+s4+$0x0], $0xffff;
	[tilespmem:v48+s14+$0x0] =	vst.idx.msk $0xffff, v3;
	v3 =	vor.u32 v42, v5  }
0x17f: {  	v56 =	vld [tilespmem:$0x1FF10];
	[tilespmem:v59+s14+$0x0] =	vst.idx.msk $0xffff, v4;
	v4 =	vor.u32 v46, v5  }
0x180: {  	v60 =	vld [tilespmem:$0x1FEE0];
	[tilespmem:v12+s14+$0x0] =	vst.idx.msk $0xffff, v6;
	v6 =	vor.u32 v32, v5  }
0x181: {  	v63 =	vld [tilespmem:$0x1FF20];
	[tilespmem:v13+s14+$0x0] =	vst.idx.msk $0xffff, v0;
	v0 =	vor.u32 v27, v2  }
0x182: {  	v24 =	vld [tilespmem:$0x1FEF0];
	[tilespmem:v14+s14+$0x0] =	vst.idx.msk $0xffff, v1;
	v1 =	vor.u32 v47, v2  }
0x183: {  	v33 =	vmov v19;
	v19 =	vld [tilespmem:$0x1FF90];
	[tilespmem:v3+s14+$0x0] =	vst.idx.msk $0xffff, v7;
	v3 =	vor.u32 v23, v2  }
0x184: {  	v7 =	vor.u32 v56, v2;
	[tilespmem:v4+s14+$0x0] =	vst.idx.msk $0xffff, v8  }
0x185: {  	v4 =	vor.u32 v60, v2;
	[tilespmem:v6+s14+$0x0] =	vst.idx.msk $0xffff, v9  }
0x186: {  	v8 =	vor.u32 v63, v2;
	v0 =	vld.idx.msk [tilespmem:v0+s4+$0x0], $0xffff  }
0x187: {  	v6 =	vor.u32 v24, v2;
	v1 =	vld.idx.msk [tilespmem:v1+s4+$0x0], $0xffff  }
0x188: {  	v35 =	vor.u32 v44, v5;
	v2 =	vor.u32 v19, v2;
	v3 =	vld.idx.msk [tilespmem:v3+s4+$0x0], $0xffff  }
0x189: {  	v47 =	vor.u32 v43, v5;
	v7 =	vld.idx.msk [tilespmem:v7+s4+$0x0], $0xffff  }
0x18a: {  	v48 =	vor.u32 v54, v5;
	v4 =	vld.idx.msk [tilespmem:v4+s4+$0x0], $0xffff  }
0x18b: {  	v12 =	vor.u32 v55, v5;
	v8 =	vld.idx.msk [tilespmem:v8+s4+$0x0], $0xffff  }
0x18c: {  	v13 =	vor.u32 v50, v5;
	v6 =	vld.idx.msk [tilespmem:v6+s4+$0x0], $0xffff  }
0x18d: {  	v2 =	vld.idx.msk [tilespmem:v2+s4+$0x0], $0xffff;
	[tilespmem:v35+s14+$0x0] =	vst.idx.msk $0xffff, v0;
	v0 =	vor.u32 v62, v5  }
0x18e: {  	[tilespmem:v47+s14+$0x0] =	vst.idx.msk $0xffff, v1;
	v1 =	vor.u32 v53, v5  }
0x18f: {  	p1 =	sne.s32 s25, $0x1E0;
	v30 =	vld [tilespmem:$0x1FE80];
	[tilespmem:v48+s14+$0x0] =	vst.idx.msk $0xffff, v3;
	v3 =	vor.u32 v52, v5  }
.Ltmp4:
0x190: {  	v34 =	vld [tilespmem:$0x1FE90];
	[tilespmem:v12+s14+$0x0] =	vst.idx.msk $0xffff, v4;
	(pc) =	sbr.rel @p1 .LBB2_3-.Ltmp4, $4  }
0x191: {  	v29 =	vld [tilespmem:$0x1FE70];
	[tilespmem:v13+s14+$0x0] =	vst.idx.msk $0xffff, v6  }
0x192: {  	v22 =	vld [tilespmem:$0x1FE50];
	[tilespmem:v0+s14+$0x0] =	vst.idx.msk $0xffff, v7  }
0x193: {  	v28 =	vld [tilespmem:$0x1FE60];
	[tilespmem:v1+s14+$0x0] =	vst.idx.msk $0xffff, v8  }
0x194: {  	s25 =	sadd.s32 $0x20, s25;
	v59 =	vld [tilespmem:$0x1FE20];
	v4 =	vmov v30;
	v1 =	vlaneseq.u32;
	[tilespmem:v3+s14+$0x0] =	vst.idx.msk $0xffff, v2  }
0x195: {  	p1 =	seq.s32 s21, $0x0  }
.Ltmp5:
0x196: {  	s25 =	simm.s32 @!p1 $0x3;
	(pc) =	sbr.rel @p2 .LBB2_8-.Ltmp5, $4  }
0x197: {  	_ =	swait.ge @!p1 [sflag:s25], $0x4000  }
0x198: {  	s24 =	sshll.u32 s24, $0xB;
	[sflag:s25] =	ssyncset.done @!p1 $0x0  }
0x199: {  	s24 =	sadd.s32 s6, s24;
	[sflag:s25] =	ssyncadd.s32 @!p1 $0xFFFFC000  }
0x19a: {  	[hbm4b:s24+s4] =	stream.linear.scatter [tilespmem:s14], [sflag:$0x3], $0x4000, $0x38;
	[tilespmem:$0x10000] =	vst v63  }
0x19b: {  	s23 =	sadd.s32 s8, s23  }
0x19c: {  	s24 =	simm.s32 $0x0;
	p2 =	sgt.u32 s23, $0x7A0  }
0x19d: {  	v0 =	vmov s24;
	v1 =	vor.u32 s24, v1;
	s23 =	sshll.u32 @!p2 s23, $0x9;
	s24 =	simm.s32 @!p2 $0x1000  }
0x19e: {  	v0 =	vshll.u32 v0, $0x3;
	s25 =	simm.s32 @!p2 $0x7A1400;
	s26 =	simm.s32 @!p2 $0x0;
	s23 =	sadd.s32 @!p2 s0, s23  }
0x19f: {  	v3 =	vld [tilespmem:$0x1FC20];
	v2 =	vand.u32 $0x6F, v1;
	v0 =	vand.u32 $0xC00, v0;
	[tilespmem:s26], [sflag:$0x1] =	stream.strided.gather @!p2 [hbm4b:s23+s24], $0x4000, s25, s24, $0x38  }
0x1a0: {  	v0 =	vor.u32 v0, v2;
	v2 =	vld [tilespmem:$0x1FC00];
	_ =	swait.ge [sflag:s15], $0x4000  }
0x1a1: {  	v4 =	vld [tilespmem:$0x1FBF0]  }
0x1a2: {  	v34 =	vld [tilespmem:$0x1FC10]  }
0x1a3: {  	v48 =	vld [tilespmem:$0x1FC30]  }
0x1a4: {  	v7 =	vld [tilespmem:$0x1FC40]  }
0x1a5: {  	v8 =	vld [tilespmem:$0x1FC50]  }
0x1a6: {  	v30 =	vld [tilespmem:$0x1FC60]  }
0x1a7: {  	v3 =	vor.u32 v3, v0;
	v10 =	vld [tilespmem:$0x1FC70]  }
0x1a8: {  	v11 =	vld [tilespmem:$0x1FC80];
	v2 =	vor.u32 v2, v0  }
0x1a9: {  	v12 =	vld [tilespmem:$0x1FC90];
	v4 =	vor.u32 v4, v0  }
0x1aa: {  	[sflag:s15] =	ssyncset.done $0x0;
	v13 =	vld [tilespmem:$0x1FCA0];
	v5 =	vor.u32 v34, v0  }
0x1ab: {  	v14 =	vld [tilespmem:$0x1FCB0];
	[sflag:s15] =	ssyncadd.s32 $0xFFFFC000;
	v6 =	vor.u32 v48, v0  }
0x1ac: {  	v3 =	vld.idx.msk [tilespmem:v3+s16+$0x0], $0xffff;
	v7 =	vor.u32 v7, v0  }
0x1ad: {  	v1 =	vshll.u32 v1, $0x5;
	v8 =	vor.u32 v8, v0;
	v2 =	vld.idx.msk [tilespmem:v2+s16+$0x0], $0xffff  }
0x1ae: {  	v1 =	vand.u32 $0x3D80, v1;
	v9 =	vor.u32 v30, v0;
	v4 =	vld.idx.msk [tilespmem:v4+s16+$0x0], $0xffff  }
0x1af: {  	v10 =	vor.u32 v10, v1;
	v5 =	vld.idx.msk [tilespmem:v5+s16+$0x0], $0xffff  }
0x1b0: {  	v6 =	vld.idx.msk [tilespmem:v6+s16+$0x0], $0xffff  }
0x1b1: {  	v11 =	vor.u32 v11, v1;
	v7 =	vld.idx.msk [tilespmem:v7+s16+$0x0], $0xffff  }
0x1b2: {  	v8 =	vld.idx.msk [tilespmem:v8+s16+$0x0], $0xffff  }
0x1b3: {  	v12 =	vor.u32 v12, v1;
	v9 =	vld.idx.msk [tilespmem:v9+s16+$0x0], $0xffff  }
0x1b4: {  	v13 =	vor.u32 v13, v1;
	[tilespmem:v10+s17+$0x0] =	vst.idx.msk $0xffff, v4;
	v4 =	vld [tilespmem:$0x1FCC0]  }
0x1b5: {  	v14 =	vor.u32 v14, v1  }
0x1b6: {  	[tilespmem:v11+s17+$0x0] =	vst.idx.msk $0xffff, v2;
	v2 =	vld [tilespmem:$0x1FCD0];
	_ =	sdelay $0x1  }
0x1b7: {  	[tilespmem:v12+s17+$0x0] =	vst.idx.msk $0xffff, v5  }
0x1b8: {  	[tilespmem:v13+s17+$0x0] =	vst.idx.msk $0xffff, v3;
	v3 =	vld [tilespmem:$0x1FD00];
	v4 =	vor.u32 v4, v1  }
0x1b9: {  	[tilespmem:v14+s17+$0x0] =	vst.idx.msk $0xffff, v6;
	v6 =	vld [tilespmem:$0x1FCF0]  }
0x1ba: {  	v22 =	vmov v31;
	v31 =	vld [tilespmem:$0x1FCE0];
	v2 =	vor.u32 v2, v1;
	_ =	sdelay $0x1  }
0x1bb: {  	v58 =	vld [tilespmem:$0x1FD20];
	v5 =	vor.u32 v49, v1  }
0x1bc: {  	v3 =	vor.u32 v3, v0;
	[tilespmem:v4+s17+$0x0] =	vst.idx.msk $0xffff, v7;
	v4 =	vld [tilespmem:$0x1FD10]  }
0x1bd: {  	v29 =	vmovc v53;
	v53 =	vmov v44;
	v47 =	vmov v43;
	v44 =	vld [tilespmem:$0x1FD40];
	v6 =	vor.u32 v6, v0  }
0x1be: {  	v43 =	vmovc v20;
	v20 =	vmov v42;
	v42 =	vmov v57;
	v57 =	vld [tilespmem:$0x1FD30];
	[tilespmem:v2+s17+$0x0] =	vst.idx.msk $0xffff, v8;
	v2 =	vor.u32 v31, v0  }
0x1bf: {  	v11 =	vld [tilespmem:$0x1FE30];
	v7 =	vor.u32 v59, v0  }
0x1c0: {  	v28 =	vld [tilespmem:$0x1FFE0];
	v8 =	vor.u32 v58, v0;
	[tilespmem:v5+s17+$0x0] =	vst.idx.msk $0xffff, v9  }
0x1c1: {  	v3 =	vld.idx.msk [tilespmem:v3+s16+$0x0], $0xffff;
	v4 =	vor.u32 v4, v0  }
0x1c2: {  	v5 =	vor.u32 v33, v0;
	v6 =	vld.idx.msk [tilespmem:v6+s16+$0x0], $0xffff  }
0x1c3: {  	v10 =	vor.u32 v18, v1;
	v9 =	vor.u32 v57, v0;
	v2 =	vld.idx.msk [tilespmem:v2+s16+$0x0], $0xffff  }
0x1c4: {  	v11 =	vor.u32 v11, v1;
	v7 =	vld.idx.msk [tilespmem:v7+s16+$0x0], $0xffff  }
0x1c5: {  	v12 =	vor.u32 v28, v1;
	v8 =	vld.idx.msk [tilespmem:v8+s16+$0x0], $0xffff  }
0x1c6: {  	v27 =	vmov v52;
	v52 =	vor.u32 v21, v1;
	v4 =	vld.idx.msk [tilespmem:v4+s16+$0x0], $0xffff  }
0x1c7: {  	v17 =	vmov v63;
	v63 =	vor.u32 v36, v1;
	v5 =	vld.idx.msk [tilespmem:v5+s16+$0x0], $0xffff  }
0x1c8: {  	v9 =	vld.idx.msk [tilespmem:v9+s16+$0x0], $0xffff;
	[tilespmem:v10+s17+$0x0] =	vst.idx.msk $0xffff, v2;
	v2 =	vor.u32 v39, v1  }
0x1c9: {  	[tilespmem:v11+s17+$0x0] =	vst.idx.msk $0xffff, v6;
	v6 =	vor.u32 v44, v1  }
0x1ca: {  	[tilespmem:v12+s17+$0x0] =	vst.idx.msk $0xffff, v3;
	v3 =	vor.u32 v61, v1  }
0x1cb: {  	v35 =	vmov v25;
	[tilespmem:v52+s17+$0x0] =	vst.idx.msk $0xffff, v4;
	v4 =	vor.u32 v38, v0  }
0x1cc: {  	[tilespmem:v63+s17+$0x0] =	vst.idx.msk $0xffff, v8;
	v8 =	vor.u32 v35, v0  }
0x1cd: {  	[tilespmem:v2+s17+$0x0] =	vst.idx.msk $0xffff, v9;
	v2 =	vor.u32 v45, v0  }
0x1ce: {  	v9 =	vor.u32 v43, v0;
	[tilespmem:v6+s17+$0x0] =	vst.idx.msk $0xffff, v5  }
0x1cf: {  	v5 =	vor.u32 v42, v0;
	[tilespmem:v3+s17+$0x0] =	vst.idx.msk $0xffff, v7  }
0x1d0: {  	v6 =	vor.u32 v26, v0;
	v4 =	vld.idx.msk [tilespmem:v4+s16+$0x0], $0xffff  }
0x1d1: {  	v3 =	vor.u32 v22, v0;
	v7 =	vld.idx.msk [tilespmem:v8+s16+$0x0], $0xffff  }
0x1d2: {  	v10 =	vor.u32 v15, v1;
	v8 =	vor.u32 v37, v0;
	v2 =	vld.idx.msk [tilespmem:v2+s16+$0x0], $0xffff  }
0x1d3: {  	v11 =	vor.u32 v51, v1;
	v9 =	vld.idx.msk [tilespmem:v9+s16+$0x0], $0xffff  }
0x1d4: {  	v23 =	vor.u32 v40, v1;
	v5 =	vld.idx.msk [tilespmem:v5+s16+$0x0], $0xffff  }
0x1d5: {  	v25 =	vor.u32 v41, v1;
	v6 =	vld.idx.msk [tilespmem:v6+s16+$0x0], $0xffff  }
0x1d6: {  	v28 =	vor.u32 v16, v1;
	v3 =	vld.idx.msk [tilespmem:v3+s16+$0x0], $0xffff  }
0x1d7: {  	v8 =	vld.idx.msk [tilespmem:v8+s16+$0x0], $0xffff;
	[tilespmem:v10+s17+$0x0] =	vst.idx.msk $0xffff, v2;
	v2 =	vor.u32 v20, v1  }
0x1d8: {  	[tilespmem:v11+s17+$0x0] =	vst.idx.msk $0xffff, v7;
	v7 =	vor.u32 v46, v1  }
0x1d9: {  	[tilespmem:v23+s17+$0x0] =	vst.idx.msk $0xffff, v4;
	v4 =	vor.u32 v32, v1  }
0x1da: {  	[tilespmem:v25+s17+$0x0] =	vst.idx.msk $0xffff, v5  }
0x1db: {  	[tilespmem:v28+s17+$0x0] =	vst.idx.msk $0xffff, v3  }
0x1dc: {  	[tilespmem:v2+s17+$0x0] =	vst.idx.msk $0xffff, v6;
	v2 =	vld [tilespmem:$0x1FEB0]  }
0x1dd: {  	v5 =	vld [tilespmem:$0x1FEC0];
	[tilespmem:v7+s17+$0x0] =	vst.idx.msk $0xffff, v9  }
0x1de: {  	[tilespmem:v4+s17+$0x0] =	vst.idx.msk $0xffff, v8;
	v4 =	vld [tilespmem:$0x1FED0]  }
0x1df: {  	v3 =	vor.u32 v24, v0  }
0x1e0: {  	v6 =	vor.u32 v17, v0  }
0x1e1: {  	v2 =	vor.u32 v2, v0  }
0x1e2: {  	v5 =	vor.u32 v5, v0  }
0x1e3: {  	v4 =	vor.u32 v4, v0  }
0x1e4: {  	v7 =	vor.u32 v60, v0;
	v3 =	vld.idx.msk [tilespmem:v3+s16+$0x0], $0xffff  }
0x1e5: {  	v8 =	vor.u32 v19, v0;
	v6 =	vld.idx.msk [tilespmem:v6+s16+$0x0], $0xffff  }
0x1e6: {  	v9 =	vor.u32 v53, v1;
	v0 =	vor.u32 v56, v0;
	v2 =	vld.idx.msk [tilespmem:v2+s16+$0x0], $0xffff  }
0x1e7: {  	v10 =	vor.u32 v47, v1;
	v5 =	vld.idx.msk [tilespmem:v5+s16+$0x0], $0xffff  }
0x1e8: {  	v11 =	vor.u32 v54, v1;
	v4 =	vld.idx.msk [tilespmem:v4+s16+$0x0], $0xffff  }
0x1e9: {  	[tilespmem:$0x1FAF0] =	vst v47;
	v47 =	vor.u32 v55, v1;
	v7 =	vld.idx.msk [tilespmem:v7+s16+$0x0], $0xffff  }
0x1ea: {  	[tilespmem:$0x1FAE0] =	vst v53;
	v52 =	vor.u32 v50, v1;
	v8 =	vld.idx.msk [tilespmem:v8+s16+$0x0], $0xffff  }
0x1eb: {  	v0 =	vld.idx.msk [tilespmem:v0+s16+$0x0], $0xffff;
	[tilespmem:v9+s17+$0x0] =	vst.idx.msk $0xffff, v2;
	v9 =	vor.u32 v62, v1  }
0x1ec: {  	[tilespmem:v10+s17+$0x0] =	vst.idx.msk $0xffff, v5  }
0x1ed: {  	[tilespmem:v11+s17+$0x0] =	vst.idx.msk $0xffff, v4  }
0x1ee: {  	[tilespmem:v47+s17+$0x0] =	vst.idx.msk $0xffff, v7  }
0x1ef: {  	s31 =	simm.s32 $0x10;
	[tilespmem:v52+s17+$0x0] =	vst.idx.msk $0xffff, v3;
	v3 =	vld [tilespmem:$0x1FC00]  }
0x1f0: {  	v53 =	vmov s31;
	v2 =	vlaneseq.u32;
	[tilespmem:v9+s17+$0x0] =	vst.idx.msk $0xffff, v0;
	v0 =	vld [tilespmem:$0x1FBF0]  }
0x1f1: {  	v14 =	vshll.u32 v53, $0x3;
	v2 =	vor.u32 s31, v2  }
0x1f2: {  	v14 =	vand.u32 $0xC00, v14;
	v5 =	vor.u32 v29, v1;
	v10 =	vand.u32 $0x7F, v2  }
0x1f3: {  	v4 =	vor.u32 v27, v1;
	v1 =	vor.u32 v14, v10  }
0x1f4: {  	v7 =	vor.u32 v34, v1  }
0x1f5: {  	v3 =	vor.u32 v3, v1;
	v9 =	vor.u32 v0, v1;
	v0 =	vld [tilespmem:$0x1FC20];
	_ =	sdelay $0x1  }
0x1f6: {  	[tilespmem:v5+s17+$0x0] =	vst.idx.msk $0xffff, v6  }
0x1f7: {  	[tilespmem:v4+s17+$0x0] =	vst.idx.msk $0xffff, v8  }
0x1f8: {  	v6 =	vld.idx.msk [tilespmem:v7+s16+$0x0], $0xffff  }
0x1f9: {  	v7 =	vor.u32 v0, v1;
	v0 =	vshll.u32 v2, $0x5;
	v2 =	vld.idx.msk [tilespmem:v3+s16+$0x0], $0xffff  }
0x1fa: {  	v3 =	vld [tilespmem:$0x1FC50]  }
0x1fb: {  	v8 =	vld.idx.msk [tilespmem:v9+s16+$0x0], $0xffff  }
0x1fc: {  	v9 =	vld [tilespmem:$0x1FC40]  }
0x1fd: {  	v10 =	vld [tilespmem:$0x1FC70];
	v5 =	vor.u32 v48, v1  }
0x1fe: {  	v11 =	vld [tilespmem:$0x1FC80];
	v4 =	vor.u32 v30, v1  }
0x1ff: {  	[tilespmem:$0x1FB10] =	vst v55;
	v55 =	vld [tilespmem:$0x1FCA0]  }
0x200: {  	[tilespmem:$0x1FB00] =	vst v54;
	v54 =	vld [tilespmem:$0x1FC90];
	v3 =	vor.u32 v3, v1  }
0x201: {  	v56 =	vld [tilespmem:$0x1FCB0];
	v0 =	vand.u32 $0x7FFFFF80, v0;
	v9 =	vor.u32 v9, v1  }
0x202: {  	v5 =	vld.idx.msk [tilespmem:v5+s16+$0x0], $0xffff;
	v10 =	vor.u32 v10, v0  }
0x203: {  	v4 =	vld.idx.msk [tilespmem:v4+s16+$0x0], $0xffff;
	v11 =	vor.u32 v11, v0  }
0x204: {  	v7 =	vld.idx.msk [tilespmem:v7+s16+$0x0], $0xffff  }
0x205: {  	v3 =	vld.idx.msk [tilespmem:v3+s16+$0x0], $0xffff  }
0x206: {  	v9 =	vld.idx.msk [tilespmem:v9+s16+$0x0], $0xffff  }
0x207: {  	v12 =	vor.u32 v54, v0;
	[tilespmem:v10+s17+$0x0] =	vst.idx.msk $0xffff, v8;
	v8 =	vld [tilespmem:$0x1FCC0]  }
0x208: {  	v13 =	vor.u32 v55, v0;
	[tilespmem:v11+s17+$0x0] =	vst.idx.msk $0xffff, v2;
	v2 =	vld [tilespmem:$0x1FCD0]  }
0x209: {  	v14 =	vor.u32 v56, v0;
	_ =	sdelay $0x2  }
0x20a: {  	[tilespmem:v12+s17+$0x0] =	vst.idx.msk $0xffff, v6;
	v8 =	vor.u32 v8, v0  }
0x20b: {  	[tilespmem:v13+s17+$0x0] =	vst.idx.msk $0xffff, v7;
	v7 =	vld [tilespmem:$0x1FD00];
	v2 =	vor.u32 v2, v0  }
0x20c: {  	[tilespmem:v14+s17+$0x0] =	vst.idx.msk $0xffff, v5;
	v5 =	vld [tilespmem:$0x1FCF0];
	_ =	sdelay $0x2  }
0x20d: {  	v6 =	vor.u32 v49, v0;
	[tilespmem:v8+s17+$0x0] =	vst.idx.msk $0xffff, v9  }
0x20e: {  	v7 =	vor.u32 v7, v1;
	[tilespmem:v2+s17+$0x0] =	vst.idx.msk $0xffff, v3;
	v2 =	vld [tilespmem:$0x1FD10]  }
0x20f: {  	v5 =	vor.u32 v5, v1  }
0x210: {  	v8 =	vor.u32 v31, v1  }
0x211: {  	v11 =	vld [tilespmem:$0x1FE30];
	v9 =	vor.u32 v59, v1  }
0x212: {  	v3 =	vor.u32 v58, v1;
	v58 =	vld [tilespmem:$0x1FFE0];
	[tilespmem:v6+s17+$0x0] =	vst.idx.msk $0xffff, v4  }
0x213: {  	v4 =	vld.idx.msk [tilespmem:v7+s16+$0x0], $0xffff;
	v2 =	vor.u32 v2, v1  }
0x214: {  	v6 =	vor.u32 v57, v1;
	v5 =	vld.idx.msk [tilespmem:v5+s16+$0x0], $0xffff  }
0x215: {  	v10 =	vor.u32 v18, v0;
	v7 =	vor.u32 v33, v1;
	v8 =	vld.idx.msk [tilespmem:v8+s16+$0x0], $0xffff  }
0x216: {  	v11 =	vor.u32 v11, v0;
	v9 =	vld.idx.msk [tilespmem:v9+s16+$0x0], $0xffff  }
0x217: {  	v3 =	vld.idx.msk [tilespmem:v3+s16+$0x0], $0xffff;
	v12 =	vor.u32 v58, v0  }
0x218: {  	v59 =	vor.u32 v21, v0;
	v2 =	vld.idx.msk [tilespmem:v2+s16+$0x0], $0xffff  }
0x219: {  	v60 =	vor.u32 v36, v0;
	v6 =	vld.idx.msk [tilespmem:v6+s16+$0x0], $0xffff  }
0x21a: {  	v7 =	vld.idx.msk [tilespmem:v7+s16+$0x0], $0xffff;
	[tilespmem:v10+s17+$0x0] =	vst.idx.msk $0xffff, v8;
	v8 =	vor.u32 v39, v0  }
0x21b: {  	[tilespmem:v11+s17+$0x0] =	vst.idx.msk $0xffff, v5;
	v5 =	vor.u32 v44, v0  }
0x21c: {  	[tilespmem:v12+s17+$0x0] =	vst.idx.msk $0xffff, v4;
	v4 =	vor.u32 v61, v0  }
0x21d: {  	[tilespmem:v59+s17+$0x0] =	vst.idx.msk $0xffff, v2;
	v2 =	vor.u32 v38, v1  }
0x21e: {  	[tilespmem:v60+s17+$0x0] =	vst.idx.msk $0xffff, v3;
	v3 =	vor.u32 v35, v1  }
0x21f: {  	[tilespmem:v8+s17+$0x0] =	vst.idx.msk $0xffff, v6;
	v6 =	vor.u32 v45, v1  }
0x220: {  	[tilespmem:v5+s17+$0x0] =	vst.idx.msk $0xffff, v7;
	v5 =	vor.u32 v42, v1  }
0x221: {  	[tilespmem:v4+s17+$0x0] =	vst.idx.msk $0xffff, v9;
	v4 =	vor.u32 v22, v1  }
0x222: {  	v7 =	vld.idx.msk [tilespmem:v2+s16+$0x0], $0xffff;
	v2 =	vor.u32 v26, v1  }
0x223: {  	v8 =	vld.idx.msk [tilespmem:v3+s16+$0x0], $0xffff;
	v3 =	vor.u32 v43, v1  }
0x224: {  	v9 =	vor.u32 v37, v1;
	v6 =	vld.idx.msk [tilespmem:v6+s16+$0x0], $0xffff  }
0x225: {  	v10 =	vor.u32 v15, v0;
	v5 =	vld.idx.msk [tilespmem:v5+s16+$0x0], $0xffff  }
0x226: {  	[tilespmem:$0x1FB20] =	vst v50;
	v11 =	vor.u32 v51, v0;
	v4 =	vld.idx.msk [tilespmem:v4+s16+$0x0], $0xffff  }
0x227: {  	[tilespmem:$0x1FB30] =	vst v62;
	v62 =	vor.u32 v40, v0;
	v12 =	vld.idx.msk [tilespmem:v2+s16+$0x0], $0xffff  }
0x228: {  	[tilespmem:$0x1FB40] =	vst v29;
	v63 =	vor.u32 v41, v0;
	v2 =	vld.idx.msk [tilespmem:v3+s16+$0x0], $0xffff  }
0x229: {  	[tilespmem:$0x1FB50] =	vst v27;
	v3 =	vld.idx.msk [tilespmem:v9+s16+$0x0], $0xffff;
	v9 =	vor.u32 v16, v0  }
0x22a: {  	[tilespmem:v10+s17+$0x0] =	vst.idx.msk $0xffff, v6  }
0x22b: {  	[tilespmem:v11+s17+$0x0] =	vst.idx.msk $0xffff, v8  }
0x22c: {  	[tilespmem:v62+s17+$0x0] =	vst.idx.msk $0xffff, v7  }
0x22d: {  	[tilespmem:v63+s17+$0x0] =	vst.idx.msk $0xffff, v5  }
0x22e: {  	[tilespmem:v9+s17+$0x0] =	vst.idx.msk $0xffff, v4;
	v4 =	vld [tilespmem:$0x1FED0]  }
0x22f: {  	[tilespmem:$0x1FB60] =	vst v61  }
0x230: {  	[tilespmem:$0x1FB70] =	vst v15  }
0x231: {  	[tilespmem:$0x1FB80] =	vst v51  }
0x232: {  	[tilespmem:$0x1FB90] =	vst v40;
	v8 =	vld [tilespmem:$0x1FEC0]  }
0x233: {  	[tilespmem:$0x1FBA0] =	vst v41;
	v10 =	vor.u32 v20, v0;
	v5 =	vor.u32 v4, v1;
	v4 =	vld [tilespmem:$0x1FEB0]  }
0x234: {  	[tilespmem:$0x1FBB0] =	vst v16  }
0x235: {  	[tilespmem:$0x1FBC0] =	vst v20  }
0x236: {  	[tilespmem:$0x1FBD0] =	vst v46;
	v6 =	vor.u32 v46, v0  }
0x237: {  	[tilespmem:$0x1FBE0] =	vst v32;
	v7 =	vor.u32 v32, v0  }
0x238: {  	s23 =	simm.s32 $0x20;
	[tilespmem:v10+s17+$0x0] =	vst.idx.msk $0xffff, v12;
	v8 =	vor.u32 v8, v1;
	v4 =	vor.u32 v4, v1  }
.LBB2_6:
0x239: {  	_ =	sdelay $0x1  }
0x23a: {  	[tilespmem:v6+s17+$0x0] =	vst.idx.msk $0xffff, v2;
	v2 =	vld [tilespmem:$0x1FEE0]  }
0x23b: {  	v41 =	vld [tilespmem:$0x1FEF0]  }
0x23c: {  	v6 =	vld [tilespmem:$0x1FF10]  }
0x23d: {  	v43 =	vld [tilespmem:$0x1FF20]  }
0x23e: {  	v47 =	vld [tilespmem:$0x1FF90]  }
0x23f: {  	v34 =	vld [tilespmem:$0x1FAE0]  }
0x240: {  	v36 =	vld [tilespmem:$0x1FAF0]  }
0x241: {  	v32 =	vld [tilespmem:$0x1FB00]  }
0x242: {  	v53 =	vld [tilespmem:$0x1FB10]  }
0x243: {  	v51 =	vld [tilespmem:$0x1FB20]  }
0x244: {  	v42 =	vld [tilespmem:$0x1FB30]  }
0x245: {  	v63 =	vld [tilespmem:$0x1FB40]  }
0x246: {  	v52 =	vld [tilespmem:$0x1FC00]  }
0x247: {  	v56 =	vld [tilespmem:$0x1FC70]  }
0x248: {  	v30 =	vld [tilespmem:$0x1FC80]  }
0x249: {  	v27 =	vld [tilespmem:$0x1FC90]  }
0x24a: {  	v31 =	vld [tilespmem:$0x1FCA0]  }
0x24b: {  	v28 =	vld [tilespmem:$0x1FCB0]  }
0x24c: {  	v33 =	vld [tilespmem:$0x1FCC0]  }
0x24d: {  	v58 =	vld [tilespmem:$0x1FCD0]  }
0x24e: {  	v44 =	vld [tilespmem:$0x1FF60]  }
0x24f: {  	v38 =	vld [tilespmem:$0x1FD00]  }
0x250: {  	v29 =	vld [tilespmem:$0x1FCF0]  }
0x251: {  	v49 =	vld [tilespmem:$0x1FD10]  }
0x252: {  	v37 =	vld [tilespmem:$0x1FCE0]  }
0x253: {  	v57 =	vld [tilespmem:$0x1FD20]  }
0x254: {  	v23 =	vld [tilespmem:$0x1FD30]  }
0x255: {  	v62 =	vld [tilespmem:$0x1FFE0];
	[tilespmem:v7+s17+$0x0] =	vst.idx.msk $0xffff, v3;
	v2 =	vor.u32 v2, v1;
	v3 =	vor.u32 v41, v1  }
0x256: {  	v7 =	vld.idx.msk [tilespmem:v8+s16+$0x0], $0xffff;
	v6 =	vor.u32 v6, v1;
	v8 =	vor.u32 v43, v1;
	v1 =	vor.u32 v47, v1  }
0x257: {  	v54 =	vld [tilespmem:$0x1FF80]  }
0x258: {  	v55 =	vld [tilespmem:$0x1FFF0]  }
0x259: {  	v15 =	vld [tilespmem:$0x1FFC0]  }
0x25a: {  	v48 =	vld [tilespmem:$0x1FD40]  }
0x25b: {  	v17 =	vld.idx.msk [tilespmem:v1+s16+$0x0], $0xffff  }
0x25c: {  	v1 =	vld [tilespmem:$0x1FB50]  }
0x25d: {  	v4 =	vld.idx.msk [tilespmem:v4+s16+$0x0], $0xffff;
	v9 =	vor.u32 v34, v0  }
0x25e: {  	v5 =	vld.idx.msk [tilespmem:v5+s16+$0x0], $0xffff;
	v10 =	vor.u32 v36, v0  }
0x25f: {  	s24 =	smov.u32 s23;
	v11 =	vor.u32 v32, v0;
	v2 =	vld.idx.msk [tilespmem:v2+s16+$0x0], $0xffff  }
0x260: {  	v14 =	vmov s24;
	v12 =	vor.u32 v53, v0;
	v3 =	vld.idx.msk [tilespmem:v3+s16+$0x0], $0xffff  }
0x261: {  	v13 =	vor.u32 v51, v0;
	v6 =	vld.idx.msk [tilespmem:v6+s16+$0x0], $0xffff;
	v19 =	vor.u32 v1, v0;
	v1 =	vlaneseq.u32  }
0x262: {  	v14 =	vshll.u32 v14, $0x3;
	v18 =	vor.u32 v42, v0;
	v8 =	vld.idx.msk [tilespmem:v8+s16+$0x0], $0xffff;
	[tilespmem:v9+s17+$0x0] =	vst.idx.msk $0xffff, v4;
	v1 =	vor.u32 s24, v1  }
0x263: {  	v26 =	vld [tilespmem:$0x1FB60];
	v4 =	vor.u32 v63, v0;
	v9 =	vand.u32 $0xC00, v14;
	[tilespmem:v10+s17+$0x0] =	vst.idx.msk $0xffff, v7;
	v0 =	vand.u32 $0x6F, v1  }
0x264: {  	v10 =	vld [tilespmem:$0x1FC60];
	[tilespmem:v11+s17+$0x0] =	vst.idx.msk $0xffff, v5;
	v59 =	vshll.u32 v1, $0x5;
	v1 =	vor.u32 v9, v0  }
0x265: {  	v5 =	vld [tilespmem:$0x1FBF0];
	[tilespmem:v12+s17+$0x0] =	vst.idx.msk $0xffff, v2;
	v7 =	vor.u32 v52, v1  }
0x266: {  	v2 =	vld [tilespmem:$0x1FC20];
	[tilespmem:v13+s17+$0x0] =	vst.idx.msk $0xffff, v3  }
0x267: {  	v3 =	vld [tilespmem:$0x1FC50];
	[tilespmem:v18+s17+$0x0] =	vst.idx.msk $0xffff, v6  }
0x268: {  	v18 =	vld [tilespmem:$0x1FC10];
	[tilespmem:v4+s17+$0x0] =	vst.idx.msk $0xffff, v8  }
0x269: {  	v9 =	vld [tilespmem:$0x1FC30];
	[tilespmem:v19+s17+$0x0] =	vst.idx.msk $0xffff, v17  }
0x26a: {  	v5 =	vor.u32 v5, v1;
	v4 =	vld.idx.msk [tilespmem:v7+s16+$0x0], $0xffff  }
0x26b: {  	v10 =	vor.u32 v10, v1;
	v7 =	vld [tilespmem:$0x1FC40]  }
0x26c: {  	v45 =	vld [tilespmem:$0x1FFB0];
	v2 =	vor.u32 v2, v1  }
0x26d: {  	v46 =	vld [tilespmem:$0x1FFD0];
	v6 =	vor.u32 v18, v1  }
0x26e: {  	v35 =	vld [tilespmem:$0x1FFA0];
	v3 =	vor.u32 v3, v1  }
0x26f: {  	v0 =	vand.u32 $0x3D80, v59;
	v9 =	vor.u32 v9, v1;
	v5 =	vld.idx.msk [tilespmem:v5+s16+$0x0], $0xffff  }
0x270: {  	v8 =	vor.u32 v56, v0;
	v10 =	vld.idx.msk [tilespmem:v10+s16+$0x0], $0xffff;
	v7 =	vor.u32 v7, v1  }
0x271: {  	v11 =	vor.u32 v30, v0;
	v2 =	vld.idx.msk [tilespmem:v2+s16+$0x0], $0xffff  }
0x272: {  	v60 =	vor.u32 v27, v0;
	v6 =	vld.idx.msk [tilespmem:v6+s16+$0x0], $0xffff  }
0x273: {  	v61 =	vor.u32 v31, v0;
	v3 =	vld.idx.msk [tilespmem:v3+s16+$0x0], $0xffff  }
0x274: {  	v14 =	vor.u32 v28, v0;
	v9 =	vld.idx.msk [tilespmem:v9+s16+$0x0], $0xffff  }
0x275: {  	v7 =	vld.idx.msk [tilespmem:v7+s16+$0x0], $0xffff;
	[tilespmem:v8+s17+$0x0] =	vst.idx.msk $0xffff, v5;
	v5 =	vor.u32 v33, v0  }
0x276: {  	v50 =	vld [tilespmem:$0x1FF70];
	[tilespmem:v11+s17+$0x0] =	vst.idx.msk $0xffff, v4;
	v4 =	vor.u32 v58, v0  }
0x277: {  	v24 =	vld [tilespmem:$0x1FB70];
	[tilespmem:v60+s17+$0x0] =	vst.idx.msk $0xffff, v6;
	v6 =	vor.u32 v44, v0  }
0x278: {  	v25 =	vld [tilespmem:$0x1FB80];
	[tilespmem:v61+s17+$0x0] =	vst.idx.msk $0xffff, v2  }
0x279: {  	v16 =	vld [tilespmem:$0x1FBB0];
	[tilespmem:v14+s17+$0x0] =	vst.idx.msk $0xffff, v9  }
0x27a: {  	v20 =	vld [tilespmem:$0x1FBC0];
	[tilespmem:v5+s17+$0x0] =	vst.idx.msk $0xffff, v7  }
0x27b: {  	v19 =	vld [tilespmem:$0x1FE10];
	v2 =	vor.u32 v38, v1;
	[tilespmem:v4+s17+$0x0] =	vst.idx.msk $0xffff, v3  }
0x27c: {  	v8 =	vor.u32 v29, v1;
	[tilespmem:v6+s17+$0x0] =	vst.idx.msk $0xffff, v10;
	v6 =	vld [tilespmem:$0x1FE20]  }
0x27d: {  	v3 =	vor.u32 v37, v1;
	v10 =	vld [tilespmem:$0x1FE40]  }
0x27e: {  	v11 =	vld [tilespmem:$0x1FE30];
	v9 =	vor.u32 v23, v1  }
0x27f: {  	v59 =	vld [tilespmem:$0x1FF00];
	v5 =	vor.u32 v49, v1  }
0x280: {  	v4 =	vor.u32 v19, v1;
	v2 =	vld.idx.msk [tilespmem:v2+s16+$0x0], $0xffff  }
0x281: {  	v7 =	vld.idx.msk [tilespmem:v8+s16+$0x0], $0xffff;
	v8 =	vor.u32 v57, v1  }
0x282: {  	v3 =	vld.idx.msk [tilespmem:v3+s16+$0x0], $0xffff;
	v6 =	vor.u32 v6, v1;
	v10 =	vor.u32 v10, v0  }
0x283: {  	v11 =	vor.u32 v11, v0;
	v9 =	vld.idx.msk [tilespmem:v9+s16+$0x0], $0xffff  }
0x284: {  	v12 =	vor.u32 v62, v0;
	v5 =	vld.idx.msk [tilespmem:v5+s16+$0x0], $0xffff  }
0x285: {  	v21 =	vor.u32 v54, v0;
	v4 =	vld.idx.msk [tilespmem:v4+s16+$0x0], $0xffff  }
0x286: {  	v22 =	vor.u32 v55, v0;
	v8 =	vld.idx.msk [tilespmem:v8+s16+$0x0], $0xffff  }
0x287: {  	v6 =	vld.idx.msk [tilespmem:v6+s16+$0x0], $0xffff;
	[tilespmem:v10+s17+$0x0] =	vst.idx.msk $0xffff, v3;
	v3 =	vor.u32 v15, v0  }
0x288: {  	v40 =	vld [tilespmem:$0x1FBD0];
	[tilespmem:v11+s17+$0x0] =	vst.idx.msk $0xffff, v7;
	v7 =	vor.u32 v48, v0  }
0x289: {  	v39 =	vld [tilespmem:$0x1FBE0];
	[tilespmem:v12+s17+$0x0] =	vst.idx.msk $0xffff, v2;
	v2 =	vor.u32 v26, v0  }
0x28a: {  	v62 =	vld [tilespmem:$0x1FF40];
	[tilespmem:v21+s17+$0x0] =	vst.idx.msk $0xffff, v5;
	v5 =	vor.u32 v45, v1  }
0x28b: {  	v61 =	vld [tilespmem:$0x1FF30];
	[tilespmem:v22+s17+$0x0] =	vst.idx.msk $0xffff, v8;
	v8 =	vor.u32 v46, v1  }
0x28c: {  	v60 =	vld [tilespmem:$0x1FF50];
	[tilespmem:v3+s17+$0x0] =	vst.idx.msk $0xffff, v9;
	v3 =	vor.u32 v59, v1  }
0x28d: {  	v21 =	vld [tilespmem:$0x1FBA0];
	v9 =	vor.u32 v50, v1;
	[tilespmem:v7+s17+$0x0] =	vst.idx.msk $0xffff, v4  }
0x28e: {  	v22 =	vld [tilespmem:$0x1FB90];
	v4 =	vor.u32 v35, v1;
	[tilespmem:v2+s17+$0x0] =	vst.idx.msk $0xffff, v6  }
0x28f: {  	v2 =	vor.u32 v62, v1;
	v5 =	vld.idx.msk [tilespmem:v5+s16+$0x0], $0xffff  }
0x290: {  	v6 =	vor.u32 v61, v1;
	v7 =	vld.idx.msk [tilespmem:v8+s16+$0x0], $0xffff  }
0x291: {  	v10 =	vor.u32 v24, v0;
	v8 =	vor.u32 v60, v1;
	v3 =	vld.idx.msk [tilespmem:v3+s16+$0x0], $0xffff  }
0x292: {  	v11 =	vor.u32 v25, v0;
	v9 =	vld.idx.msk [tilespmem:v9+s16+$0x0], $0xffff  }
0x293: {  	v12 =	vor.u32 v22, v0;
	v4 =	vld.idx.msk [tilespmem:v4+s16+$0x0], $0xffff  }
0x294: {  	v13 =	vor.u32 v21, v0;
	v2 =	vld.idx.msk [tilespmem:v2+s16+$0x0], $0xffff  }
0x295: {  	v14 =	vor.u32 v16, v0;
	v6 =	vld.idx.msk [tilespmem:v6+s16+$0x0], $0xffff  }
0x296: {  	v8 =	vld.idx.msk [tilespmem:v8+s16+$0x0], $0xffff;
	[tilespmem:v10+s17+$0x0] =	vst.idx.msk $0xffff, v3;
	v3 =	vor.u32 v20, v0  }
0x297: {  	[tilespmem:v11+s17+$0x0] =	vst.idx.msk $0xffff, v7;
	v7 =	vor.u32 v40, v0  }
0x298: {  	[tilespmem:v12+s17+$0x0] =	vst.idx.msk $0xffff, v5;
	v5 =	vor.u32 v39, v0  }
0x299: {  	[tilespmem:v13+s17+$0x0] =	vst.idx.msk $0xffff, v4  }
0x29a: {  	[tilespmem:v14+s17+$0x0] =	vst.idx.msk $0xffff, v2  }
0x29b: {  	[tilespmem:v3+s17+$0x0] =	vst.idx.msk $0xffff, v6;
	v3 =	vld [tilespmem:$0x1FEB0]  }
0x29c: {  	v4 =	vld [tilespmem:$0x1FEC0];
	[tilespmem:v7+s17+$0x0] =	vst.idx.msk $0xffff, v9  }
0x29d: {  	[tilespmem:v5+s17+$0x0] =	vst.idx.msk $0xffff, v8;
	v5 =	vld [tilespmem:$0x1FED0]  }
0x29e: {  	v2 =	vor.u32 v41, v1  }
0x29f: {  	v6 =	vor.u32 v43, v1;
	v7 =	vld [tilespmem:$0x1FEE0]  }
0x2a0: {  	v9 =	vld [tilespmem:$0x1FF10];
	v3 =	vor.u32 v3, v1  }
0x2a1: {  	v4 =	vor.u32 v4, v1  }
0x2a2: {  	v5 =	vor.u32 v5, v1  }
0x2a3: {  	v8 =	vor.u32 v47, v1;
	v2 =	vld.idx.msk [tilespmem:v2+s16+$0x0], $0xffff  }
0x2a4: {  	v6 =	vld.idx.msk [tilespmem:v6+s16+$0x0], $0xffff;
	v7 =	vor.u32 v7, v1  }
0x2a5: {  	v1 =	vor.u32 v9, v1;
	v9 =	vor.u32 v34, v0;
	v3 =	vld.idx.msk [tilespmem:v3+s16+$0x0], $0xffff  }
0x2a6: {  	v10 =	vor.u32 v36, v0;
	v4 =	vld.idx.msk [tilespmem:v4+s16+$0x0], $0xffff  }
0x2a7: {  	v11 =	vor.u32 v32, v0;
	v5 =	vld.idx.msk [tilespmem:v5+s16+$0x0], $0xffff  }
0x2a8: {  	v8 =	vld.idx.msk [tilespmem:v8+s16+$0x0], $0xffff  }
0x2a9: {  	v7 =	vld.idx.msk [tilespmem:v7+s16+$0x0], $0xffff  }
0x2aa: {  	v13 =	vld.idx.msk [tilespmem:v1+s16+$0x0], $0xffff;
	[tilespmem:v9+s17+$0x0] =	vst.idx.msk $0xffff, v3  }
0x2ab: {  	[tilespmem:v10+s17+$0x0] =	vst.idx.msk $0xffff, v4  }
0x2ac: {  	[tilespmem:v11+s17+$0x0] =	vst.idx.msk $0xffff, v5;
	v5 =	vld [tilespmem:$0x1FB50]  }
0x2ad: {  	s24 =	sadd.s32 $0x10, s24;
	v32 =	vor.u32 v53, v0  }
0x2ae: {  	v17 =	vlaneseq.u32;
	v34 =	vor.u32 v51, v0;
	v1 =	vmov s24  }
0x2af: {  	v17 =	vor.u32 s24, v17;
	v1 =	vshll.u32 v1, $0x3;
	v3 =	vor.u32 v42, v0  }
0x2b0: {  	v1 =	vand.u32 $0xC00, v1;
	v4 =	vor.u32 v63, v0;
	v10 =	vand.u32 $0x7F, v17  }
0x2b1: {  	v1 =	vor.u32 v1, v10;
	v5 =	vor.u32 v5, v0  }
0x2b2: {  	[tilespmem:v32+s17+$0x0] =	vst.idx.msk $0xffff, v7;
	v7 =	vor.u32 v18, v1  }
0x2b3: {  	[tilespmem:v34+s17+$0x0] =	vst.idx.msk $0xffff, v2  }
0x2b4: {  	[tilespmem:v3+s17+$0x0] =	vst.idx.msk $0xffff, v13;
	v3 =	vld [tilespmem:$0x1FBF0]  }
0x2b5: {  	v9 =	vshll.u32 v17, $0x5;
	[tilespmem:v4+s17+$0x0] =	vst.idx.msk $0xffff, v6;
	v4 =	vld [tilespmem:$0x1FC30]  }
0x2b6: {  	v0 =	vand.u32 $0x7FFFFF80, v9;
	v9 =	vld [tilespmem:$0x1FC40];
	[tilespmem:v5+s17+$0x0] =	vst.idx.msk $0xffff, v8  }
0x2b7: {  	v6 =	vld.idx.msk [tilespmem:v7+s16+$0x0], $0xffff  }
0x2b8: {  	v7 =	vld [tilespmem:$0x1FC20]  }
0x2b9: {  	v2 =	vor.u32 v52, v1;
	v5 =	vld [tilespmem:$0x1FC60]  }
0x2ba: {  	v3 =	vor.u32 v3, v1;
	v8 =	vld [tilespmem:$0x1FC50]  }
0x2bb: {  	v4 =	vor.u32 v4, v1  }
0x2bc: {  	v9 =	vor.u32 v9, v1  }
0x2bd: {  	v7 =	vor.u32 v7, v1  }
0x2be: {  	v2 =	vld.idx.msk [tilespmem:v2+s16+$0x0], $0xffff;
	v5 =	vor.u32 v5, v1  }
0x2bf: {  	v10 =	vor.u32 v56, v0;
	v3 =	vld.idx.msk [tilespmem:v3+s16+$0x0], $0xffff;
	v8 =	vor.u32 v8, v1  }
0x2c0: {  	v11 =	vor.u32 v30, v0;
	v4 =	vld.idx.msk [tilespmem:v4+s16+$0x0], $0xffff  }
0x2c1: {  	v41 =	vor.u32 v27, v0;
	v9 =	vld.idx.msk [tilespmem:v9+s16+$0x0], $0xffff  }
0x2c2: {  	v43 =	vor.u32 v31, v0;
	v7 =	vld.idx.msk [tilespmem:v7+s16+$0x0], $0xffff  }
0x2c3: {  	v51 =	vor.u32 v28, v0;
	v5 =	vld.idx.msk [tilespmem:v5+s16+$0x0], $0xffff  }
0x2c4: {  	v8 =	vld.idx.msk [tilespmem:v8+s16+$0x0], $0xffff;
	[tilespmem:v10+s17+$0x0] =	vst.idx.msk $0xffff, v3;
	v3 =	vor.u32 v33, v0  }
0x2c5: {  	[tilespmem:v11+s17+$0x0] =	vst.idx.msk $0xffff, v2;
	v2 =	vor.u32 v58, v0  }
0x2c6: {  	[tilespmem:v41+s17+$0x0] =	vst.idx.msk $0xffff, v6;
	v6 =	vor.u32 v44, v0  }
0x2c7: {  	[tilespmem:v43+s17+$0x0] =	vst.idx.msk $0xffff, v7;
	v7 =	vor.u32 v38, v1  }
0x2c8: {  	v18 =	vld [tilespmem:$0x1FE40];
	[tilespmem:v51+s17+$0x0] =	vst.idx.msk $0xffff, v4;
	v4 =	vor.u32 v29, v1  }
0x2c9: {  	[tilespmem:v3+s17+$0x0] =	vst.idx.msk $0xffff, v9;
	v3 =	vor.u32 v37, v1;
	v9 =	vld [tilespmem:$0x1FE20]  }
0x2ca: {  	v17 =	vld [tilespmem:$0x1FE30];
	[tilespmem:v2+s17+$0x0] =	vst.idx.msk $0xffff, v8;
	v2 =	vor.u32 v49, v1  }
0x2cb: {  	v58 =	vld [tilespmem:$0x1FFE0];
	v8 =	vor.u32 v19, v1;
	[tilespmem:v6+s17+$0x0] =	vst.idx.msk $0xffff, v5  }
0x2cc: {  	v5 =	vor.u32 v57, v1;
	v6 =	vld.idx.msk [tilespmem:v7+s16+$0x0], $0xffff  }
0x2cd: {  	v7 =	vor.u32 v23, v1;
	v4 =	vld.idx.msk [tilespmem:v4+s16+$0x0], $0xffff  }
0x2ce: {  	v10 =	vor.u32 v18, v0;
	v3 =	vld.idx.msk [tilespmem:v3+s16+$0x0], $0xffff;
	v9 =	vor.u32 v9, v1  }
0x2cf: {  	v11 =	vor.u32 v17, v0;
	v2 =	vld.idx.msk [tilespmem:v2+s16+$0x0], $0xffff  }
0x2d0: {  	v53 =	vor.u32 v58, v0;
	v8 =	vld.idx.msk [tilespmem:v8+s16+$0x0], $0xffff  }
0x2d1: {  	v56 =	vor.u32 v54, v0;
	v5 =	vld.idx.msk [tilespmem:v5+s16+$0x0], $0xffff  }
0x2d2: {  	v57 =	vor.u32 v55, v0;
	v7 =	vld.idx.msk [tilespmem:v7+s16+$0x0], $0xffff  }
0x2d3: {  	v9 =	vld.idx.msk [tilespmem:v9+s16+$0x0], $0xffff;
	[tilespmem:v10+s17+$0x0] =	vst.idx.msk $0xffff, v3;
	v3 =	vor.u32 v15, v0  }
0x2d4: {  	[tilespmem:v11+s17+$0x0] =	vst.idx.msk $0xffff, v4;
	v4 =	vor.u32 v48, v0  }
0x2d5: {  	[tilespmem:v53+s17+$0x0] =	vst.idx.msk $0xffff, v6;
	v6 =	vor.u32 v26, v0  }
0x2d6: {  	[tilespmem:v56+s17+$0x0] =	vst.idx.msk $0xffff, v2;
	v2 =	vor.u32 v45, v1  }
0x2d7: {  	[tilespmem:v57+s17+$0x0] =	vst.idx.msk $0xffff, v5;
	v5 =	vor.u32 v46, v1  }
0x2d8: {  	[tilespmem:v3+s17+$0x0] =	vst.idx.msk $0xffff, v7;
	v3 =	vor.u32 v59, v1  }
0x2d9: {  	v36 =	vld [tilespmem:$0x1FEC0];
	[tilespmem:v4+s17+$0x0] =	vst.idx.msk $0xffff, v8;
	v4 =	vor.u32 v35, v1  }
0x2da: {  	v42 =	vld [tilespmem:$0x1FEB0];
	[tilespmem:v6+s17+$0x0] =	vst.idx.msk $0xffff, v9;
	v6 =	vor.u32 v62, v1  }
0x2db: {  	v7 =	vld.idx.msk [tilespmem:v2+s16+$0x0], $0xffff;
	v2 =	vor.u32 v61, v1  }
0x2dc: {  	v8 =	vor.u32 v50, v1;
	v5 =	vld.idx.msk [tilespmem:v5+s16+$0x0], $0xffff  }
0x2dd: {  	v9 =	vld.idx.msk [tilespmem:v3+s16+$0x0], $0xffff  }
0x2de: {  	v10 =	vor.u32 v24, v0;
	v3 =	vor.u32 v60, v1;
	v4 =	vld.idx.msk [tilespmem:v4+s16+$0x0], $0xffff  }
0x2df: {  	v11 =	vld.idx.msk [tilespmem:v6+s16+$0x0], $0xffff;
	v6 =	vor.u32 v25, v0  }
0x2e0: {  	v62 =	vor.u32 v22, v0;
	v12 =	vld.idx.msk [tilespmem:v2+s16+$0x0], $0xffff  }
0x2e1: {  	v2 =	vld.idx.msk [tilespmem:v8+s16+$0x0], $0xffff;
	v8 =	vor.u32 v21, v0  }
0x2e2: {  	v52 =	vld [tilespmem:$0x1FED0];
	v63 =	vor.u32 v16, v0  }
0x2e3: {  	p2 =	sne.s32 s23, $0x1E0;
	v3 =	vld.idx.msk [tilespmem:v3+s16+$0x0], $0xffff;
	[tilespmem:v10+s17+$0x0] =	vst.idx.msk $0xffff, v9;
	v9 =	vor.u32 v20, v0  }
.Ltmp6:
0x2e4: {  	[tilespmem:v6+s17+$0x0] =	vst.idx.msk $0xffff, v5;
	(pc) =	sbr.rel @p2 .LBB2_6-.Ltmp6, $4  }
0x2e5: {  	[tilespmem:v62+s17+$0x0] =	vst.idx.msk $0xffff, v7  }
0x2e6: {  	v6 =	vor.u32 v40, v0;
	[tilespmem:v8+s17+$0x0] =	vst.idx.msk $0xffff, v4  }
0x2e7: {  	v5 =	vor.u32 v52, v1;
	v7 =	vor.u32 v39, v0;
	[tilespmem:v63+s17+$0x0] =	vst.idx.msk $0xffff, v11  }
0x2e8: {  	s23 =	sadd.s32 $0x20, s23;
	v4 =	vor.u32 v42, v1;
	v8 =	vor.u32 v36, v1;
	[tilespmem:v9+s17+$0x0] =	vst.idx.msk $0xffff, v12  }
0x2e9: {  	v60 =	vld [tilespmem:$0x1FEE0]  }
0x2ea: {  	v24 =	vld [tilespmem:$0x1FEF0]  }
0x2eb: {  	v56 =	vld [tilespmem:$0x1FF10]  }
0x2ec: {  	v63 =	vld [tilespmem:$0x1FF20]  }
0x2ed: {  	v33 =	vmov v19;
	v19 =	vld [tilespmem:$0x1FF90]  }
0x2ee: {  	v9 =	vld [tilespmem:$0x1FAE0]  }
0x2ef: {  	v10 =	vld [tilespmem:$0x1FAF0]  }
0x2f0: {  	v11 =	vld [tilespmem:$0x1FB00]  }
0x2f1: {  	v12 =	vld [tilespmem:$0x1FB10]  }
0x2f2: {  	[tilespmem:v6+s17+$0x0] =	vst.idx.msk $0xffff, v2;
	v13 =	vld [tilespmem:$0x1FB20];
	v2 =	vor.u32 v60, v1  }
0x2f3: {  	v14 =	vld [tilespmem:$0x1FB30];
	[tilespmem:v7+s17+$0x0] =	vst.idx.msk $0xffff, v3;
	v3 =	vor.u32 v24, v1  }
0x2f4: {  	v5 =	vld.idx.msk [tilespmem:v5+s16+$0x0], $0xffff;
	v6 =	vor.u32 v56, v1  }
0x2f5: {  	v7 =	vld.idx.msk [tilespmem:v8+s16+$0x0], $0xffff;
	v62 =	vor.u32 v63, v1  }
0x2f6: {  	v4 =	vld.idx.msk [tilespmem:v4+s16+$0x0], $0xffff;
	v1 =	vor.u32 v19, v1  }
0x2f7: {  	v9 =	vor.u32 v9, v0;
	v2 =	vld.idx.msk [tilespmem:v2+s16+$0x0], $0xffff  }
0x2f8: {  	v10 =	vor.u32 v10, v0;
	v3 =	vld.idx.msk [tilespmem:v3+s16+$0x0], $0xffff  }
0x2f9: {  	v6 =	vld.idx.msk [tilespmem:v6+s16+$0x0], $0xffff  }
0x2fa: {  	v8 =	vld.idx.msk [tilespmem:v62+s16+$0x0], $0xffff  }
0x2fb: {  	v1 =	vld.idx.msk [tilespmem:v1+s16+$0x0], $0xffff  }
0x2fc: {  	[tilespmem:v9+s17+$0x0] =	vst.idx.msk $0xffff, v4;
	v4 =	vld [tilespmem:$0x1FB40]  }
0x2fd: {  	v11 =	vor.u32 v11, v0;
	[tilespmem:v10+s17+$0x0] =	vst.idx.msk $0xffff, v7;
	v7 =	vld [tilespmem:$0x1FB50]  }
0x2fe: {  	v12 =	vor.u32 v12, v0  }
0x2ff: {  	v13 =	vor.u32 v13, v0  }
0x300: {  	v14 =	vor.u32 v14, v0  }
0x301: {  	v4 =	vor.u32 v4, v0  }
0x302: {  	[tilespmem:v11+s17+$0x0] =	vst.idx.msk $0xffff, v5;
	v0 =	vor.u32 v7, v0  }
0x303: {  	[tilespmem:v12+s17+$0x0] =	vst.idx.msk $0xffff, v2  }
0x304: {  	[tilespmem:v13+s17+$0x0] =	vst.idx.msk $0xffff, v3  }
0x305: {  	[tilespmem:v14+s17+$0x0] =	vst.idx.msk $0xffff, v6  }
0x306: {  	[tilespmem:v4+s17+$0x0] =	vst.idx.msk $0xffff, v8  }
0x307: {  	s23 =	simm.s32 @!p1 $0x4;
	[tilespmem:v0+s17+$0x0] =	vst.idx.msk $0xffff, v1  }
0x308: {  	_ =	swait.ge @!p1 [sflag:s23], $0x4000  }
0x309: {  	v59 =	vld [tilespmem:$0x1FE20]  }
0x30a: {  	v36 =	vld [tilespmem:$0x1FFF0]  }
0x30b: {  	v38 =	vld [tilespmem:$0x1FFB0]  }
0x30c: {  	v57 =	vld [tilespmem:$0x1FFA0]  }
0x30d: {  	v31 =	vld [tilespmem:$0x1FF40]  }
0x30e: {  	v26 =	vld [tilespmem:$0x1FF30]  }
0x30f: {  	v20 =	vld [tilespmem:$0x1FF70]  }
0x310: {  	v37 =	vld [tilespmem:$0x1FF50]  }
0x311: {  	v22 =	vld [tilespmem:$0x1FE50]  }
.Ltmp7:
0x312: {  	v28 =	vld [tilespmem:$0x1FE60];
	(pc) =	sbr.rel .LBB2_8-.Ltmp7, $4  }
0x313: {  	v29 =	vld [tilespmem:$0x1FE70]  }
0x314: {  	s22 =	sshll.u32 s22, $0xB;
	[sflag:s23] =	ssyncset.done @!p1 $0x0;
	v4 =	vld [tilespmem:$0x1FE80]  }
0x315: {  	s22 =	sadd.s32 s6, s22;
	v34 =	vld [tilespmem:$0x1FE90];
	[sflag:s23] =	ssyncadd.s32 @!p1 $0xFFFFC000  }
0x316: {  	v1 =	vlaneseq.u32;
	v49 =	vld [tilespmem:$0x1FF60];
	[hbm4b:s22+s4] =	stream.linear.scatter [tilespmem:s17], [sflag:$0x4], $0x4000, $0x38  }
.LBB2_10:
0x317: {  	_ =	sfence.sel $0x180000  }
0x318: {  	[bflag:$0x0] =	sbarrier.arrive $0xFFFF  }
0x319: {  	p0 =	sne.s32 s3, $0x0;
	_ =	strace $0x90000047  }
0x31a: {  	s0 =	sadd.s32 @!p0 $0x100000, s2;
	[bflag:$0x2] =	sbarrier.arrive $0xFFFF  }
0x31b: {  	[sflag:s0] =	ssyncadd.tile.s32 @!p0 $0x1;
	_ =	shalt  }
.Lfunc_end2:
_tile_overlayer_lowered:
.L_overlay_start_2:
0x31c: {  	(tag) =	ssettag $0x2  }
0x31d: {  	s0 =	rddreg [dreg:$0x0];
	s2 =	stileid.u32  }
0x31e: {  	s1 =	rddreg [dreg:$0x1];
	p0 =	sne.s32 s2, $0x0  }
0x31f: {  	s3 =	rddreg [dreg:$0x2];
	[bflag:$0x3] =	sbarrier.arrive $0xFFFF;
	s2 =	simm.s32 @!p0 $0x1C05  }
0x320: {  	[timem:s3], [sflag:s2] =	dma.local @!p0 [hbm:s0], s1  }
0x321: {  	s0 =	simm.s32 @!p0 $0x5  }
0x322: {  	_ =	swait.ge @!p0 [sflag:s0], s1  }
0x323: {  	s1 =	ssub.s32 @!p0 $0x0, s1;
	[sflag:s0] =	ssyncset.done @!p0 $0x0  }
0x324: {  	[sflag:s0] =	ssyncadd.s32 @!p0 s1  }
0x325: {  	[bflag:$0x3] =	sbarrier.arrive $0xFFFF  }
0x326: {  	_ =	shalt  }

// kernel: kernel.7.cloned.1.call-start
scs
__scs_entry_jumppad:
0x0: {  	(pc) =	sbr.rel $0x88, $3  }
0x1: {  	(tag) =	ssettag $0x0;
	lr =	simm.s32 $0x1  }
0x2: {  	[smem:$0x3F9F] =	sst lr;
	_ =	strace $0xD0000000  }
0x3: {  	_ = 	snop  }
0x4: {  	_ = 	snop  }
0x5: {  	_ = 	snop  }
0x6: {  	_ = 	snop  }
0x7: {  	_ = 	snop  }
__scs_overlays_trampoline_lowered:
0x8: {  	[smem:$0x3FAE] =	sst s0  }
0x9: {  	[smem:$0x3FAF] =	sst s1  }
0xa: {  	[smem:$0x3FB0] =	sst s2  }
0xb: {  	[smem:$0x3FB1] =	sst s3  }
0xc: {  	[smem:$0x3FB2] =	sst s4  }
0xd: {  	[smem:$0x3FB3] =	sst s5  }
0xe: {  	[smem:$0x3FB4] =	sst s6  }
0xf: {  	[smem:$0x3FB5] =	sst s7  }
0x10: {  	[smem:$0x3FB6] =	sst s8  }
0x11: {  	[smem:$0x3FB7] =	sst s9;
	s0 =	simm.s32 @!p0 $0x0  }
0x12: {  	s1 =	sld [smem:$0x3F9D];
	s0 =	simm.s32 @p0 $0x1  }
0x13: {  	[smem:$0x3FB8] =	sst s0;
	s0 =	simm.s32 @!p1 $0x0  }
0x14: {  	s2 =	sld [smem:$0x3F9C];
	s0 =	simm.s32 @p1 $0x1  }
0x15: {  	[smem:$0x3FB9] =	sst s0;
	s0 =	simm.s32 @!p2 $0x0  }
0x16: {  	s3 =	sld [smem:$0x3FDB];
	s0 =	simm.s32 @p2 $0x1  }
0x17: {  	s4 =	simm.s32 $0x1BF5;
	[smem:$0x3FBB] =	sst s0  }
0x18: {  	s0 =	sld [smem:$0x3F9E];
	_ =	swait.ge [sflag:s4], $0x0  }
0x19: {  	s7 =	sld [smem:$0x3F9F]  }
0x1a: {  	s8 =	sadd.s32 $0xFFFFE003, lr  }
0x1b: {  	s9 =	sadd.s32 $0xFFFFFEF7, lr;
	s5 =	simm.s32 $0xFFFFFFFF;
	p2 =	slt.u32 s8, $0xFFFFF086  }
0x1c: {  	p1 =	slt.u32 s9, $0xF7A;
	s5 =	simm.s32 @!p2 $0x0  }
0x1d: {  	s5 =	simm.s32 @p1 $0x1;
	p0 =	seq.s32 s7, s2  }
0x1e: {  	s7 =	smul.u32 @!p0 $0xF7A, s2;
	p2 =	seq.s32 @!p0 s5, $0x0  }
0x1f: {  	s9 =	smul.u32 $0xF7A, s1;
	s8 =	simm.s32 @!p0 $0x1BF5;
	p2 =	por !p2, p0  }
0x20: {  	[sflag:s8] =	ssyncset.s32 @!p0 $0xFFFFF086;
	s6 =	sadd.s32 @!p0 s3, s7;
	s7 =	simm.s32 @!p0 $0x108  }
0x21: {  	s3 =	sadd.s32 s3, s9;
	s6 =	sadd.s32 @!p0 $0x88, s6;
	s7 =	simm.s32 @p2 $0x1082  }
0x22: {  	[simem:s7], [sflag:s8] =	dma.local @!p0 [hbm:s6], $0xF7A  }
0x23: {  	s9 =	sor.u32 $0xD0000000, s2;
	s6 =	simm.s32 $0x108;
	_ =	swait.ge @!p0 [sflag:s8], $0x0  }
0x24: {  	s3 =	sadd.s32 $0x88, s3;
	s6 =	simm.s32 @!p1 $0x1082;
	[sflag:s4] =	ssyncset.s32 $0xFFFFF086  }
0x25: {  	[simem:s6], [sflag:s4] =	dma.local [hbm:s3], $0xF7A  }
0x26: {  	[smem:$0x3F9F] =	sst s1;
	(tag) =	ssettag s2;
	_ =	strace s9  }
0x27: {  	s1 =	sld [smem:$0x3FAF]  }
0x28: {  	s2 =	sld [smem:$0x3FB0]  }
0x29: {  	s4 =	sld [smem:$0x3FB2]  }
0x2a: {  	p0 =	seq.s32 s5, $0x0;
	s5 =	sld [smem:$0x3FB3]  }
0x2b: {  	s6 =	sld [smem:$0x3FB4]  }
0x2c: {  	s7 =	sld [smem:$0x3FB5]  }
0x2d: {  	s3 =	simm.s32 $0x108;
	s8 =	sld [smem:$0x3FB6]  }
0x2e: {  	s3 =	simm.s32 @!p0 $0x1082;
	s9 =	sld [smem:$0x3FB7]  }
0x2f: {  	lr =	sadd.s32 s0, s3;
	s0 =	sld [smem:$0x3FAE]  }
0x30: {  	s3 =	sld [smem:$0x3FB1]  }
0x31: {  	[smem:$0x3FBA] =	sst s10  }
0x32: {  	s10 =	sld [smem:$0x3FB8];
	_ =	sdelay $0x3  }
0x33: {  	p0 =	seq.s32 s10, $0x1;
	s10 =	sld [smem:$0x3FBA];
	_ =	sdelay $0x3  }
0x34: {  	[smem:$0x3FBA] =	sst s10  }
0x35: {  	s10 =	sld [smem:$0x3FB9];
	_ =	sdelay $0x3  }
0x36: {  	p1 =	seq.s32 s10, $0x1;
	s10 =	sld [smem:$0x3FBA];
	_ =	sdelay $0x3  }
0x37: {  	[smem:$0x3FBA] =	sst s10  }
0x38: {  	s10 =	sld [smem:$0x3FBB]  }
0x39: {  	_ = 	snop;
	(pc) =	sbr.ind lr, $3  }
0x3a: {  	_ = 	snop  }
0x3b: {  	_ = 	snop  }
0x3c: {  	p2 =	seq.s32 s10, $0x1;
	s10 =	sld [smem:$0x3FBA]  }
0x3d: {  	_ =	shalt  }
0x3e: {  	_ =	shalt  }
0x3f: {  	_ =	shalt  }
0x40: {  	_ =	shalt  }
0x41: {  	_ =	shalt  }
0x42: {  	_ =	shalt  }
0x43: {  	_ =	shalt  }
0x44: {  	_ =	shalt  }
0x45: {  	_ =	shalt  }
0x46: {  	_ =	shalt  }
0x47: {  	_ =	shalt  }
0x48: {  	_ =	shalt  }
0x49: {  	_ =	shalt  }
0x4a: {  	_ =	shalt  }
0x4b: {  	_ =	shalt  }
0x4c: {  	_ =	shalt  }
0x4d: {  	_ =	shalt  }
0x4e: {  	_ =	shalt  }
0x4f: {  	_ =	shalt  }
0x50: {  	_ =	shalt  }
0x51: {  	_ =	shalt  }
0x52: {  	_ =	shalt  }
0x53: {  	_ =	shalt  }
0x54: {  	_ =	shalt  }
0x55: {  	_ =	shalt  }
0x56: {  	_ =	shalt  }
0x57: {  	_ =	shalt  }
0x58: {  	_ =	shalt  }
0x59: {  	_ =	shalt  }
0x5a: {  	_ =	shalt  }
0x5b: {  	_ =	shalt  }
0x5c: {  	_ =	shalt  }
0x5d: {  	_ =	shalt  }
0x5e: {  	_ =	shalt  }
0x5f: {  	_ =	shalt  }
0x60: {  	_ =	shalt  }
0x61: {  	_ =	shalt  }
0x62: {  	_ =	shalt  }
0x63: {  	_ =	shalt  }
0x64: {  	_ =	shalt  }
0x65: {  	_ =	shalt  }
0x66: {  	_ =	shalt  }
0x67: {  	_ =	shalt  }
0x68: {  	_ =	shalt  }
0x69: {  	_ =	shalt  }
0x6a: {  	_ =	shalt  }
0x6b: {  	_ =	shalt  }
0x6c: {  	_ =	shalt  }
0x6d: {  	_ =	shalt  }
0x6e: {  	_ =	shalt  }
0x6f: {  	_ =	shalt  }
0x70: {  	_ =	shalt  }
0x71: {  	_ =	shalt  }
0x72: {  	_ =	shalt  }
0x73: {  	_ =	shalt  }
0x74: {  	_ =	shalt  }
0x75: {  	_ =	shalt  }
0x76: {  	_ =	shalt  }
0x77: {  	_ =	shalt  }
0x78: {  	_ =	shalt  }
0x79: {  	_ =	shalt  }
0x7a: {  	_ =	shalt  }
0x7b: {  	_ =	shalt  }
0x7c: {  	_ =	shalt  }
0x7d: {  	_ =	shalt  }
0x7e: {  	_ =	shalt  }
0x7f: {  	_ =	shalt  }
0x80: {  	_ =	shalt  }
0x81: {  	_ =	shalt  }
0x82: {  	_ =	shalt  }
0x83: {  	_ =	shalt  }
0x84: {  	_ =	shalt  }
0x85: {  	_ =	shalt  }
0x86: {  	_ =	shalt  }
0x87: {  	_ =	shalt  }
.Lfunc_end0:
.L_simem_size_0:
called_computation.1_lowered:
.L_overlay_start_0:
0x88: {  	s2 =	sld [smem:$0x3FD9]  }
0x89: {  	s3 =	sld [smem:$0x3FFE];
	_ =	sdelay $0x1  }
0x8a: {  	s1 =	srdreg.scid  }
0x8b: {  	s0 =	sand.u32 $0x1, s1  }
0x8c: {  	s17 =	sshll.u32 s0, $0xA;
	s2 =	sadd.s32 s3, s2  }
0x8d: {  	s2 =	sadd.s32 s2, s17  }
0x8e: {  	[smem:$0x3FC6] =	sst s2  }
0x8f: {  	_ = 	snop  }
0x90: {  	s2 =	sld [smem:$0x3FD0];
	(tm) =	ssettm $0x1  }
0x91: {  	s18 =	sld [smem:$0x3FFB];
	_ =	sdelay $0x3  }
0x92: {  	_ =	strace s18  }
0x93: {  	s3 =	sld [smem:$0x3FFC];
	_ =	sdelay $0x3  }
0x94: {  	_ =	strace s3  }
0x95: {  	s3 =	sld [smem:$0x3FFD];
	_ =	sdelay $0x3  }
0x96: {  	_ =	strace s3  }
0x97: {  	_ =	strace $0x8FFFFFFF  }
0x98: {  	s19 =	sld [smem:$0x3FDB];
	_ =	sdelay $0x1  }
0x99: {  	s4 =	simm.s32 $_scs_section_size  }
0x9a: {  	s5 =	simm.s32 $_size__tile_overlayer_lowered;
	s6 =	simm.s32 $_tile_overlayer_lowered  }
0x9b: {  	s22 =	simm.s32 $0x1BFF;
	s21 =	sshll.u32 s6, $0x1;
	s3 =	sadd.s32 s4, s19  }
0x9c: {  	s7 =	simm.s32 $0x0;
	s20 =	sshll.u32 s5, $0x1;
	s5 =	sadd.s32 s21, s3  }
0x9d: {  	[timem:s7], [sflag:s22] =	dma.local [hbm:s5], s20  }
0x9e: {  	_ =	swait.ge [sflag:s22], s20  }
0x9f: {  	s4 =	ssub.s32 $0x0, s20;
	[sflag:s22] =	ssyncset.done $0x0  }
0xa0: {  	[sflag:s22] =	ssyncadd.s32 s4;
	_ =	sdelay $0x1  }
0xa1: {  	s23 =	simm.s32 $0x1B8B  }
0xa2: {  	_ =	swait.ge [sflag:s23], $0x1  }
0xa3: {  	[sflag:s23] =	ssyncset.done $0x0  }
0xa4: {  	s25 =	simm.s32 $0x1B8E;
	s24 =	sld [smem:$0x3FFE];
	[sflag:s23] =	ssyncadd.s32 $0xFFFFFFFF  }
0xa5: {  	s26 =	simm.s32 $execute0_lowered;
	[smem:$0x3FD2] =	sst s25  }
0xa6: {  	s5 =	sshll.u32 s26, $0x1;
	_ =	strace $0x80000049;
	[dreg:$0x1] =	wrdreg $0xFFFFFFFF  }
0xa7: {  	s28 =	simm.s32 $_size_execute0_lowered;
	s3 =	sadd.s32 s3, s5;
	[dreg:$0x0] =	wrdreg $0x0  }
0xa8: {  	s5 =	sshll.u32 s28, $0x1;
	[dreg:$0x2] =	wrdreg s3  }
0xa9: {  	[dreg:$0x3] =	wrdreg s5  }
0xaa: {  	[dreg:$0x4] =	wrdreg $0xC0  }
0xab: {  	_ =	task [dreg:s7], $0x5FFFF  }
0xac: {  	[dreg:$0x1] =	wrdreg $0xFFFFFFFF  }
0xad: {  	[dreg:$0x0] =	wrdreg $0x60  }
0xae: {  	[dreg:$0x2] =	wrdreg s24  }
0xaf: {  	[dreg:$0x3] =	wrdreg s2  }
0xb0: {  	[dreg:$0x4] =	wrdreg $0x9  }
0xb1: {  	_ =	task.clear_ibuf [dreg:s7], $0x5FFFF;
	_ =	strace $0x90000049  }
0xb2: {  	s29 =	simm.s32 $0x9;
	_ =	strace $0x8000004B  }
0xb3: {  	_ =	swait.ge [sflag:s29], $0x1  }
0xb4: {  	[sflag:s29] =	ssyncadd.s32 $0xFFFFFFFF  }
0xb5: {  	_ =	strace $0x9000004B  }
0xb6: {  	_ =	sfence  }
0xb7: {  	s30 =	sld [smem:$0x0];
	_ =	sdelay $0x2  }
0xb8: {  	s31 =	sshll.u32 s1, $0xD;
	s1 =	sshrl.u32 s1, $0x2  }
0xb9: {  	s3 =	sand.u32 $0x4000, s31;
	s1 =	sadd.s32 s1, s30  }
0xba: {  	s0 =	sor.u32 s3, s0;
	s1 =	sshll.u32 s1, $0x11  }
0xbb: {  	s0 =	sor.u32 s1, s0  }
0xbc: {  	s0 =	sadd.s32 $0x8F2B, s0  }
0xbd: {  	[sflag:s0] =	ssyncadd.remote.s32 $0x1  }
0xbe: {  	_ =	sfence.sel $0xFFFF  }
0xbf: {  	[dreg:$0x0] =	wrdreg $0xFFFFFFFF;
	(pc) =	sbr.abs _section_cstart, $3  }
0xc0: {  	[dreg:$0x1] =	wrdreg $0xFFFFFFFF  }
0xc1: {  	_ =	task.clear_ibuf [dreg:s7], $0x2FFFF;
	_ =	strace $0x9FFFFFFF  }
0xc2: {  	(tm) =	ssettm $0x7FFFFFFF  }
0xc3: {  	_ =	shalt  }
tec
execute0_lowered:
.L_overlay_start_1:
0x0: {  	(tag) =	ssettag $0x1  }
0x1: {  	v0 =	vimm.s32 $0xFEDCBA9;
	v1 =	vimm.s32 $0x87654321;
	v2 =	vlaneseq.u32  }
0x2: {  	v3 =	vimm.s32 $0x10FEDCBA;
	v4 =	vimm.s32 $0x98765432;
	v6 =	vimm.s32 $0x3210FEDC  }
0x3: {  	v7 =	vimm.s32 $0xBA987654;
	v8 =	vimm.s32 $0x43210FED;
	v9 =	vimm.s32 $0xCBA98765  }
0x4: {  	vm9 =	vcmask $0x300;
	vm10 =	vcmask $0x704;
	vm11 =	vcmask $0xB08  }
0x5: {  	vm12 =	vcmask $0xF0C;
	v33 =	vmul.u32 $0x32, v2;
	v3 =	vunpack.c.l.s4.s8 v3  }
0x6: {  	vm13 =	vcmask $0x1310;
	vm14 =	vcmask $0x1714;
	v4 =	vunpack.c.l.s4.s8 v4  }
0x7: {  	vm15 =	vcmask $0x1B18;
	v5 =	vadd.s32 $0x320, v33;
	v59 =	vunpack.c.0.s8.s32 v3  }
0x8: {  	v3 =	vunpack.c.0.s8.s32 v4;
	v4 =	vimm.s32 $0x210FEDCB;
	[tilespmem:$0x1FB20] =	vst v5;
	v5 =	vimm.s32 $0xA9876543  }
0x9: {  	vm8 =	vcmask $0x1F1C;
	v4 =	vunpack.c.l.s4.s8 v4;
	v5 =	vunpack.c.l.s4.s8 v5  }
0xa: {  	vm7 =	vcmask $0x2320;
	vm6 =	vcmask $0x2724;
	vm5 =	vcmask $0x2B28  }
0xb: {  	v19 =	vunpack.c.0.s8.s32 v4;
	v4 =	vunpack.c.l.s4.s8 v8;
	v20 =	vunpack.c.0.s8.s32 v5  }
0xc: {  	vm4 =	vcmask $0x2F2C;
	v10 =	vimm.s32 $0x8F;
	v7 =	vunpack.c.l.s4.s8 v7  }
0xd: {  	vm3 =	vcmask $0x3330;
	v22 =	vunpack.c.0.s8.s32 v4;
	v4 =	vcombine.low v20, v19  }
0xe: {  	v23 =	vunpack.c.0.s8.s32 v7;
	v7 =	vimm.s32 $0x543210FE;
	v8 =	vunpack.c.l.s4.s8 v9  }
0xf: {  	v9 =	vunpack.c.l.s4.s8 v7;
	v7 =	vimm.s32 $0xDCBA9876;
	v4 =	vand.u32 $0xF, v4  }
0x10: {  	vm2 =	vcmask $0x3734;
	vm1 =	vcmask $0x3B38;
	[tilespmem:$0x1FB50] =	vst v4;
	v4 =	vunpack.c.l.s4.s8 v7  }
0x11: {  	v12 =	vimm.s32 $0x18F;
	v15 =	vimm.s32 $0x30F;
	v17 =	vimm.s32 $0x76543210  }
0x12: {  	v60 =	vimm.s32 $0x38F;
	v26 =	vunpack.c.0.s8.s32 v4;
	v4 =	vimm.s32 $0xF  }
0x13: {  	v35 =	vimm.s32 $0x48F;
	v37 =	vimm.s32 $0x50F;
	v4 =	vsel vm9, $0x80, v4  }
0x14: {  	v38 =	vimm.s32 $0x58F;
	v42 =	vimm.s32 $0x60F;
	v4 =	vsel vm10, $0x101, v4  }
0x15: {  	v44 =	vimm.s32 $0x68F;
	v45 =	vimm.s32 $0x70F;
	v4 =	vsel vm11, $0x182, v4  }
0x16: {  	v49 =	vimm.s32 $0x1C1B1A19;
	v50 =	vimm.s32 $0x101F1E1D;
	v4 =	vsel vm12, $0x203, v4  }
0x17: {  	v51 =	vimm.s32 $0x14131211;
	v53 =	vimm.s32 $0x1D1C1B1A;
	v4 =	vsel vm13, $0x284, v4  }
0x18: {  	v54 =	vimm.s32 $0x11101F1E;
	v55 =	vimm.s32 $0x15141312;
	v4 =	vsel vm14, $0x305, v4  }
0x19: {  	v56 =	vimm.s32 $0x19181716;
	v57 =	vimm.s32 $0x1E1D1C1B;
	v4 =	vsel vm15, $0x386, v4  }
0x1a: {  	v0 =	vunpack.c.l.s4.s8 v0;
	v1 =	vunpack.c.l.s4.s8 v1;
	v4 =	vsel vm8, $0x407, v4  }
0x1b: {  	v6 =	vunpack.c.l.s4.s8 v6;
	v10 =	vsel vm9, $0x100, v10;
	v4 =	vsel vm7, $0x488, v4  }
0x1c: {  	v12 =	vsel vm9, $0x200, v12;
	v15 =	vsel vm9, $0x380, v15;
	v4 =	vsel vm6, $0x509, v4  }
0x1d: {  	v17 =	vunpack.c.l.s4.s8 v17;
	v36 =	vsel vm9, $0x500, v35;
	v4 =	vsel vm5, $0x58A, v4  }
0x1e: {  	v43 =	vsel vm9, $0x680, v42;
	v35 =	vimm.s32 $0xC0F;
	v4 =	vsel vm4, $0x60B, v4  }
0x1f: {  	v10 =	vsel vm10, $0x181, v10;
	v12 =	vsel vm10, $0x281, v12;
	v4 =	vsel vm3, $0x68C, v4  }
0x20: {  	v15 =	vsel vm10, $0x401, v15;
	v0 =	vunpack.c.0.s8.s32 v0;
	v4 =	vsel vm2, $0x70D, v4  }
0x21: {  	v1 =	vunpack.c.0.s8.s32 v1;
	v11 =	vsel vm11, $0x202, v10;
	v4 =	vsel vm1, $0x78E, v4  }
0x22: {  	v21 =	vunpack.c.0.s8.s32 v6;
	v12 =	vsel vm11, $0x302, v12;
	[tilespmem:$0x1FBA0] =	vst v4;
	v4 =	vsel vm12, $0x283, v11  }
0x23: {  	v15 =	vsel vm11, $0x482, v15;
	v11 =	vimm.s32 $0x10F;
	v4 =	vsel vm13, $0x304, v4  }
0x24: {  	v10 =	vunpack.c.0.s8.s32 v55;
	v11 =	vsel vm9, $0x180, v11;
	v4 =	vsel vm14, $0x385, v4  }
0x25: {  	v12 =	vsel vm12, $0x383, v12;
	v11 =	vsel vm10, $0x201, v11;
	v4 =	vsel vm15, $0x406, v4  }
0x26: {  	v15 =	vsel vm12, $0x503, v15;
	v11 =	vsel vm11, $0x282, v11;
	v4 =	vsel vm8, $0x487, v4  }
0x27: {  	v58 =	vcombine.low v1, v0;
	v11 =	vsel vm12, $0x303, v11;
	v4 =	vsel vm7, $0x508, v4  }
0x28: {  	v6 =	vcombine.low v23, v21;
	v11 =	vsel vm13, $0x384, v11;
	v4 =	vsel vm6, $0x589, v4  }
0x29: {  	v12 =	vsel vm13, $0x404, v12;
	v11 =	vsel vm14, $0x405, v11;
	v4 =	vsel vm5, $0x60A, v4  }
0x2a: {  	v15 =	vsel vm13, $0x584, v15;
	v11 =	vsel vm15, $0x486, v11;
	v4 =	vsel vm4, $0x68B, v4  }
0x2b: {  	v12 =	vsel vm14, $0x485, v12;
	v11 =	vsel vm8, $0x507, v11;
	v4 =	vsel vm3, $0x70C, v4  }
0x2c: {  	v12 =	vsel vm15, $0x506, v12;
	v11 =	vsel vm7, $0x588, v11;
	v4 =	vsel vm2, $0x78D, v4  }
0x2d: {  	v12 =	vsel vm8, $0x587, v12;
	v13 =	vsel vm6, $0x609, v11;
	v4 =	vsel vm1, $0xE, v4  }
0x2e: {  	v0 =	vcombine.low v0, v1;
	v12 =	vsel vm7, $0x608, v12;
	[tilespmem:$0x1FBB0] =	vst v4;
	v4 =	vsel vm5, $0x68A, v13  }
0x2f: {  	v1 =	vsel vm9, $0x400, v60;
	v12 =	vsel vm6, $0x689, v12;
	v4 =	vsel vm4, $0x70B, v4  }
0x30: {  	v60 =	vimm.s32 $0x1A191817;
	v12 =	vsel vm5, $0x70A, v12;
	v4 =	vsel vm3, $0x78C, v4  }
0x31: {  	v12 =	vsel vm4, $0x78B, v12;
	v13 =	vimm.s32 $0x20F;
	v4 =	vsel vm2, $0xD, v4  }
0x32: {  	v14 =	vsel vm3, $0xC, v12;
	v13 =	vsel vm9, $0x280, v13;
	v4 =	vsel vm1, $0x8E, v4  }
0x33: {  	v15 =	vsel vm14, $0x605, v15;
	v13 =	vsel vm10, $0x301, v13;
	[tilespmem:$0x1FBC0] =	vst v4;
	v4 =	vsel vm2, $0x8D, v14  }
0x34: {  	v61 =	vsel vm10, $0x481, v1;
	v14 =	vsel vm11, $0x382, v13;
	v4 =	vsel vm1, $0x10E, v4  }
0x35: {  	v2 =	vand.u32 $0xF, v58;
	v5 =	vcombine.low v3, v59;
	[tilespmem:$0x1FBD0] =	vst v4;
	v4 =	vsel vm12, $0x403, v14  }
0x36: {  	v15 =	vsel vm15, $0x686, v15;
	v14 =	vimm.s32 $0x28F;
	v4 =	vsel vm13, $0x484, v4  }
0x37: {  	v0 =	vand.u32 $0xF, v0;
	v14 =	vsel vm9, $0x300, v14;
	v4 =	vsel vm14, $0x505, v4  }
0x38: {  	v58 =	vimm.s32 $0x1211101F;
	v14 =	vsel vm10, $0x381, v14;
	v4 =	vsel vm15, $0x586, v4  }
0x39: {  	v24 =	vunpack.c.0.s8.s32 v8;
	v14 =	vsel vm11, $0x402, v14;
	v4 =	vsel vm8, $0x607, v4  }
0x3a: {  	v25 =	vunpack.c.0.s8.s32 v9;
	v14 =	vsel vm12, $0x483, v14;
	v4 =	vsel vm7, $0x688, v4  }
0x3b: {  	v9 =	vimm.s32 $0xEDCBA987;
	v14 =	vsel vm13, $0x504, v14;
	v4 =	vsel vm6, $0x709, v4  }
0x3c: {  	v15 =	vsel vm8, $0x707, v15;
	v14 =	vsel vm14, $0x585, v14;
	v4 =	vsel vm5, $0x78A, v4  }
0x3d: {  	[tilespmem:$0x1FB30] =	vst v2;
	v2 =	vcombine.low v59, v3;
	v14 =	vsel vm15, $0x606, v14;
	v4 =	vsel vm4, $0xB, v4  }
0x3e: {  	[tilespmem:$0x1FC20] =	vst v0;
	v0 =	vsel vm11, $0x502, v61;
	v14 =	vsel vm8, $0x687, v14;
	v4 =	vsel vm3, $0x8C, v4  }
0x3f: {  	v5 =	vand.u32 $0xF, v5;
	v14 =	vsel vm7, $0x708, v14;
	v4 =	vsel vm2, $0x10D, v4  }
0x40: {  	v15 =	vsel vm7, $0x788, v15;
	v16 =	vsel vm6, $0x789, v14;
	v4 =	vsel vm1, $0x18E, v4  }
0x41: {  	v9 =	vunpack.c.l.s4.s8 v9;
	v15 =	vsel vm6, $0x9, v15;
	[tilespmem:$0x1FBE0] =	vst v4;
	v4 =	vsel vm5, $0xA, v16  }
0x42: {  	v3 =	vcombine.low v19, v20;
	v15 =	vsel vm5, $0x8A, v15;
	v4 =	vsel vm4, $0x8B, v4  }
0x43: {  	v15 =	vsel vm4, $0x10B, v15;
	v16 =	vimm.s32 $0xFEDCBA98;
	v4 =	vsel vm3, $0x10C, v4  }
0x44: {  	v15 =	vsel vm3, $0x18C, v15;
	v16 =	vunpack.c.l.s4.s8 v16;
	v4 =	vsel vm2, $0x18D, v4  }
0x45: {  	v0 =	vsel vm12, $0x583, v0;
	[tilespmem:$0x1FB40] =	vst v5;
	v18 =	vsel vm2, $0x20D, v15;
	v4 =	vsel vm1, $0x20E, v4  }
0x46: {  	v8 =	vcombine.low v24, v22;
	v29 =	vunpack.c.0.s8.s32 v16;
	[tilespmem:$0x1FBF0] =	vst v4;
	v4 =	vsel vm1, $0x28E, v18  }
0x47: {  	v5 =	vand.u32 $0xF, v6;
	v2 =	vand.u32 $0xF, v2;
	[tilespmem:$0x1FC00] =	vst v4;
	v4 =	vunpack.c.0.s8.s32 v17  }
0x48: {  	v0 =	vsel vm13, $0x604, v0;
	v28 =	vunpack.c.0.s8.s32 v9;
	v17 =	vand.u32 $0xF, v29  }
0x49: {  	v63 =	vand.u32 $0xF, v3;
	v0 =	vsel vm14, $0x685, v0;
	v4 =	vcombine.low v17, v4  }
0x4a: {  	[tilespmem:$0x1FB60] =	vst v5;
	v3 =	vcombine.low v22, v24;
	v5 =	vand.u32 $0xF, v8;
	v8 =	vimm.s32 $0x6543210F  }
0x4b: {  	v0 =	vsel vm15, $0x706, v0;
	v7 =	vunpack.c.0.s8.s32 v51;
	[tilespmem:$0x1FC10] =	vst v4;
	v4 =	vimm.s32 $0x40F  }
0x4c: {  	v8 =	vunpack.c.l.s4.s8 v8;
	v0 =	vsel vm8, $0x787, v0;
	v62 =	vsel vm9, $0x480, v4  }
0x4d: {  	v30 =	vand.u32 $0xF, v3;
	v0 =	vsel vm7, $0x8, v0;
	v1 =	vsel vm10, $0x501, v62  }
0x4e: {  	[tilespmem:$0x1FC60] =	vst v30;
	v30 =	vimm.s32 $0xA8F;
	v27 =	vunpack.c.0.s8.s32 v8;
	v1 =	vsel vm11, $0x582, v1  }
0x4f: {  	v0 =	vsel vm6, $0x89, v0;
	v8 =	vcombine.low v26, v25;
	v1 =	vsel vm12, $0x603, v1  }
0x50: {  	v31 =	vcombine.low v25, v26;
	v0 =	vsel vm5, $0x10A, v0;
	v1 =	vsel vm13, $0x684, v1  }
0x51: {  	v25 =	vimm.s32 $0x80F;
	v29 =	vcombine.low v21, v23;
	v1 =	vsel vm14, $0x705, v1  }
0x52: {  	v26 =	vimm.s32 $0x88F;
	v9 =	vcombine.low v28, v27;
	v1 =	vsel vm15, $0x786, v1  }
0x53: {  	[tilespmem:$0x1FC30] =	vst v2;
	v3 =	vcombine.low v27, v28;
	v2 =	vand.u32 $0xF, v29;
	v1 =	vsel vm8, $0x7, v1  }
0x54: {  	v0 =	vsel vm4, $0x18B, v0;
	[tilespmem:$0x1FC50] =	vst v2;
	v2 =	vand.u32 $0xF, v31;
	v1 =	vsel vm7, $0x88, v1  }
0x55: {  	v27 =	vimm.s32 $0x90F;
	[tilespmem:$0x1FC70] =	vst v2;
	v2 =	vsel vm9, $0x600, v38;
	v1 =	vsel vm6, $0x109, v1  }
0x56: {  	v28 =	vimm.s32 $0x98F;
	v2 =	vsel vm10, $0x681, v2;
	v1 =	vsel vm5, $0x18A, v1  }
0x57: {  	[tilespmem:$0x1FB70] =	vst v5;
	v5 =	vand.u32 $0xF, v8;
	v2 =	vsel vm11, $0x702, v2;
	v1 =	vsel vm4, $0x20B, v1  }
0x58: {  	v0 =	vsel vm3, $0x20C, v0;
	v2 =	vsel vm12, $0x783, v2;
	v1 =	vsel vm3, $0x28C, v1  }
0x59: {  	v2 =	vsel vm13, $0x4, v2;
	v34 =	vsel vm2, $0x30D, v1;
	v1 =	vsel vm9, $0x580, v37  }
0x5a: {  	[tilespmem:$0x1FB80] =	vst v5;
	v5 =	vand.u32 $0xF, v9;
	v2 =	vsel vm14, $0x85, v2;
	v1 =	vsel vm10, $0x601, v1  }
0x5b: {  	v32 =	vand.u32 $0xF, v3;
	v2 =	vsel vm15, $0x106, v2;
	v1 =	vsel vm11, $0x682, v1  }
0x5c: {  	v0 =	vsel vm2, $0x28D, v0;
	v2 =	vsel vm8, $0x187, v2;
	v1 =	vsel vm12, $0x703, v1  }
0x5d: {  	v3 =	vunpack.c.0.s8.s32 v49;
	v2 =	vsel vm7, $0x208, v2;
	v1 =	vsel vm13, $0x784, v1  }
0x5e: {  	v0 =	vsel vm1, $0x30E, v0;
	v2 =	vsel vm6, $0x289, v2;
	v1 =	vsel vm14, $0x5, v1  }
0x5f: {  	v29 =	vimm.s32 $0xA0F;
	v2 =	vsel vm5, $0x30A, v2;
	v1 =	vsel vm15, $0x86, v1  }
0x60: {  	v38 =	vimm.s32 $0xD8F;
	v2 =	vsel vm4, $0x38B, v2;
	v1 =	vsel vm8, $0x107, v1  }
0x61: {  	v40 =	vsel vm3, $0x40C, v2;
	v2 =	vsel vm9, $0x780, v45;
	v1 =	vsel vm7, $0x188, v1  }
0x62: {  	v4 =	vunpack.c.0.s8.s32 v50;
	v2 =	vsel vm10, $0x1, v2;
	v1 =	vsel vm6, $0x209, v1  }
0x63: {  	v41 =	vsel vm2, $0x48D, v40;
	v2 =	vsel vm11, $0x82, v2;
	v1 =	vsel vm5, $0x28A, v1  }
0x64: {  	[tilespmem:$0x1FC90] =	vst v0;
	v37 =	vimm.s32 $0xD0F;
	v0 =	vsel vm1, $0x38E, v34;
	v1 =	vsel vm4, $0x30B, v1  }
0x65: {  	v2 =	vsel vm12, $0x103, v2;
	v34 =	vimm.s32 $0xB8F;
	v1 =	vsel vm3, $0x38C, v1  }
0x66: {  	[tilespmem:$0x1FCA0] =	vst v0;
	v0 =	vsel vm10, $0x581, v36;
	v39 =	vsel vm2, $0x40D, v1;
	v1 =	vsel vm9, $0x700, v44  }
0x67: {  	v2 =	vsel vm13, $0x184, v2;
	v0 =	vsel vm11, $0x602, v0;
	v1 =	vsel vm10, $0x781, v1  }
0x68: {  	v2 =	vsel vm14, $0x205, v2;
	v0 =	vsel vm12, $0x683, v0;
	v1 =	vsel vm11, $0x2, v1  }
0x69: {  	v2 =	vsel vm15, $0x286, v2;
	v0 =	vsel vm13, $0x704, v0;
	v1 =	vsel vm12, $0x83, v1  }
0x6a: {  	v2 =	vsel vm8, $0x307, v2;
	v0 =	vsel vm14, $0x785, v0;
	v1 =	vsel vm13, $0x104, v1  }
0x6b: {  	v2 =	vsel vm7, $0x388, v2;
	v0 =	vsel vm15, $0x6, v0;
	v1 =	vsel vm14, $0x185, v1  }
0x6c: {  	v2 =	vsel vm6, $0x409, v2;
	v0 =	vsel vm8, $0x87, v0;
	v1 =	vsel vm15, $0x206, v1  }
0x6d: {  	v2 =	vsel vm5, $0x48A, v2;
	v0 =	vsel vm7, $0x108, v0;
	v1 =	vsel vm8, $0x287, v1  }
0x6e: {  	v2 =	vsel vm4, $0x50B, v2;
	v0 =	vsel vm6, $0x189, v0;
	v1 =	vsel vm7, $0x308, v1  }
0x6f: {  	v47 =	vsel vm3, $0x58C, v2;
	v2 =	vsel vm9, $0x980, v27;
	v1 =	vsel vm6, $0x389, v1  }
0x70: {  	v0 =	vsel vm5, $0x20A, v0;
	v48 =	vsel vm2, $0x60D, v47;
	v1 =	vsel vm5, $0x40A, v1  }
0x71: {  	v2 =	vsel vm10, $0xA01, v2;
	v0 =	vsel vm4, $0x28B, v0;
	v1 =	vsel vm4, $0x48B, v1  }
0x72: {  	v2 =	vsel vm11, $0xA82, v2;
	v0 =	vsel vm3, $0x30C, v0;
	v1 =	vsel vm3, $0x50C, v1  }
0x73: {  	v2 =	vsel vm12, $0xB03, v2;
	v46 =	vsel vm2, $0x58D, v1;
	v1 =	vsel vm9, $0x900, v26  }
0x74: {  	v0 =	vsel vm2, $0x38D, v0;
	v2 =	vsel vm13, $0xB84, v2;
	v1 =	vsel vm10, $0x981, v1  }
0x75: {  	v0 =	vsel vm1, $0x40E, v0;
	v2 =	vsel vm14, $0xC05, v2;
	v1 =	vsel vm11, $0xA02, v1  }
0x76: {  	[tilespmem:$0x1FCB0] =	vst v0;
	v0 =	vsel vm1, $0x48E, v39;
	v2 =	vsel vm15, $0xC86, v2;
	v1 =	vsel vm12, $0xA83, v1  }
0x77: {  	[tilespmem:$0x1FCC0] =	vst v0;
	v0 =	vsel vm1, $0x50E, v41;
	v2 =	vsel vm8, $0xD07, v2;
	v1 =	vsel vm13, $0xB04, v1  }
0x78: {  	[tilespmem:$0x1FCD0] =	vst v0;
	v0 =	vsel vm10, $0x701, v43;
	v2 =	vsel vm7, $0xD88, v2;
	v1 =	vsel vm14, $0xB85, v1  }
0x79: {  	v0 =	vsel vm11, $0x782, v0;
	v2 =	vsel vm6, $0xE09, v2;
	v1 =	vsel vm15, $0xC06, v1  }
0x7a: {  	v0 =	vsel vm12, $0x3, v0;
	v2 =	vsel vm5, $0xE8A, v2;
	v1 =	vsel vm8, $0xC87, v1  }
0x7b: {  	v0 =	vsel vm13, $0x84, v0;
	v2 =	vsel vm4, $0xF0B, v2;
	v1 =	vsel vm7, $0xD08, v1  }
0x7c: {  	v0 =	vsel vm14, $0x105, v0;
	v2 =	vsel vm3, $0xF8C, v2;
	v1 =	vsel vm6, $0xD89, v1  }
0x7d: {  	v0 =	vsel vm15, $0x186, v0;
	v2 =	vsel vm2, $0x80D, v2;
	v1 =	vsel vm5, $0xE0A, v1  }
0x7e: {  	v0 =	vsel vm8, $0x207, v0;
	v49 =	vsel vm1, $0x88E, v2;
	v1 =	vsel vm4, $0xE8B, v1  }
0x7f: {  	v2 =	vsel vm9, $0xB00, v30;
	v0 =	vsel vm7, $0x288, v0;
	v1 =	vsel vm3, $0xF0C, v1  }
0x80: {  	v2 =	vsel vm10, $0xB81, v2;
	v0 =	vsel vm6, $0x309, v0;
	v1 =	vsel vm2, $0xF8D, v1  }
0x81: {  	[tilespmem:$0x1FC80] =	vst v32;
	v2 =	vsel vm11, $0xC02, v2;
	v32 =	vsel vm1, $0x80E, v1;
	v1 =	vsel vm9, $0xA80, v29  }
0x82: {  	v0 =	vsel vm5, $0x38A, v0;
	v2 =	vsel vm12, $0xC83, v2;
	v1 =	vsel vm10, $0xB01, v1  }
0x83: {  	v0 =	vsel vm4, $0x40B, v0;
	v2 =	vsel vm13, $0xD04, v2;
	v1 =	vsel vm11, $0xB82, v1  }
0x84: {  	v0 =	vsel vm3, $0x48C, v0;
	v2 =	vsel vm14, $0xD85, v2;
	v1 =	vsel vm12, $0xC03, v1  }
0x85: {  	v0 =	vsel vm2, $0x50D, v0;
	v2 =	vsel vm15, $0xE06, v2;
	v1 =	vsel vm13, $0xC84, v1  }
0x86: {  	v0 =	vsel vm1, $0x58E, v0;
	v2 =	vsel vm8, $0xE87, v2;
	v1 =	vsel vm14, $0xD05, v1  }
0x87: {  	[tilespmem:$0x1FCE0] =	vst v0;
	v0 =	vsel vm1, $0x60E, v46;
	v2 =	vsel vm7, $0xF08, v2;
	v1 =	vsel vm15, $0xD86, v1  }
0x88: {  	[tilespmem:$0x1FCF0] =	vst v0;
	v0 =	vsel vm1, $0x68E, v48;
	v2 =	vsel vm6, $0xF89, v2;
	v1 =	vsel vm8, $0xE07, v1  }
0x89: {  	[tilespmem:$0x1FD00] =	vst v0;
	v0 =	vsel vm9, $0x880, v25;
	v2 =	vsel vm5, $0x80A, v2;
	v1 =	vsel vm7, $0xE88, v1  }
0x8a: {  	v0 =	vsel vm10, $0x901, v0;
	v2 =	vsel vm4, $0x88B, v2;
	v1 =	vsel vm6, $0xF09, v1  }
0x8b: {  	v0 =	vsel vm11, $0x982, v0;
	v2 =	vsel vm3, $0x90C, v2;
	v1 =	vsel vm5, $0xF8A, v1  }
0x8c: {  	v0 =	vsel vm12, $0xA03, v0;
	v2 =	vsel vm2, $0x98D, v2;
	v1 =	vsel vm4, $0x80B, v1  }
0x8d: {  	v0 =	vsel vm13, $0xA84, v0;
	v50 =	vsel vm1, $0xA0E, v2;
	v1 =	vsel vm3, $0x88C, v1  }
0x8e: {  	v2 =	vsel vm9, $0xC80, v35;
	v0 =	vsel vm14, $0xB05, v0;
	v1 =	vsel vm2, $0x90D, v1  }
0x8f: {  	v2 =	vsel vm10, $0xD01, v2;
	v27 =	vsel vm1, $0x98E, v1;
	v1 =	vsel vm9, $0xC00, v34  }
0x90: {  	v0 =	vsel vm15, $0xB86, v0;
	v2 =	vsel vm11, $0xD82, v2;
	v1 =	vsel vm10, $0xC81, v1  }
0x91: {  	v0 =	vsel vm8, $0xC07, v0;
	v2 =	vsel vm12, $0xE03, v2;
	v1 =	vsel vm11, $0xD02, v1  }
0x92: {  	v0 =	vsel vm7, $0xC88, v0;
	v2 =	vsel vm13, $0xE84, v2;
	v1 =	vsel vm12, $0xD83, v1  }
0x93: {  	v0 =	vsel vm6, $0xD09, v0;
	v2 =	vsel vm14, $0xF05, v2;
	v1 =	vsel vm13, $0xE04, v1  }
0x94: {  	v0 =	vsel vm5, $0xD8A, v0;
	v2 =	vsel vm15, $0xF86, v2;
	v1 =	vsel vm14, $0xE85, v1  }
0x95: {  	v0 =	vsel vm4, $0xE0B, v0;
	v2 =	vsel vm8, $0x807, v2;
	v1 =	vsel vm15, $0xF06, v1  }
0x96: {  	v0 =	vsel vm3, $0xE8C, v0;
	v2 =	vsel vm7, $0x888, v2;
	v1 =	vsel vm8, $0xF87, v1  }
0x97: {  	v0 =	vsel vm2, $0xF0D, v0;
	v2 =	vsel vm6, $0x909, v2;
	v1 =	vsel vm7, $0x808, v1  }
0x98: {  	v0 =	vsel vm1, $0xF8E, v0;
	v2 =	vsel vm5, $0x98A, v2;
	v1 =	vsel vm6, $0x889, v1  }
0x99: {  	[tilespmem:$0x1FD10] =	vst v0;
	v0 =	vsel vm9, $0xA00, v28;
	v2 =	vsel vm4, $0xA0B, v2;
	v1 =	vsel vm5, $0x90A, v1  }
0x9a: {  	v0 =	vsel vm10, $0xA81, v0;
	v2 =	vsel vm3, $0xA8C, v2;
	v1 =	vsel vm4, $0x98B, v1  }
0x9b: {  	v0 =	vsel vm11, $0xB02, v0;
	v2 =	vsel vm2, $0xB0D, v2;
	v1 =	vsel vm3, $0xA0C, v1  }
0x9c: {  	v17 =	vsel vm1, $0xB8E, v2;
	v2 =	vsel vm9, $0xE00, v38;
	v1 =	vsel vm2, $0xA8D, v1  }
0x9d: {  	v2 =	vsel vm10, $0xE81, v2;
	v51 =	vsel vm1, $0xB0E, v1;
	v1 =	vsel vm9, $0xD80, v37  }
0x9e: {  	v0 =	vsel vm12, $0xB83, v0;
	v2 =	vsel vm11, $0xF02, v2;
	v1 =	vsel vm10, $0xE01, v1  }
0x9f: {  	v0 =	vsel vm13, $0xC04, v0;
	v2 =	vsel vm12, $0xF83, v2;
	v1 =	vsel vm11, $0xE82, v1  }
0xa0: {  	v0 =	vsel vm14, $0xC85, v0;
	v2 =	vsel vm13, $0x804, v2;
	v1 =	vsel vm12, $0xF03, v1  }
0xa1: {  	v0 =	vsel vm15, $0xD06, v0;
	v2 =	vsel vm14, $0x885, v2;
	v1 =	vsel vm13, $0xF84, v1  }
0xa2: {  	v0 =	vsel vm8, $0xD87, v0;
	v2 =	vsel vm15, $0x906, v2;
	v1 =	vsel vm14, $0x805, v1  }
0xa3: {  	v0 =	vsel vm7, $0xE08, v0;
	v2 =	vsel vm8, $0x987, v2;
	v1 =	vsel vm15, $0x886, v1  }
0xa4: {  	v0 =	vsel vm6, $0xE89, v0;
	v2 =	vsel vm7, $0xA08, v2;
	v1 =	vsel vm8, $0x907, v1  }
0xa5: {  	v0 =	vsel vm5, $0xF0A, v0;
	v2 =	vsel vm6, $0xA89, v2;
	v1 =	vsel vm7, $0x988, v1  }
0xa6: {  	v0 =	vsel vm4, $0xF8B, v0;
	v2 =	vsel vm5, $0xB0A, v2;
	v1 =	vsel vm6, $0xA09, v1  }
0xa7: {  	v0 =	vsel vm3, $0x80C, v0;
	v2 =	vsel vm4, $0xB8B, v2;
	v1 =	vsel vm5, $0xA8A, v1  }
0xa8: {  	[tilespmem:$0x1FC40] =	vst v63;
	v0 =	vsel vm2, $0x88D, v0;
	v2 =	vsel vm3, $0xC0C, v2;
	v1 =	vsel vm4, $0xB0B, v1  }
0xa9: {  	[tilespmem:$0x1FB90] =	vst v5;
	v0 =	vsel vm1, $0x90E, v0;
	v2 =	vsel vm2, $0xC8D, v2;
	v1 =	vsel vm3, $0xB8C, v1  }
0xaa: {  	s3 =	rddreg [dreg:$0x0];
	v59 =	vimm.s32 $0x16151413;
	[tilespmem:$0x1FD20] =	vst v0;
	v42 =	vsel vm1, $0xD0E, v2;
	v1 =	vsel vm2, $0xC0D, v1  }
0xab: {  	s5 =	rddreg [dreg:$0x1];
	s2 =	simm.s32 $0x0;
	v61 =	vimm.s32 $0x1F1E1D1C;
	v31 =	vimm.s32 $0xB0F;
	[tilespmem:$0x1FD40] =	vst v42;
	v41 =	vsel vm1, $0xC8E, v1  }
0xac: {  	s1 =	srdreg.scid;
	[smem:$0x7FF] =	sst s2;
	v16 =	vlaneseq.u32;
	v47 =	vadd.s32 $0x640, v33;
	v0 =	vsel vm9, $0xB80, v31;
	[tilespmem:$0x1FD30] =	vst v41  }
0xad: {  	s4 =	sand.u32 $0x1, s1;
	s1 =	rddreg [dreg:$0x2];
	v55 =	vadd.s32 $0xC80, v33;
	v48 =	vor.u32 $0x20, v16;
	v0 =	vsel vm10, $0xC01, v0;
	_ =	strace $0x8000004A;
	[tilespmem:$0x1FD50] =	vst v47  }
0xae: {  	v5 =	vunpack.c.0.s8.s32 v53;
	v53 =	vadd.s32 $0x960, v33;
	v0 =	vsel vm11, $0xC82, v0;
	[tilespmem:$0x1FD60] =	vst v48  }
0xaf: {  	v9 =	vunpack.c.0.s8.s32 v54;
	v54 =	vor.u32 $0x30, v16;
	v0 =	vsel vm12, $0xD03, v0;
	[tilespmem:$0x1FD70] =	vst v53  }
0xb0: {  	v6 =	vunpack.c.0.s8.s32 v61;
	v63 =	vimm.s32 $0x17161514;
	v0 =	vsel vm13, $0xD84, v0;
	[tilespmem:$0x1FD80] =	vst v54  }
0xb1: {  	v11 =	vunpack.c.0.s8.s32 v56;
	v56 =	vor.u32 $0x40, v16;
	v0 =	vsel vm14, $0xE05, v0;
	[tilespmem:$0x1FD90] =	vst v55  }
0xb2: {  	v12 =	vunpack.c.0.s8.s32 v57;
	v57 =	vadd.s32 $0xFA0, v33;
	v0 =	vsel vm15, $0xE86, v0;
	[tilespmem:$0x1FDA0] =	vst v56  }
0xb3: {  	v13 =	vunpack.c.0.s8.s32 v58;
	v58 =	vor.u32 $0x50, v16;
	v0 =	vsel vm8, $0xF07, v0;
	[tilespmem:$0x1FDB0] =	vst v57  }
0xb4: {  	v14 =	vunpack.c.0.s8.s32 v59;
	v59 =	vadd.s32 $0x12C0, v33;
	v0 =	vsel vm7, $0xF88, v0;
	[tilespmem:$0x1FDC0] =	vst v58  }
0xb5: {  	v15 =	vunpack.c.0.s8.s32 v60;
	v60 =	vor.u32 $0x60, v16;
	v0 =	vsel vm6, $0x809, v0;
	[tilespmem:$0x1FDD0] =	vst v59  }
0xb6: {  	v61 =	vadd.s32 $0x15E0, v33;
	v22 =	vunpack.c.0.s8.s32 v63;
	v0 =	vsel vm5, $0x88A, v0;
	[tilespmem:$0x1FDE0] =	vst v60  }
0xb7: {  	v63 =	vmul.u32 $0x81, v16;
	v62 =	vimm.s32 $0x13121110;
	v0 =	vsel vm4, $0x90B, v0;
	[tilespmem:$0x1FDF0] =	vst v33  }
0xb8: {  	v21 =	vunpack.c.0.s8.s32 v62;
	v62 =	vor.u32 $0x70, v16;
	v0 =	vsel vm3, $0x98C, v0;
	[tilespmem:$0x1FE00] =	vst v61  }
0xb9: {  	v36 =	vimm.s32 $0xC8F;
	v0 =	vsel vm2, $0xA0D, v0;
	[tilespmem:$0x1FE10] =	vst v62  }
0xba: {  	v39 =	vsel vm1, $0xA8E, v0;
	v0 =	vsel vm9, $0xD00, v36;
	[tilespmem:$0x1FE20] =	vst v63  }
0xbb: {  	v52 =	vimm.s32 $0x18171615;
	v0 =	vsel vm10, $0xD81, v0;
	[tilespmem:$0x1FE30] =	vst v3  }
0xbc: {  	v8 =	vunpack.c.0.s8.s32 v52;
	v45 =	vimm.s32 $0xF0F;
	v0 =	vsel vm11, $0xE02, v0;
	[tilespmem:$0x1FE40] =	vst v4  }
0xbd: {  	v2 =	vsel vm9, $0xF80, v45;
	v0 =	vsel vm12, $0xE83, v0;
	[tilespmem:$0x1FE50] =	vst v7  }
0xbe: {  	v2 =	vsel vm10, $0x801, v2;
	v0 =	vsel vm13, $0xF04, v0;
	[tilespmem:$0x1FE60] =	vst v8  }
0xbf: {  	v2 =	vsel vm11, $0x882, v2;
	v0 =	vsel vm14, $0xF85, v0;
	[tilespmem:$0x1FE70] =	vst v5  }
0xc0: {  	v2 =	vsel vm12, $0x903, v2;
	v0 =	vsel vm15, $0x806, v0;
	[tilespmem:$0x1FE80] =	vst v9  }
0xc1: {  	v2 =	vsel vm13, $0x984, v2;
	[tilespmem:$0x1FE90] =	vst v10;
	v0 =	vsel vm8, $0x887, v0  }
0xc2: {  	v2 =	vsel vm14, $0xA05, v2;
	[tilespmem:$0x1FEA0] =	vst v11;
	v0 =	vsel vm7, $0x908, v0  }
0xc3: {  	vm0 =	vcmask $0x1F10;
	v2 =	vsel vm15, $0xA86, v2;
	[tilespmem:$0x1FEB0] =	vst v12;
	v0 =	vsel vm6, $0x989, v0  }
0xc4: {  	v18 =	vor.u32 $0x10, v16;
	v2 =	vsel vm8, $0xB07, v2;
	[tilespmem:$0x1FEC0] =	vst v13;
	v0 =	vsel vm5, $0xA0A, v0  }
0xc5: {  	v44 =	vimm.s32 $0xE8F;
	v2 =	vsel vm7, $0xB88, v2;
	[tilespmem:$0x1FED0] =	vst v14;
	v0 =	vsel vm4, $0xA8B, v0  }
0xc6: {  	v43 =	vimm.s32 $0xE0F;
	v2 =	vsel vm6, $0xC09, v2;
	[tilespmem:$0x1FEE0] =	vst v15;
	v0 =	vsel vm3, $0xB0C, v0  }
0xc7: {  	v2 =	vsel vm5, $0xC8A, v2;
	v1 =	vsel vm9, $0xF00, v44;
	[tilespmem:$0x1FEF0] =	vst v32;
	v0 =	vsel vm2, $0xB8D, v0  }
0xc8: {  	v1 =	vsel vm10, $0xF81, v1;
	[tilespmem:$0x1FF00] =	vst v49;
	v40 =	vsel vm1, $0xC0E, v0;
	v0 =	vsel vm9, $0xE80, v43  }
0xc9: {  	v2 =	vsel vm4, $0xD0B, v2;
	v1 =	vsel vm11, $0x802, v1;
	[tilespmem:$0x1FF10] =	vst v27;
	v0 =	vsel vm10, $0xF01, v0  }
0xca: {  	v2 =	vsel vm3, $0xD8C, v2;
	[tilespmem:$0x1FF20] =	vst v50;
	v1 =	vsel vm12, $0x883, v1;
	v0 =	vsel vm11, $0xF82, v0  }
0xcb: {  	v2 =	vsel vm2, $0xE0D, v2;
	[tilespmem:$0x1FF30] =	vst v39;
	v1 =	vsel vm13, $0x904, v1;
	v0 =	vsel vm12, $0x803, v0  }
0xcc: {  	v46 =	vsel vm1, $0xE8E, v2;
	[tilespmem:$0x1FF40] =	vst v51;
	v1 =	vsel vm14, $0x985, v1;
	v0 =	vsel vm13, $0x884, v0  }
0xcd: {  	v16 =	vsel vm0, v4, v3;
	[tilespmem:$0x1FF70] =	vst v46;
	v1 =	vsel vm15, $0xA06, v1;
	v0 =	vsel vm14, $0x905, v0  }
0xce: {  	s10 =	simm.s32 $0x6500;
	[tilespmem:$0x1FF80] =	vst v16;
	v1 =	vsel vm8, $0xA87, v1;
	v0 =	vsel vm15, $0x986, v0  }
0xcf: {  	s0 =	stileid.u32;
	s9 =	simm.s32 $0x80;
	s11 =	simm.s32 $0x6480;
	v24 =	vimm.s32 $0x1B1A1918;
	[tilespmem:$0x1FF90] =	vst v6;
	v1 =	vsel vm7, $0xB08, v1;
	v0 =	vsel vm8, $0xA07, v0  }
0xd0: {  	s12 =	simm.s32 $0xA500;
	s13 =	simm.s32 $0x1;
	s14 =	simm.s32 $0xE500;
	v23 =	vunpack.c.0.s8.s32 v24;
	[tilespmem:$0x1FFA0] =	vst v21;
	v1 =	vsel vm6, $0xB89, v1;
	v0 =	vsel vm7, $0xA88, v0  }
0xd1: {  	s15 =	simm.s32 $0x400;
	s16 =	simm.s32 $0x20000;
	s17 =	simm.s32 $0x2;
	[tilespmem:$0x1FFB0] =	vst v22;
	v1 =	vsel vm5, $0xC0A, v1;
	v0 =	vsel vm6, $0xB09, v0  }
0xd2: {  	s18 =	simm.s32 $0x4;
	s19 =	simm.s32 $0xF500;
	s31 =	sshll.u32 s0, $0x1;
	[tilespmem:$0x1FFC0] =	vst v23;
	v1 =	vsel vm4, $0xC8B, v1;
	v0 =	vsel vm5, $0xB8A, v0  }
0xd3: {  	s20 =	simm.s32 $0x3;
	s6 =	sor.u32 s4, s31;
	s4 =	ssub.s32 $0x2, s4;
	[tilespmem:$0x1FFD0] =	vst v17;
	v1 =	vsel vm3, $0xD0C, v1;
	v0 =	vsel vm4, $0xC0B, v0  }
0xd4: {  	s7 =	smul.u32 $0xC80, s6;
	s8 =	sshrl.u32 s4, $0x1;
	s6 =	sshll.u32 s6, $0x9;
	[tilespmem:$0x1FFF0] =	vst v18;
	v1 =	vsel vm2, $0xD8D, v1;
	v0 =	vsel vm3, $0xC8C, v0  }
0xd5: {  	s21 =	simm.s32 $0x0;
	s8 =	ssub.s32 s4, s8;
	s5 =	sadd.s32 s5, s6;
	[tilespmem:$0x1FFE0] =	vst v40;
	v20 =	vsel vm1, $0xE0E, v1;
	v0 =	vsel vm2, $0xD0D, v0  }
0xd6: {  	s7 =	sadd.s32 s7, s3;
	s3 =	sadd.s32 $0xA00, s3;
	s6 =	smax.u32 s8, $0x1;
	[tilespmem:$0x1FF60] =	vst v20;
	v52 =	vsel vm1, $0xD8E, v0  }
0xd7: {  	s8 =	simm.s32 $0x6400;
	s4 =	sadd.s32 $0x3D1400, s7;
	s7 =	simm.s32 $0x5;
	[tilespmem:$0x1FF50] =	vst v52  }
.LBB2_1:
0xd8: {  	[tilespmem:s2], [sflag:$0x5] =	stream.linear.gather [hbm4b:s4+s2], $0x6400, $0x38;
	[tilespmem:$0x10500] =	vst v63  }
0xd9: {  	_ =	swait.ge [sflag:s7], $0x6400  }
0xda: {  	v0 =	vld [tilespmem:$0x1FDF0];
	_ =	sdelay $0x5  }
0xdb: {  	[sflag:s7] =	ssyncset.done $0x0  }
0xdc: {  	v51 =	vld [tilespmem:$0x1FB20];
	[sflag:s7] =	ssyncadd.s32 $0xFFFF9C00  }
0xdd: {  	v0 =	vld.idx.msk [tilespmem:v0+s2+$0x0], $0xffff  }
0xde: {  	v1 =	vlaneseq.u32;
	_ =	sdelay $0x3  }
0xdf: {  	v0 =	vshrl.u32 v0, $0x2  }
0xe0: {  	v52 =	vld [tilespmem:$0x1FD50];
	[tilespmem:v1+s8+$0x0] =	vst.idx.msk $0xffff, v0  }
0xe1: {  	v0 =	vld.idx.msk [tilespmem:v51+s2+$0x0], $0xffff;
	_ =	sdelay $0x4  }
0xe2: {  	v53 =	vld [tilespmem:$0x1FD60];
	v0 =	vshrl.u32 v0, $0x2  }
0xe3: {  	v54 =	vld [tilespmem:$0x1FD70];
	[tilespmem:v18+s8+$0x0] =	vst.idx.msk $0xffff, v0  }
0xe4: {  	v0 =	vld.idx.msk [tilespmem:v52+s2+$0x0], $0xffff;
	_ =	sdelay $0x4  }
0xe5: {  	v55 =	vld [tilespmem:$0x1FD80];
	v0 =	vshrl.u32 v0, $0x2  }
0xe6: {  	v56 =	vld [tilespmem:$0x1FD90];
	[tilespmem:v53+s8+$0x0] =	vst.idx.msk $0xffff, v0  }
0xe7: {  	v0 =	vld.idx.msk [tilespmem:v54+s2+$0x0], $0xffff;
	_ =	sdelay $0x4  }
0xe8: {  	v57 =	vld [tilespmem:$0x1FDA0];
	v0 =	vshrl.u32 v0, $0x2  }
0xe9: {  	v58 =	vld [tilespmem:$0x1FDB0];
	[tilespmem:v55+s8+$0x0] =	vst.idx.msk $0xffff, v0  }
0xea: {  	v0 =	vld.idx.msk [tilespmem:v56+s2+$0x0], $0xffff;
	_ =	sdelay $0x4  }
0xeb: {  	v59 =	vld [tilespmem:$0x1FDC0];
	v0 =	vshrl.u32 v0, $0x2  }
0xec: {  	v60 =	vld [tilespmem:$0x1FDD0];
	[tilespmem:v57+s8+$0x0] =	vst.idx.msk $0xffff, v0  }
0xed: {  	v0 =	vld.idx.msk [tilespmem:v58+s2+$0x0], $0xffff;
	_ =	sdelay $0x4  }
0xee: {  	v61 =	vld [tilespmem:$0x1FDE0];
	v0 =	vshrl.u32 v0, $0x2  }
0xef: {  	v62 =	vld [tilespmem:$0x1FE00];
	[tilespmem:v59+s8+$0x0] =	vst.idx.msk $0xffff, v0  }
0xf0: {  	v0 =	vld.idx.msk [tilespmem:v60+s2+$0x0], $0xffff;
	_ =	sdelay $0x4  }
0xf1: {  	v63 =	vld [tilespmem:$0x1FE10];
	v0 =	vshrl.u32 v0, $0x2  }
0xf2: {  	[tilespmem:v61+s8+$0x0] =	vst.idx.msk $0xffff, v0  }
0xf3: {  	v0 =	vld.idx.msk [tilespmem:v62+s2+$0x0], $0xffff;
	_ =	sdelay $0x4  }
0xf4: {  	v0 =	vshrl.u32 v0, $0x2  }
0xf5: {  	s22 =	simm.s32 $0x0;
	[tilespmem:v63+s8+$0x0] =	vst.idx.msk $0xffff, v0  }
0xf6: {  	[tilespmem:s10], [sflag:$0x1] =	stream.indirect.gather [hbm4b:s3+s9], $0x80, s8, s9, $0xb8;
	[tilespmem:$0x10500] =	vst v63  }
.LBB2_2:
0xf7: {  	s23 =	sshll.u32 s22, $0x8  }
0xf8: {  	s24 =	sand.u32 $0x100, s23  }
0xf9: {  	s23 =	sor.u32 $0x80, s24  }
0xfa: {  	v0 =	vmov s23  }
0xfb: {  	v3 =	vld [tilespmem:$0x1FDF0];
	[tilespmem:$0x1FAF0] =	vst v0;
	v0 =	vmul.u32 $0x32, v0  }
0xfc: {  	s25 =	sshrl.u32 s22, $0x1  }
0xfd: {  	v0 =	vadd.s32 s25, v0  }
0xfe: {  	v0 =	vbroadcast v0, $0x0;
	_ =	sdelay $0x1  }
0xff: {  	v3 =	vadd.s32 v3, v0;
	_ =	sdelay $0x3  }
0x100: {  	v4 =	vld [tilespmem:$0x1FB20]  }
0x101: {  	v3 =	vld.idx.msk [tilespmem:v3+s2+$0x0], $0xffff  }
0x102: {  	v1 =	vlaneseq.u32;
	_ =	sdelay $0x2  }
0x103: {  	v4 =	vadd.s32 v4, v0  }
0x104: {  	v3 =	vshrl.u32 v3, $0x2  }
0x105: {  	[tilespmem:v1+s11+$0x0] =	vst.idx.msk $0xffff, v3;
	v1 =	vld [tilespmem:$0x1FD50];
	_ =	sdelay $0x2  }
0x106: {  	v3 =	vld.idx.msk [tilespmem:v4+s2+$0x0], $0xffff;
	_ =	sdelay $0x1  }
0x107: {  	v4 =	vadd.s32 v1, v0  }
0x108: {  	v1 =	vld [tilespmem:$0x1FD70];
	_ =	sdelay $0x1  }
0x109: {  	v3 =	vshrl.u32 v3, $0x2  }
0x10a: {  	[tilespmem:v18+s11+$0x0] =	vst.idx.msk $0xffff, v3  }
0x10b: {  	v3 =	vld.idx.msk [tilespmem:v4+s2+$0x0], $0xffff  }
0x10c: {  	v4 =	vadd.s32 v1, v0;
	v1 =	vld [tilespmem:$0x1FD60];
	_ =	sdelay $0x6  }
0x10d: {  	v3 =	vshrl.u32 v3, $0x2  }
0x10e: {  	[tilespmem:v1+s11+$0x0] =	vst.idx.msk $0xffff, v3;
	v1 =	vld [tilespmem:$0x1FD90];
	_ =	sdelay $0x3  }
0x10f: {  	v3 =	vld.idx.msk [tilespmem:v4+s2+$0x0], $0xffff  }
0x110: {  	v4 =	vadd.s32 v1, v0;
	v1 =	vld [tilespmem:$0x1FD80];
	_ =	sdelay $0x6  }
0x111: {  	v3 =	vshrl.u32 v3, $0x2  }
0x112: {  	[tilespmem:v1+s11+$0x0] =	vst.idx.msk $0xffff, v3;
	v1 =	vld [tilespmem:$0x1FDB0];
	_ =	sdelay $0x3  }
0x113: {  	v3 =	vld.idx.msk [tilespmem:v4+s2+$0x0], $0xffff  }
0x114: {  	v4 =	vadd.s32 v1, v0;
	v1 =	vld [tilespmem:$0x1FDA0];
	_ =	sdelay $0x6  }
0x115: {  	v3 =	vshrl.u32 v3, $0x2  }
0x116: {  	[tilespmem:v1+s11+$0x0] =	vst.idx.msk $0xffff, v3;
	v1 =	vld [tilespmem:$0x1FDD0];
	_ =	sdelay $0x3  }
0x117: {  	v3 =	vld.idx.msk [tilespmem:v4+s2+$0x0], $0xffff  }
0x118: {  	v4 =	vadd.s32 v1, v0;
	v1 =	vld [tilespmem:$0x1FDC0];
	_ =	sdelay $0x6  }
0x119: {  	v3 =	vshrl.u32 v3, $0x2  }
0x11a: {  	[tilespmem:v1+s11+$0x0] =	vst.idx.msk $0xffff, v3;
	v1 =	vld [tilespmem:$0x1FE00];
	_ =	sdelay $0x4  }
0x11b: {  	v0 =	vadd.s32 v1, v0;
	v1 =	vld [tilespmem:$0x1FDE0];
	_ =	sdelay $0x1  }
0x11c: {  	v3 =	vld.idx.msk [tilespmem:v4+s2+$0x0], $0xffff;
	_ =	sdelay $0x4  }
0x11d: {  	v3 =	vshrl.u32 v3, $0x2  }
0x11e: {  	[tilespmem:v1+s11+$0x0] =	vst.idx.msk $0xffff, v3;
	v1 =	vld [tilespmem:$0x1FE10];
	_ =	sdelay $0x1  }
0x11f: {  	v0 =	vld.idx.msk [tilespmem:v0+s2+$0x0], $0xffff;
	_ =	sdelay $0x4  }
0x120: {  	v0 =	vshrl.u32 v0, $0x2  }
0x121: {  	[tilespmem:v1+s11+$0x0] =	vst.idx.msk $0xffff, v0  }
0x122: {  	[tilespmem:s12], [sflag:$0x2] =	stream.indirect.gather [hbm4b:s3+s9], $0x80, s11, s9, $0xb8;
	[tilespmem:$0x10500] =	vst v63  }
0x123: {  	_ =	swait.ge [sflag:s13], $0x4000  }
0x124: {  	p0 =	seq.s32 s22, $0x0;
	[sflag:s13] =	ssyncset.done $0x0  }
0x125: {  	s28 =	simm.s32 @!p0 $0x3;
	[sflag:s13] =	ssyncadd.s32 $0xFFFFC000  }
0x126: {  	v0 =	vmov s24;
	_ =	swait.ge @!p0 [sflag:s28], $0x1000  }
0x127: {  	v1 =	vmov s25;
	[sflag:s28] =	ssyncset.done @!p0 $0x0;
	[tilespmem:$0x1FB00] =	vst v0  }
0x128: {  	s26 =	sshll.u32 s22, $0x1;
	v2 =	vld [tilespmem:$0x1FE20];
	[tilespmem:$0x1FB10] =	vst v1;
	[sflag:s28] =	ssyncadd.s32 @!p0 $0xFFFFF000;
	s28 =	simm.s32 $0x0  }
.LBB2_3:
0x129: {  	v4 =	vld [tilespmem:$0x1FB00];
	_ =	sdelay $0x2  }
0x12a: {  	v3 =	vlaneseq.u32  }
0x12b: {  	v0 =	vor.u32 s28, v3  }
0x12c: {  	v4 =	vadd.s32 v4, v0  }
0x12d: {  	v24 =	vld [tilespmem:$0x1FB30];
	v4 =	vmul.u32 $0x32, v4  }
0x12e: {  	v20 =	vld [tilespmem:$0x1FB40]  }
0x12f: {  	v21 =	vld [tilespmem:$0x1FB50];
	v4 =	vadd.s32 v1, v4  }
0x130: {  	v22 =	vld [tilespmem:$0x1FB60]  }
0x131: {  	v29 =	vld [tilespmem:$0x1FB80]  }
0x132: {  	v25 =	vld [tilespmem:$0x1FB90]  }
0x133: {  	v31 =	vld [tilespmem:$0x1FBA0]  }
0x134: {  	v4 =	vld.idx.msk [tilespmem:v4+s2+$0x0], $0xffff  }
0x135: {  	v34 =	vld [tilespmem:$0x1FBB0]  }
0x136: {  	v27 =	vld [tilespmem:$0x1FBC0]  }
0x137: {  	v49 =	vld [tilespmem:$0x1FBD0]  }
0x138: {  	v50 =	vld [tilespmem:$0x1FBE0]  }
0x139: {  	v51 =	vld [tilespmem:$0x1FBF0];
	v4 =	vshll.u32 v4, $0x5  }
0x13a: {  	v52 =	vld [tilespmem:$0x1FC00];
	v0 =	vshll.u32 v0, $0x7;
	v4 =	vand.u32 $0x60, v4  }
0x13b: {  	v54 =	vld [tilespmem:$0x1FC10];
	v4 =	vor.u32 v0, v4  }
0x13c: {  	v1 =	vld [tilespmem:$0x1FB70];
	v0 =	vor.u32 v3, v4  }
0x13d: {  	v53 =	vld [tilespmem:$0x1FC20];
	v33 =	vor.u32 v24, v4  }
0x13e: {  	v30 =	vld [tilespmem:$0x1FC30];
	v35 =	vor.u32 v20, v4  }
0x13f: {  	v57 =	vld [tilespmem:$0x1FC40];
	v36 =	vor.u32 v21, v4  }
0x140: {  	v58 =	vld [tilespmem:$0x1FC50];
	v37 =	vor.u32 v22, v4  }
0x141: {  	v38 =	vor.u32 v1, v4;
	v0 =	vld.idx.msk [tilespmem:v0+s10+$0x0], $0xffff  }
0x142: {  	v39 =	vor.u32 v29, v4;
	v33 =	vld.idx.msk [tilespmem:v33+s10+$0x0], $0xffff  }
0x143: {  	v41 =	vor.u32 s28, v2;
	v40 =	vor.u32 v25, v4;
	v35 =	vld.idx.msk [tilespmem:v35+s10+$0x0], $0xffff  }
0x144: {  	v42 =	vor.u32 s28, v31;
	v36 =	vld.idx.msk [tilespmem:v36+s10+$0x0], $0xffff  }
0x145: {  	v43 =	vor.u32 s28, v34;
	v37 =	vld.idx.msk [tilespmem:v37+s10+$0x0], $0xffff  }
0x146: {  	v44 =	vor.u32 s28, v27;
	v38 =	vld.idx.msk [tilespmem:v38+s10+$0x0], $0xffff  }
0x147: {  	v45 =	vor.u32 s28, v49;
	v39 =	vld.idx.msk [tilespmem:v39+s10+$0x0], $0xffff  }
0x148: {  	v40 =	vld.idx.msk [tilespmem:v40+s10+$0x0], $0xffff;
	[tilespmem:v41+s14+$0x0] =	vst.idx.msk $0xffff, v0;
	v0 =	vor.u32 s28, v50  }
0x149: {  	v56 =	vld [tilespmem:$0x1FC80];
	v23 =	vor.u32 s28, v51;
	[tilespmem:v42+s14+$0x0] =	vst.idx.msk $0xffff, v33  }
0x14a: {  	v55 =	vld [tilespmem:$0x1FC60];
	[tilespmem:v43+s14+$0x0] =	vst.idx.msk $0xffff, v35  }
0x14b: {  	v28 =	vld [tilespmem:$0x1FC70];
	[tilespmem:v44+s14+$0x0] =	vst.idx.msk $0xffff, v36  }
0x14c: {  	v62 =	vld [tilespmem:$0x1FC90];
	v41 =	vor.u32 s28, v52;
	[tilespmem:v45+s14+$0x0] =	vst.idx.msk $0xffff, v37  }
0x14d: {  	v63 =	vld [tilespmem:$0x1FCA0];
	v42 =	vor.u32 v54, v4;
	[tilespmem:v0+s14+$0x0] =	vst.idx.msk $0xffff, v38  }
0x14e: {  	v59 =	vld [tilespmem:$0x1FCB0];
	[tilespmem:v23+s14+$0x0] =	vst.idx.msk $0xffff, v39;
	v23 =	vor.u32 v56, v4  }
0x14f: {  	v60 =	vld [tilespmem:$0x1FCC0]  }
0x150: {  	v61 =	vld [tilespmem:$0x1FCE0];
	v43 =	vor.u32 v53, v4  }
0x151: {  	v1 =	vld [tilespmem:$0x1FCF0];
	v44 =	vor.u32 v57, v4;
	[tilespmem:v41+s14+$0x0] =	vst.idx.msk $0xffff, v40  }
0x152: {  	v0 =	vor.u32 v30, v4;
	v36 =	vld.idx.msk [tilespmem:v42+s10+$0x0], $0xffff  }
0x153: {  	v46 =	vor.u32 v55, v4;
	v40 =	vld.idx.msk [tilespmem:v23+s10+$0x0], $0xffff  }
0x154: {  	v45 =	vor.u32 v58, v4;
	v23 =	vld [tilespmem:$0x1FCD0]  }
0x155: {  	v47 =	vor.u32 v28, v4;
	v41 =	vor.u32 s28, v62;
	v37 =	vld.idx.msk [tilespmem:v43+s10+$0x0], $0xffff  }
0x156: {  	v48 =	vor.u32 s28, v63;
	v33 =	vld.idx.msk [tilespmem:v44+s10+$0x0], $0xffff  }
0x157: {  	v43 =	vor.u32 s28, v59;
	v0 =	vld.idx.msk [tilespmem:v0+s10+$0x0], $0xffff  }
0x158: {  	v38 =	vld.idx.msk [tilespmem:v46+s10+$0x0], $0xffff;
	v44 =	vor.u32 s28, v60  }
0x159: {  	v35 =	vld.idx.msk [tilespmem:v45+s10+$0x0], $0xffff;
	v32 =	vor.u32 s28, v23  }
0x15a: {  	v39 =	vld.idx.msk [tilespmem:v47+s10+$0x0], $0xffff;
	v47 =	vor.u32 s28, v61;
	[tilespmem:v41+s14+$0x0] =	vst.idx.msk $0xffff, v36  }
0x15b: {  	[tilespmem:v48+s14+$0x0] =	vst.idx.msk $0xffff, v37  }
0x15c: {  	v6 =	vld [tilespmem:$0x1FFB0];
	v48 =	vor.u32 s28, v1;
	[tilespmem:v43+s14+$0x0] =	vst.idx.msk $0xffff, v0  }
0x15d: {  	v46 =	vsel vm0, v11, v10;
	v45 =	vsel vm0, v9, v5;
	v5 =	vld [tilespmem:$0x1FFA0];
	[tilespmem:v44+s14+$0x0] =	vst.idx.msk $0xffff, v33  }
0x15e: {  	v3 =	vcombine.low v46, v45;
	v33 =	vld [tilespmem:$0x1FFC0];
	[tilespmem:v32+s14+$0x0] =	vst.idx.msk $0xffff, v35  }
0x15f: {  	v32 =	vld [tilespmem:$0x1FF90];
	[tilespmem:v47+s14+$0x0] =	vst.idx.msk $0xffff, v38;
	v38 =	vsel vm0, v8, v7  }
0x160: {  	[tilespmem:$0x1FAA0] =	vst v3;
	v1 =	vcombine.low v38, v16  }
0x161: {  	[tilespmem:v48+s14+$0x0] =	vst.idx.msk $0xffff, v39;
	v39 =	vor.u32 v3, v4;
	v3 =	vld [tilespmem:$0x1FE50]  }
0x162: {  	[tilespmem:$0x1FAD0] =	vst v1;
	v42 =	vor.u32 v1, v4;
	v1 =	vld [tilespmem:$0x1FE40]  }
0x163: {  	v47 =	vsel vm0, v13, v12;
	v48 =	vsel vm0, v15, v14  }
0x164: {  	v37 =	vsel vm0, v33, v6;
	v7 =	vcombine.low v48, v47;
	v41 =	vsel vm0, v5, v32  }
0x165: {  	v8 =	vcombine.low v37, v41  }
0x166: {  	[tilespmem:$0x1FAC0] =	vst v7  }
0x167: {  	v44 =	vor.u32 v7, v4;
	[tilespmem:$0x1FAB0] =	vst v8;
	v7 =	vor.u32 v8, v4;
	v8 =	vsel vm0, v3, v1;
	v3 =	vld [tilespmem:$0x1FE60]  }
0x168: {  	v1 =	vld [tilespmem:$0x1FE30];
	_ =	sdelay $0x2  }
0x169: {  	v10 =	vld [tilespmem:$0x1FE90]  }
0x16a: {  	v36 =	vld [tilespmem:$0x1FD00]  }
0x16b: {  	v9 =	vsel vm0, v1, v3;
	v3 =	vld [tilespmem:$0x1FE80];
	_ =	sdelay $0x3  }
0x16c: {  	v11 =	vld [tilespmem:$0x1FEA0]  }
0x16d: {  	v0 =	vor.u32 s28, v36;
	v10 =	vsel vm0, v10, v3;
	v3 =	vld [tilespmem:$0x1FE70];
	_ =	sdelay $0x4  }
0x16e: {  	[tilespmem:v0+s14+$0x0] =	vst.idx.msk $0xffff, v40;
	v0 =	vld [tilespmem:$0x1FFF0];
	v16 =	vcombine.low v9, v8;
	v11 =	vsel vm0, v3, v11  }
0x16f: {  	v1 =	vcombine.low v11, v10  }
0x170: {  	[tilespmem:$0x1FA80] =	vst v16;
	v3 =	vld [tilespmem:$0x1FEB0]  }
0x171: {  	v12 =	vsel vm0, v14, v13;
	v14 =	vor.u32 v16, v4;
	[tilespmem:$0x1FA90] =	vst v1;
	v16 =	vor.u32 v1, v4;
	v1 =	vld [tilespmem:$0x1FE20];
	_ =	sdelay $0x1  }
0x172: {  	v2 =	vld [tilespmem:$0x1FEF0];
	v0 =	vor.u32 v0, v4  }
0x173: {  	v35 =	vld [tilespmem:$0x1FF10]  }
0x174: {  	v17 =	vld.idx.msk [tilespmem:v39+s10+$0x0], $0xffff;
	v13 =	vsel vm0, v3, v15  }
0x175: {  	v3 =	vcombine.low v13, v12;
	v40 =	vor.u32 $0x800, v1;
	v1 =	vld [tilespmem:$0x1FD10]  }
0x176: {  	v18 =	vld.idx.msk [tilespmem:v44+s10+$0x0], $0xffff  }
0x177: {  	v0 =	vld.idx.msk [tilespmem:v0+s10+$0x0], $0xffff;
	v43 =	vor.u32 v3, v4  }
0x178: {  	v7 =	vld.idx.msk [tilespmem:v7+s10+$0x0], $0xffff  }
0x179: {  	v14 =	vld.idx.msk [tilespmem:v14+s10+$0x0], $0xffff;
	v44 =	vor.u32 s28, v40  }
0x17a: {  	v39 =	vmovc v59;
	v59 =	vmov v52;
	v15 =	vld.idx.msk [tilespmem:v42+s10+$0x0], $0xffff;
	v19 =	vor.u32 s28, v1;
	v1 =	vmov v61  }
0x17b: {  	v61 =	vmovc v56;
	v56 =	vmovc v30;
	v30 =	vmov v25;
	v25 =	vmov v20;
	v20 =	vor.u32 s28, v2;
	v2 =	vld [tilespmem:$0x1FF00]  }
0x17c: {  	v52 =	vmovc v51;
	v51 =	vmovc v50;
	v50 =	vmov v49;
	v49 =	vmov v27;
	v27 =	vmov v22;
	v22 =	vld.idx.msk [tilespmem:v43+s10+$0x0], $0xffff  }
0x17d: {  	v43 =	vld [tilespmem:$0x1FD20]  }
0x17e: {  	v16 =	vld.idx.msk [tilespmem:v16+s10+$0x0], $0xffff;
	[tilespmem:v44+s14+$0x0] =	vst.idx.msk $0xffff, v0  }
0x17f: {  	[tilespmem:v19+s14+$0x0] =	vst.idx.msk $0xffff, v15;
	v19 =	vmovc v24;
	v24 =	vmovc v29;
	v29 =	vmov v54;
	v54 =	vmov v57;
	v57 =	vmov v1;
	v1 =	vld [tilespmem:$0x1FF30]  }
0x180: {  	v15 =	vld [tilespmem:$0x1FF20]  }
0x181: {  	v26 =	vmov v21;
	v45 =	vcombine.low v45, v46;
	v21 =	vor.u32 s28, v2  }
0x182: {  	v46 =	vcombine.low v47, v48;
	[tilespmem:$0x1FA70] =	vst v3;
	v3 =	vmovc v23;
	v2 =	vmov v34;
	v23 =	vor.u32 s28, v43  }
0x183: {  	v47 =	vcombine.low v41, v37;
	v41 =	vmovc v27;
	v42 =	vmovc v35;
	v0 =	vor.u32 s28, v35;
	v27 =	vmov v2;
	v2 =	vld [tilespmem:$0x1FFD0]  }
0x184: {  	v35 =	vsel vm0, v32, v33;
	v34 =	vsel vm0, v6, v5;
	[tilespmem:v20+s14+$0x0] =	vst.idx.msk $0xffff, v17;
	v17 =	vor.u32 s28, v1;
	v1 =	vld [tilespmem:$0x1FF80]  }
0x185: {  	v44 =	vcombine.low v35, v34;
	v15 =	vor.u32 s28, v15  }
0x186: {  	v43 =	vmov v36;
	[tilespmem:v21+s14+$0x0] =	vst.idx.msk $0xffff, v18  }
0x187: {  	v5 =	vor.u32 v46, v4;
	v36 =	vmov v59;
	v59 =	vld [tilespmem:$0x1FD40];
	v18 =	vor.u32 v44, v4;
	[tilespmem:v23+s14+$0x0] =	vst.idx.msk $0xffff, v7  }
0x188: {  	v20 =	vmov v25;
	v35 =	vmov v52;
	v52 =	vld [tilespmem:$0x1FF50];
	[tilespmem:v0+s14+$0x0] =	vst.idx.msk $0xffff, v14;
	v14 =	vor.u32 v45, v4  }
0x189: {  	v25 =	vmovc v30;
	v30 =	vmovc v56;
	v0 =	vcombine.low v12, v13;
	v13 =	vor.u32 s28, v2;
	v2 =	vld [tilespmem:$0x1FFE0];
	v56 =	vcombine.low v1, v38  }
0x18a: {  	[tilespmem:v15+s14+$0x0] =	vst.idx.msk $0xffff, v16;
	v1 =	vmov v51;
	v51 =	vld [tilespmem:$0x1FF40]  }
0x18b: {  	v48 =	vcombine.low v8, v9;
	v38 =	vld [tilespmem:$0x1FD30];
	[tilespmem:v17+s14+$0x0] =	vst.idx.msk $0xffff, v22;
	v7 =	vor.u32 v56, v4  }
0x18c: {  	v33 =	vcombine.low v10, v11;
	v6 =	vor.u32 v47, v4;
	v8 =	vld.idx.msk [tilespmem:v18+s10+$0x0], $0xffff  }
0x18d: {  	v9 =	vor.u32 v48, v4;
	v11 =	vld.idx.msk [tilespmem:v14+s10+$0x0], $0xffff  }
0x18e: {  	v10 =	vor.u32 v33, v4;
	v5 =	vld.idx.msk [tilespmem:v5+s10+$0x0], $0xffff  }
0x18f: {  	v4 =	vor.u32 v0, v4;
	v14 =	vor.u32 s28, v2;
	v2 =	vld [tilespmem:$0x1FB00];
	v12 =	vor.u32 s28, v51  }
0x190: {  	v7 =	vld.idx.msk [tilespmem:v7+s10+$0x0], $0xffff  }
0x191: {  	v6 =	vld.idx.msk [tilespmem:v6+s10+$0x0], $0xffff  }
0x192: {  	v9 =	vld.idx.msk [tilespmem:v9+s10+$0x0], $0xffff;
	v15 =	vor.u32 s28, v38  }
0x193: {  	s29 =	sadd.s32 $0x10, s28;
	v18 =	vlaneseq.u32;
	v10 =	vld.idx.msk [tilespmem:v10+s10+$0x0], $0xffff  }
0x194: {  	v17 =	vor.u32 s29, v18;
	v4 =	vld.idx.msk [tilespmem:v4+s10+$0x0], $0xffff;
	[tilespmem:v12+s14+$0x0] =	vst.idx.msk $0xffff, v8  }
0x195: {  	v12 =	vadd.s32 v2, v17;
	v2 =	vld [tilespmem:$0x1FF60];
	[tilespmem:v13+s14+$0x0] =	vst.idx.msk $0xffff, v7  }
0x196: {  	v21 =	vmov v26;
	v26 =	vmov v31;
	v31 =	vmov v58;
	v58 =	vld [tilespmem:$0x1FF70];
	[tilespmem:v14+s14+$0x0] =	vst.idx.msk $0xffff, v11  }
0x197: {  	[tilespmem:v15+s14+$0x0] =	vst.idx.msk $0xffff, v5;
	v5 =	vld [tilespmem:$0x1FB10]  }
0x198: {  	v16 =	vor.u32 s28, v59  }
0x199: {  	v8 =	vor.u32 s28, v52  }
0x19a: {  	v12 =	vmul.u32 $0x32, v12;
	v7 =	vor.u32 s28, v2  }
0x19b: {  	v11 =	vor.u32 s28, v58  }
0x19c: {  	v5 =	vadd.s32 v5, v12  }
0x19d: {  	[tilespmem:v16+s14+$0x0] =	vst.idx.msk $0xffff, v6  }
0x19e: {  	[tilespmem:v8+s14+$0x0] =	vst.idx.msk $0xffff, v9  }
0x19f: {  	[tilespmem:v7+s14+$0x0] =	vst.idx.msk $0xffff, v10  }
0x1a0: {  	[tilespmem:v11+s14+$0x0] =	vst.idx.msk $0xffff, v4  }
0x1a1: {  	v4 =	vld.idx.msk [tilespmem:v5+s2+$0x0], $0xffff;
	_ =	sdelay $0x4  }
0x1a2: {  	v4 =	vshll.u32 v4, $0x5  }
0x1a3: {  	v5 =	vshll.u32 v17, $0x7;
	v4 =	vand.u32 $0x60, v4  }
0x1a4: {  	v4 =	vor.u32 v5, v4  }
0x1a5: {  	v23 =	vld [tilespmem:$0x1FB70];
	v5 =	vor.u32 v18, v4  }
0x1a6: {  	v6 =	vor.u32 v19, v4  }
0x1a7: {  	v2 =	vld [tilespmem:$0x1FE20];
	v7 =	vor.u32 v20, v4  }
0x1a8: {  	v8 =	vor.u32 v21, v4  }
0x1a9: {  	v9 =	vor.u32 v41, v4  }
0x1aa: {  	v10 =	vor.u32 v23, v4;
	v5 =	vld.idx.msk [tilespmem:v5+s10+$0x0], $0xffff  }
0x1ab: {  	v11 =	vor.u32 v24, v4;
	v6 =	vld.idx.msk [tilespmem:v6+s10+$0x0], $0xffff  }
0x1ac: {  	v13 =	vor.u32 s29, v2;
	v12 =	vor.u32 v25, v4;
	v7 =	vld.idx.msk [tilespmem:v7+s10+$0x0], $0xffff  }
0x1ad: {  	v14 =	vor.u32 s29, v26;
	v8 =	vld.idx.msk [tilespmem:v8+s10+$0x0], $0xffff  }
0x1ae: {  	v34 =	vmov v3;
	v3 =	vmov v49;
	v15 =	vor.u32 s29, v27;
	v9 =	vld.idx.msk [tilespmem:v9+s10+$0x0], $0xffff  }
0x1af: {  	v32 =	vmov v50;
	v16 =	vor.u32 s29, v3;
	v10 =	vld.idx.msk [tilespmem:v10+s10+$0x0], $0xffff  }
0x1b0: {  	v17 =	vor.u32 s29, v32;
	v11 =	vld.idx.msk [tilespmem:v11+s10+$0x0], $0xffff  }
0x1b1: {  	v12 =	vld.idx.msk [tilespmem:v12+s10+$0x0], $0xffff;
	[tilespmem:v13+s14+$0x0] =	vst.idx.msk $0xffff, v5;
	v5 =	vor.u32 s29, v1  }
0x1b2: {  	[tilespmem:v14+s14+$0x0] =	vst.idx.msk $0xffff, v6;
	v6 =	vor.u32 s29, v35  }
0x1b3: {  	v37 =	vld [tilespmem:$0x1FAC0];
	[tilespmem:v15+s14+$0x0] =	vst.idx.msk $0xffff, v7;
	v7 =	vor.u32 s29, v36  }
0x1b4: {  	v50 =	vld [tilespmem:$0x1FF20];
	[tilespmem:v16+s14+$0x0] =	vst.idx.msk $0xffff, v8;
	v8 =	vor.u32 v29, v4  }
0x1b5: {  	v49 =	vld [tilespmem:$0x1FF00];
	[tilespmem:v17+s14+$0x0] =	vst.idx.msk $0xffff, v9;
	v9 =	vor.u32 v53, v4  }
0x1b6: {  	v3 =	vld [tilespmem:$0x1FCF0];
	[tilespmem:v5+s14+$0x0] =	vst.idx.msk $0xffff, v10;
	v5 =	vor.u32 v30, v4  }
0x1b7: {  	v21 =	vld [tilespmem:$0x1FAA0];
	v10 =	vor.u32 v55, v4;
	[tilespmem:v6+s14+$0x0] =	vst.idx.msk $0xffff, v11  }
0x1b8: {  	v6 =	vor.u32 v54, v4;
	v54 =	vld [tilespmem:$0x1FAD0];
	[tilespmem:v7+s14+$0x0] =	vst.idx.msk $0xffff, v12  }
0x1b9: {  	v11 =	vor.u32 v28, v4;
	v8 =	vld.idx.msk [tilespmem:v8+s10+$0x0], $0xffff  }
0x1ba: {  	v7 =	vor.u32 v31, v4;
	v9 =	vld.idx.msk [tilespmem:v9+s10+$0x0], $0xffff  }
0x1bb: {  	v13 =	vor.u32 s29, v62;
	v12 =	vor.u32 v61, v4;
	v5 =	vld.idx.msk [tilespmem:v5+s10+$0x0], $0xffff  }
0x1bc: {  	v14 =	vor.u32 s29, v63;
	v10 =	vld.idx.msk [tilespmem:v10+s10+$0x0], $0xffff  }
0x1bd: {  	v15 =	vor.u32 s29, v39;
	v6 =	vld.idx.msk [tilespmem:v6+s10+$0x0], $0xffff  }
0x1be: {  	v16 =	vor.u32 s29, v60;
	v11 =	vld.idx.msk [tilespmem:v11+s10+$0x0], $0xffff  }
0x1bf: {  	v17 =	vor.u32 s29, v34;
	v7 =	vld.idx.msk [tilespmem:v7+s10+$0x0], $0xffff  }
0x1c0: {  	v12 =	vld.idx.msk [tilespmem:v12+s10+$0x0], $0xffff;
	[tilespmem:v13+s14+$0x0] =	vst.idx.msk $0xffff, v8;
	v8 =	vor.u32 s29, v57  }
0x1c1: {  	[tilespmem:v14+s14+$0x0] =	vst.idx.msk $0xffff, v9;
	v9 =	vor.u32 s29, v3;
	v3 =	vld [tilespmem:$0x1FFF0]  }
0x1c2: {  	v22 =	vld [tilespmem:$0x1FA80];
	[tilespmem:v15+s14+$0x0] =	vst.idx.msk $0xffff, v5  }
0x1c3: {  	v32 =	vld [tilespmem:$0x1FEF0];
	v5 =	vor.u32 s29, v43;
	[tilespmem:v16+s14+$0x0] =	vst.idx.msk $0xffff, v6  }
0x1c4: {  	v24 =	vmov v40;
	v40 =	vld [tilespmem:$0x1FA90];
	[tilespmem:v17+s14+$0x0] =	vst.idx.msk $0xffff, v7;
	v7 =	vor.u32 v54, v4  }
0x1c5: {  	v25 =	vmov v44;
	v44 =	vld [tilespmem:$0x1FAB0];
	[tilespmem:v8+s14+$0x0] =	vst.idx.msk $0xffff, v10;
	v8 =	vor.u32 v21, v4  }
0x1c6: {  	v6 =	vor.u32 v3, v4;
	v3 =	vld [tilespmem:$0x1FD10]  }
0x1c7: {  	v23 =	vld [tilespmem:$0x1FA70];
	[tilespmem:v9+s14+$0x0] =	vst.idx.msk $0xffff, v11  }
0x1c8: {  	v19 =	vld [tilespmem:$0x1FF30];
	v10 =	vor.u32 v22, v4;
	[tilespmem:v5+s14+$0x0] =	vst.idx.msk $0xffff, v12  }
0x1c9: {  	v9 =	vor.u32 v37, v4;
	v7 =	vld.idx.msk [tilespmem:v7+s10+$0x0], $0xffff  }
0x1ca: {  	v11 =	vor.u32 v40, v4;
	v8 =	vld.idx.msk [tilespmem:v8+s10+$0x0], $0xffff  }
0x1cb: {  	v5 =	vor.u32 v44, v4;
	v14 =	vor.u32 s29, v3;
	v3 =	vld [tilespmem:$0x1FD20]  }
0x1cc: {  	v13 =	vor.u32 s29, v24;
	v12 =	vor.u32 v23, v4;
	v6 =	vld.idx.msk [tilespmem:v6+s10+$0x0], $0xffff  }
0x1cd: {  	v10 =	vld.idx.msk [tilespmem:v10+s10+$0x0], $0xffff  }
0x1ce: {  	v15 =	vor.u32 s29, v32;
	v9 =	vld.idx.msk [tilespmem:v9+s10+$0x0], $0xffff  }
0x1cf: {  	v16 =	vor.u32 s29, v49;
	v11 =	vld.idx.msk [tilespmem:v11+s10+$0x0], $0xffff  }
0x1d0: {  	v5 =	vld.idx.msk [tilespmem:v5+s10+$0x0], $0xffff;
	v17 =	vor.u32 s29, v3  }
0x1d1: {  	v12 =	vld.idx.msk [tilespmem:v12+s10+$0x0], $0xffff;
	[tilespmem:v13+s14+$0x0] =	vst.idx.msk $0xffff, v6;
	v6 =	vor.u32 s29, v42  }
0x1d2: {  	[tilespmem:v14+s14+$0x0] =	vst.idx.msk $0xffff, v7;
	v7 =	vor.u32 s29, v50  }
0x1d3: {  	[tilespmem:v15+s14+$0x0] =	vst.idx.msk $0xffff, v8;
	v8 =	vor.u32 s29, v19  }
0x1d4: {  	[tilespmem:v16+s14+$0x0] =	vst.idx.msk $0xffff, v9;
	v9 =	vor.u32 v25, v4  }
0x1d5: {  	v20 =	vld [tilespmem:$0x1FF60];
	[tilespmem:v17+s14+$0x0] =	vst.idx.msk $0xffff, v5;
	v5 =	vor.u32 v56, v4  }
0x1d6: {  	v1 =	vld [tilespmem:$0x1FB10];
	[tilespmem:v6+s14+$0x0] =	vst.idx.msk $0xffff, v10;
	v6 =	vor.u32 v45, v4  }
0x1d7: {  	v36 =	vld [tilespmem:$0x1FFE0];
	v10 =	vor.u32 v48, v4;
	[tilespmem:v7+s14+$0x0] =	vst.idx.msk $0xffff, v11  }
0x1d8: {  	v17 =	vld [tilespmem:$0x1FFD0];
	v7 =	vor.u32 v46, v4;
	[tilespmem:v8+s14+$0x0] =	vst.idx.msk $0xffff, v12  }
0x1d9: {  	v11 =	vor.u32 v33, v4;
	v9 =	vld.idx.msk [tilespmem:v9+s10+$0x0], $0xffff  }
0x1da: {  	v8 =	vor.u32 v47, v4;
	v5 =	vld.idx.msk [tilespmem:v5+s10+$0x0], $0xffff  }
0x1db: {  	v4 =	vor.u32 v0, v4;
	v6 =	vld.idx.msk [tilespmem:v6+s10+$0x0], $0xffff  }
0x1dc: {  	v12 =	vor.u32 s29, v51;
	v10 =	vld.idx.msk [tilespmem:v10+s10+$0x0], $0xffff  }
0x1dd: {  	v13 =	vor.u32 s29, v17;
	v7 =	vld.idx.msk [tilespmem:v7+s10+$0x0], $0xffff  }
0x1de: {  	v14 =	vor.u32 s29, v36;
	v11 =	vld.idx.msk [tilespmem:v11+s10+$0x0], $0xffff  }
0x1df: {  	v15 =	vor.u32 s29, v38;
	v8 =	vld.idx.msk [tilespmem:v8+s10+$0x0], $0xffff  }
0x1e0: {  	v4 =	vld.idx.msk [tilespmem:v4+s10+$0x0], $0xffff  }
0x1e1: {  	v16 =	vor.u32 s29, v59;
	[tilespmem:v12+s14+$0x0] =	vst.idx.msk $0xffff, v9;
	v12 =	vld [tilespmem:$0x1FEB0]  }
0x1e2: {  	[tilespmem:v13+s14+$0x0] =	vst.idx.msk $0xffff, v5;
	v13 =	vld [tilespmem:$0x1FEC0]  }
0x1e3: {  	v9 =	vor.u32 s29, v52;
	[tilespmem:v14+s14+$0x0] =	vst.idx.msk $0xffff, v6;
	v14 =	vld [tilespmem:$0x1FED0]  }
0x1e4: {  	[tilespmem:v15+s14+$0x0] =	vst.idx.msk $0xffff, v7;
	v15 =	vld [tilespmem:$0x1FEE0]  }
0x1e5: {  	v5 =	vor.u32 s29, v20;
	v7 =	vld [tilespmem:$0x1FE50]  }
0x1e6: {  	p1 =	sne.s32 s28, $0x60;
	v6 =	vor.u32 s29, v58;
	[tilespmem:v16+s14+$0x0] =	vst.idx.msk $0xffff, v8;
	v16 =	vld [tilespmem:$0x1FF80]  }
.Ltmp0:
0x1e7: {  	v8 =	vld [tilespmem:$0x1FE60];
	(pc) =	sbr.rel @p1 .LBB2_3-.Ltmp0, $4  }
0x1e8: {  	[tilespmem:v9+s14+$0x0] =	vst.idx.msk $0xffff, v10;
	v10 =	vld [tilespmem:$0x1FE90]  }
0x1e9: {  	[tilespmem:$0x1FAE0] =	vst v56;
	v9 =	vld [tilespmem:$0x1FE80]  }
0x1ea: {  	[tilespmem:v5+s14+$0x0] =	vst.idx.msk $0xffff, v11;
	v11 =	vld [tilespmem:$0x1FEA0]  }
0x1eb: {  	s28 =	sadd.s32 $0x20, s28;
	v5 =	vld [tilespmem:$0x1FE70];
	[tilespmem:v6+s14+$0x0] =	vst.idx.msk $0xffff, v4  }
0x1ec: {  	p1 =	sne.s32 s22, $0x63  }
.Ltmp1:
0x1ed: {  	_ = 	snop;
	(pc) =	sbr.rel @p1 .LBB2_6-.Ltmp1, $4  }
0x1ee: {  	s25 =	sshll.u32 s25, $0x10  }
0x1ef: {  	s25 =	sadd.s32 s25, s5  }
0x1f0: {  	s24 =	sadd.s32 s24, s25  }
0x1f1: {  	v6 =	vld [tilespmem:$0x1FFF0];
	[hbm4b:s24+s15] =	stream.strided.scatter [tilespmem:s14], [sflag:$0x3], $0x1000, s16, s15, $0x38  }
.Ltmp2:
0x1f2: {  	(pc) =	sbr.rel .LBB2_7-.Ltmp2, $4  }
0x1f3: {  	_ = 	snop  }
0x1f4: {  	_ =	swait.ge [sflag:s17], $0x4000  }
0x1f5: {  	[sflag:s17] =	ssyncset.done $0x0  }
0x1f6: {  	[sflag:s17] =	ssyncadd.s32 $0xFFFFC000  }
.LBB2_6:
0x1f7: {  	s24 =	sadd.s32 $0x2, s26  }
0x1f8: {  	s26 =	sshll.u32 s24, $0x7  }
0x1f9: {  	s26 =	sand.u32 $0x100, s26  }
0x1fa: {  	v3 =	vmov s26  }
0x1fb: {  	v4 =	vld [tilespmem:$0x1FDF0];
	v3 =	vmul.u32 $0x32, v3  }
0x1fc: {  	s24 =	sshrl.u32 s24, $0x2  }
0x1fd: {  	v3 =	vadd.s32 s24, v3  }
0x1fe: {  	v3 =	vbroadcast v3, $0x0;
	_ =	sdelay $0x1  }
0x1ff: {  	v4 =	vadd.s32 v4, v3;
	_ =	sdelay $0x1  }
0x200: {  	v5 =	vld [tilespmem:$0x1FB20];
	_ =	sdelay $0x2  }
0x201: {  	v4 =	vld.idx.msk [tilespmem:v4+s2+$0x0], $0xffff  }
0x202: {  	v7 =	vlaneseq.u32  }
0x203: {  	v5 =	vadd.s32 v5, v3;
	_ =	sdelay $0x1  }
0x204: {  	v52 =	vld [tilespmem:$0x1FD50]  }
0x205: {  	v4 =	vshrl.u32 v4, $0x2  }
0x206: {  	[tilespmem:v7+s8+$0x0] =	vst.idx.msk $0xffff, v4  }
0x207: {  	v4 =	vld.idx.msk [tilespmem:v5+s2+$0x0], $0xffff;
	_ =	sdelay $0x1  }
0x208: {  	v5 =	vadd.s32 v52, v3;
	_ =	sdelay $0x1  }
0x209: {  	v53 =	vld [tilespmem:$0x1FD70]  }
0x20a: {  	v54 =	vld [tilespmem:$0x1FD60];
	v4 =	vshrl.u32 v4, $0x2  }
0x20b: {  	[tilespmem:v6+s8+$0x0] =	vst.idx.msk $0xffff, v4  }
0x20c: {  	v4 =	vld.idx.msk [tilespmem:v5+s2+$0x0], $0xffff;
	_ =	sdelay $0x1  }
0x20d: {  	v5 =	vadd.s32 v53, v3;
	_ =	sdelay $0x1  }
0x20e: {  	v55 =	vld [tilespmem:$0x1FD90]  }
0x20f: {  	v56 =	vld [tilespmem:$0x1FD80];
	v4 =	vshrl.u32 v4, $0x2  }
0x210: {  	[tilespmem:v54+s8+$0x0] =	vst.idx.msk $0xffff, v4  }
0x211: {  	v4 =	vld.idx.msk [tilespmem:v5+s2+$0x0], $0xffff;
	_ =	sdelay $0x1  }
0x212: {  	v5 =	vadd.s32 v55, v3;
	_ =	sdelay $0x1  }
0x213: {  	v57 =	vld [tilespmem:$0x1FDB0]  }
0x214: {  	v58 =	vld [tilespmem:$0x1FDA0];
	v4 =	vshrl.u32 v4, $0x2  }
0x215: {  	[tilespmem:v56+s8+$0x0] =	vst.idx.msk $0xffff, v4  }
0x216: {  	v4 =	vld.idx.msk [tilespmem:v5+s2+$0x0], $0xffff;
	_ =	sdelay $0x1  }
0x217: {  	v5 =	vadd.s32 v57, v3;
	_ =	sdelay $0x1  }
0x218: {  	v59 =	vld [tilespmem:$0x1FDD0]  }
0x219: {  	v60 =	vld [tilespmem:$0x1FDC0];
	v4 =	vshrl.u32 v4, $0x2  }
0x21a: {  	[tilespmem:v58+s8+$0x0] =	vst.idx.msk $0xffff, v4  }
0x21b: {  	v4 =	vld.idx.msk [tilespmem:v5+s2+$0x0], $0xffff;
	_ =	sdelay $0x1  }
0x21c: {  	v5 =	vadd.s32 v59, v3;
	_ =	sdelay $0x1  }
0x21d: {  	v61 =	vld [tilespmem:$0x1FE00]  }
0x21e: {  	v62 =	vld [tilespmem:$0x1FDE0];
	v4 =	vshrl.u32 v4, $0x2  }
0x21f: {  	[tilespmem:v60+s8+$0x0] =	vst.idx.msk $0xffff, v4  }
0x220: {  	v4 =	vld.idx.msk [tilespmem:v5+s2+$0x0], $0xffff;
	_ =	sdelay $0x1  }
0x221: {  	v3 =	vadd.s32 v61, v3;
	_ =	sdelay $0x2  }
0x222: {  	v63 =	vld [tilespmem:$0x1FE10];
	v4 =	vshrl.u32 v4, $0x2  }
0x223: {  	[tilespmem:v62+s8+$0x0] =	vst.idx.msk $0xffff, v4  }
0x224: {  	v3 =	vld.idx.msk [tilespmem:v3+s2+$0x0], $0xffff;
	_ =	sdelay $0x4  }
0x225: {  	v3 =	vshrl.u32 v3, $0x2  }
.Ltmp3:
0x226: {  	[tilespmem:v63+s8+$0x0] =	vst.idx.msk $0xffff, v3;
	(pc) =	sbr.rel @p0 .LBB2_8-.Ltmp3, $4  }
0x227: {  	[tilespmem:s10], [sflag:$0x1] =	stream.indirect.gather [hbm4b:s3+s9], $0x80, s8, s9, $0xb8;
	[tilespmem:$0x10500] =	vst v63  }
0x228: {  	_ =	swait.ge [sflag:s17], $0x4000  }
0x229: {  	[sflag:s17] =	ssyncset.done $0x0  }
0x22a: {  	[sflag:s17] =	ssyncadd.s32 $0xFFFFC000  }
.LBB2_7:
0x22b: {  	_ =	swait.ge [sflag:s18], $0x1000  }
0x22c: {  	[sflag:s18] =	ssyncset.done $0x0  }
0x22d: {  	[sflag:s18] =	ssyncadd.s32 $0xFFFFF000  }
.LBB2_8:
0x22e: {  	[tilespmem:$0x1F9E0] =	vst v25  }
0x22f: {  	[tilespmem:$0x1F9F0] =	vst v24;
	v1 =	vld [tilespmem:$0x1FAF0]  }
0x230: {  	[tilespmem:$0x1FA10] =	vst v0  }
0x231: {  	[tilespmem:$0x1FA20] =	vst v33  }
0x232: {  	[tilespmem:$0x1FA30] =	vst v48  }
0x233: {  	[tilespmem:$0x1FA40] =	vst v47  }
0x234: {  	[tilespmem:$0x1FA50] =	vst v46;
	v1 =	vbroadcast v1, $0x0  }
0x235: {  	[tilespmem:$0x1FA60] =	vst v45  }
0x236: {  	s24 =	simm.s32 $0x0;
	[tilespmem:$0x1FA00] =	vst v1  }
.LBB2_9:
0x237: {  	v31 =	vld [tilespmem:$0x1FA00];
	_ =	sdelay $0x2  }
0x238: {  	v0 =	vlaneseq.u32;
	v1 =	vld [tilespmem:$0x1FB10]  }
0x239: {  	v4 =	vor.u32 s24, v0  }
0x23a: {  	v5 =	vadd.s32 v31, v4  }
0x23b: {  	v38 =	vld [tilespmem:$0x1FB30];
	v5 =	vmul.u32 $0x32, v5  }
0x23c: {  	v52 =	vld [tilespmem:$0x1FB40]  }
0x23d: {  	v23 =	vld [tilespmem:$0x1FB50];
	v5 =	vadd.s32 v1, v5  }
0x23e: {  	v32 =	vld [tilespmem:$0x1FB60]  }
0x23f: {  	v24 =	vld [tilespmem:$0x1FB70]  }
0x240: {  	v48 =	vld [tilespmem:$0x1FB80]  }
0x241: {  	v41 =	vld [tilespmem:$0x1FB90]  }
0x242: {  	v5 =	vld.idx.msk [tilespmem:v5+s2+$0x0], $0xffff  }
0x243: {  	v40 =	vld [tilespmem:$0x1FE20]  }
0x244: {  	v22 =	vld [tilespmem:$0x1FBA0]  }
0x245: {  	v34 =	vld [tilespmem:$0x1FBB0]  }
0x246: {  	v49 =	vld [tilespmem:$0x1FBC0]  }
0x247: {  	v39 =	vld [tilespmem:$0x1FBD0];
	v5 =	vshll.u32 v5, $0x5  }
0x248: {  	v29 =	vld [tilespmem:$0x1FBE0];
	v4 =	vshll.u32 v4, $0x7;
	v5 =	vand.u32 $0x60, v5  }
0x249: {  	v30 =	vld [tilespmem:$0x1FC00];
	v4 =	vor.u32 v4, v5  }
0x24a: {  	v51 =	vld [tilespmem:$0x1FC10];
	v5 =	vor.u32 v0, v4  }
0x24b: {  	v53 =	vld [tilespmem:$0x1FC20];
	v6 =	vor.u32 v38, v4  }
0x24c: {  	v54 =	vld [tilespmem:$0x1FC30];
	v7 =	vor.u32 v52, v4  }
0x24d: {  	v47 =	vld [tilespmem:$0x1FC40];
	v8 =	vor.u32 v23, v4  }
0x24e: {  	v21 =	vld [tilespmem:$0x1FC50];
	v9 =	vor.u32 v32, v4  }
0x24f: {  	v10 =	vor.u32 v24, v4;
	v5 =	vld.idx.msk [tilespmem:v5+s12+$0x0], $0xffff  }
0x250: {  	v11 =	vor.u32 v48, v4;
	v6 =	vld.idx.msk [tilespmem:v6+s12+$0x0], $0xffff  }
0x251: {  	v12 =	vor.u32 v41, v4;
	v7 =	vld.idx.msk [tilespmem:v7+s12+$0x0], $0xffff  }
0x252: {  	v13 =	vor.u32 s24, v40;
	v8 =	vld.idx.msk [tilespmem:v8+s12+$0x0], $0xffff  }
0x253: {  	v9 =	vld.idx.msk [tilespmem:v9+s12+$0x0], $0xffff  }
0x254: {  	v10 =	vld.idx.msk [tilespmem:v10+s12+$0x0], $0xffff  }
0x255: {  	v11 =	vld.idx.msk [tilespmem:v11+s12+$0x0], $0xffff  }
0x256: {  	v12 =	vld.idx.msk [tilespmem:v12+s12+$0x0], $0xffff  }
0x257: {  	v14 =	vor.u32 s24, v22;
	[tilespmem:v13+s19+$0x0] =	vst.idx.msk $0xffff, v5;
	v13 =	vld [tilespmem:$0x1FBF0]  }
0x258: {  	v55 =	vld [tilespmem:$0x1FC60];
	v15 =	vor.u32 s24, v34  }
0x259: {  	v28 =	vld [tilespmem:$0x1FC70];
	v16 =	vor.u32 s24, v49  }
0x25a: {  	v42 =	vld [tilespmem:$0x1FC80];
	v17 =	vor.u32 s24, v39  }
0x25b: {  	v61 =	vld [tilespmem:$0x1FC90];
	v63 =	vor.u32 s24, v29  }
0x25c: {  	v43 =	vld [tilespmem:$0x1FCA0];
	[tilespmem:v14+s19+$0x0] =	vst.idx.msk $0xffff, v6;
	v14 =	vor.u32 s24, v13  }
0x25d: {  	v60 =	vld [tilespmem:$0x1FCB0];
	[tilespmem:v15+s19+$0x0] =	vst.idx.msk $0xffff, v7;
	v15 =	vor.u32 s24, v30  }
0x25e: {  	v59 =	vld [tilespmem:$0x1FCC0];
	v18 =	vor.u32 v51, v4;
	[tilespmem:v16+s19+$0x0] =	vst.idx.msk $0xffff, v8  }
0x25f: {  	v27 =	vld [tilespmem:$0x1FCD0];
	v19 =	vor.u32 v53, v4;
	[tilespmem:v17+s19+$0x0] =	vst.idx.msk $0xffff, v9  }
0x260: {  	v57 =	vld [tilespmem:$0x1FCE0];
	v25 =	vor.u32 v54, v4;
	[tilespmem:v63+s19+$0x0] =	vst.idx.msk $0xffff, v10  }
0x261: {  	v62 =	vld [tilespmem:$0x1FCF0];
	v26 =	vor.u32 v47, v4;
	[tilespmem:v14+s19+$0x0] =	vst.idx.msk $0xffff, v11  }
0x262: {  	v58 =	vld [tilespmem:$0x1FD00];
	v33 =	vor.u32 v21, v4;
	[tilespmem:v15+s19+$0x0] =	vst.idx.msk $0xffff, v12  }
0x263: {  	v36 =	vor.u32 v28, v4;
	v8 =	vld.idx.msk [tilespmem:v18+s12+$0x0], $0xffff  }
0x264: {  	v9 =	vld.idx.msk [tilespmem:v19+s12+$0x0], $0xffff  }
0x265: {  	v35 =	vor.u32 v55, v4;
	v5 =	vld.idx.msk [tilespmem:v25+s12+$0x0], $0xffff  }
0x266: {  	v45 =	vor.u32 s24, v61;
	v37 =	vor.u32 v42, v4;
	v6 =	vld.idx.msk [tilespmem:v26+s12+$0x0], $0xffff  }
0x267: {  	v46 =	vor.u32 s24, v43;
	v7 =	vld.idx.msk [tilespmem:v33+s12+$0x0], $0xffff  }
0x268: {  	v50 =	vor.u32 s24, v60;
	v11 =	vld.idx.msk [tilespmem:v36+s12+$0x0], $0xffff  }
0x269: {  	v0 =	vor.u32 s24, v59;
	v36 =	vld [tilespmem:$0x1FFF0]  }
0x26a: {  	v2 =	vor.u32 s24, v27;
	v10 =	vld.idx.msk [tilespmem:v35+s12+$0x0], $0xffff  }
0x26b: {  	v13 =	vor.u32 s24, v57;
	v12 =	vld.idx.msk [tilespmem:v37+s12+$0x0], $0xffff;
	[tilespmem:v45+s19+$0x0] =	vst.idx.msk $0xffff, v8  }
0x26c: {  	v56 =	vld [tilespmem:$0x1FAD0];
	v14 =	vor.u32 s24, v62;
	[tilespmem:v46+s19+$0x0] =	vst.idx.msk $0xffff, v9  }
0x26d: {  	v15 =	vor.u32 s24, v58;
	v33 =	vld [tilespmem:$0x1FAA0];
	[tilespmem:v50+s19+$0x0] =	vst.idx.msk $0xffff, v5  }
0x26e: {  	v63 =	vld [tilespmem:$0x1FAC0];
	v18 =	vor.u32 v36, v4;
	[tilespmem:v0+s19+$0x0] =	vst.idx.msk $0xffff, v6  }
0x26f: {  	v44 =	vld [tilespmem:$0x1FAB0];
	[tilespmem:v2+s19+$0x0] =	vst.idx.msk $0xffff, v7  }
0x270: {  	v3 =	vld [tilespmem:$0x1FA80];
	[tilespmem:v13+s19+$0x0] =	vst.idx.msk $0xffff, v10  }
0x271: {  	v19 =	vor.u32 v56, v4;
	v46 =	vld [tilespmem:$0x1FA90];
	[tilespmem:v14+s19+$0x0] =	vst.idx.msk $0xffff, v11  }
0x272: {  	v20 =	vor.u32 v33, v4;
	v50 =	vld [tilespmem:$0x1FD10];
	[tilespmem:v15+s19+$0x0] =	vst.idx.msk $0xffff, v12  }
0x273: {  	v25 =	vor.u32 v63, v4;
	v6 =	vld.idx.msk [tilespmem:v18+s12+$0x0], $0xffff  }
0x274: {  	v26 =	vor.u32 v44, v4;
	v18 =	vld [tilespmem:$0x1FA70]  }
0x275: {  	v37 =	vor.u32 v3, v4;
	v2 =	vld [tilespmem:$0x1F9F0]  }
0x276: {  	v7 =	vld.idx.msk [tilespmem:v19+s12+$0x0], $0xffff  }
0x277: {  	v45 =	vor.u32 v46, v4;
	v8 =	vld.idx.msk [tilespmem:v20+s12+$0x0], $0xffff  }
0x278: {  	v9 =	vld.idx.msk [tilespmem:v25+s12+$0x0], $0xffff  }
0x279: {  	v5 =	vld.idx.msk [tilespmem:v26+s12+$0x0], $0xffff;
	v35 =	vor.u32 v18, v4  }
0x27a: {  	v10 =	vld.idx.msk [tilespmem:v37+s12+$0x0], $0xffff  }
0x27b: {  	v25 =	vld [tilespmem:$0x1FEF0];
	v13 =	vor.u32 s24, v2  }
0x27c: {  	v11 =	vld.idx.msk [tilespmem:v45+s12+$0x0], $0xffff  }
0x27d: {  	v45 =	vld [tilespmem:$0x1FF00]  }
0x27e: {  	v20 =	vor.u32 s24, v50;
	v12 =	vld.idx.msk [tilespmem:v35+s12+$0x0], $0xffff  }
0x27f: {  	v35 =	vld [tilespmem:$0x1FD20]  }
0x280: {  	[tilespmem:v13+s19+$0x0] =	vst.idx.msk $0xffff, v6;
	v13 =	vld [tilespmem:$0x1FF10];
	_ =	sdelay $0x1  }
0x281: {  	v26 =	vld [tilespmem:$0x1FF20];
	v37 =	vor.u32 s24, v25  }
0x282: {  	v16 =	vor.u32 s24, v45;
	[tilespmem:v20+s19+$0x0] =	vst.idx.msk $0xffff, v7;
	v20 =	vld [tilespmem:$0x1FF30]  }
0x283: {  	v19 =	vld [tilespmem:$0x1F9E0];
	v0 =	vor.u32 s24, v35  }
0x284: {  	v6 =	vor.u32 s24, v13  }
0x285: {  	v45 =	vld [tilespmem:$0x1FAE0]  }
0x286: {  	v14 =	vor.u32 s24, v26;
	[tilespmem:v37+s19+$0x0] =	vst.idx.msk $0xffff, v8;
	v13 =	vld [tilespmem:$0x1FA50]  }
0x287: {  	v17 =	vld [tilespmem:$0x1FA10];
	[tilespmem:v16+s19+$0x0] =	vst.idx.msk $0xffff, v9;
	v8 =	vor.u32 s24, v20  }
0x288: {  	v37 =	vor.u32 v19, v4;
	v16 =	vld [tilespmem:$0x1FA20];
	[tilespmem:v0+s19+$0x0] =	vst.idx.msk $0xffff, v5  }
0x289: {  	[tilespmem:v6+s19+$0x0] =	vst.idx.msk $0xffff, v10;
	v10 =	vld [tilespmem:$0x1FA60]  }
0x28a: {  	v15 =	vld [tilespmem:$0x1FA30];
	v0 =	vor.u32 v45, v4  }
0x28b: {  	v7 =	vor.u32 v13, v4;
	[tilespmem:v14+s19+$0x0] =	vst.idx.msk $0xffff, v11;
	v14 =	vld [tilespmem:$0x1FA40]  }
0x28c: {  	v20 =	vld [tilespmem:$0x1FF40];
	[tilespmem:v8+s19+$0x0] =	vst.idx.msk $0xffff, v12  }
0x28d: {  	v11 =	vor.u32 v16, v4;
	v9 =	vld.idx.msk [tilespmem:v37+s12+$0x0], $0xffff  }
0x28e: {  	v37 =	vld [tilespmem:$0x1FFD0];
	v6 =	vor.u32 v10, v4  }
0x28f: {  	v5 =	vld.idx.msk [tilespmem:v0+s12+$0x0], $0xffff;
	v10 =	vor.u32 v15, v4  }
0x290: {  	v7 =	vld.idx.msk [tilespmem:v7+s12+$0x0], $0xffff;
	v8 =	vor.u32 v14, v4  }
0x291: {  	v0 =	vld [tilespmem:$0x1FFE0];
	v4 =	vor.u32 v17, v4  }
0x292: {  	v12 =	vor.u32 s24, v20;
	v11 =	vld.idx.msk [tilespmem:v11+s12+$0x0], $0xffff  }
0x293: {  	v6 =	vld.idx.msk [tilespmem:v6+s12+$0x0], $0xffff  }
0x294: {  	v10 =	vld.idx.msk [tilespmem:v10+s12+$0x0], $0xffff  }
0x295: {  	v8 =	vld.idx.msk [tilespmem:v8+s12+$0x0], $0xffff  }
0x296: {  	v4 =	vld.idx.msk [tilespmem:v4+s12+$0x0], $0xffff  }
0x297: {  	v13 =	vor.u32 s24, v37;
	[tilespmem:v12+s19+$0x0] =	vst.idx.msk $0xffff, v9;
	v12 =	vld [tilespmem:$0x1FF50]  }
0x298: {  	v14 =	vor.u32 s24, v0  }
0x299: {  	v20 =	vld [tilespmem:$0x1FD30]  }
0x29a: {  	s26 =	sadd.s32 $0x10, s24;
	v37 =	vld [tilespmem:$0x1FD40];
	v0 =	vlaneseq.u32  }
0x29b: {  	v17 =	vor.u32 s26, v0  }
0x29c: {  	[tilespmem:v13+s19+$0x0] =	vst.idx.msk $0xffff, v5;
	v9 =	vor.u32 s24, v12;
	v12 =	vadd.s32 v31, v17;
	v31 =	vld [tilespmem:$0x1FF60]  }
0x29d: {  	[tilespmem:v14+s19+$0x0] =	vst.idx.msk $0xffff, v6;
	v14 =	vld [tilespmem:$0x1FF70]  }
0x29e: {  	v15 =	vor.u32 s24, v20  }
0x29f: {  	v16 =	vor.u32 s24, v37;
	_ =	sdelay $0x1  }
0x2a0: {  	v12 =	vmul.u32 $0x32, v12;
	v5 =	vor.u32 s24, v31  }
0x2a1: {  	v6 =	vor.u32 s24, v14  }
0x2a2: {  	[tilespmem:v15+s19+$0x0] =	vst.idx.msk $0xffff, v7;
	v12 =	vadd.s32 v1, v12  }
0x2a3: {  	[tilespmem:v16+s19+$0x0] =	vst.idx.msk $0xffff, v8  }
0x2a4: {  	[tilespmem:v9+s19+$0x0] =	vst.idx.msk $0xffff, v10  }
0x2a5: {  	[tilespmem:v5+s19+$0x0] =	vst.idx.msk $0xffff, v11  }
0x2a6: {  	[tilespmem:v6+s19+$0x0] =	vst.idx.msk $0xffff, v4  }
0x2a7: {  	v4 =	vld.idx.msk [tilespmem:v12+s2+$0x0], $0xffff;
	_ =	sdelay $0x4  }
0x2a8: {  	v4 =	vshll.u32 v4, $0x5  }
0x2a9: {  	v13 =	vshll.u32 v17, $0x7;
	v4 =	vand.u32 $0x60, v4  }
0x2aa: {  	v4 =	vor.u32 v13, v4  }
0x2ab: {  	v5 =	vor.u32 v0, v4  }
0x2ac: {  	v14 =	vor.u32 v38, v4  }
0x2ad: {  	v15 =	vor.u32 v52, v4  }
0x2ae: {  	v16 =	vor.u32 v23, v4  }
0x2af: {  	v13 =	vld [tilespmem:$0x1FBF0];
	v17 =	vor.u32 v32, v4  }
0x2b0: {  	v23 =	vor.u32 v24, v4;
	v5 =	vld.idx.msk [tilespmem:v5+s12+$0x0], $0xffff  }
0x2b1: {  	v32 =	vor.u32 v48, v4;
	v6 =	vld.idx.msk [tilespmem:v14+s12+$0x0], $0xffff  }
0x2b2: {  	v38 =	vor.u32 v41, v4;
	v41 =	vor.u32 s26, v40;
	v7 =	vld.idx.msk [tilespmem:v15+s12+$0x0], $0xffff  }
0x2b3: {  	v0 =	vor.u32 s26, v22;
	v8 =	vld.idx.msk [tilespmem:v16+s12+$0x0], $0xffff  }
0x2b4: {  	v22 =	vor.u32 s26, v34;
	v9 =	vld.idx.msk [tilespmem:v17+s12+$0x0], $0xffff  }
0x2b5: {  	v10 =	vld.idx.msk [tilespmem:v23+s12+$0x0], $0xffff;
	v23 =	vor.u32 s26, v49  }
0x2b6: {  	v11 =	vld.idx.msk [tilespmem:v32+s12+$0x0], $0xffff;
	v32 =	vor.u32 s26, v39  }
0x2b7: {  	v34 =	vor.u32 s26, v29;
	v12 =	vld.idx.msk [tilespmem:v38+s12+$0x0], $0xffff;
	[tilespmem:v41+s19+$0x0] =	vst.idx.msk $0xffff, v5  }
0x2b8: {  	v14 =	vor.u32 s26, v13;
	[tilespmem:v0+s19+$0x0] =	vst.idx.msk $0xffff, v6  }
0x2b9: {  	v15 =	vor.u32 s26, v30;
	[tilespmem:v22+s19+$0x0] =	vst.idx.msk $0xffff, v7  }
0x2ba: {  	v16 =	vor.u32 v51, v4;
	[tilespmem:v23+s19+$0x0] =	vst.idx.msk $0xffff, v8  }
0x2bb: {  	v22 =	vor.u32 v53, v4;
	[tilespmem:v32+s19+$0x0] =	vst.idx.msk $0xffff, v9  }
0x2bc: {  	v23 =	vor.u32 v54, v4;
	[tilespmem:v34+s19+$0x0] =	vst.idx.msk $0xffff, v10  }
0x2bd: {  	v30 =	vor.u32 v47, v4;
	[tilespmem:v14+s19+$0x0] =	vst.idx.msk $0xffff, v11  }
0x2be: {  	v38 =	vor.u32 v28, v4;
	[tilespmem:v15+s19+$0x0] =	vst.idx.msk $0xffff, v12  }
0x2bf: {  	v40 =	vor.u32 v42, v4;
	v8 =	vld.idx.msk [tilespmem:v16+s12+$0x0], $0xffff  }
0x2c0: {  	v32 =	vor.u32 v21, v4;
	v9 =	vld.idx.msk [tilespmem:v22+s12+$0x0], $0xffff  }
0x2c1: {  	v41 =	vor.u32 s26, v61;
	v34 =	vor.u32 v55, v4;
	v5 =	vld.idx.msk [tilespmem:v23+s12+$0x0], $0xffff  }
0x2c2: {  	v42 =	vor.u32 s26, v43;
	v6 =	vld.idx.msk [tilespmem:v30+s12+$0x0], $0xffff  }
0x2c3: {  	v43 =	vor.u32 s26, v60;
	v11 =	vld.idx.msk [tilespmem:v38+s12+$0x0], $0xffff  }
0x2c4: {  	v47 =	vor.u32 s26, v59;
	v12 =	vld.idx.msk [tilespmem:v40+s12+$0x0], $0xffff  }
0x2c5: {  	v48 =	vor.u32 s26, v27;
	v7 =	vld.idx.msk [tilespmem:v32+s12+$0x0], $0xffff  }
0x2c6: {  	v53 =	vor.u32 s26, v57;
	v10 =	vld.idx.msk [tilespmem:v34+s12+$0x0], $0xffff;
	[tilespmem:v41+s19+$0x0] =	vst.idx.msk $0xffff, v8  }
0x2c7: {  	v1 =	vld [tilespmem:$0x1FF10];
	v54 =	vor.u32 s26, v62;
	[tilespmem:v42+s19+$0x0] =	vst.idx.msk $0xffff, v9  }
0x2c8: {  	v39 =	vld [tilespmem:$0x1FF30];
	v55 =	vor.u32 s26, v58;
	[tilespmem:v43+s19+$0x0] =	vst.idx.msk $0xffff, v5  }
0x2c9: {  	v52 =	vld [tilespmem:$0x1FF50];
	v57 =	vor.u32 v36, v4;
	[tilespmem:v47+s19+$0x0] =	vst.idx.msk $0xffff, v6  }
0x2ca: {  	v24 =	vld [tilespmem:$0x1FF70];
	v58 =	vor.u32 v56, v4;
	[tilespmem:v48+s19+$0x0] =	vst.idx.msk $0xffff, v7  }
0x2cb: {  	v49 =	vld [tilespmem:$0x1FF00];
	v59 =	vor.u32 v33, v4;
	[tilespmem:v53+s19+$0x0] =	vst.idx.msk $0xffff, v10  }
0x2cc: {  	v60 =	vor.u32 v63, v4;
	v51 =	vld [tilespmem:$0x1FF40];
	[tilespmem:v54+s19+$0x0] =	vst.idx.msk $0xffff, v11  }
0x2cd: {  	v61 =	vor.u32 v44, v4;
	v28 =	vor.u32 s26, v39;
	v39 =	vld [tilespmem:$0x1FA60];
	[tilespmem:v55+s19+$0x0] =	vst.idx.msk $0xffff, v12  }
0x2ce: {  	v62 =	vor.u32 v3, v4;
	v6 =	vld.idx.msk [tilespmem:v57+s12+$0x0], $0xffff  }
0x2cf: {  	v63 =	vor.u32 v46, v4;
	v7 =	vld.idx.msk [tilespmem:v58+s12+$0x0], $0xffff  }
0x2d0: {  	v2 =	vor.u32 s26, v2;
	v0 =	vor.u32 v18, v4;
	v8 =	vld.idx.msk [tilespmem:v59+s12+$0x0], $0xffff  }
0x2d1: {  	v3 =	vor.u32 s26, v50;
	v9 =	vld.idx.msk [tilespmem:v60+s12+$0x0], $0xffff  }
0x2d2: {  	v21 =	vor.u32 s26, v25;
	v5 =	vld.idx.msk [tilespmem:v61+s12+$0x0], $0xffff  }
0x2d3: {  	v22 =	vor.u32 s26, v49;
	v10 =	vld.idx.msk [tilespmem:v62+s12+$0x0], $0xffff  }
0x2d4: {  	v23 =	vor.u32 s26, v35;
	v11 =	vld.idx.msk [tilespmem:v63+s12+$0x0], $0xffff  }
0x2d5: {  	v25 =	vor.u32 s26, v1;
	v12 =	vld.idx.msk [tilespmem:v0+s12+$0x0], $0xffff;
	[tilespmem:v2+s19+$0x0] =	vst.idx.msk $0xffff, v6  }
0x2d6: {  	v27 =	vor.u32 s26, v26;
	v40 =	vld [tilespmem:$0x1FA50];
	[tilespmem:v3+s19+$0x0] =	vst.idx.msk $0xffff, v7  }
0x2d7: {  	v41 =	vld [tilespmem:$0x1FA40];
	[tilespmem:v21+s19+$0x0] =	vst.idx.msk $0xffff, v8  }
0x2d8: {  	v30 =	vor.u32 v19, v4;
	v42 =	vld [tilespmem:$0x1FA30];
	[tilespmem:v22+s19+$0x0] =	vst.idx.msk $0xffff, v9  }
0x2d9: {  	v38 =	vor.u32 v45, v4;
	v43 =	vld [tilespmem:$0x1FA20];
	[tilespmem:v23+s19+$0x0] =	vst.idx.msk $0xffff, v5  }
0x2da: {  	v44 =	vld [tilespmem:$0x1FA10];
	v49 =	vor.u32 v39, v4;
	[tilespmem:v25+s19+$0x0] =	vst.idx.msk $0xffff, v10  }
0x2db: {  	v36 =	vld [tilespmem:$0x1FFD0];
	v50 =	vor.u32 v40, v4;
	[tilespmem:v27+s19+$0x0] =	vst.idx.msk $0xffff, v11  }
0x2dc: {  	v29 =	vld [tilespmem:$0x1FFE0];
	v53 =	vor.u32 v41, v4;
	[tilespmem:v28+s19+$0x0] =	vst.idx.msk $0xffff, v12  }
0x2dd: {  	v54 =	vor.u32 v42, v4;
	v9 =	vld.idx.msk [tilespmem:v30+s12+$0x0], $0xffff  }
0x2de: {  	v55 =	vor.u32 v43, v4;
	v5 =	vld.idx.msk [tilespmem:v38+s12+$0x0], $0xffff  }
0x2df: {  	v56 =	vor.u32 s26, v51;
	v4 =	vor.u32 v44, v4;
	v6 =	vld.idx.msk [tilespmem:v49+s12+$0x0], $0xffff  }
0x2e0: {  	v57 =	vor.u32 s26, v36;
	v7 =	vld.idx.msk [tilespmem:v50+s12+$0x0], $0xffff  }
0x2e1: {  	v58 =	vor.u32 s26, v29;
	v8 =	vld.idx.msk [tilespmem:v53+s12+$0x0], $0xffff  }
0x2e2: {  	v59 =	vor.u32 s26, v20;
	v10 =	vld.idx.msk [tilespmem:v54+s12+$0x0], $0xffff  }
0x2e3: {  	v60 =	vor.u32 s26, v37;
	v11 =	vld.idx.msk [tilespmem:v55+s12+$0x0], $0xffff  }
0x2e4: {  	v61 =	vor.u32 s26, v52;
	v4 =	vld.idx.msk [tilespmem:v4+s12+$0x0], $0xffff;
	[tilespmem:v56+s19+$0x0] =	vst.idx.msk $0xffff, v9  }
0x2e5: {  	v62 =	vor.u32 s26, v31;
	[tilespmem:v57+s19+$0x0] =	vst.idx.msk $0xffff, v5  }
0x2e6: {  	p0 =	sne.s32 s24, $0x60;
	v63 =	vor.u32 s26, v24;
	[tilespmem:v58+s19+$0x0] =	vst.idx.msk $0xffff, v6  }
.Ltmp4:
0x2e7: {  	[tilespmem:v59+s19+$0x0] =	vst.idx.msk $0xffff, v7;
	(pc) =	sbr.rel @p0 .LBB2_9-.Ltmp4, $4  }
0x2e8: {  	[tilespmem:v60+s19+$0x0] =	vst.idx.msk $0xffff, v8  }
0x2e9: {  	[tilespmem:v61+s19+$0x0] =	vst.idx.msk $0xffff, v10  }
0x2ea: {  	[tilespmem:v62+s19+$0x0] =	vst.idx.msk $0xffff, v11  }
0x2eb: {  	s24 =	sadd.s32 $0x20, s24;
	[tilespmem:v63+s19+$0x0] =	vst.idx.msk $0xffff, v4  }
0x2ec: {  	v7 =	vld [tilespmem:$0x1FE50]  }
0x2ed: {  	v8 =	vld [tilespmem:$0x1FE60]  }
0x2ee: {  	v5 =	vld [tilespmem:$0x1FE70]  }
0x2ef: {  	v9 =	vld [tilespmem:$0x1FE80]  }
0x2f0: {  	v10 =	vld [tilespmem:$0x1FE90]  }
0x2f1: {  	s22 =	sadd.s32 $0x1, s22;
	v11 =	vld [tilespmem:$0x1FEA0]  }
0x2f2: {  	v12 =	vld [tilespmem:$0x1FEB0];
	p0 =	sne.s32 s22, $0x64  }
.Ltmp5:
0x2f3: {  	v13 =	vld [tilespmem:$0x1FEC0];
	(pc) =	sbr.rel @p0 .LBB2_2-.Ltmp5, $4  }
0x2f4: {  	v14 =	vld [tilespmem:$0x1FED0]  }
0x2f5: {  	v15 =	vld [tilespmem:$0x1FEE0]  }
0x2f6: {  	s23 =	sadd.s32 s23, s25;
	v18 =	vld [tilespmem:$0x1FFF0]  }
0x2f7: {  	v16 =	vld [tilespmem:$0x1FF80];
	[hbm4b:s23+s15] =	stream.strided.scatter [tilespmem:s19], [sflag:$0x4], $0x1000, s16, s15, $0x38  }
0x2f8: {  	s21 =	sadd.s32 $0x1, s21  }
0x2f9: {  	_ =	swait.ge [sflag:s20], $0x1000;
	p0 =	sne.s32 s21, s6  }
.Ltmp6:
0x2fa: {  	[sflag:s20] =	ssyncset.done $0x0;
	(pc) =	sbr.rel @p0 .LBB2_1-.Ltmp6, $4  }
0x2fb: {  	[sflag:s20] =	ssyncadd.s32 $0xFFFFF000  }
0x2fc: {  	_ =	swait.ge [sflag:s18], $0x1000  }
0x2fd: {  	[sflag:s18] =	ssyncset.done $0x0  }
0x2fe: {  	[sflag:s18] =	ssyncadd.s32 $0xFFFFF000  }
0x2ff: {  	_ =	sfence.sel $0x180000  }
0x300: {  	[bflag:$0x0] =	sbarrier.arrive $0xFFFF  }
0x301: {  	p0 =	sne.s32 s0, $0x0;
	_ =	strace $0x9000004A  }
0x302: {  	s0 =	sadd.s32 @!p0 $0x100000, s1;
	[bflag:$0x2] =	sbarrier.arrive $0xFFFF  }
0x303: {  	[sflag:s0] =	ssyncadd.tile.s32 @!p0 $0x1;
	_ =	shalt  }
.Lfunc_end2:
_tile_overlayer_lowered:
.L_overlay_start_2:
0x304: {  	(tag) =	ssettag $0x2  }
0x305: {  	s0 =	rddreg [dreg:$0x0];
	s2 =	stileid.u32  }
0x306: {  	s1 =	rddreg [dreg:$0x1];
	p0 =	sne.s32 s2, $0x0  }
0x307: {  	s3 =	rddreg [dreg:$0x2];
	[bflag:$0x3] =	sbarrier.arrive $0xFFFF;
	s2 =	simm.s32 @!p0 $0x1C05  }
0x308: {  	[timem:s3], [sflag:s2] =	dma.local @!p0 [hbm:s0], s1  }
0x309: {  	s0 =	simm.s32 @!p0 $0x5  }
0x30a: {  	_ =	swait.ge @!p0 [sflag:s0], s1  }
0x30b: {  	s1 =	ssub.s32 @!p0 $0x0, s1;
	[sflag:s0] =	ssyncset.done @!p0 $0x0  }
0x30c: {  	[sflag:s0] =	ssyncadd.s32 @!p0 s1  }
0x30d: {  	[bflag:$0x3] =	sbarrier.arrive $0xFFFF  }
0x30e: {  	_ =	shalt  }

</sc_bundles>
